<compile_context>
chip_gen: v7x
topology: tpu7x:2x2x1
jax: 0.10.2.dev20260603
libtpu: 0.0.44.dev20260713+nightly
codegen_flags: <defaults>
</compile_context>

<pallas_src>
import functools

import jax
import jax.numpy as jnp
from jax import lax
from jax.experimental import pallas as pl
from jax.experimental.pallas import tpu as pltpu
from jax.experimental.pallas import tpu_sc as plsc

N_POINTS = 1048576
EMB_DIM = 32
TABLE_ROWS = 291
TABLE_WORDS = TABLE_ROWS * EMB_DIM

SCALE = (32.0, 128.0, 128.0)
OFFSET = (0.0, 33.0, 162.0)

NC, NS, L = 2, 16, 16
NW = NC * NS
PW = N_POINTS // NW
CHUNK = 256
N_CHUNKS = PW // CHUNK
GROUPS = CHUNK // L
D_VREGS = (TABLE_WORDS - EMB_DIM) // L
IN_W = CHUNK * 3
OUT_W = CHUNK * 96


def _body(inputs_hbm, table_hbm, out_hbm, in_v, t_v, d_v, lo_v, fr_v, out_v,
          sin0, sin1, sout0, sout1):
    sin = (sin0, sin1)
    sout = (sout0, sout1)
    wid = lax.axis_index("s") * NC + lax.axis_index("c")
    base_w = wid * PW

    pltpu.sync_copy(table_hbm, t_v)

    def diff_body(i, carry):
        a = t_v[pl.ds(i * L, L)]
        b = t_v[pl.ds(i * L + EMB_DIM, L)]
        d_v[pl.ds(i * L, L)] = b - a
        return carry

    lax.fori_loop(0, D_VREGS, diff_body, 0, unroll=False)

    def in_copy(ch, b):
        base = base_w + ch * CHUNK
        return tuple(
            pltpu.make_async_copy(
                inputs_hbm.at[pl.ds(a * N_POINTS + base, CHUNK)],
                in_v.at[pl.ds(b * IN_W + a * CHUNK, CHUNK)], sin[b])
            for a in range(3))

    def out_copy(ch, b):
        return pltpu.make_async_copy(
            out_v.at[pl.ds(b * CHUNK, CHUNK), :],
            out_hbm.at[pl.ds(base_w + ch * CHUNK, CHUNK), :], sout[b])

    for c in in_copy(0, 0):
        c.start()
    for c in in_copy(1, 1):
        c.start()

    def chunk2_body(j, carry):
        for b in range(2):
            ch = j * 2 + b
            for c in in_copy(ch, b):
                c.wait()

            def group_body(g, carry2):
                for a in range(3):
                    u = in_v[pl.ds(b * IN_W + a * CHUNK + g * L, L)]
                    c = u * SCALE[a] + OFFSET[a]
                    li = c.astype(jnp.int32)
                    fr = c - li.astype(jnp.float32)
                    lo_v[pl.ds(a * CHUNK + g * L, L)] = li * EMB_DIM
                    fr_v[pl.ds(a * CHUNK + g * L, L)] = fr
                return carry2

            lax.fori_loop(0, GROUPS, group_body, 0, unroll=False)

            @pl.when(ch + 2 < N_CHUNKS)
            def _():
                for c in in_copy(ch + 2, b):
                    c.start()

            @pl.when(ch >= 2)
            def _():
                out_copy(ch - 2, b).wait()

            iota16 = lax.iota(jnp.int32, L)
            iota16b = iota16 + L

            def pgroup_body(g, carry2):
                lov = [lo_v[pl.ds(a * CHUNK + g * L, L)] for a in range(3)]
                frv = [fr_v[pl.ds(a * CHUNK + g * L, L)] for a in range(3)]
                for i in range(L):
                    prow = b * CHUNK + g * L + i
                    for a in range(3):
                        rowv = jnp.full((L,), lov[a][i], dtype=jnp.int32)
                        fr = jnp.full((L,), frv[a][i], dtype=jnp.float32)
                        i0 = rowv + iota16
                        i1 = rowv + iota16b
                        t0 = plsc.load_gather(t_v, [i0])
                        t1 = plsc.load_gather(t_v, [i1])
                        d0 = plsc.load_gather(d_v, [i0])
                        d1 = plsc.load_gather(d_v, [i1])
                        out_v[prow, pl.ds(a * EMB_DIM, L)] = t0 + fr * d0
                        out_v[prow, pl.ds(a * EMB_DIM + L, L)] = t1 + fr * d1
                return carry2

            lax.fori_loop(0, GROUPS, pgroup_body, 0, unroll=False)

            out_copy(ch, b).start()
        return carry

    lax.fori_loop(0, N_CHUNKS // 2, chunk2_body, 0, unroll=False)

    out_copy(N_CHUNKS - 2, 0).wait()
    out_copy(N_CHUNKS - 1, 1).wait()


@jax.jit
def kernel(inputs, embeddings):
    mesh = plsc.VectorSubcoreMesh(core_axis_name="c", subcore_axis_name="s")
    k = pl.kernel(
        _body,
        out_type=jax.ShapeDtypeStruct((N_POINTS, 96), jnp.float32),
        mesh=mesh,
        compiler_params=pltpu.CompilerParams(needs_layout_passes=False,
                                             use_tc_tiling_on_sc=True),
        scratch_types=[
            pltpu.VMEM((2 * IN_W,), jnp.float32),
            pltpu.VMEM((TABLE_WORDS,), jnp.float32),
            pltpu.VMEM((TABLE_WORDS,), jnp.float32),
            pltpu.VMEM((3 * CHUNK,), jnp.int32),
            pltpu.VMEM((3 * CHUNK,), jnp.float32),
            pltpu.VMEM((2 * CHUNK, 96), jnp.float32),
            pltpu.SemaphoreType.DMA,
            pltpu.SemaphoreType.DMA,
            pltpu.SemaphoreType.DMA,
            pltpu.SemaphoreType.DMA,
        ],
    )
    return k(inputs.T.reshape(-1), embeddings.reshape(-1))

# --- scband reference (transcript-rebuilt; emitter-appended) ---
"""Pipeline reference for scband-test-embedding-68478958567962 (READ-ONLY COPY).

The authoritative reference and input builder live on the scoring server;
editing this copy changes nothing except your own understanding.
"""

import jax, jax.numpy as jnp
import numpy as np

VOLUME = np.array([256.0, 1024.0, 1024.0])
GRID_SIZE = 8
GRID_SHAPE = np.ceil(VOLUME / GRID_SIZE) + 1  # [33., 129., 129.]
OFFSET = np.cumsum(np.concatenate([[0.0], GRID_SHAPE[:-1]]))  # [0., 33., 162.]
TABLE_ROWS = int(GRID_SHAPE.sum())  # 291
EMB_DIM = 32
N_POINTS = 1048576


def setup_inputs(seed: int = 0) -> dict:
    key = jax.random.key(seed)
    k1, k2 = jax.random.split(key)
    inputs = jax.random.uniform(k1, (N_POINTS, 3), dtype=jnp.float32)
    embeddings = jax.random.uniform(k2, (TABLE_ROWS, EMB_DIM), dtype=jnp.float32) * 0.0002 - 0.0001
    return {"inputs": inputs, "embeddings": embeddings}


def reference(inputs, embeddings):
    gs = jnp.asarray(GRID_SHAPE, dtype=jnp.float32)
    off = jnp.asarray(OFFSET, dtype=jnp.float32)
    # coords in concatenated 1-D grid coordinates
    coords = inputs * (gs - 1.0)
    coords = coords + off
    # lower/upper neighbor per axis: [..., 2, 3]
    out = jnp.floor(jnp.array([[0.0], [1.0]], dtype=jnp.float32) + coords[..., None, :])
    # clamp per-axis into the axis's slice of the table
    maxv = jnp.cumsum(gs) - 1.0
    out = jnp.clip(out, off, maxv)
    # gather embedding rows: [..., 2, 3, D]
    values = embeddings[out.astype(jnp.int32)]
    # linear interpolation weights (mode='linear' -> identity weights_func)
    weights = 1.0 - jnp.abs(out - coords[..., None, :])
    # sum over the 2 neighbors: [..., 3, D]
    res = jnp.sum(weights[..., None] * values, axis=-3)
    res = res.reshape(res.shape[:-2] + (-1,))
    return res

if __name__ == "__main__":
    import jax
    _d = setup_inputs()
    print(jax.jit(kernel)(*tuple(_d.values())))

</pallas_src>

<mosaic_0001>
#map = affine_map<(d0, d1) -> (0)>
#map1 = affine_map<(d0, d1) -> (0, 0)>
module attributes {stable_mosaic.version = 14 : i64} {
  func.func @_body(%arg0: i32, %arg1: i32, %arg2: memref<3145728xf32, #tpu.memory_space<hbm>>, %arg3: memref<9312xf32, #tpu.memory_space<hbm>>, %arg4: memref<1048576x96xf32, #tpu.memory_space<hbm>>, %arg5: memref<1536xf32, #tpu.memory_space<vmem>>, %arg6: memref<9312xf32, #tpu.memory_space<vmem>>, %arg7: memref<9312xf32, #tpu.memory_space<vmem>>, %arg8: memref<768xi32, #tpu.memory_space<vmem>>, %arg9: memref<768xf32, #tpu.memory_space<vmem>>, %arg10: memref<512x96xf32, #tpu.memory_space<vmem>>, %arg11: memref<!tpu.dma_semaphore, #tpu.memory_space<semaphore_mem>>, %arg12: memref<!tpu.dma_semaphore, #tpu.memory_space<semaphore_mem>>, %arg13: memref<!tpu.dma_semaphore, #tpu.memory_space<semaphore_mem>>, %arg14: memref<!tpu.dma_semaphore, #tpu.memory_space<semaphore_mem>>) attributes {dimension_semantics = [#tpu.dimension_semantics<core_parallel>, #tpu.dimension_semantics<subcore_parallel>], iteration_bounds = array<i64: 2, 16>, scalar_prefetch = 0 : i64, scratch_operands = 10 : i64, tpu.core_type = #tpu.core_type<sc_vector_subcore>, window_params = [{transform_indices = #map}, {transform_indices = #map}, {transform_indices = #map1}]} {
    %mul3A = arith.constant 2 : i32
    %mul3A_0 = arith.muli %arg1, %mul3A : i32
    %add3A = arith.addi %mul3A_0, %arg0 : i32
    %mul3A_1 = arith.constant 32768 : i32
    %mul3A_2 = arith.muli %add3A, %mul3A_1 : i32
    "tpu.region"() ({
      %run_scoped3A = tpu.sem_alloc : memref<!tpu.dma_semaphore, #tpu.memory_space<semaphore_mem>>
      tpu.enqueue_dma source(%arg3 : memref<9312xf32, #tpu.memory_space<hbm>>) target(%arg6 : memref<9312xf32, #tpu.memory_space<vmem>>) target_semaphore(%run_scoped3A : memref<!tpu.dma_semaphore, #tpu.memory_space<semaphore_mem>>)
      tpu.wait_dma2 semaphore(%run_scoped3A : memref<!tpu.dma_semaphore, #tpu.memory_space<semaphore_mem>>) src(%arg3 : memref<9312xf32, #tpu.memory_space<hbm>>) dst(%arg6 : memref<9312xf32, #tpu.memory_space<vmem>>)
      tpu.yield
    }) : () -> ()
    %scan3A = arith.constant 0 : i32
    %scan3A_3 = arith.constant 0 : i32
    %scan3A_4 = arith.constant 580 : i32
    %scan3A_5 = arith.addi %scan3A_3, %scan3A_4 : i32
    %scan3A_6 = arith.constant 1 : i32
    scf.for %scan3A_88 = %scan3A_3 to %scan3A_5 step %scan3A_6  : i32 {
      %mul3A_89 = arith.constant 16 : i32
      %mul3A_90 = arith.muli %scan3A_88, %mul3A_89 : i32
      %get3A = arith.index_cast %mul3A_90 : i32 to index
      %get3A_91 = tpu.vector_load %arg6[%get3A] {strides = array<i32>} : memref<9312xf32, #tpu.memory_space<vmem>>, vector<16xf32>,
      %mul3A_92 = arith.constant 16 : i32
      %mul3A_93 = arith.muli %scan3A_88, %mul3A_92 : i32
      %add3A_94 = arith.constant 32 : i32
      %add3A_95 = arith.addi %mul3A_93, %add3A_94 : i32
      %get3A_96 = arith.index_cast %add3A_95 : i32 to index
      %get3A_97 = tpu.vector_load %arg6[%get3A_96] {strides = array<i32>} : memref<9312xf32, #tpu.memory_space<vmem>>, vector<16xf32>,
      %sub3A = arith.subf %get3A_97, %get3A_91 : vector<16xf32>
      %mul3A_98 = arith.constant 16 : i32
      %mul3A_99 = arith.muli %scan3A_88, %mul3A_98 : i32
      %swap3A = arith.index_cast %mul3A_99 : i32 to index
      %swap3A_100 = tpu.vector_load %arg7[%swap3A] {strides = array<i32>} : memref<9312xf32, #tpu.memory_space<vmem>>, vector<16xf32>,
      tpu.vector_store %arg7[%swap3A], %sub3A {strides = array<i32>} : memref<9312xf32, #tpu.memory_space<vmem>>, vector<16xf32>,
    }
    %scan3A_7 = arith.constant 580 : i32
    %add3A_8 = arith.constant 0 : i32
    %add3A_9 = arith.addi %mul3A_2, %add3A_8 : i32
    %add3A_10 = arith.constant 0 : i32
    %add3A_11 = arith.addi %add3A_10, %add3A_9 : i32
    %add3A_12 = arith.constant 1048576 : i32
    %add3A_13 = arith.addi %add3A_12, %add3A_9 : i32
    %add3A_14 = arith.constant 2097152 : i32
    %add3A_15 = arith.addi %add3A_14, %add3A_9 : i32
    %dma_start3A = arith.constant 0 : i32
    %dma_start3A_16 = tpu.memref_slice %arg5[%dma_start3A] : memref<1536xf32, #tpu.memory_space<vmem>> -> memref<256xf32, #tpu.memory_space<vmem>>
    %dma_start3A_17 = tpu.memref_slice %arg2[%add3A_11] : memref<3145728xf32, #tpu.memory_space<hbm>> -> memref<256xf32, #tpu.memory_space<hbm>>
    %dma_start3A_18 = arith.constant 0 : i32
    %dma_start3A_19 = tpu.memref_slice %arg5[%dma_start3A_18] : memref<1536xf32, #tpu.memory_space<vmem>> -> memref<256xf32, #tpu.memory_space<vmem>>
    %dma_start3A_20 = tpu.memref_slice %arg2[%add3A_11] : memref<3145728xf32, #tpu.memory_space<hbm>> -> memref<256xf32, #tpu.memory_space<hbm>>
    tpu.enqueue_dma source(%dma_start3A_20 : memref<256xf32, #tpu.memory_space<hbm>>) target(%dma_start3A_19 : memref<256xf32, #tpu.memory_space<vmem>>) target_semaphore(%arg11 : memref<!tpu.dma_semaphore, #tpu.memory_space<semaphore_mem>>)
    %dma_start3A_21 = arith.constant 256 : i32
    %dma_start3A_22 = tpu.memref_slice %arg5[%dma_start3A_21] : memref<1536xf32, #tpu.memory_space<vmem>> -> memref<256xf32, #tpu.memory_space<vmem>>
    %dma_start3A_23 = tpu.memref_slice %arg2[%add3A_13] : memref<3145728xf32, #tpu.memory_space<hbm>> -> memref<256xf32, #tpu.memory_space<hbm>>
    %dma_start3A_24 = arith.constant 256 : i32
    %dma_start3A_25 = tpu.memref_slice %arg5[%dma_start3A_24] : memref<1536xf32, #tpu.memory_space<vmem>> -> memref<256xf32, #tpu.memory_space<vmem>>
    %dma_start3A_26 = tpu.memref_slice %arg2[%add3A_13] : memref<3145728xf32, #tpu.memory_space<hbm>> -> memref<256xf32, #tpu.memory_space<hbm>>
    tpu.enqueue_dma source(%dma_start3A_26 : memref<256xf32, #tpu.memory_space<hbm>>) target(%dma_start3A_25 : memref<256xf32, #tpu.memory_space<vmem>>) target_semaphore(%arg11 : memref<!tpu.dma_semaphore, #tpu.memory_space<semaphore_mem>>)
    %dma_start3A_27 = arith.constant 512 : i32
    %dma_start3A_28 = tpu.memref_slice %arg5[%dma_start3A_27] : memref<1536xf32, #tpu.memory_space<vmem>> -> memref<256xf32, #tpu.memory_space<vmem>>
    %dma_start3A_29 = tpu.memref_slice %arg2[%add3A_15] : memref<3145728xf32, #tpu.memory_space<hbm>> -> memref<256xf32, #tpu.memory_space<hbm>>
    %dma_start3A_30 = arith.constant 512 : i32
    %dma_start3A_31 = tpu.memref_slice %arg5[%dma_start3A_30] : memref<1536xf32, #tpu.memory_space<vmem>> -> memref<256xf32, #tpu.memory_space<vmem>>
    %dma_start3A_32 = tpu.memref_slice %arg2[%add3A_15] : memref<3145728xf32, #tpu.memory_space<hbm>> -> memref<256xf32, #tpu.memory_space<hbm>>
    tpu.enqueue_dma source(%dma_start3A_32 : memref<256xf32, #tpu.memory_space<hbm>>) target(%dma_start3A_31 : memref<256xf32, #tpu.memory_space<vmem>>) target_semaphore(%arg11 : memref<!tpu.dma_semaphore, #tpu.memory_space<semaphore_mem>>)
    %add3A_33 = arith.constant 256 : i32
    %add3A_34 = arith.addi %mul3A_2, %add3A_33 : i32
    %add3A_35 = arith.constant 0 : i32
    %add3A_36 = arith.addi %add3A_35, %add3A_34 : i32
    %add3A_37 = arith.constant 1048576 : i32
    %add3A_38 = arith.addi %add3A_37, %add3A_34 : i32
    %add3A_39 = arith.constant 2097152 : i32
    %add3A_40 = arith.addi %add3A_39, %add3A_34 : i32
    %dma_start3A_41 = arith.constant 768 : i32
    %dma_start3A_42 = tpu.memref_slice %arg5[%dma_start3A_41] : memref<1536xf32, #tpu.memory_space<vmem>> -> memref<256xf32, #tpu.memory_space<vmem>>
    %dma_start3A_43 = tpu.memref_slice %arg2[%add3A_36] : memref<3145728xf32, #tpu.memory_space<hbm>> -> memref<256xf32, #tpu.memory_space<hbm>>
    %dma_start3A_44 = arith.constant 768 : i32
    %dma_start3A_45 = tpu.memref_slice %arg5[%dma_start3A_44] : memref<1536xf32, #tpu.memory_space<vmem>> -> memref<256xf32, #tpu.memory_space<vmem>>
    %dma_start3A_46 = tpu.memref_slice %arg2[%add3A_36] : memref<3145728xf32, #tpu.memory_space<hbm>> -> memref<256xf32, #tpu.memory_space<hbm>>
    tpu.enqueue_dma source(%dma_start3A_46 : memref<256xf32, #tpu.memory_space<hbm>>) target(%dma_start3A_45 : memref<256xf32, #tpu.memory_space<vmem>>) target_semaphore(%arg12 : memref<!tpu.dma_semaphore, #tpu.memory_space<semaphore_mem>>)
    %dma_start3A_47 = arith.constant 1024 : i32
    %dma_start3A_48 = tpu.memref_slice %arg5[%dma_start3A_47] : memref<1536xf32, #tpu.memory_space<vmem>> -> memref<256xf32, #tpu.memory_space<vmem>>
    %dma_start3A_49 = tpu.memref_slice %arg2[%add3A_38] : memref<3145728xf32, #tpu.memory_space<hbm>> -> memref<256xf32, #tpu.memory_space<hbm>>
    %dma_start3A_50 = arith.constant 1024 : i32
    %dma_start3A_51 = tpu.memref_slice %arg5[%dma_start3A_50] : memref<1536xf32, #tpu.memory_space<vmem>> -> memref<256xf32, #tpu.memory_space<vmem>>
    %dma_start3A_52 = tpu.memref_slice %arg2[%add3A_38] : memref<3145728xf32, #tpu.memory_space<hbm>> -> memref<256xf32, #tpu.memory_space<hbm>>
    tpu.enqueue_dma source(%dma_start3A_52 : memref<256xf32, #tpu.memory_space<hbm>>) target(%dma_start3A_51 : memref<256xf32, #tpu.memory_space<vmem>>) target_semaphore(%arg12 : memref<!tpu.dma_semaphore, #tpu.memory_space<semaphore_mem>>)
    %dma_start3A_53 = arith.constant 1280 : i32
    %dma_start3A_54 = tpu.memref_slice %arg5[%dma_start3A_53] : memref<1536xf32, #tpu.memory_space<vmem>> -> memref<256xf32, #tpu.memory_space<vmem>>
    %dma_start3A_55 = tpu.memref_slice %arg2[%add3A_40] : memref<3145728xf32, #tpu.memory_space<hbm>> -> memref<256xf32, #tpu.memory_space<hbm>>
    %dma_start3A_56 = arith.constant 1280 : i32
    %dma_start3A_57 = tpu.memref_slice %arg5[%dma_start3A_56] : memref<1536xf32, #tpu.memory_space<vmem>> -> memref<256xf32, #tpu.memory_space<vmem>>
    %dma_start3A_58 = tpu.memref_slice %arg2[%add3A_40] : memref<3145728xf32, #tpu.memory_space<hbm>> -> memref<256xf32, #tpu.memory_space<hbm>>
    tpu.enqueue_dma source(%dma_start3A_58 : memref<256xf32, #tpu.memory_space<hbm>>) target(%dma_start3A_57 : memref<256xf32, #tpu.memory_space<vmem>>) target_semaphore(%arg12 : memref<!tpu.dma_semaphore, #tpu.memory_space<semaphore_mem>>)
    %scan3A_59 = arith.constant 0 : i32
    %scan3A_60 = arith.constant 0 : i32
    %scan3A_61 = arith.constant 64 : i32
    %scan3A_62 = arith.addi %scan3A_60, %scan3A_61 : i32
    %scan3A_63 = arith.constant 1 : i32
    scf.for %scan3A_88 = %scan3A_60 to %scan3A_62 step %scan3A_63  : i32 {
      %mul3A_89 = arith.constant 2 : i32
      %mul3A_90 = arith.muli %scan3A_88, %mul3A_89 : i32
      %add3A_91 = arith.constant 0 : i32
      %add3A_92 = arith.addi %mul3A_90, %add3A_91 : i32
      %mul3A_93 = arith.constant 256 : i32
      %mul3A_94 = arith.muli %add3A_92, %mul3A_93 : i32
      %add3A_95 = arith.addi %mul3A_2, %mul3A_94 : i32
      %add3A_96 = arith.constant 0 : i32
      %add3A_97 = arith.addi %add3A_96, %add3A_95 : i32
      %add3A_98 = arith.constant 1048576 : i32
      %add3A_99 = arith.addi %add3A_98, %add3A_95 : i32
      %add3A_100 = arith.constant 2097152 : i32
      %add3A_101 = arith.addi %add3A_100, %add3A_95 : i32
      %dma_wait3A_102 = arith.constant 0 : i32
      %dma_wait3A_103 = tpu.memref_slice %arg5[%dma_wait3A_102] : memref<1536xf32, #tpu.memory_space<vmem>> -> memref<256xf32, #tpu.memory_space<vmem>>
      %dma_wait3A_104 = tpu.memref_slice %arg2[%add3A_97] : memref<3145728xf32, #tpu.memory_space<hbm>> -> memref<256xf32, #tpu.memory_space<hbm>>
      %dma_wait3A_105 = arith.constant 0 : i32
      %dma_wait3A_106 = tpu.memref_slice %arg5[%dma_wait3A_105] : memref<1536xf32, #tpu.memory_space<vmem>> -> memref<256xf32, #tpu.memory_space<vmem>>
      %dma_wait3A_107 = tpu.memref_slice %arg2[%add3A_97] : memref<3145728xf32, #tpu.memory_space<hbm>> -> memref<256xf32, #tpu.memory_space<hbm>>
      tpu.wait_dma2 semaphore(%arg11 : memref<!tpu.dma_semaphore, #tpu.memory_space<semaphore_mem>>) src(%dma_wait3A_107 : memref<256xf32, #tpu.memory_space<hbm>>) dst(%dma_wait3A_106 : memref<256xf32, #tpu.memory_space<vmem>>)
      %dma_wait3A_108 = arith.constant 256 : i32
      %dma_wait3A_109 = tpu.memref_slice %arg5[%dma_wait3A_108] : memref<1536xf32, #tpu.memory_space<vmem>> -> memref<256xf32, #tpu.memory_space<vmem>>
      %dma_wait3A_110 = tpu.memref_slice %arg2[%add3A_99] : memref<3145728xf32, #tpu.memory_space<hbm>> -> memref<256xf32, #tpu.memory_space<hbm>>
      %dma_wait3A_111 = arith.constant 256 : i32
      %dma_wait3A_112 = tpu.memref_slice %arg5[%dma_wait3A_111] : memref<1536xf32, #tpu.memory_space<vmem>> -> memref<256xf32, #tpu.memory_space<vmem>>
      %dma_wait3A_113 = tpu.memref_slice %arg2[%add3A_99] : memref<3145728xf32, #tpu.memory_space<hbm>> -> memref<256xf32, #tpu.memory_space<hbm>>
      tpu.wait_dma2 semaphore(%arg11 : memref<!tpu.dma_semaphore, #tpu.memory_space<semaphore_mem>>) src(%dma_wait3A_113 : memref<256xf32, #tpu.memory_space<hbm>>) dst(%dma_wait3A_112 : memref<256xf32, #tpu.memory_space<vmem>>)
      %dma_wait3A_114 = arith.constant 512 : i32
      %dma_wait3A_115 = tpu.memref_slice %arg5[%dma_wait3A_114] : memref<1536xf32, #tpu.memory_space<vmem>> -> memref<256xf32, #tpu.memory_space<vmem>>
      %dma_wait3A_116 = tpu.memref_slice %arg2[%add3A_101] : memref<3145728xf32, #tpu.memory_space<hbm>> -> memref<256xf32, #tpu.memory_space<hbm>>
      %dma_wait3A_117 = arith.constant 512 : i32
      %dma_wait3A_118 = tpu.memref_slice %arg5[%dma_wait3A_117] : memref<1536xf32, #tpu.memory_space<vmem>> -> memref<256xf32, #tpu.memory_space<vmem>>
      %dma_wait3A_119 = tpu.memref_slice %arg2[%add3A_101] : memref<3145728xf32, #tpu.memory_space<hbm>> -> memref<256xf32, #tpu.memory_space<hbm>>
      tpu.wait_dma2 semaphore(%arg11 : memref<!tpu.dma_semaphore, #tpu.memory_space<semaphore_mem>>) src(%dma_wait3A_119 : memref<256xf32, #tpu.memory_space<hbm>>) dst(%dma_wait3A_118 : memref<256xf32, #tpu.memory_space<vmem>>)
      %scan3A_120 = arith.constant 0 : i32
      %scan3A_121 = arith.constant 0 : i32
      %scan3A_122 = arith.constant 16 : i32
      %scan3A_123 = arith.addi %scan3A_121, %scan3A_122 : i32
      %scan3A_124 = arith.constant 1 : i32
      scf.for %scan3A_228 = %scan3A_121 to %scan3A_123 step %scan3A_124  : i32 {
        %mul3A_229 = arith.constant 16 : i32
        %mul3A_230 = arith.muli %scan3A_228, %mul3A_229 : i32
        %add3A_231 = arith.constant 0 : i32
        %add3A_232 = arith.addi %add3A_231, %mul3A_230 : i32
        %get3A = arith.index_cast %add3A_232 : i32 to index
        %get3A_233 = tpu.vector_load %arg5[%get3A] {strides = array<i32>} : memref<1536xf32, #tpu.memory_space<vmem>>, vector<16xf32>,
        %mul3A_234 = arith.constant 3.200000e+01 : f32
        %mul3A_235 = vector.broadcast %mul3A_234 : f32 to vector<16xf32>
        %mul3A_236 = arith.mulf %get3A_233, %mul3A_235 : vector<16xf32>
        %add3A_237 = arith.constant 0.000000e+00 : f32
        %add3A_238 = vector.broadcast %add3A_237 : f32 to vector<16xf32>
        %add3A_239 = arith.addf %mul3A_236, %add3A_238 : vector<16xf32>
        %convert_element_type3A_240 = arith.fptosi %add3A_239 : vector<16xf32> to vector<16xi32>
        %convert_element_type3A_241 = arith.sitofp %convert_element_type3A_240 : vector<16xi32> to vector<16xf32>
        %sub3A = arith.subf %add3A_239, %convert_element_type3A_241 : vector<16xf32>
        %mul3A_242 = arith.constant 32 : i32
        %mul3A_243 = vector.broadcast %mul3A_242 : i32 to vector<16xi32>
        %mul3A_244 = arith.muli %convert_element_type3A_240, %mul3A_243 : vector<16xi32>
        %mul3A_245 = arith.constant 16 : i32
        %mul3A_246 = arith.muli %scan3A_228, %mul3A_245 : i32
        %add3A_247 = arith.constant 0 : i32
        %add3A_248 = arith.addi %add3A_247, %mul3A_246 : i32
        %swap3A = arith.index_cast %add3A_248 : i32 to index
        %swap3A_249 = tpu.vector_load %arg8[%swap3A] {strides = array<i32>} : memref<768xi32, #tpu.memory_space<vmem>>, vector<16xi32>,
        tpu.vector_store %arg8[%swap3A], %mul3A_244 {strides = array<i32>} : memref<768xi32, #tpu.memory_space<vmem>>, vector<16xi32>,
        %mul3A_250 = arith.constant 16 : i32
        %mul3A_251 = arith.muli %scan3A_228, %mul3A_250 : i32
        %add3A_252 = arith.constant 0 : i32
        %add3A_253 = arith.addi %add3A_252, %mul3A_251 : i32
        %swap3A_254 = arith.index_cast %add3A_253 : i32 to index
        %swap3A_255 = tpu.vector_load %arg9[%swap3A_254] {strides = array<i32>} : memref<768xf32, #tpu.memory_space<vmem>>, vector<16xf32>,
        tpu.vector_store %arg9[%swap3A_254], %sub3A {strides = array<i32>} : memref<768xf32, #tpu.memory_space<vmem>>, vector<16xf32>,
        %mul3A_256 = arith.constant 16 : i32
        %mul3A_257 = arith.muli %scan3A_228, %mul3A_256 : i32
        %add3A_258 = arith.constant 256 : i32
        %add3A_259 = arith.addi %add3A_258, %mul3A_257 : i32
        %get3A_260 = arith.index_cast %add3A_259 : i32 to index
        %get3A_261 = tpu.vector_load %arg5[%get3A_260] {strides = array<i32>} : memref<1536xf32, #tpu.memory_space<vmem>>, vector<16xf32>,
        %mul3A_262 = arith.constant 1.280000e+02 : f32
        %mul3A_263 = vector.broadcast %mul3A_262 : f32 to vector<16xf32>
        %mul3A_264 = arith.mulf %get3A_261, %mul3A_263 : vector<16xf32>
        %add3A_265 = arith.constant 3.300000e+01 : f32
        %add3A_266 = vector.broadcast %add3A_265 : f32 to vector<16xf32>
        %add3A_267 = arith.addf %mul3A_264, %add3A_266 : vector<16xf32>
        %convert_element_type3A_268 = arith.fptosi %add3A_267 : vector<16xf32> to vector<16xi32>
        %convert_element_type3A_269 = arith.sitofp %convert_element_type3A_268 : vector<16xi32> to vector<16xf32>
        %sub3A_270 = arith.subf %add3A_267, %convert_element_type3A_269 : vector<16xf32>
        %mul3A_271 = arith.constant 32 : i32
        %mul3A_272 = vector.broadcast %mul3A_271 : i32 to vector<16xi32>
        %mul3A_273 = arith.muli %convert_element_type3A_268, %mul3A_272 : vector<16xi32>
        %mul3A_274 = arith.constant 16 : i32
        %mul3A_275 = arith.muli %scan3A_228, %mul3A_274 : i32
        %add3A_276 = arith.constant 256 : i32
        %add3A_277 = arith.addi %add3A_276, %mul3A_275 : i32
        %swap3A_278 = arith.index_cast %add3A_277 : i32 to index
        %swap3A_279 = tpu.vector_load %arg8[%swap3A_278] {strides = array<i32>} : memref<768xi32, #tpu.memory_space<vmem>>, vector<16xi32>,
        tpu.vector_store %arg8[%swap3A_278], %mul3A_273 {strides = array<i32>} : memref<768xi32, #tpu.memory_space<vmem>>, vector<16xi32>,
        %mul3A_280 = arith.constant 16 : i32
        %mul3A_281 = arith.muli %scan3A_228, %mul3A_280 : i32
        %add3A_282 = arith.constant 256 : i32
        %add3A_283 = arith.addi %add3A_282, %mul3A_281 : i32
        %swap3A_284 = arith.index_cast %add3A_283 : i32 to index
        %swap3A_285 = tpu.vector_load %arg9[%swap3A_284] {strides = array<i32>} : memref<768xf32, #tpu.memory_space<vmem>>, vector<16xf32>,
        tpu.vector_store %arg9[%swap3A_284], %sub3A_270 {strides = array<i32>} : memref<768xf32, #tpu.memory_space<vmem>>, vector<16xf32>,
        %mul3A_286 = arith.constant 16 : i32
        %mul3A_287 = arith.muli %scan3A_228, %mul3A_286 : i32
        %add3A_288 = arith.constant 512 : i32
        %add3A_289 = arith.addi %add3A_288, %mul3A_287 : i32
        %get3A_290 = arith.index_cast %add3A_289 : i32 to index
        %get3A_291 = tpu.vector_load %arg5[%get3A_290] {strides = array<i32>} : memref<1536xf32, #tpu.memory_space<vmem>>, vector<16xf32>,
        %mul3A_292 = arith.constant 1.280000e+02 : f32
        %mul3A_293 = vector.broadcast %mul3A_292 : f32 to vector<16xf32>
        %mul3A_294 = arith.mulf %get3A_291, %mul3A_293 : vector<16xf32>
        %add3A_295 = arith.constant 1.620000e+02 : f32
        %add3A_296 = vector.broadcast %add3A_295 : f32 to vector<16xf32>
        %add3A_297 = arith.addf %mul3A_294, %add3A_296 : vector<16xf32>
        %convert_element_type3A_298 = arith.fptosi %add3A_297 : vector<16xf32> to vector<16xi32>
        %convert_element_type3A_299 = arith.sitofp %convert_element_type3A_298 : vector<16xi32> to vector<16xf32>
        %sub3A_300 = arith.subf %add3A_297, %convert_element_type3A_299 : vector<16xf32>
        %mul3A_301 = arith.constant 32 : i32
        %mul3A_302 = vector.broadcast %mul3A_301 : i32 to vector<16xi32>
        %mul3A_303 = arith.muli %convert_element_type3A_298, %mul3A_302 : vector<16xi32>
        %mul3A_304 = arith.constant 16 : i32
        %mul3A_305 = arith.muli %scan3A_228, %mul3A_304 : i32
        %add3A_306 = arith.constant 512 : i32
        %add3A_307 = arith.addi %add3A_306, %mul3A_305 : i32
        %swap3A_308 = arith.index_cast %add3A_307 : i32 to index
        %swap3A_309 = tpu.vector_load %arg8[%swap3A_308] {strides = array<i32>} : memref<768xi32, #tpu.memory_space<vmem>>, vector<16xi32>,
        tpu.vector_store %arg8[%swap3A_308], %mul3A_303 {strides = array<i32>} : memref<768xi32, #tpu.memory_space<vmem>>, vector<16xi32>,
        %mul3A_310 = arith.constant 16 : i32
        %mul3A_311 = arith.muli %scan3A_228, %mul3A_310 : i32
        %add3A_312 = arith.constant 512 : i32
        %add3A_313 = arith.addi %add3A_312, %mul3A_311 : i32
        %swap3A_314 = arith.index_cast %add3A_313 : i32 to index
        %swap3A_315 = tpu.vector_load %arg9[%swap3A_314] {strides = array<i32>} : memref<768xf32, #tpu.memory_space<vmem>>, vector<16xf32>,
        tpu.vector_store %arg9[%swap3A_314], %sub3A_300 {strides = array<i32>} : memref<768xf32, #tpu.memory_space<vmem>>, vector<16xf32>,
      }
      %scan3A_125 = arith.constant 16 : i32
      %add3A_126 = arith.constant 2 : i32
      %add3A_127 = arith.addi %add3A_92, %add3A_126 : i32
      %lt3A = arith.constant 128 : i32
      %lt3A_128 = arith.cmpi slt, %add3A_127, %lt3A : i32
      %convert_element_type3A = arith.extui %lt3A_128 : i1 to i32
      %cond3A = arith.constant 0 : i32
      %cond3A_129 = arith.cmpi ne, %convert_element_type3A, %cond3A : i32
      scf.if %cond3A_129 {
        %add3A_228 = arith.constant 2 : i32
        %add3A_229 = arith.addi %add3A_92, %add3A_228 : i32
        %mul3A_230 = arith.constant 256 : i32
        %mul3A_231 = arith.muli %add3A_229, %mul3A_230 : i32
        %add3A_232 = arith.addi %mul3A_2, %mul3A_231 : i32
        %add3A_233 = arith.constant 0 : i32
        %add3A_234 = arith.addi %add3A_233, %add3A_232 : i32
        %add3A_235 = arith.constant 1048576 : i32
        %add3A_236 = arith.addi %add3A_235, %add3A_232 : i32
        %add3A_237 = arith.constant 2097152 : i32
        %add3A_238 = arith.addi %add3A_237, %add3A_232 : i32
        %dma_start3A_239 = arith.constant 0 : i32
        %dma_start3A_240 = tpu.memref_slice %arg5[%dma_start3A_239] : memref<1536xf32, #tpu.memory_space<vmem>> -> memref<256xf32, #tpu.memory_space<vmem>>
        %dma_start3A_241 = tpu.memref_slice %arg2[%add3A_234] : memref<3145728xf32, #tpu.memory_space<hbm>> -> memref<256xf32, #tpu.memory_space<hbm>>
        %dma_start3A_242 = arith.constant 0 : i32
        %dma_start3A_243 = tpu.memref_slice %arg5[%dma_start3A_242] : memref<1536xf32, #tpu.memory_space<vmem>> -> memref<256xf32, #tpu.memory_space<vmem>>
        %dma_start3A_244 = tpu.memref_slice %arg2[%add3A_234] : memref<3145728xf32, #tpu.memory_space<hbm>> -> memref<256xf32, #tpu.memory_space<hbm>>
        tpu.enqueue_dma source(%dma_start3A_244 : memref<256xf32, #tpu.memory_space<hbm>>) target(%dma_start3A_243 : memref<256xf32, #tpu.memory_space<vmem>>) target_semaphore(%arg11 : memref<!tpu.dma_semaphore, #tpu.memory_space<semaphore_mem>>)
        %dma_start3A_245 = arith.constant 256 : i32
        %dma_start3A_246 = tpu.memref_slice %arg5[%dma_start3A_245] : memref<1536xf32, #tpu.memory_space<vmem>> -> memref<256xf32, #tpu.memory_space<vmem>>
        %dma_start3A_247 = tpu.memref_slice %arg2[%add3A_236] : memref<3145728xf32, #tpu.memory_space<hbm>> -> memref<256xf32, #tpu.memory_space<hbm>>
        %dma_start3A_248 = arith.constant 256 : i32
        %dma_start3A_249 = tpu.memref_slice %arg5[%dma_start3A_248] : memref<1536xf32, #tpu.memory_space<vmem>> -> memref<256xf32, #tpu.memory_space<vmem>>
        %dma_start3A_250 = tpu.memref_slice %arg2[%add3A_236] : memref<3145728xf32, #tpu.memory_space<hbm>> -> memref<256xf32, #tpu.memory_space<hbm>>
        tpu.enqueue_dma source(%dma_start3A_250 : memref<256xf32, #tpu.memory_space<hbm>>) target(%dma_start3A_249 : memref<256xf32, #tpu.memory_space<vmem>>) target_semaphore(%arg11 : memref<!tpu.dma_semaphore, #tpu.memory_space<semaphore_mem>>)
        %dma_start3A_251 = arith.constant 512 : i32
        %dma_start3A_252 = tpu.memref_slice %arg5[%dma_start3A_251] : memref<1536xf32, #tpu.memory_space<vmem>> -> memref<256xf32, #tpu.memory_space<vmem>>
        %dma_start3A_253 = tpu.memref_slice %arg2[%add3A_238] : memref<3145728xf32, #tpu.memory_space<hbm>> -> memref<256xf32, #tpu.memory_space<hbm>>
        %dma_start3A_254 = arith.constant 512 : i32
        %dma_start3A_255 = tpu.memref_slice %arg5[%dma_start3A_254] : memref<1536xf32, #tpu.memory_space<vmem>> -> memref<256xf32, #tpu.memory_space<vmem>>
        %dma_start3A_256 = tpu.memref_slice %arg2[%add3A_238] : memref<3145728xf32, #tpu.memory_space<hbm>> -> memref<256xf32, #tpu.memory_space<hbm>>
        tpu.enqueue_dma source(%dma_start3A_256 : memref<256xf32, #tpu.memory_space<hbm>>) target(%dma_start3A_255 : memref<256xf32, #tpu.memory_space<vmem>>) target_semaphore(%arg11 : memref<!tpu.dma_semaphore, #tpu.memory_space<semaphore_mem>>)
      } else {
      }
      %ge3A = arith.constant 2 : i32
      %ge3A_130 = arith.cmpi sge, %add3A_92, %ge3A : i32
      %convert_element_type3A_131 = arith.extui %ge3A_130 : i1 to i32
      %cond3A_132 = arith.constant 0 : i32
      %cond3A_133 = arith.cmpi ne, %convert_element_type3A_131, %cond3A_132 : i32
      scf.if %cond3A_133 {
        %sub3A = arith.constant 2 : i32
        %sub3A_228 = arith.subi %add3A_92, %sub3A : i32
        %mul3A_229 = arith.constant 256 : i32
        %mul3A_230 = arith.muli %sub3A_228, %mul3A_229 : i32
        %add3A_231 = arith.addi %mul3A_2, %mul3A_230 : i32
        %dma_wait3A_232 = arith.constant 0 : i32
        %dma_wait3A_233 = arith.constant 0 : i32
        %dma_wait3A_234 = tpu.memref_slice %arg10[%dma_wait3A_232, %dma_wait3A_233] : memref<512x96xf32, #tpu.memory_space<vmem>> -> memref<256x96xf32, #tpu.memory_space<vmem>>
        %dma_wait3A_235 = arith.constant 0 : i32
        %dma_wait3A_236 = tpu.memref_slice %arg4[%add3A_231, %dma_wait3A_235] : memref<1048576x96xf32, #tpu.memory_space<hbm>> -> memref<256x96xf32, #tpu.memory_space<hbm>>
        %dma_wait3A_237 = arith.constant 0 : i32
        %dma_wait3A_238 = tpu.memref_slice %arg4[%add3A_231, %dma_wait3A_237] : memref<1048576x96xf32, #tpu.memory_space<hbm>> -> memref<256x96xf32, #tpu.memory_space<hbm>>
        %dma_wait3A_239 = arith.constant 0 : i32
        %dma_wait3A_240 = arith.constant 0 : i32
        %dma_wait3A_241 = tpu.memref_slice %arg10[%dma_wait3A_239, %dma_wait3A_240] : memref<512x96xf32, #tpu.memory_space<vmem>> -> memref<256x96xf32, #tpu.memory_space<vmem>>
        tpu.wait_dma2 semaphore(%arg13 : memref<!tpu.dma_semaphore, #tpu.memory_space<semaphore_mem>>) src(%dma_wait3A_241 : memref<256x96xf32, #tpu.memory_space<vmem>>) dst(%dma_wait3A_238 : memref<256x96xf32, #tpu.memory_space<hbm>>)
      } else {
      }
      %iota3A = tpu.iota {dimensions = array<i32: 0>} : vector<16xi32>
      %add3A_134 = arith.constant 16 : i32
      %add3A_135 = vector.broadcast %add3A_134 : i32 to vector<16xi32>
      %add3A_136 = arith.addi %iota3A, %add3A_135 : vector<16xi32>
      %scan3A_137 = arith.constant 0 : i32
      %scan3A_138 = arith.constant 0 : i32
      %scan3A_139 = arith.constant 16 : i32
      %scan3A_140 = arith.addi %scan3A_138, %scan3A_139 : i32
      %scan3A_141 = arith.constant 1 : i32
      scf.for %scan3A_228 = %scan3A_138 to %scan3A_140 step %scan3A_141  : i32 {
        %mul3A_229 = arith.constant 16 : i32
        %mul3A_230 = arith.muli %scan3A_228, %mul3A_229 : i32
        %add3A_231 = arith.constant 0 : i32
        %add3A_232 = arith.addi %add3A_231, %mul3A_230 : i32
        %get3A = arith.index_cast %add3A_232 : i32 to index
        %get3A_233 = tpu.vector_load %arg8[%get3A] {strides = array<i32>} : memref<768xi32, #tpu.memory_space<vmem>>, vector<16xi32>,
        %mul3A_234 = arith.constant 16 : i32
        %mul3A_235 = arith.muli %scan3A_228, %mul3A_234 : i32
        %add3A_236 = arith.constant 256 : i32
        %add3A_237 = arith.addi %add3A_236, %mul3A_235 : i32
        %get3A_238 = arith.index_cast %add3A_237 : i32 to index
        %get3A_239 = tpu.vector_load %arg8[%get3A_238] {strides = array<i32>} : memref<768xi32, #tpu.memory_space<vmem>>, vector<16xi32>,
        %mul3A_240 = arith.constant 16 : i32
        %mul3A_241 = arith.muli %scan3A_228, %mul3A_240 : i32
        %add3A_242 = arith.constant 512 : i32
        %add3A_243 = arith.addi %add3A_242, %mul3A_241 : i32
        %get3A_244 = arith.index_cast %add3A_243 : i32 to index
        %get3A_245 = tpu.vector_load %arg8[%get3A_244] {strides = array<i32>} : memref<768xi32, #tpu.memory_space<vmem>>, vector<16xi32>,
        %mul3A_246 = arith.constant 16 : i32
        %mul3A_247 = arith.muli %scan3A_228, %mul3A_246 : i32
        %add3A_248 = arith.constant 0 : i32
        %add3A_249 = arith.addi %add3A_248, %mul3A_247 : i32
        %get3A_250 = arith.index_cast %add3A_249 : i32 to index
        %get3A_251 = tpu.vector_load %arg9[%get3A_250] {strides = array<i32>} : memref<768xf32, #tpu.memory_space<vmem>>, vector<16xf32>,
        %mul3A_252 = arith.constant 16 : i32
        %mul3A_253 = arith.muli %scan3A_228, %mul3A_252 : i32
        %add3A_254 = arith.constant 256 : i32
        %add3A_255 = arith.addi %add3A_254, %mul3A_253 : i32
        %get3A_256 = arith.index_cast %add3A_255 : i32 to index
        %get3A_257 = tpu.vector_load %arg9[%get3A_256] {strides = array<i32>} : memref<768xf32, #tpu.memory_space<vmem>>, vector<16xf32>,
        %mul3A_258 = arith.constant 16 : i32
        %mul3A_259 = arith.muli %scan3A_228, %mul3A_258 : i32
        %add3A_260 = arith.constant 512 : i32
        %add3A_261 = arith.addi %add3A_260, %mul3A_259 : i32
        %get3A_262 = arith.index_cast %add3A_261 : i32 to index
        %get3A_263 = tpu.vector_load %arg9[%get3A_262] {strides = array<i32>} : memref<768xf32, #tpu.memory_space<vmem>>, vector<16xf32>,
        %mul3A_264 = arith.constant 16 : i32
        %mul3A_265 = arith.muli %scan3A_228, %mul3A_264 : i32
        %add3A_266 = arith.constant 0 : i32
        %add3A_267 = arith.addi %add3A_266, %mul3A_265 : i32
        %add3A_268 = arith.constant 0 : i32
        %add3A_269 = arith.addi %add3A_267, %add3A_268 : i32
        %slice3A = vector.extract_strided_slice %get3A_233 {offsets = [0], sizes = [1], strides = [1]} : vector<16xi32> to vector<1xi32>
        %squeeze3A = vector.extract %slice3A[0] : i32 from vector<1xi32>
        %broadcast_in_dim3A = vector.broadcast %squeeze3A : i32 to vector<16xi32>
        %slice3A_270 = vector.extract_strided_slice %get3A_251 {offsets = [0], sizes = [1], strides = [1]} : vector<16xf32> to vector<1xf32>
        %squeeze3A_271 = vector.extract %slice3A_270[0] : f32 from vector<1xf32>
        %broadcast_in_dim3A_272 = vector.broadcast %squeeze3A_271 : f32 to vector<16xf32>
        %add3A_273 = arith.addi %broadcast_in_dim3A, %iota3A : vector<16xi32>
        %add3A_274 = arith.addi %broadcast_in_dim3A, %add3A_136 : vector<16xi32>
        %gather3A = tpu.vector_load_idx %arg6[%add3A_273] : memref<9312xf32, #tpu.memory_space<vmem>>[vector<16xi32>], vector<16xf32>,
        %gather3A_275 = tpu.vector_load_idx %arg6[%add3A_274] : memref<9312xf32, #tpu.memory_space<vmem>>[vector<16xi32>], vector<16xf32>,
        %gather3A_276 = tpu.vector_load_idx %arg7[%add3A_273] : memref<9312xf32, #tpu.memory_space<vmem>>[vector<16xi32>], vector<16xf32>,
        %gather3A_277 = tpu.vector_load_idx %arg7[%add3A_274] : memref<9312xf32, #tpu.memory_space<vmem>>[vector<16xi32>], vector<16xf32>,
        %mul3A_278 = arith.mulf %broadcast_in_dim3A_272, %gather3A_276 : vector<16xf32>
        %add3A_279 = arith.addf %gather3A, %mul3A_278 : vector<16xf32>
        %swap3A = arith.index_cast %add3A_269 : i32 to index
        %swap3A_280 = arith.constant 0 : index
        %swap3A_281 = tpu.vector_load %arg10[%swap3A, %swap3A_280] {strides = array<i32>} : memref<512x96xf32, #tpu.memory_space<vmem>>, vector<16xf32>,
        tpu.vector_store %arg10[%swap3A, %swap3A_280], %add3A_279 {strides = array<i32>} : memref<512x96xf32, #tpu.memory_space<vmem>>, vector<16xf32>,
        %mul3A_282 = arith.mulf %broadcast_in_dim3A_272, %gather3A_277 : vector<16xf32>
        %add3A_283 = arith.addf %gather3A_275, %mul3A_282 : vector<16xf32>
        %swap3A_284 = arith.index_cast %add3A_269 : i32 to index
        %swap3A_285 = arith.constant 16 : index
        %swap3A_286 = tpu.vector_load %arg10[%swap3A_284, %swap3A_285] {strides = array<i32>} : memref<512x96xf32, #tpu.memory_space<vmem>>, vector<16xf32>,
        tpu.vector_store %arg10[%swap3A_284, %swap3A_285], %add3A_283 {strides = array<i32>} : memref<512x96xf32, #tpu.memory_space<vmem>>, vector<16xf32>,
        %slice3A_287 = vector.extract_strided_slice %get3A_239 {offsets = [0], sizes = [1], strides = [1]} : vector<16xi32> to vector<1xi32>
        %squeeze3A_288 = vector.extract %slice3A_287[0] : i32 from vector<1xi32>
        %broadcast_in_dim3A_289 = vector.broadcast %squeeze3A_288 : i32 to vector<16xi32>
        %slice3A_290 = vector.extract_strided_slice %get3A_257 {offsets = [0], sizes = [1], strides = [1]} : vector<16xf32> to vector<1xf32>
        %squeeze3A_291 = vector.extract %slice3A_290[0] : f32 from vector<1xf32>
        %broadcast_in_dim3A_292 = vector.broadcast %squeeze3A_291 : f32 to vector<16xf32>
        %add3A_293 = arith.addi %broadcast_in_dim3A_289, %iota3A : vector<16xi32>
        %add3A_294 = arith.addi %broadcast_in_dim3A_289, %add3A_136 : vector<16xi32>
        %gather3A_295 = tpu.vector_load_idx %arg6[%add3A_293] : memref<9312xf32, #tpu.memory_space<vmem>>[vector<16xi32>], vector<16xf32>,
        %gather3A_296 = tpu.vector_load_idx %arg6[%add3A_294] : memref<9312xf32, #tpu.memory_space<vmem>>[vector<16xi32>], vector<16xf32>,
        %gather3A_297 = tpu.vector_load_idx %arg7[%add3A_293] : memref<9312xf32, #tpu.memory_space<vmem>>[vector<16xi32>], vector<16xf32>,
        %gather3A_298 = tpu.vector_load_idx %arg7[%add3A_294] : memref<9312xf32, #tpu.memory_space<vmem>>[vector<16xi32>], vector<16xf32>,
        %mul3A_299 = arith.mulf %broadcast_in_dim3A_292, %gather3A_297 : vector<16xf32>
        %add3A_300 = arith.addf %gather3A_295, %mul3A_299 : vector<16xf32>
        %swap3A_301 = arith.index_cast %add3A_269 : i32 to index
        %swap3A_302 = arith.constant 32 : index
        %swap3A_303 = tpu.vector_load %arg10[%swap3A_301, %swap3A_302] {strides = array<i32>} : memref<512x96xf32, #tpu.memory_space<vmem>>, vector<16xf32>,
        tpu.vector_store %arg10[%swap3A_301, %swap3A_302], %add3A_300 {strides = array<i32>} : memref<512x96xf32, #tpu.memory_space<vmem>>, vector<16xf32>,
        %mul3A_304 = arith.mulf %broadcast_in_dim3A_292, %gather3A_298 : vector<16xf32>
        %add3A_305 = arith.addf %gather3A_296, %mul3A_304 : vector<16xf32>
        %swap3A_306 = arith.index_cast %add3A_269 : i32 to index
        %swap3A_307 = arith.constant 48 : index
        %swap3A_308 = tpu.vector_load %arg10[%swap3A_306, %swap3A_307] {strides = array<i32>} : memref<512x96xf32, #tpu.memory_space<vmem>>, vector<16xf32>,
        tpu.vector_store %arg10[%swap3A_306, %swap3A_307], %add3A_305 {strides = array<i32>} : memref<512x96xf32, #tpu.memory_space<vmem>>, vector<16xf32>,
        %slice3A_309 = vector.extract_strided_slice %get3A_245 {offsets = [0], sizes = [1], strides = [1]} : vector<16xi32> to vector<1xi32>
        %squeeze3A_310 = vector.extract %slice3A_309[0] : i32 from vector<1xi32>
        %broadcast_in_dim3A_311 = vector.broadcast %squeeze3A_310 : i32 to vector<16xi32>
        %slice3A_312 = vector.extract_strided_slice %get3A_263 {offsets = [0], sizes = [1], strides = [1]} : vector<16xf32> to vector<1xf32>
        %squeeze3A_313 = vector.extract %slice3A_312[0] : f32 from vector<1xf32>
        %broadcast_in_dim3A_314 = vector.broadcast %squeeze3A_313 : f32 to vector<16xf32>
        %add3A_315 = arith.addi %broadcast_in_dim3A_311, %iota3A : vector<16xi32>
        %add3A_316 = arith.addi %broadcast_in_dim3A_311, %add3A_136 : vector<16xi32>
        %gather3A_317 = tpu.vector_load_idx %arg6[%add3A_315] : memref<9312xf32, #tpu.memory_space<vmem>>[vector<16xi32>], vector<16xf32>,
        %gather3A_318 = tpu.vector_load_idx %arg6[%add3A_316] : memref<9312xf32, #tpu.memory_space<vmem>>[vector<16xi32>], vector<16xf32>,
        %gather3A_319 = tpu.vector_load_idx %arg7[%add3A_315] : memref<9312xf32, #tpu.memory_space<vmem>>[vector<16xi32>], vector<16xf32>,
        %gather3A_320 = tpu.vector_load_idx %arg7[%add3A_316] : memref<9312xf32, #tpu.memory_space<vmem>>[vector<16xi32>], vector<16xf32>,
        %mul3A_321 = arith.mulf %broadcast_in_dim3A_314, %gather3A_319 : vector<16xf32>
        %add3A_322 = arith.addf %gather3A_317, %mul3A_321 : vector<16xf32>
        %swap3A_323 = arith.index_cast %add3A_269 : i32 to index
        %swap3A_324 = arith.constant 64 : index
        %swap3A_325 = tpu.vector_load %arg10[%swap3A_323, %swap3A_324] {strides = array<i32>} : memref<512x96xf32, #tpu.memory_space<vmem>>, vector<16xf32>,
        tpu.vector_store %arg10[%swap3A_323, %swap3A_324], %add3A_322 {strides = array<i32>} : memref<512x96xf32, #tpu.memory_space<vmem>>, vector<16xf32>,
        %mul3A_326 = arith.mulf %broadcast_in_dim3A_314, %gather3A_320 : vector<16xf32>
        %add3A_327 = arith.addf %gather3A_318, %mul3A_326 : vector<16xf32>
        %swap3A_328 = arith.index_cast %add3A_269 : i32 to index
        %swap3A_329 = arith.constant 80 : index
        %swap3A_330 = tpu.vector_load %arg10[%swap3A_328, %swap3A_329] {strides = array<i32>} : memref<512x96xf32, #tpu.memory_space<vmem>>, vector<16xf32>,
        tpu.vector_store %arg10[%swap3A_328, %swap3A_329], %add3A_327 {strides = array<i32>} : memref<512x96xf32, #tpu.memory_space<vmem>>, vector<16xf32>,
        %mul3A_331 = arith.constant 16 : i32
        %mul3A_332 = arith.muli %scan3A_228, %mul3A_331 : i32
        %add3A_333 = arith.constant 0 : i32
        %add3A_334 = arith.addi %add3A_333, %mul3A_332 : i32
        %add3A_335 = arith.constant 1 : i32
        %add3A_336 = arith.addi %add3A_334, %add3A_335 : i32
        %slice3A_337 = vector.extract_strided_slice %get3A_233 {offsets = [1], sizes = [1], strides = [1]} : vector<16xi32> to vector<1xi32>
        %squeeze3A_338 = vector.extract %slice3A_337[0] : i32 from vector<1xi32>
        %broadcast_in_dim3A_339 = vector.broadcast %squeeze3A_338 : i32 to vector<16xi32>
        %slice3A_340 = vector.extract_strided_slice %get3A_251 {offsets = [1], sizes = [1], strides = [1]} : vector<16xf32> to vector<1xf32>
        %squeeze3A_341 = vector.extract %slice3A_340[0] : f32 from vector<1xf32>
        %broadcast_in_dim3A_342 = vector.broadcast %squeeze3A_341 : f32 to vector<16xf32>
        %add3A_343 = arith.addi %broadcast_in_dim3A_339, %iota3A : vector<16xi32>
        %add3A_344 = arith.addi %broadcast_in_dim3A_339, %add3A_136 : vector<16xi32>
        %gather3A_345 = tpu.vector_load_idx %arg6[%add3A_343] : memref<9312xf32, #tpu.memory_space<vmem>>[vector<16xi32>], vector<16xf32>,
        %gather3A_346 = tpu.vector_load_idx %arg6[%add3A_344] : memref<9312xf32, #tpu.memory_space<vmem>>[vector<16xi32>], vector<16xf32>,
        %gather3A_347 = tpu.vector_load_idx %arg7[%add3A_343] : memref<9312xf32, #tpu.memory_space<vmem>>[vector<16xi32>], vector<16xf32>,
        %gather3A_348 = tpu.vector_load_idx %arg7[%add3A_344] : memref<9312xf32, #tpu.memory_space<vmem>>[vector<16xi32>], vector<16xf32>,
        %mul3A_349 = arith.mulf %broadcast_in_dim3A_342, %gather3A_347 : vector<16xf32>
        %add3A_350 = arith.addf %gather3A_345, %mul3A_349 : vector<16xf32>
        %swap3A_351 = arith.index_cast %add3A_336 : i32 to index
        %swap3A_352 = arith.constant 0 : index
        %swap3A_353 = tpu.vector_load %arg10[%swap3A_351, %swap3A_352] {strides = array<i32>} : memref<512x96xf32, #tpu.memory_space<vmem>>, vector<16xf32>,
        tpu.vector_store %arg10[%swap3A_351, %swap3A_352], %add3A_350 {strides = array<i32>} : memref<512x96xf32, #tpu.memory_space<vmem>>, vector<16xf32>,
        %mul3A_354 = arith.mulf %broadcast_in_dim3A_342, %gather3A_348 : vector<16xf32>
        %add3A_355 = arith.addf %gather3A_346, %mul3A_354 : vector<16xf32>
        %swap3A_356 = arith.index_cast %add3A_336 : i32 to index
        %swap3A_357 = arith.constant 16 : index
        %swap3A_358 = tpu.vector_load %arg10[%swap3A_356, %swap3A_357] {strides = array<i32>} : memref<512x96xf32, #tpu.memory_space<vmem>>, vector<16xf32>,
        tpu.vector_store %arg10[%swap3A_356, %swap3A_357], %add3A_355 {strides = array<i32>} : memref<512x96xf32, #tpu.memory_space<vmem>>, vector<16xf32>,
        %slice3A_359 = vector.extract_strided_slice %get3A_239 {offsets = [1], sizes = [1], strides = [1]} : vector<16xi32> to vector<1xi32>
        %squeeze3A_360 = vector.extract %slice3A_359[0] : i32 from vector<1xi32>
        %broadcast_in_dim3A_361 = vector.broadcast %squeeze3A_360 : i32 to vector<16xi32>
        %slice3A_362 = vector.extract_strided_slice %get3A_257 {offsets = [1], sizes = [1], strides = [1]} : vector<16xf32> to vector<1xf32>
        %squeeze3A_363 = vector.extract %slice3A_362[0] : f32 from vector<1xf32>
        %broadcast_in_dim3A_364 = vector.broadcast %squeeze3A_363 : f32 to vector<16xf32>
        %add3A_365 = arith.addi %broadcast_in_dim3A_361, %iota3A : vector<16xi32>
        %add3A_366 = arith.addi %broadcast_in_dim3A_361, %add3A_136 : vector<16xi32>
        %gather3A_367 = tpu.vector_load_idx %arg6[%add3A_365] : memref<9312xf32, #tpu.memory_space<vmem>>[vector<16xi32>], vector<16xf32>,
        %gather3A_368 = tpu.vector_load_idx %arg6[%add3A_366] : memref<9312xf32, #tpu.memory_space<vmem>>[vector<16xi32>], vector<16xf32>,
        %gather3A_369 = tpu.vector_load_idx %arg7[%add3A_365] : memref<9312xf32, #tpu.memory_space<vmem>>[vector<16xi32>], vector<16xf32>,
        %gather3A_370 = tpu.vector_load_idx %arg7[%add3A_366] : memref<9312xf32, #tpu.memory_space<vmem>>[vector<16xi32>], vector<16xf32>,
        %mul3A_371 = arith.mulf %broadcast_in_dim3A_364, %gather3A_369 : vector<16xf32>
        %add3A_372 = arith.addf %gather3A_367, %mul3A_371 : vector<16xf32>
        %swap3A_373 = arith.index_cast %add3A_336 : i32 to index
        %swap3A_374 = arith.constant 32 : index
        %swap3A_375 = tpu.vector_load %arg10[%swap3A_373, %swap3A_374] {strides = array<i32>} : memref<512x96xf32, #tpu.memory_space<vmem>>, vector<16xf32>,
        tpu.vector_store %arg10[%swap3A_373, %swap3A_374], %add3A_372 {strides = array<i32>} : memref<512x96xf32, #tpu.memory_space<vmem>>, vector<16xf32>,
        %mul3A_376 = arith.mulf %broadcast_in_dim3A_364, %gather3A_370 : vector<16xf32>
        %add3A_377 = arith.addf %gather3A_368, %mul3A_376 : vector<16xf32>
        %swap3A_378 = arith.index_cast %add3A_336 : i32 to index
        %swap3A_379 = arith.constant 48 : index
        %swap3A_380 = tpu.vector_load %arg10[%swap3A_378, %swap3A_379] {strides = array<i32>} : memref<512x96xf32, #tpu.memory_space<vmem>>, vector<16xf32>,
        tpu.vector_store %arg10[%swap3A_378, %swap3A_379], %add3A_377 {strides = array<i32>} : memref<512x96xf32, #tpu.memory_space<vmem>>, vector<16xf32>,
        %slice3A_381 = vector.extract_strided_slice %get3A_245 {offsets = [1], sizes = [1], strides = [1]} : vector<16xi32> to vector<1xi32>
        %squeeze3A_382 = vector.extract %slice3A_381[0] : i32 from vector<1xi32>
        %broadcast_in_dim3A_383 = vector.broadcast %squeeze3A_382 : i32 to vector<16xi32>
        %slice3A_384 = vector.extract_strided_slice %get3A_263 {offsets = [1], sizes = [1], strides = [1]} : vector<16xf32> to vector<1xf32>
        %squeeze3A_385 = vector.extract %slice3A_384[0] : f32 from vector<1xf32>
        %broadcast_in_dim3A_386 = vector.broadcast %squeeze3A_385 : f32 to vector<16xf32>
        %add3A_387 = arith.addi %broadcast_in_dim3A_383, %iota3A : vector<16xi32>
        %add3A_388 = arith.addi %broadcast_in_dim3A_383, %add3A_136 : vector<16xi32>
        %gather3A_389 = tpu.vector_load_idx %arg6[%add3A_387] : memref<9312xf32, #tpu.memory_space<vmem>>[vector<16xi32>], vector<16xf32>,
        %gather3A_390 = tpu.vector_load_idx %arg6[%add3A_388] : memref<9312xf32, #tpu.memory_space<vmem>>[vector<16xi32>], vector<16xf32>,
        %gather3A_391 = tpu.vector_load_idx %arg7[%add3A_387] : memref<9312xf32, #tpu.memory_space<vmem>>[vector<16xi32>], vector<16xf32>,
        %gather3A_392 = tpu.vector_load_idx %arg7[%add3A_388] : memref<9312xf32, #tpu.memory_space<vmem>>[vector<16xi32>], vector<16xf32>,
        %mul3A_393 = arith.mulf %broadcast_in_dim3A_386, %gather3A_391 : vector<16xf32>
        %add3A_394 = arith.addf %gather3A_389, %mul3A_393 : vector<16xf32>
        %swap3A_395 = arith.index_cast %add3A_336 : i32 to index
        %swap3A_396 = arith.constant 64 : index
        %swap3A_397 = tpu.vector_load %arg10[%swap3A_395, %swap3A_396] {strides = array<i32>} : memref<512x96xf32, #tpu.memory_space<vmem>>, vector<16xf32>,
        tpu.vector_store %arg10[%swap3A_395, %swap3A_396], %add3A_394 {strides = array<i32>} : memref<512x96xf32, #tpu.memory_space<vmem>>, vector<16xf32>,
        %mul3A_398 = arith.mulf %broadcast_in_dim3A_386, %gather3A_392 : vector<16xf32>
        %add3A_399 = arith.addf %gather3A_390, %mul3A_398 : vector<16xf32>
        %swap3A_400 = arith.index_cast %add3A_336 : i32 to index
        %swap3A_401 = arith.constant 80 : index
        %swap3A_402 = tpu.vector_load %arg10[%swap3A_400, %swap3A_401] {strides = array<i32>} : memref<512x96xf32, #tpu.memory_space<vmem>>, vector<16xf32>,
        tpu.vector_store %arg10[%swap3A_400, %swap3A_401], %add3A_399 {strides = array<i32>} : memref<512x96xf32, #tpu.memory_space<vmem>>, vector<16xf32>,
        %mul3A_403 = arith.constant 16 : i32
        %mul3A_404 = arith.muli %scan3A_228, %mul3A_403 : i32
        %add3A_405 = arith.constant 0 : i32
        %add3A_406 = arith.addi %add3A_405, %mul3A_404 : i32
        %add3A_407 = arith.constant 2 : i32
        %add3A_408 = arith.addi %add3A_406, %add3A_407 : i32
        %slice3A_409 = vector.extract_strided_slice %get3A_233 {offsets = [2], sizes = [1], strides = [1]} : vector<16xi32> to vector<1xi32>
        %squeeze3A_410 = vector.extract %slice3A_409[0] : i32 from vector<1xi32>
        %broadcast_in_dim3A_411 = vector.broadcast %squeeze3A_410 : i32 to vector<16xi32>
        %slice3A_412 = vector.extract_strided_slice %get3A_251 {offsets = [2], sizes = [1], strides = [1]} : vector<16xf32> to vector<1xf32>
        %squeeze3A_413 = vector.extract %slice3A_412[0] : f32 from vector<1xf32>
        %broadcast_in_dim3A_414 = vector.broadcast %squeeze3A_413 : f32 to vector<16xf32>
        %add3A_415 = arith.addi %broadcast_in_dim3A_411, %iota3A : vector<16xi32>
        %add3A_416 = arith.addi %broadcast_in_dim3A_411, %add3A_136 : vector<16xi32>
        %gather3A_417 = tpu.vector_load_idx %arg6[%add3A_415] : memref<9312xf32, #tpu.memory_space<vmem>>[vector<16xi32>], vector<16xf32>,
        %gather3A_418 = tpu.vector_load_idx %arg6[%add3A_416] : memref<9312xf32, #tpu.memory_space<vmem>>[vector<16xi32>], vector<16xf32>,
        %gather3A_419 = tpu.vector_load_idx %arg7[%add3A_415] : memref<9312xf32, #tpu.memory_space<vmem>>[vector<16xi32>], vector<16xf32>,
        %gather3A_420 = tpu.vector_load_idx %arg7[%add3A_416] : memref<9312xf32, #tpu.memory_space<vmem>>[vector<16xi32>], vector<16xf32>,
        %mul3A_421 = arith.mulf %broadcast_in_dim3A_414, %gather3A_419 : vector<16xf32>
        %add3A_422 = arith.addf %gather3A_417, %mul3A_421 : vector<16xf32>
        %swap3A_423 = arith.index_cast %add3A_408 : i32 to index
        %swap3A_424 = arith.constant 0 : index
        %swap3A_425 = tpu.vector_load %arg10[%swap3A_423, %swap3A_424] {strides = array<i32>} : memref<512x96xf32, #tpu.memory_space<vmem>>, vector<16xf32>,
        tpu.vector_store %arg10[%swap3A_423, %swap3A_424], %add3A_422 {strides = array<i32>} : memref<512x96xf32, #tpu.memory_space<vmem>>, vector<16xf32>,
        %mul3A_426 = arith.mulf %broadcast_in_dim3A_414, %gather3A_420 : vector<16xf32>
        %add3A_427 = arith.addf %gather3A_418, %mul3A_426 : vector<16xf32>
        %swap3A_428 = arith.index_cast %add3A_408 : i32 to index
        %swap3A_429 = arith.constant 16 : index
        %swap3A_430 = tpu.vector_load %arg10[%swap3A_428, %swap3A_429] {strides = array<i32>} : memref<512x96xf32, #tpu.memory_space<vmem>>, vector<16xf32>,
        tpu.vector_store %arg10[%swap3A_428, %swap3A_429], %add3A_427 {strides = array<i32>} : memref<512x96xf32, #tpu.memory_space<vmem>>, vector<16xf32>,
        %slice3A_431 = vector.extract_strided_slice %get3A_239 {offsets = [2], sizes = [1], strides = [1]} : vector<16xi32> to vector<1xi32>
        %squeeze3A_432 = vector.extract %slice3A_431[0] : i32 from vector<1xi32>
        %broadcast_in_dim3A_433 = vector.broadcast %squeeze3A_432 : i32 to vector<16xi32>
        %slice3A_434 = vector.extract_strided_slice %get3A_257 {offsets = [2], sizes = [1], strides = [1]} : vector<16xf32> to vector<1xf32>
        %squeeze3A_435 = vector.extract %slice3A_434[0] : f32 from vector<1xf32>
        %broadcast_in_dim3A_436 = vector.broadcast %squeeze3A_435 : f32 to vector<16xf32>
        %add3A_437 = arith.addi %broadcast_in_dim3A_433, %iota3A : vector<16xi32>
        %add3A_438 = arith.addi %broadcast_in_dim3A_433, %add3A_136 : vector<16xi32>
        %gather3A_439 = tpu.vector_load_idx %arg6[%add3A_437] : memref<9312xf32, #tpu.memory_space<vmem>>[vector<16xi32>], vector<16xf32>,
        %gather3A_440 = tpu.vector_load_idx %arg6[%add3A_438] : memref<9312xf32, #tpu.memory_space<vmem>>[vector<16xi32>], vector<16xf32>,
        %gather3A_441 = tpu.vector_load_idx %arg7[%add3A_437] : memref<9312xf32, #tpu.memory_space<vmem>>[vector<16xi32>], vector<16xf32>,
        %gather3A_442 = tpu.vector_load_idx %arg7[%add3A_438] : memref<9312xf32, #tpu.memory_space<vmem>>[vector<16xi32>], vector<16xf32>,
        %mul3A_443 = arith.mulf %broadcast_in_dim3A_436, %gather3A_441 : vector<16xf32>
        %add3A_444 = arith.addf %gather3A_439, %mul3A_443 : vector<16xf32>
        %swap3A_445 = arith.index_cast %add3A_408 : i32 to index
        %swap3A_446 = arith.constant 32 : index
        %swap3A_447 = tpu.vector_load %arg10[%swap3A_445, %swap3A_446] {strides = array<i32>} : memref<512x96xf32, #tpu.memory_space<vmem>>, vector<16xf32>,
        tpu.vector_store %arg10[%swap3A_445, %swap3A_446], %add3A_444 {strides = array<i32>} : memref<512x96xf32, #tpu.memory_space<vmem>>, vector<16xf32>,
        %mul3A_448 = arith.mulf %broadcast_in_dim3A_436, %gather3A_442 : vector<16xf32>
        %add3A_449 = arith.addf %gather3A_440, %mul3A_448 : vector<16xf32>
        %swap3A_450 = arith.index_cast %add3A_408 : i32 to index
        %swap3A_451 = arith.constant 48 : index
        %swap3A_452 = tpu.vector_load %arg10[%swap3A_450, %swap3A_451] {strides = array<i32>} : memref<512x96xf32, #tpu.memory_space<vmem>>, vector<16xf32>,
        tpu.vector_store %arg10[%swap3A_450, %swap3A_451], %add3A_449 {strides = array<i32>} : memref<512x96xf32, #tpu.memory_space<vmem>>, vector<16xf32>,
        %slice3A_453 = vector.extract_strided_slice %get3A_245 {offsets = [2], sizes = [1], strides = [1]} : vector<16xi32> to vector<1xi32>
        %squeeze3A_454 = vector.extract %slice3A_453[0] : i32 from vector<1xi32>
        %broadcast_in_dim3A_455 = vector.broadcast %squeeze3A_454 : i32 to vector<16xi32>
        %slice3A_456 = vector.extract_strided_slice %get3A_263 {offsets = [2], sizes = [1], strides = [1]} : vector<16xf32> to vector<1xf32>
        %squeeze3A_457 = vector.extract %slice3A_456[0] : f32 from vector<1xf32>
        %broadcast_in_dim3A_458 = vector.broadcast %squeeze3A_457 : f32 to vector<16xf32>
        %add3A_459 = arith.addi %broadcast_in_dim3A_455, %iota3A : vector<16xi32>
        %add3A_460 = arith.addi %broadcast_in_dim3A_455, %add3A_136 : vector<16xi32>
        %gather3A_461 = tpu.vector_load_idx %arg6[%add3A_459] : memref<9312xf32, #tpu.memory_space<vmem>>[vector<16xi32>], vector<16xf32>,
        %gather3A_462 = tpu.vector_load_idx %arg6[%add3A_460] : memref<9312xf32, #tpu.memory_space<vmem>>[vector<16xi32>], vector<16xf32>,
        %gather3A_463 = tpu.vector_load_idx %arg7[%add3A_459] : memref<9312xf32, #tpu.memory_space<vmem>>[vector<16xi32>], vector<16xf32>,
        %gather3A_464 = tpu.vector_load_idx %arg7[%add3A_460] : memref<9312xf32, #tpu.memory_space<vmem>>[vector<16xi32>], vector<16xf32>,
        %mul3A_465 = arith.mulf %broadcast_in_dim3A_458, %gather3A_463 : vector<16xf32>
        %add3A_466 = arith.addf %gather3A_461, %mul3A_465 : vector<16xf32>
        %swap3A_467 = arith.index_cast %add3A_408 : i32 to index
        %swap3A_468 = arith.constant 64 : index
        %swap3A_469 = tpu.vector_load %arg10[%swap3A_467, %swap3A_468] {strides = array<i32>} : memref<512x96xf32, #tpu.memory_space<vmem>>, vector<16xf32>,
        tpu.vector_store %arg10[%swap3A_467, %swap3A_468], %add3A_466 {strides = array<i32>} : memref<512x96xf32, #tpu.memory_space<vmem>>, vector<16xf32>,
        %mul3A_470 = arith.mulf %broadcast_in_dim3A_458, %gather3A_464 : vector<16xf32>
        %add3A_471 = arith.addf %gather3A_462, %mul3A_470 : vector<16xf32>
        %swap3A_472 = arith.index_cast %add3A_408 : i32 to index
        %swap3A_473 = arith.constant 80 : index
        %swap3A_474 = tpu.vector_load %arg10[%swap3A_472, %swap3A_473] {strides = array<i32>} : memref<512x96xf32, #tpu.memory_space<vmem>>, vector<16xf32>,
        tpu.vector_store %arg10[%swap3A_472, %swap3A_473], %add3A_471 {strides = array<i32>} : memref<512x96xf32, #tpu.memory_space<vmem>>, vector<16xf32>,
        %mul3A_475 = arith.constant 16 : i32
        %mul3A_476 = arith.muli %scan3A_228, %mul3A_475 : i32
        %add3A_477 = arith.constant 0 : i32
        %add3A_478 = arith.addi %add3A_477, %mul3A_476 : i32
        %add3A_479 = arith.constant 3 : i32
        %add3A_480 = arith.addi %add3A_478, %add3A_479 : i32
        %slice3A_481 = vector.extract_strided_slice %get3A_233 {offsets = [3], sizes = [1], strides = [1]} : vector<16xi32> to vector<1xi32>
        %squeeze3A_482 = vector.extract %slice3A_481[0] : i32 from vector<1xi32>
        %broadcast_in_dim3A_483 = vector.broadcast %squeeze3A_482 : i32 to vector<16xi32>
        %slice3A_484 = vector.extract_strided_slice %get3A_251 {offsets = [3], sizes = [1], strides = [1]} : vector<16xf32> to vector<1xf32>
        %squeeze3A_485 = vector.extract %slice3A_484[0] : f32 from vector<1xf32>
        %broadcast_in_dim3A_486 = vector.broadcast %squeeze3A_485 : f32 to vector<16xf32>
        %add3A_487 = arith.addi %broadcast_in_dim3A_483, %iota3A : vector<16xi32>
        %add3A_488 = arith.addi %broadcast_in_dim3A_483, %add3A_136 : vector<16xi32>
        %gather3A_489 = tpu.vector_load_idx %arg6[%add3A_487] : memref<9312xf32, #tpu.memory_space<vmem>>[vector<16xi32>], vector<16xf32>,
        %gather3A_490 = tpu.vector_load_idx %arg6[%add3A_488] : memref<9312xf32, #tpu.memory_space<vmem>>[vector<16xi32>], vector<16xf32>,
        %gather3A_491 = tpu.vector_load_idx %arg7[%add3A_487] : memref<9312xf32, #tpu.memory_space<vmem>>[vector<16xi32>], vector<16xf32>,
        %gather3A_492 = tpu.vector_load_idx %arg7[%add3A_488] : memref<9312xf32, #tpu.memory_space<vmem>>[vector<16xi32>], vector<16xf32>,
        %mul3A_493 = arith.mulf %broadcast_in_dim3A_486, %gather3A_491 : vector<16xf32>
        %add3A_494 = arith.addf %gather3A_489, %mul3A_493 : vector<16xf32>
        %swap3A_495 = arith.index_cast %add3A_480 : i32 to index
        %swap3A_496 = arith.constant 0 : index
        %swap3A_497 = tpu.vector_load %arg10[%swap3A_495, %swap3A_496] {strides = array<i32>} : memref<512x96xf32, #tpu.memory_space<vmem>>, vector<16xf32>,
        tpu.vector_store %arg10[%swap3A_495, %swap3A_496], %add3A_494 {strides = array<i32>} : memref<512x96xf32, #tpu.memory_space<vmem>>, vector<16xf32>,
        %mul3A_498 = arith.mulf %broadcast_in_dim3A_486, %gather3A_492 : vector<16xf32>
        %add3A_499 = arith.addf %gather3A_490, %mul3A_498 : vector<16xf32>
        %swap3A_500 = arith.index_cast %add3A_480 : i32 to index
        %swap3A_501 = arith.constant 16 : index
        %swap3A_502 = tpu.vector_load %arg10[%swap3A_500, %swap3A_501] {strides = array<i32>} : memref<512x96xf32, #tpu.memory_space<vmem>>, vector<16xf32>,
        tpu.vector_store %arg10[%swap3A_500, %swap3A_501], %add3A_499 {strides = array<i32>} : memref<512x96xf32, #tpu.memory_space<vmem>>, vector<16xf32>,
        %slice3A_503 = vector.extract_strided_slice %get3A_239 {offsets = [3], sizes = [1], strides = [1]} : vector<16xi32> to vector<1xi32>
        %squeeze3A_504 = vector.extract %slice3A_503[0] : i32 from vector<1xi32>
        %broadcast_in_dim3A_505 = vector.broadcast %squeeze3A_504 : i32 to vector<16xi32>
        %slice3A_506 = vector.extract_strided_slice %get3A_257 {offsets = [3], sizes = [1], strides = [1]} : vector<16xf32> to vector<1xf32>
        %squeeze3A_507 = vector.extract %slice3A_506[0] : f32 from vector<1xf32>
        %broadcast_in_dim3A_508 = vector.broadcast %squeeze3A_507 : f32 to vector<16xf32>
        %add3A_509 = arith.addi %broadcast_in_dim3A_505, %iota3A : vector<16xi32>
        %add3A_510 = arith.addi %broadcast_in_dim3A_505, %add3A_136 : vector<16xi32>
        %gather3A_511 = tpu.vector_load_idx %arg6[%add3A_509] : memref<9312xf32, #tpu.memory_space<vmem>>[vector<16xi32>], vector<16xf32>,
        %gather3A_512 = tpu.vector_load_idx %arg6[%add3A_510] : memref<9312xf32, #tpu.memory_space<vmem>>[vector<16xi32>], vector<16xf32>,
        %gather3A_513 = tpu.vector_load_idx %arg7[%add3A_509] : memref<9312xf32, #tpu.memory_space<vmem>>[vector<16xi32>], vector<16xf32>,
        %gather3A_514 = tpu.vector_load_idx %arg7[%add3A_510] : memref<9312xf32, #tpu.memory_space<vmem>>[vector<16xi32>], vector<16xf32>,
        %mul3A_515 = arith.mulf %broadcast_in_dim3A_508, %gather3A_513 : vector<16xf32>
        %add3A_516 = arith.addf %gather3A_511, %mul3A_515 : vector<16xf32>
        %swap3A_517 = arith.index_cast %add3A_480 : i32 to index
        %swap3A_518 = arith.constant 32 : index
        %swap3A_519 = tpu.vector_load %arg10[%swap3A_517, %swap3A_518] {strides = array<i32>} : memref<512x96xf32, #tpu.memory_space<vmem>>, vector<16xf32>,
        tpu.vector_store %arg10[%swap3A_517, %swap3A_518], %add3A_516 {strides = array<i32>} : memref<512x96xf32, #tpu.memory_space<vmem>>, vector<16xf32>,
        %mul3A_520 = arith.mulf %broadcast_in_dim3A_508, %gather3A_514 : vector<16xf32>
        %add3A_521 = arith.addf %gather3A_512, %mul3A_520 : vector<16xf32>
        %swap3A_522 = arith.index_cast %add3A_480 : i32 to index
        %swap3A_523 = arith.constant 48 : index
        %swap3A_524 = tpu.vector_load %arg10[%swap3A_522, %swap3A_523] {strides = array<i32>} : memref<512x96xf32, #tpu.memory_space<vmem>>, vector<16xf32>,
        tpu.vector_store %arg10[%swap3A_522, %swap3A_523], %add3A_521 {strides = array<i32>} : memref<512x96xf32, #tpu.memory_space<vmem>>, vector<16xf32>,
        %slice3A_525 = vector.extract_strided_slice %get3A_245 {offsets = [3], sizes = [1], strides = [1]} : vector<16xi32> to vector<1xi32>
        %squeeze3A_526 = vector.extract %slice3A_525[0] : i32 from vector<1xi32>
        %broadcast_in_dim3A_527 = vector.broadcast %squeeze3A_526 : i32 to vector<16xi32>
        %slice3A_528 = vector.extract_strided_slice %get3A_263 {offsets = [3], sizes = [1], strides = [1]} : vector<16xf32> to vector<1xf32>
        %squeeze3A_529 = vector.extract %slice3A_528[0] : f32 from vector<1xf32>
        %broadcast_in_dim3A_530 = vector.broadcast %squeeze3A_529 : f32 to vector<16xf32>
        %add3A_531 = arith.addi %broadcast_in_dim3A_527, %iota3A : vector<16xi32>
        %add3A_532 = arith.addi %broadcast_in_dim3A_527, %add3A_136 : vector<16xi32>
        %gather3A_533 = tpu.vector_load_idx %arg6[%add3A_531] : memref<9312xf32, #tpu.memory_space<vmem>>[vector<16xi32>], vector<16xf32>,
        %gather3A_534 = tpu.vector_load_idx %arg6[%add3A_532] : memref<9312xf32, #tpu.memory_space<vmem>>[vector<16xi32>], vector<16xf32>,
        %gather3A_535 = tpu.vector_load_idx %arg7[%add3A_531] : memref<9312xf32, #tpu.memory_space<vmem>>[vector<16xi32>], vector<16xf32>,
        %gather3A_536 = tpu.vector_load_idx %arg7[%add3A_532] : memref<9312xf32, #tpu.memory_space<vmem>>[vector<16xi32>], vector<16xf32>,
        %mul3A_537 = arith.mulf %broadcast_in_dim3A_530, %gather3A_535 : vector<16xf32>
        %add3A_538 = arith.addf %gather3A_533, %mul3A_537 : vector<16xf32>
        %swap3A_539 = arith.index_cast %add3A_480 : i32 to index
        %swap3A_540 = arith.constant 64 : index
        %swap3A_541 = tpu.vector_load %arg10[%swap3A_539, %swap3A_540] {strides = array<i32>} : memref<512x96xf32, #tpu.memory_space<vmem>>, vector<16xf32>,
        tpu.vector_store %arg10[%swap3A_539, %swap3A_540], %add3A_538 {strides = array<i32>} : memref<512x96xf32, #tpu.memory_space<vmem>>, vector<16xf32>,
        %mul3A_542 = arith.mulf %broadcast_in_dim3A_530, %gather3A_536 : vector<16xf32>
        %add3A_543 = arith.addf %gather3A_534, %mul3A_542 : vector<16xf32>
        %swap3A_544 = arith.index_cast %add3A_480 : i32 to index
        %swap3A_545 = arith.constant 80 : index
        %swap3A_546 = tpu.vector_load %arg10[%swap3A_544, %swap3A_545] {strides = array<i32>} : memref<512x96xf32, #tpu.memory_space<vmem>>, vector<16xf32>,
        tpu.vector_store %arg10[%swap3A_544, %swap3A_545], %add3A_543 {strides = array<i32>} : memref<512x96xf32, #tpu.memory_space<vmem>>, vector<16xf32>,
        %mul3A_547 = arith.constant 16 : i32
        %mul3A_548 = arith.muli %scan3A_228, %mul3A_547 : i32
        %add3A_549 = arith.constant 0 : i32
        %add3A_550 = arith.addi %add3A_549, %mul3A_548 : i32
        %add3A_551 = arith.constant 4 : i32
        %add3A_552 = arith.addi %add3A_550, %add3A_551 : i32
        %slice3A_553 = vector.extract_strided_slice %get3A_233 {offsets = [4], sizes = [1], strides = [1]} : vector<16xi32> to vector<1xi32>
        %squeeze3A_554 = vector.extract %slice3A_553[0] : i32 from vector<1xi32>
        %broadcast_in_dim3A_555 = vector.broadcast %squeeze3A_554 : i32 to vector<16xi32>
        %slice3A_556 = vector.extract_strided_slice %get3A_251 {offsets = [4], sizes = [1], strides = [1]} : vector<16xf32> to vector<1xf32>
        %squeeze3A_557 = vector.extract %slice3A_556[0] : f32 from vector<1xf32>
        %broadcast_in_dim3A_558 = vector.broadcast %squeeze3A_557 : f32 to vector<16xf32>
        %add3A_559 = arith.addi %broadcast_in_dim3A_555, %iota3A : vector<16xi32>
        %add3A_560 = arith.addi %broadcast_in_dim3A_555, %add3A_136 : vector<16xi32>
        %gather3A_561 = tpu.vector_load_idx %arg6[%add3A_559] : memref<9312xf32, #tpu.memory_space<vmem>>[vector<16xi32>], vector<16xf32>,
        %gather3A_562 = tpu.vector_load_idx %arg6[%add3A_560] : memref<9312xf32, #tpu.memory_space<vmem>>[vector<16xi32>], vector<16xf32>,
        %gather3A_563 = tpu.vector_load_idx %arg7[%add3A_559] : memref<9312xf32, #tpu.memory_space<vmem>>[vector<16xi32>], vector<16xf32>,
        %gather3A_564 = tpu.vector_load_idx %arg7[%add3A_560] : memref<9312xf32, #tpu.memory_space<vmem>>[vector<16xi32>], vector<16xf32>,
        %mul3A_565 = arith.mulf %broadcast_in_dim3A_558, %gather3A_563 : vector<16xf32>
        %add3A_566 = arith.addf %gather3A_561, %mul3A_565 : vector<16xf32>
        %swap3A_567 = arith.index_cast %add3A_552 : i32 to index
        %swap3A_568 = arith.constant 0 : index
        %swap3A_569 = tpu.vector_load %arg10[%swap3A_567, %swap3A_568] {strides = array<i32>} : memref<512x96xf32, #tpu.memory_space<vmem>>, vector<16xf32>,
        tpu.vector_store %arg10[%swap3A_567, %swap3A_568], %add3A_566 {strides = array<i32>} : memref<512x96xf32, #tpu.memory_space<vmem>>, vector<16xf32>,
        %mul3A_570 = arith.mulf %broadcast_in_dim3A_558, %gather3A_564 : vector<16xf32>
        %add3A_571 = arith.addf %gather3A_562, %mul3A_570 : vector<16xf32>
        %swap3A_572 = arith.index_cast %add3A_552 : i32 to index
        %swap3A_573 = arith.constant 16 : index
        %swap3A_574 = tpu.vector_load %arg10[%swap3A_572, %swap3A_573] {strides = array<i32>} : memref<512x96xf32, #tpu.memory_space<vmem>>, vector<16xf32>,
        tpu.vector_store %arg10[%swap3A_572, %swap3A_573], %add3A_571 {strides = array<i32>} : memref<512x96xf32, #tpu.memory_space<vmem>>, vector<16xf32>,
        %slice3A_575 = vector.extract_strided_slice %get3A_239 {offsets = [4], sizes = [1], strides = [1]} : vector<16xi32> to vector<1xi32>
        %squeeze3A_576 = vector.extract %slice3A_575[0] : i32 from vector<1xi32>
        %broadcast_in_dim3A_577 = vector.broadcast %squeeze3A_576 : i32 to vector<16xi32>
        %slice3A_578 = vector.extract_strided_slice %get3A_257 {offsets = [4], sizes = [1], strides = [1]} : vector<16xf32> to vector<1xf32>
        %squeeze3A_579 = vector.extract %slice3A_578[0] : f32 from vector<1xf32>
        %broadcast_in_dim3A_580 = vector.broadcast %squeeze3A_579 : f32 to vector<16xf32>
        %add3A_581 = arith.addi %broadcast_in_dim3A_577, %iota3A : vector<16xi32>
        %add3A_582 = arith.addi %broadcast_in_dim3A_577, %add3A_136 : vector<16xi32>
        %gather3A_583 = tpu.vector_load_idx %arg6[%add3A_581] : memref<9312xf32, #tpu.memory_space<vmem>>[vector<16xi32>], vector<16xf32>,
        %gather3A_584 = tpu.vector_load_idx %arg6[%add3A_582] : memref<9312xf32, #tpu.memory_space<vmem>>[vector<16xi32>], vector<16xf32>,
        %gather3A_585 = tpu.vector_load_idx %arg7[%add3A_581] : memref<9312xf32, #tpu.memory_space<vmem>>[vector<16xi32>], vector<16xf32>,
        %gather3A_586 = tpu.vector_load_idx %arg7[%add3A_582] : memref<9312xf32, #tpu.memory_space<vmem>>[vector<16xi32>], vector<16xf32>,
        %mul3A_587 = arith.mulf %broadcast_in_dim3A_580, %gather3A_585 : vector<16xf32>
        %add3A_588 = arith.addf %gather3A_583, %mul3A_587 : vector<16xf32>
        %swap3A_589 = arith.index_cast %add3A_552 : i32 to index
        %swap3A_590 = arith.constant 32 : index
        %swap3A_591 = tpu.vector_load %arg10[%swap3A_589, %swap3A_590] {strides = array<i32>} : memref<512x96xf32, #tpu.memory_space<vmem>>, vector<16xf32>,
        tpu.vector_store %arg10[%swap3A_589, %swap3A_590], %add3A_588 {strides = array<i32>} : memref<512x96xf32, #tpu.memory_space<vmem>>, vector<16xf32>,
        %mul3A_592 = arith.mulf %broadcast_in_dim3A_580, %gather3A_586 : vector<16xf32>
        %add3A_593 = arith.addf %gather3A_584, %mul3A_592 : vector<16xf32>
        %swap3A_594 = arith.index_cast %add3A_552 : i32 to index
        %swap3A_595 = arith.constant 48 : index
        %swap3A_596 = tpu.vector_load %arg10[%swap3A_594, %swap3A_595] {strides = array<i32>} : memref<512x96xf32, #tpu.memory_space<vmem>>, vector<16xf32>,
        tpu.vector_store %arg10[%swap3A_594, %swap3A_595], %add3A_593 {strides = array<i32>} : memref<512x96xf32, #tpu.memory_space<vmem>>, vector<16xf32>,
        %slice3A_597 = vector.extract_strided_slice %get3A_245 {offsets = [4], sizes = [1], strides = [1]} : vector<16xi32> to vector<1xi32>
        %squeeze3A_598 = vector.extract %slice3A_597[0] : i32 from vector<1xi32>
        %broadcast_in_dim3A_599 = vector.broadcast %squeeze3A_598 : i32 to vector<16xi32>
        %slice3A_600 = vector.extract_strided_slice %get3A_263 {offsets = [4], sizes = [1], strides = [1]} : vector<16xf32> to vector<1xf32>
        %squeeze3A_601 = vector.extract %slice3A_600[0] : f32 from vector<1xf32>
        %broadcast_in_dim3A_602 = vector.broadcast %squeeze3A_601 : f32 to vector<16xf32>
        %add3A_603 = arith.addi %broadcast_in_dim3A_599, %iota3A : vector<16xi32>
        %add3A_604 = arith.addi %broadcast_in_dim3A_599, %add3A_136 : vector<16xi32>
        %gather3A_605 = tpu.vector_load_idx %arg6[%add3A_603] : memref<9312xf32, #tpu.memory_space<vmem>>[vector<16xi32>], vector<16xf32>,
        %gather3A_606 = tpu.vector_load_idx %arg6[%add3A_604] : memref<9312xf32, #tpu.memory_space<vmem>>[vector<16xi32>], vector<16xf32>,
        %gather3A_607 = tpu.vector_load_idx %arg7[%add3A_603] : memref<9312xf32, #tpu.memory_space<vmem>>[vector<16xi32>], vector<16xf32>,
        %gather3A_608 = tpu.vector_load_idx %arg7[%add3A_604] : memref<9312xf32, #tpu.memory_space<vmem>>[vector<16xi32>], vector<16xf32>,
        %mul3A_609 = arith.mulf %broadcast_in_dim3A_602, %gather3A_607 : vector<16xf32>
        %add3A_610 = arith.addf %gather3A_605, %mul3A_609 : vector<16xf32>
        %swap3A_611 = arith.index_cast %add3A_552 : i32 to index
        %swap3A_612 = arith.constant 64 : index
        %swap3A_613 = tpu.vector_load %arg10[%swap3A_611, %swap3A_612] {strides = array<i32>} : memref<512x96xf32, #tpu.memory_space<vmem>>, vector<16xf32>,
        tpu.vector_store %arg10[%swap3A_611, %swap3A_612], %add3A_610 {strides = array<i32>} : memref<512x96xf32, #tpu.memory_space<vmem>>, vector<16xf32>,
        %mul3A_614 = arith.mulf %broadcast_in_dim3A_602, %gather3A_608 : vector<16xf32>
        %add3A_615 = arith.addf %gather3A_606, %mul3A_614 : vector<16xf32>
        %swap3A_616 = arith.index_cast %add3A_552 : i32 to index
        %swap3A_617 = arith.constant 80 : index
        %swap3A_618 = tpu.vector_load %arg10[%swap3A_616, %swap3A_617] {strides = array<i32>} : memref<512x96xf32, #tpu.memory_space<vmem>>, vector<16xf32>,
        tpu.vector_store %arg10[%swap3A_616, %swap3A_617], %add3A_615 {strides = array<i32>} : memref<512x96xf32, #tpu.memory_space<vmem>>, vector<16xf32>,
        %mul3A_619 = arith.constant 16 : i32
        %mul3A_620 = arith.muli %scan3A_228, %mul3A_619 : i32
        %add3A_621 = arith.constant 0 : i32
        %add3A_622 = arith.addi %add3A_621, %mul3A_620 : i32
        %add3A_623 = arith.constant 5 : i32
        %add3A_624 = arith.addi %add3A_622, %add3A_623 : i32
        %slice3A_625 = vector.extract_strided_slice %get3A_233 {offsets = [5], sizes = [1], strides = [1]} : vector<16xi32> to vector<1xi32>
        %squeeze3A_626 = vector.extract %slice3A_625[0] : i32 from vector<1xi32>
        %broadcast_in_dim3A_627 = vector.broadcast %squeeze3A_626 : i32 to vector<16xi32>
        %slice3A_628 = vector.extract_strided_slice %get3A_251 {offsets = [5], sizes = [1], strides = [1]} : vector<16xf32> to vector<1xf32>
        %squeeze3A_629 = vector.extract %slice3A_628[0] : f32 from vector<1xf32>
        %broadcast_in_dim3A_630 = vector.broadcast %squeeze3A_629 : f32 to vector<16xf32>
        %add3A_631 = arith.addi %broadcast_in_dim3A_627, %iota3A : vector<16xi32>
        %add3A_632 = arith.addi %broadcast_in_dim3A_627, %add3A_136 : vector<16xi32>
        %gather3A_633 = tpu.vector_load_idx %arg6[%add3A_631] : memref<9312xf32, #tpu.memory_space<vmem>>[vector<16xi32>], vector<16xf32>,
        %gather3A_634 = tpu.vector_load_idx %arg6[%add3A_632] : memref<9312xf32, #tpu.memory_space<vmem>>[vector<16xi32>], vector<16xf32>,
        %gather3A_635 = tpu.vector_load_idx %arg7[%add3A_631] : memref<9312xf32, #tpu.memory_space<vmem>>[vector<16xi32>], vector<16xf32>,
        %gather3A_636 = tpu.vector_load_idx %arg7[%add3A_632] : memref<9312xf32, #tpu.memory_space<vmem>>[vector<16xi32>], vector<16xf32>,
        %mul3A_637 = arith.mulf %broadcast_in_dim3A_630, %gather3A_635 : vector<16xf32>
        %add3A_638 = arith.addf %gather3A_633, %mul3A_637 : vector<16xf32>
        %swap3A_639 = arith.index_cast %add3A_624 : i32 to index
        %swap3A_640 = arith.constant 0 : index
        %swap3A_641 = tpu.vector_load %arg10[%swap3A_639, %swap3A_640] {strides = array<i32>} : memref<512x96xf32, #tpu.memory_space<vmem>>, vector<16xf32>,
        tpu.vector_store %arg10[%swap3A_639, %swap3A_640], %add3A_638 {strides = array<i32>} : memref<512x96xf32, #tpu.memory_space<vmem>>, vector<16xf32>,
        %mul3A_642 = arith.mulf %broadcast_in_dim3A_630, %gather3A_636 : vector<16xf32>
        %add3A_643 = arith.addf %gather3A_634, %mul3A_642 : vector<16xf32>
        %swap3A_644 = arith.index_cast %add3A_624 : i32 to index
        %swap3A_645 = arith.constant 16 : index
        %swap3A_646 = tpu.vector_load %arg10[%swap3A_644, %swap3A_645] {strides = array<i32>} : memref<512x96xf32, #tpu.memory_space<vmem>>, vector<16xf32>,
        tpu.vector_store %arg10[%swap3A_644, %swap3A_645], %add3A_643 {strides = array<i32>} : memref<512x96xf32, #tpu.memory_space<vmem>>, vector<16xf32>,
        %slice3A_647 = vector.extract_strided_slice %get3A_239 {offsets = [5], sizes = [1], strides = [1]} : vector<16xi32> to vector<1xi32>
        %squeeze3A_648 = vector.extract %slice3A_647[0] : i32 from vector<1xi32>
        %broadcast_in_dim3A_649 = vector.broadcast %squeeze3A_648 : i32 to vector<16xi32>
        %slice3A_650 = vector.extract_strided_slice %get3A_257 {offsets = [5], sizes = [1], strides = [1]} : vector<16xf32> to vector<1xf32>
        %squeeze3A_651 = vector.extract %slice3A_650[0] : f32 from vector<1xf32>
        %broadcast_in_dim3A_652 = vector.broadcast %squeeze3A_651 : f32 to vector<16xf32>
        %add3A_653 = arith.addi %broadcast_in_dim3A_649, %iota3A : vector<16xi32>
        %add3A_654 = arith.addi %broadcast_in_dim3A_649, %add3A_136 : vector<16xi32>
        %gather3A_655 = tpu.vector_load_idx %arg6[%add3A_653] : memref<9312xf32, #tpu.memory_space<vmem>>[vector<16xi32>], vector<16xf32>,
        %gather3A_656 = tpu.vector_load_idx %arg6[%add3A_654] : memref<9312xf32, #tpu.memory_space<vmem>>[vector<16xi32>], vector<16xf32>,
        %gather3A_657 = tpu.vector_load_idx %arg7[%add3A_653] : memref<9312xf32, #tpu.memory_space<vmem>>[vector<16xi32>], vector<16xf32>,
        %gather3A_658 = tpu.vector_load_idx %arg7[%add3A_654] : memref<9312xf32, #tpu.memory_space<vmem>>[vector<16xi32>], vector<16xf32>,
        %mul3A_659 = arith.mulf %broadcast_in_dim3A_652, %gather3A_657 : vector<16xf32>
        %add3A_660 = arith.addf %gather3A_655, %mul3A_659 : vector<16xf32>
        %swap3A_661 = arith.index_cast %add3A_624 : i32 to index
        %swap3A_662 = arith.constant 32 : index
        %swap3A_663 = tpu.vector_load %arg10[%swap3A_661, %swap3A_662] {strides = array<i32>} : memref<512x96xf32, #tpu.memory_space<vmem>>, vector<16xf32>,
        tpu.vector_store %arg10[%swap3A_661, %swap3A_662], %add3A_660 {strides = array<i32>} : memref<512x96xf32, #tpu.memory_space<vmem>>, vector<16xf32>,
        %mul3A_664 = arith.mulf %broadcast_in_dim3A_652, %gather3A_658 : vector<16xf32>
        %add3A_665 = arith.addf %gather3A_656, %mul3A_664 : vector<16xf32>
        %swap3A_666 = arith.index_cast %add3A_624 : i32 to index
        %swap3A_667 = arith.constant 48 : index
        %swap3A_668 = tpu.vector_load %arg10[%swap3A_666, %swap3A_667] {strides = array<i32>} : memref<512x96xf32, #tpu.memory_space<vmem>>, vector<16xf32>,
        tpu.vector_store %arg10[%swap3A_666, %swap3A_667], %add3A_665 {strides = array<i32>} : memref<512x96xf32, #tpu.memory_space<vmem>>, vector<16xf32>,
        %slice3A_669 = vector.extract_strided_slice %get3A_245 {offsets = [5], sizes = [1], strides = [1]} : vector<16xi32> to vector<1xi32>
        %squeeze3A_670 = vector.extract %slice3A_669[0] : i32 from vector<1xi32>
        %broadcast_in_dim3A_671 = vector.broadcast %squeeze3A_670 : i32 to vector<16xi32>
        %slice3A_672 = vector.extract_strided_slice %get3A_263 {offsets = [5], sizes = [1], strides = [1]} : vector<16xf32> to vector<1xf32>
        %squeeze3A_673 = vector.extract %slice3A_672[0] : f32 from vector<1xf32>
        %broadcast_in_dim3A_674 = vector.broadcast %squeeze3A_673 : f32 to vector<16xf32>
        %add3A_675 = arith.addi %broadcast_in_dim3A_671, %iota3A : vector<16xi32>
        %add3A_676 = arith.addi %broadcast_in_dim3A_671, %add3A_136 : vector<16xi32>
        %gather3A_677 = tpu.vector_load_idx %arg6[%add3A_675] : memref<9312xf32, #tpu.memory_space<vmem>>[vector<16xi32>], vector<16xf32>,
        %gather3A_678 = tpu.vector_load_idx %arg6[%add3A_676] : memref<9312xf32, #tpu.memory_space<vmem>>[vector<16xi32>], vector<16xf32>,
        %gather3A_679 = tpu.vector_load_idx %arg7[%add3A_675] : memref<9312xf32, #tpu.memory_space<vmem>>[vector<16xi32>], vector<16xf32>,
        %gather3A_680 = tpu.vector_load_idx %arg7[%add3A_676] : memref<9312xf32, #tpu.memory_space<vmem>>[vector<16xi32>], vector<16xf32>,
        %mul3A_681 = arith.mulf %broadcast_in_dim3A_674, %gather3A_679 : vector<16xf32>
        %add3A_682 = arith.addf %gather3A_677, %mul3A_681 : vector<16xf32>
        %swap3A_683 = arith.index_cast %add3A_624 : i32 to index
        %swap3A_684 = arith.constant 64 : index
        %swap3A_685 = tpu.vector_load %arg10[%swap3A_683, %swap3A_684] {strides = array<i32>} : memref<512x96xf32, #tpu.memory_space<vmem>>, vector<16xf32>,
        tpu.vector_store %arg10[%swap3A_683, %swap3A_684], %add3A_682 {strides = array<i32>} : memref<512x96xf32, #tpu.memory_space<vmem>>, vector<16xf32>,
        %mul3A_686 = arith.mulf %broadcast_in_dim3A_674, %gather3A_680 : vector<16xf32>
        %add3A_687 = arith.addf %gather3A_678, %mul3A_686 : vector<16xf32>
        %swap3A_688 = arith.index_cast %add3A_624 : i32 to index
        %swap3A_689 = arith.constant 80 : index
        %swap3A_690 = tpu.vector_load %arg10[%swap3A_688, %swap3A_689] {strides = array<i32>} : memref<512x96xf32, #tpu.memory_space<vmem>>, vector<16xf32>,
        tpu.vector_store %arg10[%swap3A_688, %swap3A_689], %add3A_687 {strides = array<i32>} : memref<512x96xf32, #tpu.memory_space<vmem>>, vector<16xf32>,
        %mul3A_691 = arith.constant 16 : i32
        %mul3A_692 = arith.muli %scan3A_228, %mul3A_691 : i32
        %add3A_693 = arith.constant 0 : i32
        %add3A_694 = arith.addi %add3A_693, %mul3A_692 : i32
        %add3A_695 = arith.constant 6 : i32
        %add3A_696 = arith.addi %add3A_694, %add3A_695 : i32
        %slice3A_697 = vector.extract_strided_slice %get3A_233 {offsets = [6], sizes = [1], strides = [1]} : vector<16xi32> to vector<1xi32>
        %squeeze3A_698 = vector.extract %slice3A_697[0] : i32 from vector<1xi32>
        %broadcast_in_dim3A_699 = vector.broadcast %squeeze3A_698 : i32 to vector<16xi32>
        %slice3A_700 = vector.extract_strided_slice %get3A_251 {offsets = [6], sizes = [1], strides = [1]} : vector<16xf32> to vector<1xf32>
        %squeeze3A_701 = vector.extract %slice3A_700[0] : f32 from vector<1xf32>
        %broadcast_in_dim3A_702 = vector.broadcast %squeeze3A_701 : f32 to vector<16xf32>
        %add3A_703 = arith.addi %broadcast_in_dim3A_699, %iota3A : vector<16xi32>
        %add3A_704 = arith.addi %broadcast_in_dim3A_699, %add3A_136 : vector<16xi32>
        %gather3A_705 = tpu.vector_load_idx %arg6[%add3A_703] : memref<9312xf32, #tpu.memory_space<vmem>>[vector<16xi32>], vector<16xf32>,
        %gather3A_706 = tpu.vector_load_idx %arg6[%add3A_704] : memref<9312xf32, #tpu.memory_space<vmem>>[vector<16xi32>], vector<16xf32>,
        %gather3A_707 = tpu.vector_load_idx %arg7[%add3A_703] : memref<9312xf32, #tpu.memory_space<vmem>>[vector<16xi32>], vector<16xf32>,
        %gather3A_708 = tpu.vector_load_idx %arg7[%add3A_704] : memref<9312xf32, #tpu.memory_space<vmem>>[vector<16xi32>], vector<16xf32>,
        %mul3A_709 = arith.mulf %broadcast_in_dim3A_702, %gather3A_707 : vector<16xf32>
        %add3A_710 = arith.addf %gather3A_705, %mul3A_709 : vector<16xf32>
        %swap3A_711 = arith.index_cast %add3A_696 : i32 to index
        %swap3A_712 = arith.constant 0 : index
        %swap3A_713 = tpu.vector_load %arg10[%swap3A_711, %swap3A_712] {strides = array<i32>} : memref<512x96xf32, #tpu.memory_space<vmem>>, vector<16xf32>,
        tpu.vector_store %arg10[%swap3A_711, %swap3A_712], %add3A_710 {strides = array<i32>} : memref<512x96xf32, #tpu.memory_space<vmem>>, vector<16xf32>,
        %mul3A_714 = arith.mulf %broadcast_in_dim3A_702, %gather3A_708 : vector<16xf32>
        %add3A_715 = arith.addf %gather3A_706, %mul3A_714 : vector<16xf32>
        %swap3A_716 = arith.index_cast %add3A_696 : i32 to index
        %swap3A_717 = arith.constant 16 : index
        %swap3A_718 = tpu.vector_load %arg10[%swap3A_716, %swap3A_717] {strides = array<i32>} : memref<512x96xf32, #tpu.memory_space<vmem>>, vector<16xf32>,
        tpu.vector_store %arg10[%swap3A_716, %swap3A_717], %add3A_715 {strides = array<i32>} : memref<512x96xf32, #tpu.memory_space<vmem>>, vector<16xf32>,
        %slice3A_719 = vector.extract_strided_slice %get3A_239 {offsets = [6], sizes = [1], strides = [1]} : vector<16xi32> to vector<1xi32>
        %squeeze3A_720 = vector.extract %slice3A_719[0] : i32 from vector<1xi32>
        %broadcast_in_dim3A_721 = vector.broadcast %squeeze3A_720 : i32 to vector<16xi32>
        %slice3A_722 = vector.extract_strided_slice %get3A_257 {offsets = [6], sizes = [1], strides = [1]} : vector<16xf32> to vector<1xf32>
        %squeeze3A_723 = vector.extract %slice3A_722[0] : f32 from vector<1xf32>
        %broadcast_in_dim3A_724 = vector.broadcast %squeeze3A_723 : f32 to vector<16xf32>
        %add3A_725 = arith.addi %broadcast_in_dim3A_721, %iota3A : vector<16xi32>
        %add3A_726 = arith.addi %broadcast_in_dim3A_721, %add3A_136 : vector<16xi32>
        %gather3A_727 = tpu.vector_load_idx %arg6[%add3A_725] : memref<9312xf32, #tpu.memory_space<vmem>>[vector<16xi32>], vector<16xf32>,
        %gather3A_728 = tpu.vector_load_idx %arg6[%add3A_726] : memref<9312xf32, #tpu.memory_space<vmem>>[vector<16xi32>], vector<16xf32>,
        %gather3A_729 = tpu.vector_load_idx %arg7[%add3A_725] : memref<9312xf32, #tpu.memory_space<vmem>>[vector<16xi32>], vector<16xf32>,
        %gather3A_730 = tpu.vector_load_idx %arg7[%add3A_726] : memref<9312xf32, #tpu.memory_space<vmem>>[vector<16xi32>], vector<16xf32>,
        %mul3A_731 = arith.mulf %broadcast_in_dim3A_724, %gather3A_729 : vector<16xf32>
        %add3A_732 = arith.addf %gather3A_727, %mul3A_731 : vector<16xf32>
        %swap3A_733 = arith.index_cast %add3A_696 : i32 to index
        %swap3A_734 = arith.constant 32 : index
        %swap3A_735 = tpu.vector_load %arg10[%swap3A_733, %swap3A_734] {strides = array<i32>} : memref<512x96xf32, #tpu.memory_space<vmem>>, vector<16xf32>,
        tpu.vector_store %arg10[%swap3A_733, %swap3A_734], %add3A_732 {strides = array<i32>} : memref<512x96xf32, #tpu.memory_space<vmem>>, vector<16xf32>,
        %mul3A_736 = arith.mulf %broadcast_in_dim3A_724, %gather3A_730 : vector<16xf32>
        %add3A_737 = arith.addf %gather3A_728, %mul3A_736 : vector<16xf32>
        %swap3A_738 = arith.index_cast %add3A_696 : i32 to index
        %swap3A_739 = arith.constant 48 : index
        %swap3A_740 = tpu.vector_load %arg10[%swap3A_738, %swap3A_739] {strides = array<i32>} : memref<512x96xf32, #tpu.memory_space<vmem>>, vector<16xf32>,
        tpu.vector_store %arg10[%swap3A_738, %swap3A_739], %add3A_737 {strides = array<i32>} : memref<512x96xf32, #tpu.memory_space<vmem>>, vector<16xf32>,
        %slice3A_741 = vector.extract_strided_slice %get3A_245 {offsets = [6], sizes = [1], strides = [1]} : vector<16xi32> to vector<1xi32>
        %squeeze3A_742 = vector.extract %slice3A_741[0] : i32 from vector<1xi32>
        %broadcast_in_dim3A_743 = vector.broadcast %squeeze3A_742 : i32 to vector<16xi32>
        %slice3A_744 = vector.extract_strided_slice %get3A_263 {offsets = [6], sizes = [1], strides = [1]} : vector<16xf32> to vector<1xf32>
        %squeeze3A_745 = vector.extract %slice3A_744[0] : f32 from vector<1xf32>
        %broadcast_in_dim3A_746 = vector.broadcast %squeeze3A_745 : f32 to vector<16xf32>
        %add3A_747 = arith.addi %broadcast_in_dim3A_743, %iota3A : vector<16xi32>
        %add3A_748 = arith.addi %broadcast_in_dim3A_743, %add3A_136 : vector<16xi32>
        %gather3A_749 = tpu.vector_load_idx %arg6[%add3A_747] : memref<9312xf32, #tpu.memory_space<vmem>>[vector<16xi32>], vector<16xf32>,
        %gather3A_750 = tpu.vector_load_idx %arg6[%add3A_748] : memref<9312xf32, #tpu.memory_space<vmem>>[vector<16xi32>], vector<16xf32>,
        %gather3A_751 = tpu.vector_load_idx %arg7[%add3A_747] : memref<9312xf32, #tpu.memory_space<vmem>>[vector<16xi32>], vector<16xf32>,
        %gather3A_752 = tpu.vector_load_idx %arg7[%add3A_748] : memref<9312xf32, #tpu.memory_space<vmem>>[vector<16xi32>], vector<16xf32>,
        %mul3A_753 = arith.mulf %broadcast_in_dim3A_746, %gather3A_751 : vector<16xf32>
        %add3A_754 = arith.addf %gather3A_749, %mul3A_753 : vector<16xf32>
        %swap3A_755 = arith.index_cast %add3A_696 : i32 to index
        %swap3A_756 = arith.constant 64 : index
        %swap3A_757 = tpu.vector_load %arg10[%swap3A_755, %swap3A_756] {strides = array<i32>} : memref<512x96xf32, #tpu.memory_space<vmem>>, vector<16xf32>,
        tpu.vector_store %arg10[%swap3A_755, %swap3A_756], %add3A_754 {strides = array<i32>} : memref<512x96xf32, #tpu.memory_space<vmem>>, vector<16xf32>,
        %mul3A_758 = arith.mulf %broadcast_in_dim3A_746, %gather3A_752 : vector<16xf32>
        %add3A_759 = arith.addf %gather3A_750, %mul3A_758 : vector<16xf32>
        %swap3A_760 = arith.index_cast %add3A_696 : i32 to index
        %swap3A_761 = arith.constant 80 : index
        %swap3A_762 = tpu.vector_load %arg10[%swap3A_760, %swap3A_761] {strides = array<i32>} : memref<512x96xf32, #tpu.memory_space<vmem>>, vector<16xf32>,
        tpu.vector_store %arg10[%swap3A_760, %swap3A_761], %add3A_759 {strides = array<i32>} : memref<512x96xf32, #tpu.memory_space<vmem>>, vector<16xf32>,
        %mul3A_763 = arith.constant 16 : i32
        %mul3A_764 = arith.muli %scan3A_228, %mul3A_763 : i32
        %add3A_765 = arith.constant 0 : i32
        %add3A_766 = arith.addi %add3A_765, %mul3A_764 : i32
        %add3A_767 = arith.constant 7 : i32
        %add3A_768 = arith.addi %add3A_766, %add3A_767 : i32
        %slice3A_769 = vector.extract_strided_slice %get3A_233 {offsets = [7], sizes = [1], strides = [1]} : vector<16xi32> to vector<1xi32>
        %squeeze3A_770 = vector.extract %slice3A_769[0] : i32 from vector<1xi32>
        %broadcast_in_dim3A_771 = vector.broadcast %squeeze3A_770 : i32 to vector<16xi32>
        %slice3A_772 = vector.extract_strided_slice %get3A_251 {offsets = [7], sizes = [1], strides = [1]} : vector<16xf32> to vector<1xf32>
        %squeeze3A_773 = vector.extract %slice3A_772[0] : f32 from vector<1xf32>
        %broadcast_in_dim3A_774 = vector.broadcast %squeeze3A_773 : f32 to vector<16xf32>
        %add3A_775 = arith.addi %broadcast_in_dim3A_771, %iota3A : vector<16xi32>
        %add3A_776 = arith.addi %broadcast_in_dim3A_771, %add3A_136 : vector<16xi32>
        %gather3A_777 = tpu.vector_load_idx %arg6[%add3A_775] : memref<9312xf32, #tpu.memory_space<vmem>>[vector<16xi32>], vector<16xf32>,
        %gather3A_778 = tpu.vector_load_idx %arg6[%add3A_776] : memref<9312xf32, #tpu.memory_space<vmem>>[vector<16xi32>], vector<16xf32>,
        %gather3A_779 = tpu.vector_load_idx %arg7[%add3A_775] : memref<9312xf32, #tpu.memory_space<vmem>>[vector<16xi32>], vector<16xf32>,
        %gather3A_780 = tpu.vector_load_idx %arg7[%add3A_776] : memref<9312xf32, #tpu.memory_space<vmem>>[vector<16xi32>], vector<16xf32>,
        %mul3A_781 = arith.mulf %broadcast_in_dim3A_774, %gather3A_779 : vector<16xf32>
        %add3A_782 = arith.addf %gather3A_777, %mul3A_781 : vector<16xf32>
        %swap3A_783 = arith.index_cast %add3A_768 : i32 to index
        %swap3A_784 = arith.constant 0 : index
        %swap3A_785 = tpu.vector_load %arg10[%swap3A_783, %swap3A_784] {strides = array<i32>} : memref<512x96xf32, #tpu.memory_space<vmem>>, vector<16xf32>,
        tpu.vector_store %arg10[%swap3A_783, %swap3A_784], %add3A_782 {strides = array<i32>} : memref<512x96xf32, #tpu.memory_space<vmem>>, vector<16xf32>,
        %mul3A_786 = arith.mulf %broadcast_in_dim3A_774, %gather3A_780 : vector<16xf32>
        %add3A_787 = arith.addf %gather3A_778, %mul3A_786 : vector<16xf32>
        %swap3A_788 = arith.index_cast %add3A_768 : i32 to index
        %swap3A_789 = arith.constant 16 : index
        %swap3A_790 = tpu.vector_load %arg10[%swap3A_788, %swap3A_789] {strides = array<i32>} : memref<512x96xf32, #tpu.memory_space<vmem>>, vector<16xf32>,
        tpu.vector_store %arg10[%swap3A_788, %swap3A_789], %add3A_787 {strides = array<i32>} : memref<512x96xf32, #tpu.memory_space<vmem>>, vector<16xf32>,
        %slice3A_791 = vector.extract_strided_slice %get3A_239 {offsets = [7], sizes = [1], strides = [1]} : vector<16xi32> to vector<1xi32>
        %squeeze3A_792 = vector.extract %slice3A_791[0] : i32 from vector<1xi32>
        %broadcast_in_dim3A_793 = vector.broadcast %squeeze3A_792 : i32 to vector<16xi32>
        %slice3A_794 = vector.extract_strided_slice %get3A_257 {offsets = [7], sizes = [1], strides = [1]} : vector<16xf32> to vector<1xf32>
        %squeeze3A_795 = vector.extract %slice3A_794[0] : f32 from vector<1xf32>
        %broadcast_in_dim3A_796 = vector.broadcast %squeeze3A_795 : f32 to vector<16xf32>
        %add3A_797 = arith.addi %broadcast_in_dim3A_793, %iota3A : vector<16xi32>
        %add3A_798 = arith.addi %broadcast_in_dim3A_793, %add3A_136 : vector<16xi32>
        %gather3A_799 = tpu.vector_load_idx %arg6[%add3A_797] : memref<9312xf32, #tpu.memory_space<vmem>>[vector<16xi32>], vector<16xf32>,
        %gather3A_800 = tpu.vector_load_idx %arg6[%add3A_798] : memref<9312xf32, #tpu.memory_space<vmem>>[vector<16xi32>], vector<16xf32>,
        %gather3A_801 = tpu.vector_load_idx %arg7[%add3A_797] : memref<9312xf32, #tpu.memory_space<vmem>>[vector<16xi32>], vector<16xf32>,
        %gather3A_802 = tpu.vector_load_idx %arg7[%add3A_798] : memref<9312xf32, #tpu.memory_space<vmem>>[vector<16xi32>], vector<16xf32>,
        %mul3A_803 = arith.mulf %broadcast_in_dim3A_796, %gather3A_801 : vector<16xf32>
        %add3A_804 = arith.addf %gather3A_799, %mul3A_803 : vector<16xf32>
        %swap3A_805 = arith.index_cast %add3A_768 : i32 to index
        %swap3A_806 = arith.constant 32 : index
        %swap3A_807 = tpu.vector_load %arg10[%swap3A_805, %swap3A_806] {strides = array<i32>} : memref<512x96xf32, #tpu.memory_space<vmem>>, vector<16xf32>,
        tpu.vector_store %arg10[%swap3A_805, %swap3A_806], %add3A_804 {strides = array<i32>} : memref<512x96xf32, #tpu.memory_space<vmem>>, vector<16xf32>,
        %mul3A_808 = arith.mulf %broadcast_in_dim3A_796, %gather3A_802 : vector<16xf32>
        %add3A_809 = arith.addf %gather3A_800, %mul3A_808 : vector<16xf32>
        %swap3A_810 = arith.index_cast %add3A_768 : i32 to index
        %swap3A_811 = arith.constant 48 : index
        %swap3A_812 = tpu.vector_load %arg10[%swap3A_810, %swap3A_811] {strides = array<i32>} : memref<512x96xf32, #tpu.memory_space<vmem>>, vector<16xf32>,
        tpu.vector_store %arg10[%swap3A_810, %swap3A_811], %add3A_809 {strides = array<i32>} : memref<512x96xf32, #tpu.memory_space<vmem>>, vector<16xf32>,
        %slice3A_813 = vector.extract_strided_slice %get3A_245 {offsets = [7], sizes = [1], strides = [1]} : vector<16xi32> to vector<1xi32>
        %squeeze3A_814 = vector.extract %slice3A_813[0] : i32 from vector<1xi32>
        %broadcast_in_dim3A_815 = vector.broadcast %squeeze3A_814 : i32 to vector<16xi32>
        %slice3A_816 = vector.extract_strided_slice %get3A_263 {offsets = [7], sizes = [1], strides = [1]} : vector<16xf32> to vector<1xf32>
        %squeeze3A_817 = vector.extract %slice3A_816[0] : f32 from vector<1xf32>
        %broadcast_in_dim3A_818 = vector.broadcast %squeeze3A_817 : f32 to vector<16xf32>
        %add3A_819 = arith.addi %broadcast_in_dim3A_815, %iota3A : vector<16xi32>
        %add3A_820 = arith.addi %broadcast_in_dim3A_815, %add3A_136 : vector<16xi32>
        %gather3A_821 = tpu.vector_load_idx %arg6[%add3A_819] : memref<9312xf32, #tpu.memory_space<vmem>>[vector<16xi32>], vector<16xf32>,
        %gather3A_822 = tpu.vector_load_idx %arg6[%add3A_820] : memref<9312xf32, #tpu.memory_space<vmem>>[vector<16xi32>], vector<16xf32>,
        %gather3A_823 = tpu.vector_load_idx %arg7[%add3A_819] : memref<9312xf32, #tpu.memory_space<vmem>>[vector<16xi32>], vector<16xf32>,
        %gather3A_824 = tpu.vector_load_idx %arg7[%add3A_820] : memref<9312xf32, #tpu.memory_space<vmem>>[vector<16xi32>], vector<16xf32>,
        %mul3A_825 = arith.mulf %broadcast_in_dim3A_818, %gather3A_823 : vector<16xf32>
        %add3A_826 = arith.addf %gather3A_821, %mul3A_825 : vector<16xf32>
        %swap3A_827 = arith.index_cast %add3A_768 : i32 to index
        %swap3A_828 = arith.constant 64 : index
        %swap3A_829 = tpu.vector_load %arg10[%swap3A_827, %swap3A_828] {strides = array<i32>} : memref<512x96xf32, #tpu.memory_space<vmem>>, vector<16xf32>,
        tpu.vector_store %arg10[%swap3A_827, %swap3A_828], %add3A_826 {strides = array<i32>} : memref<512x96xf32, #tpu.memory_space<vmem>>, vector<16xf32>,
        %mul3A_830 = arith.mulf %broadcast_in_dim3A_818, %gather3A_824 : vector<16xf32>
        %add3A_831 = arith.addf %gather3A_822, %mul3A_830 : vector<16xf32>
        %swap3A_832 = arith.index_cast %add3A_768 : i32 to index
        %swap3A_833 = arith.constant 80 : index
        %swap3A_834 = tpu.vector_load %arg10[%swap3A_832, %swap3A_833] {strides = array<i32>} : memref<512x96xf32, #tpu.memory_space<vmem>>, vector<16xf32>,
        tpu.vector_store %arg10[%swap3A_832, %swap3A_833], %add3A_831 {strides = array<i32>} : memref<512x96xf32, #tpu.memory_space<vmem>>, vector<16xf32>,
        %mul3A_835 = arith.constant 16 : i32
        %mul3A_836 = arith.muli %scan3A_228, %mul3A_835 : i32
        %add3A_837 = arith.constant 0 : i32
        %add3A_838 = arith.addi %add3A_837, %mul3A_836 : i32
        %add3A_839 = arith.constant 8 : i32
        %add3A_840 = arith.addi %add3A_838, %add3A_839 : i32
        %slice3A_841 = vector.extract_strided_slice %get3A_233 {offsets = [8], sizes = [1], strides = [1]} : vector<16xi32> to vector<1xi32>
        %squeeze3A_842 = vector.extract %slice3A_841[0] : i32 from vector<1xi32>
        %broadcast_in_dim3A_843 = vector.broadcast %squeeze3A_842 : i32 to vector<16xi32>
        %slice3A_844 = vector.extract_strided_slice %get3A_251 {offsets = [8], sizes = [1], strides = [1]} : vector<16xf32> to vector<1xf32>
        %squeeze3A_845 = vector.extract %slice3A_844[0] : f32 from vector<1xf32>
        %broadcast_in_dim3A_846 = vector.broadcast %squeeze3A_845 : f32 to vector<16xf32>
        %add3A_847 = arith.addi %broadcast_in_dim3A_843, %iota3A : vector<16xi32>
        %add3A_848 = arith.addi %broadcast_in_dim3A_843, %add3A_136 : vector<16xi32>
        %gather3A_849 = tpu.vector_load_idx %arg6[%add3A_847] : memref<9312xf32, #tpu.memory_space<vmem>>[vector<16xi32>], vector<16xf32>,
        %gather3A_850 = tpu.vector_load_idx %arg6[%add3A_848] : memref<9312xf32, #tpu.memory_space<vmem>>[vector<16xi32>], vector<16xf32>,
        %gather3A_851 = tpu.vector_load_idx %arg7[%add3A_847] : memref<9312xf32, #tpu.memory_space<vmem>>[vector<16xi32>], vector<16xf32>,
        %gather3A_852 = tpu.vector_load_idx %arg7[%add3A_848] : memref<9312xf32, #tpu.memory_space<vmem>>[vector<16xi32>], vector<16xf32>,
        %mul3A_853 = arith.mulf %broadcast_in_dim3A_846, %gather3A_851 : vector<16xf32>
        %add3A_854 = arith.addf %gather3A_849, %mul3A_853 : vector<16xf32>
        %swap3A_855 = arith.index_cast %add3A_840 : i32 to index
        %swap3A_856 = arith.constant 0 : index
        %swap3A_857 = tpu.vector_load %arg10[%swap3A_855, %swap3A_856] {strides = array<i32>} : memref<512x96xf32, #tpu.memory_space<vmem>>, vector<16xf32>,
        tpu.vector_store %arg10[%swap3A_855, %swap3A_856], %add3A_854 {strides = array<i32>} : memref<512x96xf32, #tpu.memory_space<vmem>>, vector<16xf32>,
        %mul3A_858 = arith.mulf %broadcast_in_dim3A_846, %gather3A_852 : vector<16xf32>
        %add3A_859 = arith.addf %gather3A_850, %mul3A_858 : vector<16xf32>
        %swap3A_860 = arith.index_cast %add3A_840 : i32 to index
        %swap3A_861 = arith.constant 16 : index
        %swap3A_862 = tpu.vector_load %arg10[%swap3A_860, %swap3A_861] {strides = array<i32>} : memref<512x96xf32, #tpu.memory_space<vmem>>, vector<16xf32>,
        tpu.vector_store %arg10[%swap3A_860, %swap3A_861], %add3A_859 {strides = array<i32>} : memref<512x96xf32, #tpu.memory_space<vmem>>, vector<16xf32>,
        %slice3A_863 = vector.extract_strided_slice %get3A_239 {offsets = [8], sizes = [1], strides = [1]} : vector<16xi32> to vector<1xi32>
        %squeeze3A_864 = vector.extract %slice3A_863[0] : i32 from vector<1xi32>
        %broadcast_in_dim3A_865 = vector.broadcast %squeeze3A_864 : i32 to vector<16xi32>
        %slice3A_866 = vector.extract_strided_slice %get3A_257 {offsets = [8], sizes = [1], strides = [1]} : vector<16xf32> to vector<1xf32>
        %squeeze3A_867 = vector.extract %slice3A_866[0] : f32 from vector<1xf32>
        %broadcast_in_dim3A_868 = vector.broadcast %squeeze3A_867 : f32 to vector<16xf32>
        %add3A_869 = arith.addi %broadcast_in_dim3A_865, %iota3A : vector<16xi32>
        %add3A_870 = arith.addi %broadcast_in_dim3A_865, %add3A_136 : vector<16xi32>
        %gather3A_871 = tpu.vector_load_idx %arg6[%add3A_869] : memref<9312xf32, #tpu.memory_space<vmem>>[vector<16xi32>], vector<16xf32>,
        %gather3A_872 = tpu.vector_load_idx %arg6[%add3A_870] : memref<9312xf32, #tpu.memory_space<vmem>>[vector<16xi32>], vector<16xf32>,
        %gather3A_873 = tpu.vector_load_idx %arg7[%add3A_869] : memref<9312xf32, #tpu.memory_space<vmem>>[vector<16xi32>], vector<16xf32>,
        %gather3A_874 = tpu.vector_load_idx %arg7[%add3A_870] : memref<9312xf32, #tpu.memory_space<vmem>>[vector<16xi32>], vector<16xf32>,
        %mul3A_875 = arith.mulf %broadcast_in_dim3A_868, %gather3A_873 : vector<16xf32>
        %add3A_876 = arith.addf %gather3A_871, %mul3A_875 : vector<16xf32>
        %swap3A_877 = arith.index_cast %add3A_840 : i32 to index
        %swap3A_878 = arith.constant 32 : index
        %swap3A_879 = tpu.vector_load %arg10[%swap3A_877, %swap3A_878] {strides = array<i32>} : memref<512x96xf32, #tpu.memory_space<vmem>>, vector<16xf32>,
        tpu.vector_store %arg10[%swap3A_877, %swap3A_878], %add3A_876 {strides = array<i32>} : memref<512x96xf32, #tpu.memory_space<vmem>>, vector<16xf32>,
        %mul3A_880 = arith.mulf %broadcast_in_dim3A_868, %gather3A_874 : vector<16xf32>
        %add3A_881 = arith.addf %gather3A_872, %mul3A_880 : vector<16xf32>
        %swap3A_882 = arith.index_cast %add3A_840 : i32 to index
        %swap3A_883 = arith.constant 48 : index
        %swap3A_884 = tpu.vector_load %arg10[%swap3A_882, %swap3A_883] {strides = array<i32>} : memref<512x96xf32, #tpu.memory_space<vmem>>, vector<16xf32>,
        tpu.vector_store %arg10[%swap3A_882, %swap3A_883], %add3A_881 {strides = array<i32>} : memref<512x96xf32, #tpu.memory_space<vmem>>, vector<16xf32>,
        %slice3A_885 = vector.extract_strided_slice %get3A_245 {offsets = [8], sizes = [1], strides = [1]} : vector<16xi32> to vector<1xi32>
        %squeeze3A_886 = vector.extract %slice3A_885[0] : i32 from vector<1xi32>
        %broadcast_in_dim3A_887 = vector.broadcast %squeeze3A_886 : i32 to vector<16xi32>
        %slice3A_888 = vector.extract_strided_slice %get3A_263 {offsets = [8], sizes = [1], strides = [1]} : vector<16xf32> to vector<1xf32>
        %squeeze3A_889 = vector.extract %slice3A_888[0] : f32 from vector<1xf32>
        %broadcast_in_dim3A_890 = vector.broadcast %squeeze3A_889 : f32 to vector<16xf32>
        %add3A_891 = arith.addi %broadcast_in_dim3A_887, %iota3A : vector<16xi32>
        %add3A_892 = arith.addi %broadcast_in_dim3A_887, %add3A_136 : vector<16xi32>
        %gather3A_893 = tpu.vector_load_idx %arg6[%add3A_891] : memref<9312xf32, #tpu.memory_space<vmem>>[vector<16xi32>], vector<16xf32>,
        %gather3A_894 = tpu.vector_load_idx %arg6[%add3A_892] : memref<9312xf32, #tpu.memory_space<vmem>>[vector<16xi32>], vector<16xf32>,
        %gather3A_895 = tpu.vector_load_idx %arg7[%add3A_891] : memref<9312xf32, #tpu.memory_space<vmem>>[vector<16xi32>], vector<16xf32>,
        %gather3A_896 = tpu.vector_load_idx %arg7[%add3A_892] : memref<9312xf32, #tpu.memory_space<vmem>>[vector<16xi32>], vector<16xf32>,
        %mul3A_897 = arith.mulf %broadcast_in_dim3A_890, %gather3A_895 : vector<16xf32>
        %add3A_898 = arith.addf %gather3A_893, %mul3A_897 : vector<16xf32>
        %swap3A_899 = arith.index_cast %add3A_840 : i32 to index
        %swap3A_900 = arith.constant 64 : index
        %swap3A_901 = tpu.vector_load %arg10[%swap3A_899, %swap3A_900] {strides = array<i32>} : memref<512x96xf32, #tpu.memory_space<vmem>>, vector<16xf32>,
        tpu.vector_store %arg10[%swap3A_899, %swap3A_900], %add3A_898 {strides = array<i32>} : memref<512x96xf32, #tpu.memory_space<vmem>>, vector<16xf32>,
        %mul3A_902 = arith.mulf %broadcast_in_dim3A_890, %gather3A_896 : vector<16xf32>
        %add3A_903 = arith.addf %gather3A_894, %mul3A_902 : vector<16xf32>
        %swap3A_904 = arith.index_cast %add3A_840 : i32 to index
        %swap3A_905 = arith.constant 80 : index
        %swap3A_906 = tpu.vector_load %arg10[%swap3A_904, %swap3A_905] {strides = array<i32>} : memref<512x96xf32, #tpu.memory_space<vmem>>, vector<16xf32>,
        tpu.vector_store %arg10[%swap3A_904, %swap3A_905], %add3A_903 {strides = array<i32>} : memref<512x96xf32, #tpu.memory_space<vmem>>, vector<16xf32>,
        %mul3A_907 = arith.constant 16 : i32
        %mul3A_908 = arith.muli %scan3A_228, %mul3A_907 : i32
        %add3A_909 = arith.constant 0 : i32
        %add3A_910 = arith.addi %add3A_909, %mul3A_908 : i32
        %add3A_911 = arith.constant 9 : i32
        %add3A_912 = arith.addi %add3A_910, %add3A_911 : i32
        %slice3A_913 = vector.extract_strided_slice %get3A_233 {offsets = [9], sizes = [1], strides = [1]} : vector<16xi32> to vector<1xi32>
        %squeeze3A_914 = vector.extract %slice3A_913[0] : i32 from vector<1xi32>
        %broadcast_in_dim3A_915 = vector.broadcast %squeeze3A_914 : i32 to vector<16xi32>
        %slice3A_916 = vector.extract_strided_slice %get3A_251 {offsets = [9], sizes = [1], strides = [1]} : vector<16xf32> to vector<1xf32>
        %squeeze3A_917 = vector.extract %slice3A_916[0] : f32 from vector<1xf32>
        %broadcast_in_dim3A_918 = vector.broadcast %squeeze3A_917 : f32 to vector<16xf32>
        %add3A_919 = arith.addi %broadcast_in_dim3A_915, %iota3A : vector<16xi32>
        %add3A_920 = arith.addi %broadcast_in_dim3A_915, %add3A_136 : vector<16xi32>
        %gather3A_921 = tpu.vector_load_idx %arg6[%add3A_919] : memref<9312xf32, #tpu.memory_space<vmem>>[vector<16xi32>], vector<16xf32>,
        %gather3A_922 = tpu.vector_load_idx %arg6[%add3A_920] : memref<9312xf32, #tpu.memory_space<vmem>>[vector<16xi32>], vector<16xf32>,
        %gather3A_923 = tpu.vector_load_idx %arg7[%add3A_919] : memref<9312xf32, #tpu.memory_space<vmem>>[vector<16xi32>], vector<16xf32>,
        %gather3A_924 = tpu.vector_load_idx %arg7[%add3A_920] : memref<9312xf32, #tpu.memory_space<vmem>>[vector<16xi32>], vector<16xf32>,
        %mul3A_925 = arith.mulf %broadcast_in_dim3A_918, %gather3A_923 : vector<16xf32>
        %add3A_926 = arith.addf %gather3A_921, %mul3A_925 : vector<16xf32>
        %swap3A_927 = arith.index_cast %add3A_912 : i32 to index
        %swap3A_928 = arith.constant 0 : index
        %swap3A_929 = tpu.vector_load %arg10[%swap3A_927, %swap3A_928] {strides = array<i32>} : memref<512x96xf32, #tpu.memory_space<vmem>>, vector<16xf32>,
        tpu.vector_store %arg10[%swap3A_927, %swap3A_928], %add3A_926 {strides = array<i32>} : memref<512x96xf32, #tpu.memory_space<vmem>>, vector<16xf32>,
        %mul3A_930 = arith.mulf %broadcast_in_dim3A_918, %gather3A_924 : vector<16xf32>
        %add3A_931 = arith.addf %gather3A_922, %mul3A_930 : vector<16xf32>
        %swap3A_932 = arith.index_cast %add3A_912 : i32 to index
        %swap3A_933 = arith.constant 16 : index
        %swap3A_934 = tpu.vector_load %arg10[%swap3A_932, %swap3A_933] {strides = array<i32>} : memref<512x96xf32, #tpu.memory_space<vmem>>, vector<16xf32>,
        tpu.vector_store %arg10[%swap3A_932, %swap3A_933], %add3A_931 {strides = array<i32>} : memref<512x96xf32, #tpu.memory_space<vmem>>, vector<16xf32>,
        %slice3A_935 = vector.extract_strided_slice %get3A_239 {offsets = [9], sizes = [1], strides = [1]} : vector<16xi32> to vector<1xi32>
        %squeeze3A_936 = vector.extract %slice3A_935[0] : i32 from vector<1xi32>
        %broadcast_in_dim3A_937 = vector.broadcast %squeeze3A_936 : i32 to vector<16xi32>
        %slice3A_938 = vector.extract_strided_slice %get3A_257 {offsets = [9], sizes = [1], strides = [1]} : vector<16xf32> to vector<1xf32>
        %squeeze3A_939 = vector.extract %slice3A_938[0] : f32 from vector<1xf32>
        %broadcast_in_dim3A_940 = vector.broadcast %squeeze3A_939 : f32 to vector<16xf32>
        %add3A_941 = arith.addi %broadcast_in_dim3A_937, %iota3A : vector<16xi32>
        %add3A_942 = arith.addi %broadcast_in_dim3A_937, %add3A_136 : vector<16xi32>
        %gather3A_943 = tpu.vector_load_idx %arg6[%add3A_941] : memref<9312xf32, #tpu.memory_space<vmem>>[vector<16xi32>], vector<16xf32>,
        %gather3A_944 = tpu.vector_load_idx %arg6[%add3A_942] : memref<9312xf32, #tpu.memory_space<vmem>>[vector<16xi32>], vector<16xf32>,
        %gather3A_945 = tpu.vector_load_idx %arg7[%add3A_941] : memref<9312xf32, #tpu.memory_space<vmem>>[vector<16xi32>], vector<16xf32>,
        %gather3A_946 = tpu.vector_load_idx %arg7[%add3A_942] : memref<9312xf32, #tpu.memory_space<vmem>>[vector<16xi32>], vector<16xf32>,
        %mul3A_947 = arith.mulf %broadcast_in_dim3A_940, %gather3A_945 : vector<16xf32>
        %add3A_948 = arith.addf %gather3A_943, %mul3A_947 : vector<16xf32>
        %swap3A_949 = arith.index_cast %add3A_912 : i32 to index
        %swap3A_950 = arith.constant 32 : index
        %swap3A_951 = tpu.vector_load %arg10[%swap3A_949, %swap3A_950] {strides = array<i32>} : memref<512x96xf32, #tpu.memory_space<vmem>>, vector<16xf32>,
        tpu.vector_store %arg10[%swap3A_949, %swap3A_950], %add3A_948 {strides = array<i32>} : memref<512x96xf32, #tpu.memory_space<vmem>>, vector<16xf32>,
        %mul3A_952 = arith.mulf %broadcast_in_dim3A_940, %gather3A_946 : vector<16xf32>
        %add3A_953 = arith.addf %gather3A_944, %mul3A_952 : vector<16xf32>
        %swap3A_954 = arith.index_cast %add3A_912 : i32 to index
        %swap3A_955 = arith.constant 48 : index
        %swap3A_956 = tpu.vector_load %arg10[%swap3A_954, %swap3A_955] {strides = array<i32>} : memref<512x96xf32, #tpu.memory_space<vmem>>, vector<16xf32>,
        tpu.vector_store %arg10[%swap3A_954, %swap3A_955], %add3A_953 {strides = array<i32>} : memref<512x96xf32, #tpu.memory_space<vmem>>, vector<16xf32>,
        %slice3A_957 = vector.extract_strided_slice %get3A_245 {offsets = [9], sizes = [1], strides = [1]} : vector<16xi32> to vector<1xi32>
        %squeeze3A_958 = vector.extract %slice3A_957[0] : i32 from vector<1xi32>
        %broadcast_in_dim3A_959 = vector.broadcast %squeeze3A_958 : i32 to vector<16xi32>
        %slice3A_960 = vector.extract_strided_slice %get3A_263 {offsets = [9], sizes = [1], strides = [1]} : vector<16xf32> to vector<1xf32>
        %squeeze3A_961 = vector.extract %slice3A_960[0] : f32 from vector<1xf32>
        %broadcast_in_dim3A_962 = vector.broadcast %squeeze3A_961 : f32 to vector<16xf32>
        %add3A_963 = arith.addi %broadcast_in_dim3A_959, %iota3A : vector<16xi32>
        %add3A_964 = arith.addi %broadcast_in_dim3A_959, %add3A_136 : vector<16xi32>
        %gather3A_965 = tpu.vector_load_idx %arg6[%add3A_963] : memref<9312xf32, #tpu.memory_space<vmem>>[vector<16xi32>], vector<16xf32>,
        %gather3A_966 = tpu.vector_load_idx %arg6[%add3A_964] : memref<9312xf32, #tpu.memory_space<vmem>>[vector<16xi32>], vector<16xf32>,
        %gather3A_967 = tpu.vector_load_idx %arg7[%add3A_963] : memref<9312xf32, #tpu.memory_space<vmem>>[vector<16xi32>], vector<16xf32>,
        %gather3A_968 = tpu.vector_load_idx %arg7[%add3A_964] : memref<9312xf32, #tpu.memory_space<vmem>>[vector<16xi32>], vector<16xf32>,
        %mul3A_969 = arith.mulf %broadcast_in_dim3A_962, %gather3A_967 : vector<16xf32>
        %add3A_970 = arith.addf %gather3A_965, %mul3A_969 : vector<16xf32>
        %swap3A_971 = arith.index_cast %add3A_912 : i32 to index
        %swap3A_972 = arith.constant 64 : index
        %swap3A_973 = tpu.vector_load %arg10[%swap3A_971, %swap3A_972] {strides = array<i32>} : memref<512x96xf32, #tpu.memory_space<vmem>>, vector<16xf32>,
        tpu.vector_store %arg10[%swap3A_971, %swap3A_972], %add3A_970 {strides = array<i32>} : memref<512x96xf32, #tpu.memory_space<vmem>>, vector<16xf32>,
        %mul3A_974 = arith.mulf %broadcast_in_dim3A_962, %gather3A_968 : vector<16xf32>
        %add3A_975 = arith.addf %gather3A_966, %mul3A_974 : vector<16xf32>
        %swap3A_976 = arith.index_cast %add3A_912 : i32 to index
        %swap3A_977 = arith.constant 80 : index
        %swap3A_978 = tpu.vector_load %arg10[%swap3A_976, %swap3A_977] {strides = array<i32>} : memref<512x96xf32, #tpu.memory_space<vmem>>, vector<16xf32>,
        tpu.vector_store %arg10[%swap3A_976, %swap3A_977], %add3A_975 {strides = array<i32>} : memref<512x96xf32, #tpu.memory_space<vmem>>, vector<16xf32>,
        %mul3A_979 = arith.constant 16 : i32
        %mul3A_980 = arith.muli %scan3A_228, %mul3A_979 : i32
        %add3A_981 = arith.constant 0 : i32
        %add3A_982 = arith.addi %add3A_981, %mul3A_980 : i32
        %add3A_983 = arith.constant 10 : i32
        %add3A_984 = arith.addi %add3A_982, %add3A_983 : i32
        %slice3A_985 = vector.extract_strided_slice %get3A_233 {offsets = [10], sizes = [1], strides = [1]} : vector<16xi32> to vector<1xi32>
        %squeeze3A_986 = vector.extract %slice3A_985[0] : i32 from vector<1xi32>
        %broadcast_in_dim3A_987 = vector.broadcast %squeeze3A_986 : i32 to vector<16xi32>
        %slice3A_988 = vector.extract_strided_slice %get3A_251 {offsets = [10], sizes = [1], strides = [1]} : vector<16xf32> to vector<1xf32>
        %squeeze3A_989 = vector.extract %slice3A_988[0] : f32 from vector<1xf32>
        %broadcast_in_dim3A_990 = vector.broadcast %squeeze3A_989 : f32 to vector<16xf32>
        %add3A_991 = arith.addi %broadcast_in_dim3A_987, %iota3A : vector<16xi32>
        %add3A_992 = arith.addi %broadcast_in_dim3A_987, %add3A_136 : vector<16xi32>
        %gather3A_993 = tpu.vector_load_idx %arg6[%add3A_991] : memref<9312xf32, #tpu.memory_space<vmem>>[vector<16xi32>], vector<16xf32>,
        %gather3A_994 = tpu.vector_load_idx %arg6[%add3A_992] : memref<9312xf32, #tpu.memory_space<vmem>>[vector<16xi32>], vector<16xf32>,
        %gather3A_995 = tpu.vector_load_idx %arg7[%add3A_991] : memref<9312xf32, #tpu.memory_space<vmem>>[vector<16xi32>], vector<16xf32>,
        %gather3A_996 = tpu.vector_load_idx %arg7[%add3A_992] : memref<9312xf32, #tpu.memory_space<vmem>>[vector<16xi32>], vector<16xf32>,
        %mul3A_997 = arith.mulf %broadcast_in_dim3A_990, %gather3A_995 : vector<16xf32>
        %add3A_998 = arith.addf %gather3A_993, %mul3A_997 : vector<16xf32>
        %swap3A_999 = arith.index_cast %add3A_984 : i32 to index
        %swap3A_1000 = arith.constant 0 : index
        %swap3A_1001 = tpu.vector_load %arg10[%swap3A_999, %swap3A_1000] {strides = array<i32>} : memref<512x96xf32, #tpu.memory_space<vmem>>, vector<16xf32>,
        tpu.vector_store %arg10[%swap3A_999, %swap3A_1000], %add3A_998 {strides = array<i32>} : memref<512x96xf32, #tpu.memory_space<vmem>>, vector<16xf32>,
        %mul3A_1002 = arith.mulf %broadcast_in_dim3A_990, %gather3A_996 : vector<16xf32>
        %add3A_1003 = arith.addf %gather3A_994, %mul3A_1002 : vector<16xf32>
        %swap3A_1004 = arith.index_cast %add3A_984 : i32 to index
        %swap3A_1005 = arith.constant 16 : index
        %swap3A_1006 = tpu.vector_load %arg10[%swap3A_1004, %swap3A_1005] {strides = array<i32>} : memref<512x96xf32, #tpu.memory_space<vmem>>, vector<16xf32>,
        tpu.vector_store %arg10[%swap3A_1004, %swap3A_1005], %add3A_1003 {strides = array<i32>} : memref<512x96xf32, #tpu.memory_space<vmem>>, vector<16xf32>,
        %slice3A_1007 = vector.extract_strided_slice %get3A_239 {offsets = [10], sizes = [1], strides = [1]} : vector<16xi32> to vector<1xi32>
        %squeeze3A_1008 = vector.extract %slice3A_1007[0] : i32 from vector<1xi32>
        %broadcast_in_dim3A_1009 = vector.broadcast %squeeze3A_1008 : i32 to vector<16xi32>
        %slice3A_1010 = vector.extract_strided_slice %get3A_257 {offsets = [10], sizes = [1], strides = [1]} : vector<16xf32> to vector<1xf32>
        %squeeze3A_1011 = vector.extract %slice3A_1010[0] : f32 from vector<1xf32>
        %broadcast_in_dim3A_1012 = vector.broadcast %squeeze3A_1011 : f32 to vector<16xf32>
        %add3A_1013 = arith.addi %broadcast_in_dim3A_1009, %iota3A : vector<16xi32>
        %add3A_1014 = arith.addi %broadcast_in_dim3A_1009, %add3A_136 : vector<16xi32>
        %gather3A_1015 = tpu.vector_load_idx %arg6[%add3A_1013] : memref<9312xf32, #tpu.memory_space<vmem>>[vector<16xi32>], vector<16xf32>,
        %gather3A_1016 = tpu.vector_load_idx %arg6[%add3A_1014] : memref<9312xf32, #tpu.memory_space<vmem>>[vector<16xi32>], vector<16xf32>,
        %gather3A_1017 = tpu.vector_load_idx %arg7[%add3A_1013] : memref<9312xf32, #tpu.memory_space<vmem>>[vector<16xi32>], vector<16xf32>,
        %gather3A_1018 = tpu.vector_load_idx %arg7[%add3A_1014] : memref<9312xf32, #tpu.memory_space<vmem>>[vector<16xi32>], vector<16xf32>,
        %mul3A_1019 = arith.mulf %broadcast_in_dim3A_1012, %gather3A_1017 : vector<16xf32>
        %add3A_1020 = arith.addf %gather3A_1015, %mul3A_1019 : vector<16xf32>
        %swap3A_1021 = arith.index_cast %add3A_984 : i32 to index
        %swap3A_1022 = arith.constant 32 : index
        %swap3A_1023 = tpu.vector_load %arg10[%swap3A_1021, %swap3A_1022] {strides = array<i32>} : memref<512x96xf32, #tpu.memory_space<vmem>>, vector<16xf32>,
        tpu.vector_store %arg10[%swap3A_1021, %swap3A_1022], %add3A_1020 {strides = array<i32>} : memref<512x96xf32, #tpu.memory_space<vmem>>, vector<16xf32>,
        %mul3A_1024 = arith.mulf %broadcast_in_dim3A_1012, %gather3A_1018 : vector<16xf32>
        %add3A_1025 = arith.addf %gather3A_1016, %mul3A_1024 : vector<16xf32>
        %swap3A_1026 = arith.index_cast %add3A_984 : i32 to index
        %swap3A_1027 = arith.constant 48 : index
        %swap3A_1028 = tpu.vector_load %arg10[%swap3A_1026, %swap3A_1027] {strides = array<i32>} : memref<512x96xf32, #tpu.memory_space<vmem>>, vector<16xf32>,
        tpu.vector_store %arg10[%swap3A_1026, %swap3A_1027], %add3A_1025 {strides = array<i32>} : memref<512x96xf32, #tpu.memory_space<vmem>>, vector<16xf32>,
        %slice3A_1029 = vector.extract_strided_slice %get3A_245 {offsets = [10], sizes = [1], strides = [1]} : vector<16xi32> to vector<1xi32>
        %squeeze3A_1030 = vector.extract %slice3A_1029[0] : i32 from vector<1xi32>
        %broadcast_in_dim3A_1031 = vector.broadcast %squeeze3A_1030 : i32 to vector<16xi32>
        %slice3A_1032 = vector.extract_strided_slice %get3A_263 {offsets = [10], sizes = [1], strides = [1]} : vector<16xf32> to vector<1xf32>
        %squeeze3A_1033 = vector.extract %slice3A_1032[0] : f32 from vector<1xf32>
        %broadcast_in_dim3A_1034 = vector.broadcast %squeeze3A_1033 : f32 to vector<16xf32>
        %add3A_1035 = arith.addi %broadcast_in_dim3A_1031, %iota3A : vector<16xi32>
        %add3A_1036 = arith.addi %broadcast_in_dim3A_1031, %add3A_136 : vector<16xi32>
        %gather3A_1037 = tpu.vector_load_idx %arg6[%add3A_1035] : memref<9312xf32, #tpu.memory_space<vmem>>[vector<16xi32>], vector<16xf32>,
        %gather3A_1038 = tpu.vector_load_idx %arg6[%add3A_1036] : memref<9312xf32, #tpu.memory_space<vmem>>[vector<16xi32>], vector<16xf32>,
        %gather3A_1039 = tpu.vector_load_idx %arg7[%add3A_1035] : memref<9312xf32, #tpu.memory_space<vmem>>[vector<16xi32>], vector<16xf32>,
        %gather3A_1040 = tpu.vector_load_idx %arg7[%add3A_1036] : memref<9312xf32, #tpu.memory_space<vmem>>[vector<16xi32>], vector<16xf32>,
        %mul3A_1041 = arith.mulf %broadcast_in_dim3A_1034, %gather3A_1039 : vector<16xf32>
        %add3A_1042 = arith.addf %gather3A_1037, %mul3A_1041 : vector<16xf32>
        %swap3A_1043 = arith.index_cast %add3A_984 : i32 to index
        %swap3A_1044 = arith.constant 64 : index
        %swap3A_1045 = tpu.vector_load %arg10[%swap3A_1043, %swap3A_1044] {strides = array<i32>} : memref<512x96xf32, #tpu.memory_space<vmem>>, vector<16xf32>,
        tpu.vector_store %arg10[%swap3A_1043, %swap3A_1044], %add3A_1042 {strides = array<i32>} : memref<512x96xf32, #tpu.memory_space<vmem>>, vector<16xf32>,
        %mul3A_1046 = arith.mulf %broadcast_in_dim3A_1034, %gather3A_1040 : vector<16xf32>
        %add3A_1047 = arith.addf %gather3A_1038, %mul3A_1046 : vector<16xf32>
        %swap3A_1048 = arith.index_cast %add3A_984 : i32 to index
        %swap3A_1049 = arith.constant 80 : index
        %swap3A_1050 = tpu.vector_load %arg10[%swap3A_1048, %swap3A_1049] {strides = array<i32>} : memref<512x96xf32, #tpu.memory_space<vmem>>, vector<16xf32>,
        tpu.vector_store %arg10[%swap3A_1048, %swap3A_1049], %add3A_1047 {strides = array<i32>} : memref<512x96xf32, #tpu.memory_space<vmem>>, vector<16xf32>,
        %mul3A_1051 = arith.constant 16 : i32
        %mul3A_1052 = arith.muli %scan3A_228, %mul3A_1051 : i32
        %add3A_1053 = arith.constant 0 : i32
        %add3A_1054 = arith.addi %add3A_1053, %mul3A_1052 : i32
        %add3A_1055 = arith.constant 11 : i32
        %add3A_1056 = arith.addi %add3A_1054, %add3A_1055 : i32
        %slice3A_1057 = vector.extract_strided_slice %get3A_233 {offsets = [11], sizes = [1], strides = [1]} : vector<16xi32> to vector<1xi32>
        %squeeze3A_1058 = vector.extract %slice3A_1057[0] : i32 from vector<1xi32>
        %broadcast_in_dim3A_1059 = vector.broadcast %squeeze3A_1058 : i32 to vector<16xi32>
        %slice3A_1060 = vector.extract_strided_slice %get3A_251 {offsets = [11], sizes = [1], strides = [1]} : vector<16xf32> to vector<1xf32>
        %squeeze3A_1061 = vector.extract %slice3A_1060[0] : f32 from vector<1xf32>
        %broadcast_in_dim3A_1062 = vector.broadcast %squeeze3A_1061 : f32 to vector<16xf32>
        %add3A_1063 = arith.addi %broadcast_in_dim3A_1059, %iota3A : vector<16xi32>
        %add3A_1064 = arith.addi %broadcast_in_dim3A_1059, %add3A_136 : vector<16xi32>
        %gather3A_1065 = tpu.vector_load_idx %arg6[%add3A_1063] : memref<9312xf32, #tpu.memory_space<vmem>>[vector<16xi32>], vector<16xf32>,
        %gather3A_1066 = tpu.vector_load_idx %arg6[%add3A_1064] : memref<9312xf32, #tpu.memory_space<vmem>>[vector<16xi32>], vector<16xf32>,
        %gather3A_1067 = tpu.vector_load_idx %arg7[%add3A_1063] : memref<9312xf32, #tpu.memory_space<vmem>>[vector<16xi32>], vector<16xf32>,
        %gather3A_1068 = tpu.vector_load_idx %arg7[%add3A_1064] : memref<9312xf32, #tpu.memory_space<vmem>>[vector<16xi32>], vector<16xf32>,
        %mul3A_1069 = arith.mulf %broadcast_in_dim3A_1062, %gather3A_1067 : vector<16xf32>
        %add3A_1070 = arith.addf %gather3A_1065, %mul3A_1069 : vector<16xf32>
        %swap3A_1071 = arith.index_cast %add3A_1056 : i32 to index
        %swap3A_1072 = arith.constant 0 : index
        %swap3A_1073 = tpu.vector_load %arg10[%swap3A_1071, %swap3A_1072] {strides = array<i32>} : memref<512x96xf32, #tpu.memory_space<vmem>>, vector<16xf32>,
        tpu.vector_store %arg10[%swap3A_1071, %swap3A_1072], %add3A_1070 {strides = array<i32>} : memref<512x96xf32, #tpu.memory_space<vmem>>, vector<16xf32>,
        %mul3A_1074 = arith.mulf %broadcast_in_dim3A_1062, %gather3A_1068 : vector<16xf32>
        %add3A_1075 = arith.addf %gather3A_1066, %mul3A_1074 : vector<16xf32>
        %swap3A_1076 = arith.index_cast %add3A_1056 : i32 to index
        %swap3A_1077 = arith.constant 16 : index
        %swap3A_1078 = tpu.vector_load %arg10[%swap3A_1076, %swap3A_1077] {strides = array<i32>} : memref<512x96xf32, #tpu.memory_space<vmem>>, vector<16xf32>,
        tpu.vector_store %arg10[%swap3A_1076, %swap3A_1077], %add3A_1075 {strides = array<i32>} : memref<512x96xf32, #tpu.memory_space<vmem>>, vector<16xf32>,
        %slice3A_1079 = vector.extract_strided_slice %get3A_239 {offsets = [11], sizes = [1], strides = [1]} : vector<16xi32> to vector<1xi32>
        %squeeze3A_1080 = vector.extract %slice3A_1079[0] : i32 from vector<1xi32>
        %broadcast_in_dim3A_1081 = vector.broadcast %squeeze3A_1080 : i32 to vector<16xi32>
        %slice3A_1082 = vector.extract_strided_slice %get3A_257 {offsets = [11], sizes = [1], strides = [1]} : vector<16xf32> to vector<1xf32>
        %squeeze3A_1083 = vector.extract %slice3A_1082[0] : f32 from vector<1xf32>
        %broadcast_in_dim3A_1084 = vector.broadcast %squeeze3A_1083 : f32 to vector<16xf32>
        %add3A_1085 = arith.addi %broadcast_in_dim3A_1081, %iota3A : vector<16xi32>
        %add3A_1086 = arith.addi %broadcast_in_dim3A_1081, %add3A_136 : vector<16xi32>
        %gather3A_1087 = tpu.vector_load_idx %arg6[%add3A_1085] : memref<9312xf32, #tpu.memory_space<vmem>>[vector<16xi32>], vector<16xf32>,
        %gather3A_1088 = tpu.vector_load_idx %arg6[%add3A_1086] : memref<9312xf32, #tpu.memory_space<vmem>>[vector<16xi32>], vector<16xf32>,
        %gather3A_1089 = tpu.vector_load_idx %arg7[%add3A_1085] : memref<9312xf32, #tpu.memory_space<vmem>>[vector<16xi32>], vector<16xf32>,
        %gather3A_1090 = tpu.vector_load_idx %arg7[%add3A_1086] : memref<9312xf32, #tpu.memory_space<vmem>>[vector<16xi32>], vector<16xf32>,
        %mul3A_1091 = arith.mulf %broadcast_in_dim3A_1084, %gather3A_1089 : vector<16xf32>
        %add3A_1092 = arith.addf %gather3A_1087, %mul3A_1091 : vector<16xf32>
        %swap3A_1093 = arith.index_cast %add3A_1056 : i32 to index
        %swap3A_1094 = arith.constant 32 : index
        %swap3A_1095 = tpu.vector_load %arg10[%swap3A_1093, %swap3A_1094] {strides = array<i32>} : memref<512x96xf32, #tpu.memory_space<vmem>>, vector<16xf32>,
        tpu.vector_store %arg10[%swap3A_1093, %swap3A_1094], %add3A_1092 {strides = array<i32>} : memref<512x96xf32, #tpu.memory_space<vmem>>, vector<16xf32>,
        %mul3A_1096 = arith.mulf %broadcast_in_dim3A_1084, %gather3A_1090 : vector<16xf32>
        %add3A_1097 = arith.addf %gather3A_1088, %mul3A_1096 : vector<16xf32>
        %swap3A_1098 = arith.index_cast %add3A_1056 : i32 to index
        %swap3A_1099 = arith.constant 48 : index
        %swap3A_1100 = tpu.vector_load %arg10[%swap3A_1098, %swap3A_1099] {strides = array<i32>} : memref<512x96xf32, #tpu.memory_space<vmem>>, vector<16xf32>,
        tpu.vector_store %arg10[%swap3A_1098, %swap3A_1099], %add3A_1097 {strides = array<i32>} : memref<512x96xf32, #tpu.memory_space<vmem>>, vector<16xf32>,
        %slice3A_1101 = vector.extract_strided_slice %get3A_245 {offsets = [11], sizes = [1], strides = [1]} : vector<16xi32> to vector<1xi32>
        %squeeze3A_1102 = vector.extract %slice3A_1101[0] : i32 from vector<1xi32>
        %broadcast_in_dim3A_1103 = vector.broadcast %squeeze3A_1102 : i32 to vector<16xi32>
        %slice3A_1104 = vector.extract_strided_slice %get3A_263 {offsets = [11], sizes = [1], strides = [1]} : vector<16xf32> to vector<1xf32>
        %squeeze3A_1105 = vector.extract %slice3A_1104[0] : f32 from vector<1xf32>
        %broadcast_in_dim3A_1106 = vector.broadcast %squeeze3A_1105 : f32 to vector<16xf32>
        %add3A_1107 = arith.addi %broadcast_in_dim3A_1103, %iota3A : vector<16xi32>
        %add3A_1108 = arith.addi %broadcast_in_dim3A_1103, %add3A_136 : vector<16xi32>
        %gather3A_1109 = tpu.vector_load_idx %arg6[%add3A_1107] : memref<9312xf32, #tpu.memory_space<vmem>>[vector<16xi32>], vector<16xf32>,
        %gather3A_1110 = tpu.vector_load_idx %arg6[%add3A_1108] : memref<9312xf32, #tpu.memory_space<vmem>>[vector<16xi32>], vector<16xf32>,
        %gather3A_1111 = tpu.vector_load_idx %arg7[%add3A_1107] : memref<9312xf32, #tpu.memory_space<vmem>>[vector<16xi32>], vector<16xf32>,
        %gather3A_1112 = tpu.vector_load_idx %arg7[%add3A_1108] : memref<9312xf32, #tpu.memory_space<vmem>>[vector<16xi32>], vector<16xf32>,
        %mul3A_1113 = arith.mulf %broadcast_in_dim3A_1106, %gather3A_1111 : vector<16xf32>
        %add3A_1114 = arith.addf %gather3A_1109, %mul3A_1113 : vector<16xf32>
        %swap3A_1115 = arith.index_cast %add3A_1056 : i32 to index
        %swap3A_1116 = arith.constant 64 : index
        %swap3A_1117 = tpu.vector_load %arg10[%swap3A_1115, %swap3A_1116] {strides = array<i32>} : memref<512x96xf32, #tpu.memory_space<vmem>>, vector<16xf32>,
        tpu.vector_store %arg10[%swap3A_1115, %swap3A_1116], %add3A_1114 {strides = array<i32>} : memref<512x96xf32, #tpu.memory_space<vmem>>, vector<16xf32>,
        %mul3A_1118 = arith.mulf %broadcast_in_dim3A_1106, %gather3A_1112 : vector<16xf32>
        %add3A_1119 = arith.addf %gather3A_1110, %mul3A_1118 : vector<16xf32>
        %swap3A_1120 = arith.index_cast %add3A_1056 : i32 to index
        %swap3A_1121 = arith.constant 80 : index
        %swap3A_1122 = tpu.vector_load %arg10[%swap3A_1120, %swap3A_1121] {strides = array<i32>} : memref<512x96xf32, #tpu.memory_space<vmem>>, vector<16xf32>,
        tpu.vector_store %arg10[%swap3A_1120, %swap3A_1121], %add3A_1119 {strides = array<i32>} : memref<512x96xf32, #tpu.memory_space<vmem>>, vector<16xf32>,
        %mul3A_1123 = arith.constant 16 : i32
        %mul3A_1124 = arith.muli %scan3A_228, %mul3A_1123 : i32
        %add3A_1125 = arith.constant 0 : i32
        %add3A_1126 = arith.addi %add3A_1125, %mul3A_1124 : i32
        %add3A_1127 = arith.constant 12 : i32
        %add3A_1128 = arith.addi %add3A_1126, %add3A_1127 : i32
        %slice3A_1129 = vector.extract_strided_slice %get3A_233 {offsets = [12], sizes = [1], strides = [1]} : vector<16xi32> to vector<1xi32>
        %squeeze3A_1130 = vector.extract %slice3A_1129[0] : i32 from vector<1xi32>
        %broadcast_in_dim3A_1131 = vector.broadcast %squeeze3A_1130 : i32 to vector<16xi32>
        %slice3A_1132 = vector.extract_strided_slice %get3A_251 {offsets = [12], sizes = [1], strides = [1]} : vector<16xf32> to vector<1xf32>
        %squeeze3A_1133 = vector.extract %slice3A_1132[0] : f32 from vector<1xf32>
        %broadcast_in_dim3A_1134 = vector.broadcast %squeeze3A_1133 : f32 to vector<16xf32>
        %add3A_1135 = arith.addi %broadcast_in_dim3A_1131, %iota3A : vector<16xi32>
        %add3A_1136 = arith.addi %broadcast_in_dim3A_1131, %add3A_136 : vector<16xi32>
        %gather3A_1137 = tpu.vector_load_idx %arg6[%add3A_1135] : memref<9312xf32, #tpu.memory_space<vmem>>[vector<16xi32>], vector<16xf32>,
        %gather3A_1138 = tpu.vector_load_idx %arg6[%add3A_1136] : memref<9312xf32, #tpu.memory_space<vmem>>[vector<16xi32>], vector<16xf32>,
        %gather3A_1139 = tpu.vector_load_idx %arg7[%add3A_1135] : memref<9312xf32, #tpu.memory_space<vmem>>[vector<16xi32>], vector<16xf32>,
        %gather3A_1140 = tpu.vector_load_idx %arg7[%add3A_1136] : memref<9312xf32, #tpu.memory_space<vmem>>[vector<16xi32>], vector<16xf32>,
        %mul3A_1141 = arith.mulf %broadcast_in_dim3A_1134, %gather3A_1139 : vector<16xf32>
        %add3A_1142 = arith.addf %gather3A_1137, %mul3A_1141 : vector<16xf32>
        %swap3A_1143 = arith.index_cast %add3A_1128 : i32 to index
        %swap3A_1144 = arith.constant 0 : index
        %swap3A_1145 = tpu.vector_load %arg10[%swap3A_1143, %swap3A_1144] {strides = array<i32>} : memref<512x96xf32, #tpu.memory_space<vmem>>, vector<16xf32>,
        tpu.vector_store %arg10[%swap3A_1143, %swap3A_1144], %add3A_1142 {strides = array<i32>} : memref<512x96xf32, #tpu.memory_space<vmem>>, vector<16xf32>,
        %mul3A_1146 = arith.mulf %broadcast_in_dim3A_1134, %gather3A_1140 : vector<16xf32>
        %add3A_1147 = arith.addf %gather3A_1138, %mul3A_1146 : vector<16xf32>
        %swap3A_1148 = arith.index_cast %add3A_1128 : i32 to index
        %swap3A_1149 = arith.constant 16 : index
        %swap3A_1150 = tpu.vector_load %arg10[%swap3A_1148, %swap3A_1149] {strides = array<i32>} : memref<512x96xf32, #tpu.memory_space<vmem>>, vector<16xf32>,
        tpu.vector_store %arg10[%swap3A_1148, %swap3A_1149], %add3A_1147 {strides = array<i32>} : memref<512x96xf32, #tpu.memory_space<vmem>>, vector<16xf32>,
        %slice3A_1151 = vector.extract_strided_slice %get3A_239 {offsets = [12], sizes = [1], strides = [1]} : vector<16xi32> to vector<1xi32>
        %squeeze3A_1152 = vector.extract %slice3A_1151[0] : i32 from vector<1xi32>
        %broadcast_in_dim3A_1153 = vector.broadcast %squeeze3A_1152 : i32 to vector<16xi32>
        %slice3A_1154 = vector.extract_strided_slice %get3A_257 {offsets = [12], sizes = [1], strides = [1]} : vector<16xf32> to vector<1xf32>
        %squeeze3A_1155 = vector.extract %slice3A_1154[0] : f32 from vector<1xf32>
        %broadcast_in_dim3A_1156 = vector.broadcast %squeeze3A_1155 : f32 to vector<16xf32>
        %add3A_1157 = arith.addi %broadcast_in_dim3A_1153, %iota3A : vector<16xi32>
        %add3A_1158 = arith.addi %broadcast_in_dim3A_1153, %add3A_136 : vector<16xi32>
        %gather3A_1159 = tpu.vector_load_idx %arg6[%add3A_1157] : memref<9312xf32, #tpu.memory_space<vmem>>[vector<16xi32>], vector<16xf32>,
        %gather3A_1160 = tpu.vector_load_idx %arg6[%add3A_1158] : memref<9312xf32, #tpu.memory_space<vmem>>[vector<16xi32>], vector<16xf32>,
        %gather3A_1161 = tpu.vector_load_idx %arg7[%add3A_1157] : memref<9312xf32, #tpu.memory_space<vmem>>[vector<16xi32>], vector<16xf32>,
        %gather3A_1162 = tpu.vector_load_idx %arg7[%add3A_1158] : memref<9312xf32, #tpu.memory_space<vmem>>[vector<16xi32>], vector<16xf32>,
        %mul3A_1163 = arith.mulf %broadcast_in_dim3A_1156, %gather3A_1161 : vector<16xf32>
        %add3A_1164 = arith.addf %gather3A_1159, %mul3A_1163 : vector<16xf32>
        %swap3A_1165 = arith.index_cast %add3A_1128 : i32 to index
        %swap3A_1166 = arith.constant 32 : index
        %swap3A_1167 = tpu.vector_load %arg10[%swap3A_1165, %swap3A_1166] {strides = array<i32>} : memref<512x96xf32, #tpu.memory_space<vmem>>, vector<16xf32>,
        tpu.vector_store %arg10[%swap3A_1165, %swap3A_1166], %add3A_1164 {strides = array<i32>} : memref<512x96xf32, #tpu.memory_space<vmem>>, vector<16xf32>,
        %mul3A_1168 = arith.mulf %broadcast_in_dim3A_1156, %gather3A_1162 : vector<16xf32>
        %add3A_1169 = arith.addf %gather3A_1160, %mul3A_1168 : vector<16xf32>
        %swap3A_1170 = arith.index_cast %add3A_1128 : i32 to index
        %swap3A_1171 = arith.constant 48 : index
        %swap3A_1172 = tpu.vector_load %arg10[%swap3A_1170, %swap3A_1171] {strides = array<i32>} : memref<512x96xf32, #tpu.memory_space<vmem>>, vector<16xf32>,
        tpu.vector_store %arg10[%swap3A_1170, %swap3A_1171], %add3A_1169 {strides = array<i32>} : memref<512x96xf32, #tpu.memory_space<vmem>>, vector<16xf32>,
        %slice3A_1173 = vector.extract_strided_slice %get3A_245 {offsets = [12], sizes = [1], strides = [1]} : vector<16xi32> to vector<1xi32>
        %squeeze3A_1174 = vector.extract %slice3A_1173[0] : i32 from vector<1xi32>
        %broadcast_in_dim3A_1175 = vector.broadcast %squeeze3A_1174 : i32 to vector<16xi32>
        %slice3A_1176 = vector.extract_strided_slice %get3A_263 {offsets = [12], sizes = [1], strides = [1]} : vector<16xf32> to vector<1xf32>
        %squeeze3A_1177 = vector.extract %slice3A_1176[0] : f32 from vector<1xf32>
        %broadcast_in_dim3A_1178 = vector.broadcast %squeeze3A_1177 : f32 to vector<16xf32>
        %add3A_1179 = arith.addi %broadcast_in_dim3A_1175, %iota3A : vector<16xi32>
        %add3A_1180 = arith.addi %broadcast_in_dim3A_1175, %add3A_136 : vector<16xi32>
        %gather3A_1181 = tpu.vector_load_idx %arg6[%add3A_1179] : memref<9312xf32, #tpu.memory_space<vmem>>[vector<16xi32>], vector<16xf32>,
        %gather3A_1182 = tpu.vector_load_idx %arg6[%add3A_1180] : memref<9312xf32, #tpu.memory_space<vmem>>[vector<16xi32>], vector<16xf32>,
        %gather3A_1183 = tpu.vector_load_idx %arg7[%add3A_1179] : memref<9312xf32, #tpu.memory_space<vmem>>[vector<16xi32>], vector<16xf32>,
        %gather3A_1184 = tpu.vector_load_idx %arg7[%add3A_1180] : memref<9312xf32, #tpu.memory_space<vmem>>[vector<16xi32>], vector<16xf32>,
        %mul3A_1185 = arith.mulf %broadcast_in_dim3A_1178, %gather3A_1183 : vector<16xf32>
        %add3A_1186 = arith.addf %gather3A_1181, %mul3A_1185 : vector<16xf32>
        %swap3A_1187 = arith.index_cast %add3A_1128 : i32 to index
        %swap3A_1188 = arith.constant 64 : index
        %swap3A_1189 = tpu.vector_load %arg10[%swap3A_1187, %swap3A_1188] {strides = array<i32>} : memref<512x96xf32, #tpu.memory_space<vmem>>, vector<16xf32>,
        tpu.vector_store %arg10[%swap3A_1187, %swap3A_1188], %add3A_1186 {strides = array<i32>} : memref<512x96xf32, #tpu.memory_space<vmem>>, vector<16xf32>,
        %mul3A_1190 = arith.mulf %broadcast_in_dim3A_1178, %gather3A_1184 : vector<16xf32>
        %add3A_1191 = arith.addf %gather3A_1182, %mul3A_1190 : vector<16xf32>
        %swap3A_1192 = arith.index_cast %add3A_1128 : i32 to index
        %swap3A_1193 = arith.constant 80 : index
        %swap3A_1194 = tpu.vector_load %arg10[%swap3A_1192, %swap3A_1193] {strides = array<i32>} : memref<512x96xf32, #tpu.memory_space<vmem>>, vector<16xf32>,
        tpu.vector_store %arg10[%swap3A_1192, %swap3A_1193], %add3A_1191 {strides = array<i32>} : memref<512x96xf32, #tpu.memory_space<vmem>>, vector<16xf32>,
        %mul3A_1195 = arith.constant 16 : i32
        %mul3A_1196 = arith.muli %scan3A_228, %mul3A_1195 : i32
        %add3A_1197 = arith.constant 0 : i32
        %add3A_1198 = arith.addi %add3A_1197, %mul3A_1196 : i32
        %add3A_1199 = arith.constant 13 : i32
        %add3A_1200 = arith.addi %add3A_1198, %add3A_1199 : i32
        %slice3A_1201 = vector.extract_strided_slice %get3A_233 {offsets = [13], sizes = [1], strides = [1]} : vector<16xi32> to vector<1xi32>
        %squeeze3A_1202 = vector.extract %slice3A_1201[0] : i32 from vector<1xi32>
        %broadcast_in_dim3A_1203 = vector.broadcast %squeeze3A_1202 : i32 to vector<16xi32>
        %slice3A_1204 = vector.extract_strided_slice %get3A_251 {offsets = [13], sizes = [1], strides = [1]} : vector<16xf32> to vector<1xf32>
        %squeeze3A_1205 = vector.extract %slice3A_1204[0] : f32 from vector<1xf32>
        %broadcast_in_dim3A_1206 = vector.broadcast %squeeze3A_1205 : f32 to vector<16xf32>
        %add3A_1207 = arith.addi %broadcast_in_dim3A_1203, %iota3A : vector<16xi32>
        %add3A_1208 = arith.addi %broadcast_in_dim3A_1203, %add3A_136 : vector<16xi32>
        %gather3A_1209 = tpu.vector_load_idx %arg6[%add3A_1207] : memref<9312xf32, #tpu.memory_space<vmem>>[vector<16xi32>], vector<16xf32>,
        %gather3A_1210 = tpu.vector_load_idx %arg6[%add3A_1208] : memref<9312xf32, #tpu.memory_space<vmem>>[vector<16xi32>], vector<16xf32>,
        %gather3A_1211 = tpu.vector_load_idx %arg7[%add3A_1207] : memref<9312xf32, #tpu.memory_space<vmem>>[vector<16xi32>], vector<16xf32>,
        %gather3A_1212 = tpu.vector_load_idx %arg7[%add3A_1208] : memref<9312xf32, #tpu.memory_space<vmem>>[vector<16xi32>], vector<16xf32>,
        %mul3A_1213 = arith.mulf %broadcast_in_dim3A_1206, %gather3A_1211 : vector<16xf32>
        %add3A_1214 = arith.addf %gather3A_1209, %mul3A_1213 : vector<16xf32>
        %swap3A_1215 = arith.index_cast %add3A_1200 : i32 to index
        %swap3A_1216 = arith.constant 0 : index
        %swap3A_1217 = tpu.vector_load %arg10[%swap3A_1215, %swap3A_1216] {strides = array<i32>} : memref<512x96xf32, #tpu.memory_space<vmem>>, vector<16xf32>,
        tpu.vector_store %arg10[%swap3A_1215, %swap3A_1216], %add3A_1214 {strides = array<i32>} : memref<512x96xf32, #tpu.memory_space<vmem>>, vector<16xf32>,
        %mul3A_1218 = arith.mulf %broadcast_in_dim3A_1206, %gather3A_1212 : vector<16xf32>
        %add3A_1219 = arith.addf %gather3A_1210, %mul3A_1218 : vector<16xf32>
        %swap3A_1220 = arith.index_cast %add3A_1200 : i32 to index
        %swap3A_1221 = arith.constant 16 : index
        %swap3A_1222 = tpu.vector_load %arg10[%swap3A_1220, %swap3A_1221] {strides = array<i32>} : memref<512x96xf32, #tpu.memory_space<vmem>>, vector<16xf32>,
        tpu.vector_store %arg10[%swap3A_1220, %swap3A_1221], %add3A_1219 {strides = array<i32>} : memref<512x96xf32, #tpu.memory_space<vmem>>, vector<16xf32>,
        %slice3A_1223 = vector.extract_strided_slice %get3A_239 {offsets = [13], sizes = [1], strides = [1]} : vector<16xi32> to vector<1xi32>
        %squeeze3A_1224 = vector.extract %slice3A_1223[0] : i32 from vector<1xi32>
        %broadcast_in_dim3A_1225 = vector.broadcast %squeeze3A_1224 : i32 to vector<16xi32>
        %slice3A_1226 = vector.extract_strided_slice %get3A_257 {offsets = [13], sizes = [1], strides = [1]} : vector<16xf32> to vector<1xf32>
        %squeeze3A_1227 = vector.extract %slice3A_1226[0] : f32 from vector<1xf32>
        %broadcast_in_dim3A_1228 = vector.broadcast %squeeze3A_1227 : f32 to vector<16xf32>
        %add3A_1229 = arith.addi %broadcast_in_dim3A_1225, %iota3A : vector<16xi32>
        %add3A_1230 = arith.addi %broadcast_in_dim3A_1225, %add3A_136 : vector<16xi32>
        %gather3A_1231 = tpu.vector_load_idx %arg6[%add3A_1229] : memref<9312xf32, #tpu.memory_space<vmem>>[vector<16xi32>], vector<16xf32>,
        %gather3A_1232 = tpu.vector_load_idx %arg6[%add3A_1230] : memref<9312xf32, #tpu.memory_space<vmem>>[vector<16xi32>], vector<16xf32>,
        %gather3A_1233 = tpu.vector_load_idx %arg7[%add3A_1229] : memref<9312xf32, #tpu.memory_space<vmem>>[vector<16xi32>], vector<16xf32>,
        %gather3A_1234 = tpu.vector_load_idx %arg7[%add3A_1230] : memref<9312xf32, #tpu.memory_space<vmem>>[vector<16xi32>], vector<16xf32>,
        %mul3A_1235 = arith.mulf %broadcast_in_dim3A_1228, %gather3A_1233 : vector<16xf32>
        %add3A_1236 = arith.addf %gather3A_1231, %mul3A_1235 : vector<16xf32>
        %swap3A_1237 = arith.index_cast %add3A_1200 : i32 to index
        %swap3A_1238 = arith.constant 32 : index
        %swap3A_1239 = tpu.vector_load %arg10[%swap3A_1237, %swap3A_1238] {strides = array<i32>} : memref<512x96xf32, #tpu.memory_space<vmem>>, vector<16xf32>,
        tpu.vector_store %arg10[%swap3A_1237, %swap3A_1238], %add3A_1236 {strides = array<i32>} : memref<512x96xf32, #tpu.memory_space<vmem>>, vector<16xf32>,
        %mul3A_1240 = arith.mulf %broadcast_in_dim3A_1228, %gather3A_1234 : vector<16xf32>
        %add3A_1241 = arith.addf %gather3A_1232, %mul3A_1240 : vector<16xf32>
        %swap3A_1242 = arith.index_cast %add3A_1200 : i32 to index
        %swap3A_1243 = arith.constant 48 : index
        %swap3A_1244 = tpu.vector_load %arg10[%swap3A_1242, %swap3A_1243] {strides = array<i32>} : memref<512x96xf32, #tpu.memory_space<vmem>>, vector<16xf32>,
        tpu.vector_store %arg10[%swap3A_1242, %swap3A_1243], %add3A_1241 {strides = array<i32>} : memref<512x96xf32, #tpu.memory_space<vmem>>, vector<16xf32>,
        %slice3A_1245 = vector.extract_strided_slice %get3A_245 {offsets = [13], sizes = [1], strides = [1]} : vector<16xi32> to vector<1xi32>
        %squeeze3A_1246 = vector.extract %slice3A_1245[0] : i32 from vector<1xi32>
        %broadcast_in_dim3A_1247 = vector.broadcast %squeeze3A_1246 : i32 to vector<16xi32>
        %slice3A_1248 = vector.extract_strided_slice %get3A_263 {offsets = [13], sizes = [1], strides = [1]} : vector<16xf32> to vector<1xf32>
        %squeeze3A_1249 = vector.extract %slice3A_1248[0] : f32 from vector<1xf32>
        %broadcast_in_dim3A_1250 = vector.broadcast %squeeze3A_1249 : f32 to vector<16xf32>
        %add3A_1251 = arith.addi %broadcast_in_dim3A_1247, %iota3A : vector<16xi32>
        %add3A_1252 = arith.addi %broadcast_in_dim3A_1247, %add3A_136 : vector<16xi32>
        %gather3A_1253 = tpu.vector_load_idx %arg6[%add3A_1251] : memref<9312xf32, #tpu.memory_space<vmem>>[vector<16xi32>], vector<16xf32>,
        %gather3A_1254 = tpu.vector_load_idx %arg6[%add3A_1252] : memref<9312xf32, #tpu.memory_space<vmem>>[vector<16xi32>], vector<16xf32>,
        %gather3A_1255 = tpu.vector_load_idx %arg7[%add3A_1251] : memref<9312xf32, #tpu.memory_space<vmem>>[vector<16xi32>], vector<16xf32>,
        %gather3A_1256 = tpu.vector_load_idx %arg7[%add3A_1252] : memref<9312xf32, #tpu.memory_space<vmem>>[vector<16xi32>], vector<16xf32>,
        %mul3A_1257 = arith.mulf %broadcast_in_dim3A_1250, %gather3A_1255 : vector<16xf32>
        %add3A_1258 = arith.addf %gather3A_1253, %mul3A_1257 : vector<16xf32>
        %swap3A_1259 = arith.index_cast %add3A_1200 : i32 to index
        %swap3A_1260 = arith.constant 64 : index
        %swap3A_1261 = tpu.vector_load %arg10[%swap3A_1259, %swap3A_1260] {strides = array<i32>} : memref<512x96xf32, #tpu.memory_space<vmem>>, vector<16xf32>,
        tpu.vector_store %arg10[%swap3A_1259, %swap3A_1260], %add3A_1258 {strides = array<i32>} : memref<512x96xf32, #tpu.memory_space<vmem>>, vector<16xf32>,
        %mul3A_1262 = arith.mulf %broadcast_in_dim3A_1250, %gather3A_1256 : vector<16xf32>
        %add3A_1263 = arith.addf %gather3A_1254, %mul3A_1262 : vector<16xf32>
        %swap3A_1264 = arith.index_cast %add3A_1200 : i32 to index
        %swap3A_1265 = arith.constant 80 : index
        %swap3A_1266 = tpu.vector_load %arg10[%swap3A_1264, %swap3A_1265] {strides = array<i32>} : memref<512x96xf32, #tpu.memory_space<vmem>>, vector<16xf32>,
        tpu.vector_store %arg10[%swap3A_1264, %swap3A_1265], %add3A_1263 {strides = array<i32>} : memref<512x96xf32, #tpu.memory_space<vmem>>, vector<16xf32>,
        %mul3A_1267 = arith.constant 16 : i32
        %mul3A_1268 = arith.muli %scan3A_228, %mul3A_1267 : i32
        %add3A_1269 = arith.constant 0 : i32
        %add3A_1270 = arith.addi %add3A_1269, %mul3A_1268 : i32
        %add3A_1271 = arith.constant 14 : i32
        %add3A_1272 = arith.addi %add3A_1270, %add3A_1271 : i32
        %slice3A_1273 = vector.extract_strided_slice %get3A_233 {offsets = [14], sizes = [1], strides = [1]} : vector<16xi32> to vector<1xi32>
        %squeeze3A_1274 = vector.extract %slice3A_1273[0] : i32 from vector<1xi32>
        %broadcast_in_dim3A_1275 = vector.broadcast %squeeze3A_1274 : i32 to vector<16xi32>
        %slice3A_1276 = vector.extract_strided_slice %get3A_251 {offsets = [14], sizes = [1], strides = [1]} : vector<16xf32> to vector<1xf32>
        %squeeze3A_1277 = vector.extract %slice3A_1276[0] : f32 from vector<1xf32>
        %broadcast_in_dim3A_1278 = vector.broadcast %squeeze3A_1277 : f32 to vector<16xf32>
        %add3A_1279 = arith.addi %broadcast_in_dim3A_1275, %iota3A : vector<16xi32>
        %add3A_1280 = arith.addi %broadcast_in_dim3A_1275, %add3A_136 : vector<16xi32>
        %gather3A_1281 = tpu.vector_load_idx %arg6[%add3A_1279] : memref<9312xf32, #tpu.memory_space<vmem>>[vector<16xi32>], vector<16xf32>,
        %gather3A_1282 = tpu.vector_load_idx %arg6[%add3A_1280] : memref<9312xf32, #tpu.memory_space<vmem>>[vector<16xi32>], vector<16xf32>,
        %gather3A_1283 = tpu.vector_load_idx %arg7[%add3A_1279] : memref<9312xf32, #tpu.memory_space<vmem>>[vector<16xi32>], vector<16xf32>,
        %gather3A_1284 = tpu.vector_load_idx %arg7[%add3A_1280] : memref<9312xf32, #tpu.memory_space<vmem>>[vector<16xi32>], vector<16xf32>,
        %mul3A_1285 = arith.mulf %broadcast_in_dim3A_1278, %gather3A_1283 : vector<16xf32>
        %add3A_1286 = arith.addf %gather3A_1281, %mul3A_1285 : vector<16xf32>
        %swap3A_1287 = arith.index_cast %add3A_1272 : i32 to index
        %swap3A_1288 = arith.constant 0 : index
        %swap3A_1289 = tpu.vector_load %arg10[%swap3A_1287, %swap3A_1288] {strides = array<i32>} : memref<512x96xf32, #tpu.memory_space<vmem>>, vector<16xf32>,
        tpu.vector_store %arg10[%swap3A_1287, %swap3A_1288], %add3A_1286 {strides = array<i32>} : memref<512x96xf32, #tpu.memory_space<vmem>>, vector<16xf32>,
        %mul3A_1290 = arith.mulf %broadcast_in_dim3A_1278, %gather3A_1284 : vector<16xf32>
        %add3A_1291 = arith.addf %gather3A_1282, %mul3A_1290 : vector<16xf32>
        %swap3A_1292 = arith.index_cast %add3A_1272 : i32 to index
        %swap3A_1293 = arith.constant 16 : index
        %swap3A_1294 = tpu.vector_load %arg10[%swap3A_1292, %swap3A_1293] {strides = array<i32>} : memref<512x96xf32, #tpu.memory_space<vmem>>, vector<16xf32>,
        tpu.vector_store %arg10[%swap3A_1292, %swap3A_1293], %add3A_1291 {strides = array<i32>} : memref<512x96xf32, #tpu.memory_space<vmem>>, vector<16xf32>,
        %slice3A_1295 = vector.extract_strided_slice %get3A_239 {offsets = [14], sizes = [1], strides = [1]} : vector<16xi32> to vector<1xi32>
        %squeeze3A_1296 = vector.extract %slice3A_1295[0] : i32 from vector<1xi32>
        %broadcast_in_dim3A_1297 = vector.broadcast %squeeze3A_1296 : i32 to vector<16xi32>
        %slice3A_1298 = vector.extract_strided_slice %get3A_257 {offsets = [14], sizes = [1], strides = [1]} : vector<16xf32> to vector<1xf32>
        %squeeze3A_1299 = vector.extract %slice3A_1298[0] : f32 from vector<1xf32>
        %broadcast_in_dim3A_1300 = vector.broadcast %squeeze3A_1299 : f32 to vector<16xf32>
        %add3A_1301 = arith.addi %broadcast_in_dim3A_1297, %iota3A : vector<16xi32>
        %add3A_1302 = arith.addi %broadcast_in_dim3A_1297, %add3A_136 : vector<16xi32>
        %gather3A_1303 = tpu.vector_load_idx %arg6[%add3A_1301] : memref<9312xf32, #tpu.memory_space<vmem>>[vector<16xi32>], vector<16xf32>,
        %gather3A_1304 = tpu.vector_load_idx %arg6[%add3A_1302] : memref<9312xf32, #tpu.memory_space<vmem>>[vector<16xi32>], vector<16xf32>,
        %gather3A_1305 = tpu.vector_load_idx %arg7[%add3A_1301] : memref<9312xf32, #tpu.memory_space<vmem>>[vector<16xi32>], vector<16xf32>,
        %gather3A_1306 = tpu.vector_load_idx %arg7[%add3A_1302] : memref<9312xf32, #tpu.memory_space<vmem>>[vector<16xi32>], vector<16xf32>,
        %mul3A_1307 = arith.mulf %broadcast_in_dim3A_1300, %gather3A_1305 : vector<16xf32>
        %add3A_1308 = arith.addf %gather3A_1303, %mul3A_1307 : vector<16xf32>
        %swap3A_1309 = arith.index_cast %add3A_1272 : i32 to index
        %swap3A_1310 = arith.constant 32 : index
        %swap3A_1311 = tpu.vector_load %arg10[%swap3A_1309, %swap3A_1310] {strides = array<i32>} : memref<512x96xf32, #tpu.memory_space<vmem>>, vector<16xf32>,
        tpu.vector_store %arg10[%swap3A_1309, %swap3A_1310], %add3A_1308 {strides = array<i32>} : memref<512x96xf32, #tpu.memory_space<vmem>>, vector<16xf32>,
        %mul3A_1312 = arith.mulf %broadcast_in_dim3A_1300, %gather3A_1306 : vector<16xf32>
        %add3A_1313 = arith.addf %gather3A_1304, %mul3A_1312 : vector<16xf32>
        %swap3A_1314 = arith.index_cast %add3A_1272 : i32 to index
        %swap3A_1315 = arith.constant 48 : index
        %swap3A_1316 = tpu.vector_load %arg10[%swap3A_1314, %swap3A_1315] {strides = array<i32>} : memref<512x96xf32, #tpu.memory_space<vmem>>, vector<16xf32>,
        tpu.vector_store %arg10[%swap3A_1314, %swap3A_1315], %add3A_1313 {strides = array<i32>} : memref<512x96xf32, #tpu.memory_space<vmem>>, vector<16xf32>,
        %slice3A_1317 = vector.extract_strided_slice %get3A_245 {offsets = [14], sizes = [1], strides = [1]} : vector<16xi32> to vector<1xi32>
        %squeeze3A_1318 = vector.extract %slice3A_1317[0] : i32 from vector<1xi32>
        %broadcast_in_dim3A_1319 = vector.broadcast %squeeze3A_1318 : i32 to vector<16xi32>
        %slice3A_1320 = vector.extract_strided_slice %get3A_263 {offsets = [14], sizes = [1], strides = [1]} : vector<16xf32> to vector<1xf32>
        %squeeze3A_1321 = vector.extract %slice3A_1320[0] : f32 from vector<1xf32>
        %broadcast_in_dim3A_1322 = vector.broadcast %squeeze3A_1321 : f32 to vector<16xf32>
        %add3A_1323 = arith.addi %broadcast_in_dim3A_1319, %iota3A : vector<16xi32>
        %add3A_1324 = arith.addi %broadcast_in_dim3A_1319, %add3A_136 : vector<16xi32>
        %gather3A_1325 = tpu.vector_load_idx %arg6[%add3A_1323] : memref<9312xf32, #tpu.memory_space<vmem>>[vector<16xi32>], vector<16xf32>,
        %gather3A_1326 = tpu.vector_load_idx %arg6[%add3A_1324] : memref<9312xf32, #tpu.memory_space<vmem>>[vector<16xi32>], vector<16xf32>,
        %gather3A_1327 = tpu.vector_load_idx %arg7[%add3A_1323] : memref<9312xf32, #tpu.memory_space<vmem>>[vector<16xi32>], vector<16xf32>,
        %gather3A_1328 = tpu.vector_load_idx %arg7[%add3A_1324] : memref<9312xf32, #tpu.memory_space<vmem>>[vector<16xi32>], vector<16xf32>,
        %mul3A_1329 = arith.mulf %broadcast_in_dim3A_1322, %gather3A_1327 : vector<16xf32>
        %add3A_1330 = arith.addf %gather3A_1325, %mul3A_1329 : vector<16xf32>
        %swap3A_1331 = arith.index_cast %add3A_1272 : i32 to index
        %swap3A_1332 = arith.constant 64 : index
        %swap3A_1333 = tpu.vector_load %arg10[%swap3A_1331, %swap3A_1332] {strides = array<i32>} : memref<512x96xf32, #tpu.memory_space<vmem>>, vector<16xf32>,
        tpu.vector_store %arg10[%swap3A_1331, %swap3A_1332], %add3A_1330 {strides = array<i32>} : memref<512x96xf32, #tpu.memory_space<vmem>>, vector<16xf32>,
        %mul3A_1334 = arith.mulf %broadcast_in_dim3A_1322, %gather3A_1328 : vector<16xf32>
        %add3A_1335 = arith.addf %gather3A_1326, %mul3A_1334 : vector<16xf32>
        %swap3A_1336 = arith.index_cast %add3A_1272 : i32 to index
        %swap3A_1337 = arith.constant 80 : index
        %swap3A_1338 = tpu.vector_load %arg10[%swap3A_1336, %swap3A_1337] {strides = array<i32>} : memref<512x96xf32, #tpu.memory_space<vmem>>, vector<16xf32>,
        tpu.vector_store %arg10[%swap3A_1336, %swap3A_1337], %add3A_1335 {strides = array<i32>} : memref<512x96xf32, #tpu.memory_space<vmem>>, vector<16xf32>,
        %mul3A_1339 = arith.constant 16 : i32
        %mul3A_1340 = arith.muli %scan3A_228, %mul3A_1339 : i32
        %add3A_1341 = arith.constant 0 : i32
        %add3A_1342 = arith.addi %add3A_1341, %mul3A_1340 : i32
        %add3A_1343 = arith.constant 15 : i32
        %add3A_1344 = arith.addi %add3A_1342, %add3A_1343 : i32
        %slice3A_1345 = vector.extract_strided_slice %get3A_233 {offsets = [15], sizes = [1], strides = [1]} : vector<16xi32> to vector<1xi32>
        %squeeze3A_1346 = vector.extract %slice3A_1345[0] : i32 from vector<1xi32>
        %broadcast_in_dim3A_1347 = vector.broadcast %squeeze3A_1346 : i32 to vector<16xi32>
        %slice3A_1348 = vector.extract_strided_slice %get3A_251 {offsets = [15], sizes = [1], strides = [1]} : vector<16xf32> to vector<1xf32>
        %squeeze3A_1349 = vector.extract %slice3A_1348[0] : f32 from vector<1xf32>
        %broadcast_in_dim3A_1350 = vector.broadcast %squeeze3A_1349 : f32 to vector<16xf32>
        %add3A_1351 = arith.addi %broadcast_in_dim3A_1347, %iota3A : vector<16xi32>
        %add3A_1352 = arith.addi %broadcast_in_dim3A_1347, %add3A_136 : vector<16xi32>
        %gather3A_1353 = tpu.vector_load_idx %arg6[%add3A_1351] : memref<9312xf32, #tpu.memory_space<vmem>>[vector<16xi32>], vector<16xf32>,
        %gather3A_1354 = tpu.vector_load_idx %arg6[%add3A_1352] : memref<9312xf32, #tpu.memory_space<vmem>>[vector<16xi32>], vector<16xf32>,
        %gather3A_1355 = tpu.vector_load_idx %arg7[%add3A_1351] : memref<9312xf32, #tpu.memory_space<vmem>>[vector<16xi32>], vector<16xf32>,
        %gather3A_1356 = tpu.vector_load_idx %arg7[%add3A_1352] : memref<9312xf32, #tpu.memory_space<vmem>>[vector<16xi32>], vector<16xf32>,
        %mul3A_1357 = arith.mulf %broadcast_in_dim3A_1350, %gather3A_1355 : vector<16xf32>
        %add3A_1358 = arith.addf %gather3A_1353, %mul3A_1357 : vector<16xf32>
        %swap3A_1359 = arith.index_cast %add3A_1344 : i32 to index
        %swap3A_1360 = arith.constant 0 : index
        %swap3A_1361 = tpu.vector_load %arg10[%swap3A_1359, %swap3A_1360] {strides = array<i32>} : memref<512x96xf32, #tpu.memory_space<vmem>>, vector<16xf32>,
        tpu.vector_store %arg10[%swap3A_1359, %swap3A_1360], %add3A_1358 {strides = array<i32>} : memref<512x96xf32, #tpu.memory_space<vmem>>, vector<16xf32>,
        %mul3A_1362 = arith.mulf %broadcast_in_dim3A_1350, %gather3A_1356 : vector<16xf32>
        %add3A_1363 = arith.addf %gather3A_1354, %mul3A_1362 : vector<16xf32>
        %swap3A_1364 = arith.index_cast %add3A_1344 : i32 to index
        %swap3A_1365 = arith.constant 16 : index
        %swap3A_1366 = tpu.vector_load %arg10[%swap3A_1364, %swap3A_1365] {strides = array<i32>} : memref<512x96xf32, #tpu.memory_space<vmem>>, vector<16xf32>,
        tpu.vector_store %arg10[%swap3A_1364, %swap3A_1365], %add3A_1363 {strides = array<i32>} : memref<512x96xf32, #tpu.memory_space<vmem>>, vector<16xf32>,
        %slice3A_1367 = vector.extract_strided_slice %get3A_239 {offsets = [15], sizes = [1], strides = [1]} : vector<16xi32> to vector<1xi32>
        %squeeze3A_1368 = vector.extract %slice3A_1367[0] : i32 from vector<1xi32>
        %broadcast_in_dim3A_1369 = vector.broadcast %squeeze3A_1368 : i32 to vector<16xi32>
        %slice3A_1370 = vector.extract_strided_slice %get3A_257 {offsets = [15], sizes = [1], strides = [1]} : vector<16xf32> to vector<1xf32>
        %squeeze3A_1371 = vector.extract %slice3A_1370[0] : f32 from vector<1xf32>
        %broadcast_in_dim3A_1372 = vector.broadcast %squeeze3A_1371 : f32 to vector<16xf32>
        %add3A_1373 = arith.addi %broadcast_in_dim3A_1369, %iota3A : vector<16xi32>
        %add3A_1374 = arith.addi %broadcast_in_dim3A_1369, %add3A_136 : vector<16xi32>
        %gather3A_1375 = tpu.vector_load_idx %arg6[%add3A_1373] : memref<9312xf32, #tpu.memory_space<vmem>>[vector<16xi32>], vector<16xf32>,
        %gather3A_1376 = tpu.vector_load_idx %arg6[%add3A_1374] : memref<9312xf32, #tpu.memory_space<vmem>>[vector<16xi32>], vector<16xf32>,
        %gather3A_1377 = tpu.vector_load_idx %arg7[%add3A_1373] : memref<9312xf32, #tpu.memory_space<vmem>>[vector<16xi32>], vector<16xf32>,
        %gather3A_1378 = tpu.vector_load_idx %arg7[%add3A_1374] : memref<9312xf32, #tpu.memory_space<vmem>>[vector<16xi32>], vector<16xf32>,
        %mul3A_1379 = arith.mulf %broadcast_in_dim3A_1372, %gather3A_1377 : vector<16xf32>
        %add3A_1380 = arith.addf %gather3A_1375, %mul3A_1379 : vector<16xf32>
        %swap3A_1381 = arith.index_cast %add3A_1344 : i32 to index
        %swap3A_1382 = arith.constant 32 : index
        %swap3A_1383 = tpu.vector_load %arg10[%swap3A_1381, %swap3A_1382] {strides = array<i32>} : memref<512x96xf32, #tpu.memory_space<vmem>>, vector<16xf32>,
        tpu.vector_store %arg10[%swap3A_1381, %swap3A_1382], %add3A_1380 {strides = array<i32>} : memref<512x96xf32, #tpu.memory_space<vmem>>, vector<16xf32>,
        %mul3A_1384 = arith.mulf %broadcast_in_dim3A_1372, %gather3A_1378 : vector<16xf32>
        %add3A_1385 = arith.addf %gather3A_1376, %mul3A_1384 : vector<16xf32>
        %swap3A_1386 = arith.index_cast %add3A_1344 : i32 to index
        %swap3A_1387 = arith.constant 48 : index
        %swap3A_1388 = tpu.vector_load %arg10[%swap3A_1386, %swap3A_1387] {strides = array<i32>} : memref<512x96xf32, #tpu.memory_space<vmem>>, vector<16xf32>,
        tpu.vector_store %arg10[%swap3A_1386, %swap3A_1387], %add3A_1385 {strides = array<i32>} : memref<512x96xf32, #tpu.memory_space<vmem>>, vector<16xf32>,
        %slice3A_1389 = vector.extract_strided_slice %get3A_245 {offsets = [15], sizes = [1], strides = [1]} : vector<16xi32> to vector<1xi32>
        %squeeze3A_1390 = vector.extract %slice3A_1389[0] : i32 from vector<1xi32>
        %broadcast_in_dim3A_1391 = vector.broadcast %squeeze3A_1390 : i32 to vector<16xi32>
        %slice3A_1392 = vector.extract_strided_slice %get3A_263 {offsets = [15], sizes = [1], strides = [1]} : vector<16xf32> to vector<1xf32>
        %squeeze3A_1393 = vector.extract %slice3A_1392[0] : f32 from vector<1xf32>
        %broadcast_in_dim3A_1394 = vector.broadcast %squeeze3A_1393 : f32 to vector<16xf32>
        %add3A_1395 = arith.addi %broadcast_in_dim3A_1391, %iota3A : vector<16xi32>
        %add3A_1396 = arith.addi %broadcast_in_dim3A_1391, %add3A_136 : vector<16xi32>
        %gather3A_1397 = tpu.vector_load_idx %arg6[%add3A_1395] : memref<9312xf32, #tpu.memory_space<vmem>>[vector<16xi32>], vector<16xf32>,
        %gather3A_1398 = tpu.vector_load_idx %arg6[%add3A_1396] : memref<9312xf32, #tpu.memory_space<vmem>>[vector<16xi32>], vector<16xf32>,
        %gather3A_1399 = tpu.vector_load_idx %arg7[%add3A_1395] : memref<9312xf32, #tpu.memory_space<vmem>>[vector<16xi32>], vector<16xf32>,
        %gather3A_1400 = tpu.vector_load_idx %arg7[%add3A_1396] : memref<9312xf32, #tpu.memory_space<vmem>>[vector<16xi32>], vector<16xf32>,
        %mul3A_1401 = arith.mulf %broadcast_in_dim3A_1394, %gather3A_1399 : vector<16xf32>
        %add3A_1402 = arith.addf %gather3A_1397, %mul3A_1401 : vector<16xf32>
        %swap3A_1403 = arith.index_cast %add3A_1344 : i32 to index
        %swap3A_1404 = arith.constant 64 : index
        %swap3A_1405 = tpu.vector_load %arg10[%swap3A_1403, %swap3A_1404] {strides = array<i32>} : memref<512x96xf32, #tpu.memory_space<vmem>>, vector<16xf32>,
        tpu.vector_store %arg10[%swap3A_1403, %swap3A_1404], %add3A_1402 {strides = array<i32>} : memref<512x96xf32, #tpu.memory_space<vmem>>, vector<16xf32>,
        %mul3A_1406 = arith.mulf %broadcast_in_dim3A_1394, %gather3A_1400 : vector<16xf32>
        %add3A_1407 = arith.addf %gather3A_1398, %mul3A_1406 : vector<16xf32>
        %swap3A_1408 = arith.index_cast %add3A_1344 : i32 to index
        %swap3A_1409 = arith.constant 80 : index
        %swap3A_1410 = tpu.vector_load %arg10[%swap3A_1408, %swap3A_1409] {strides = array<i32>} : memref<512x96xf32, #tpu.memory_space<vmem>>, vector<16xf32>,
        tpu.vector_store %arg10[%swap3A_1408, %swap3A_1409], %add3A_1407 {strides = array<i32>} : memref<512x96xf32, #tpu.memory_space<vmem>>, vector<16xf32>,
      }
      %scan3A_142 = arith.constant 16 : i32
      %mul3A_143 = arith.constant 256 : i32
      %mul3A_144 = arith.muli %add3A_92, %mul3A_143 : i32
      %add3A_145 = arith.addi %mul3A_2, %mul3A_144 : i32
      %dma_start3A_146 = arith.constant 0 : i32
      %dma_start3A_147 = arith.constant 0 : i32
      %dma_start3A_148 = tpu.memref_slice %arg10[%dma_start3A_146, %dma_start3A_147] : memref<512x96xf32, #tpu.memory_space<vmem>> -> memref<256x96xf32, #tpu.memory_space<vmem>>
      %dma_start3A_149 = arith.constant 0 : i32
      %dma_start3A_150 = tpu.memref_slice %arg4[%add3A_145, %dma_start3A_149] : memref<1048576x96xf32, #tpu.memory_space<hbm>> -> memref<256x96xf32, #tpu.memory_space<hbm>>
      %dma_start3A_151 = arith.constant 0 : i32
      %dma_start3A_152 = tpu.memref_slice %arg4[%add3A_145, %dma_start3A_151] : memref<1048576x96xf32, #tpu.memory_space<hbm>> -> memref<256x96xf32, #tpu.memory_space<hbm>>
      %dma_start3A_153 = arith.constant 0 : i32
      %dma_start3A_154 = arith.constant 0 : i32
      %dma_start3A_155 = tpu.memref_slice %arg10[%dma_start3A_153, %dma_start3A_154] : memref<512x96xf32, #tpu.memory_space<vmem>> -> memref<256x96xf32, #tpu.memory_space<vmem>>
      tpu.enqueue_dma source(%dma_start3A_155 : memref<256x96xf32, #tpu.memory_space<vmem>>) target(%dma_start3A_152 : memref<256x96xf32, #tpu.memory_space<hbm>>) target_semaphore(%arg13 : memref<!tpu.dma_semaphore, #tpu.memory_space<semaphore_mem>>)
      %mul3A_156 = arith.constant 2 : i32
      %mul3A_157 = arith.muli %scan3A_88, %mul3A_156 : i32
      %add3A_158 = arith.constant 1 : i32
      %add3A_159 = arith.addi %mul3A_157, %add3A_158 : i32
      %mul3A_160 = arith.constant 256 : i32
      %mul3A_161 = arith.muli %add3A_159, %mul3A_160 : i32
      %add3A_162 = arith.addi %mul3A_2, %mul3A_161 : i32
      %add3A_163 = arith.constant 0 : i32
      %add3A_164 = arith.addi %add3A_163, %add3A_162 : i32
      %add3A_165 = arith.constant 1048576 : i32
      %add3A_166 = arith.addi %add3A_165, %add3A_162 : i32
      %add3A_167 = arith.constant 2097152 : i32
      %add3A_168 = arith.addi %add3A_167, %add3A_162 : i32
      %dma_wait3A_169 = arith.constant 768 : i32
      %dma_wait3A_170 = tpu.memref_slice %arg5[%dma_wait3A_169] : memref<1536xf32, #tpu.memory_space<vmem>> -> memref<256xf32, #tpu.memory_space<vmem>>
      %dma_wait3A_171 = tpu.memref_slice %arg2[%add3A_164] : memref<3145728xf32, #tpu.memory_space<hbm>> -> memref<256xf32, #tpu.memory_space<hbm>>
      %dma_wait3A_172 = arith.constant 768 : i32
      %dma_wait3A_173 = tpu.memref_slice %arg5[%dma_wait3A_172] : memref<1536xf32, #tpu.memory_space<vmem>> -> memref<256xf32, #tpu.memory_space<vmem>>
      %dma_wait3A_174 = tpu.memref_slice %arg2[%add3A_164] : memref<3145728xf32, #tpu.memory_space<hbm>> -> memref<256xf32, #tpu.memory_space<hbm>>
      tpu.wait_dma2 semaphore(%arg12 : memref<!tpu.dma_semaphore, #tpu.memory_space<semaphore_mem>>) src(%dma_wait3A_174 : memref<256xf32, #tpu.memory_space<hbm>>) dst(%dma_wait3A_173 : memref<256xf32, #tpu.memory_space<vmem>>)
      %dma_wait3A_175 = arith.constant 1024 : i32
      %dma_wait3A_176 = tpu.memref_slice %arg5[%dma_wait3A_175] : memref<1536xf32, #tpu.memory_space<vmem>> -> memref<256xf32, #tpu.memory_space<vmem>>
      %dma_wait3A_177 = tpu.memref_slice %arg2[%add3A_166] : memref<3145728xf32, #tpu.memory_space<hbm>> -> memref<256xf32, #tpu.memory_space<hbm>>
      %dma_wait3A_178 = arith.constant 1024 : i32
      %dma_wait3A_179 = tpu.memref_slice %arg5[%dma_wait3A_178] : memref<1536xf32, #tpu.memory_space<vmem>> -> memref<256xf32, #tpu.memory_space<vmem>>
      %dma_wait3A_180 = tpu.memref_slice %arg2[%add3A_166] : memref<3145728xf32, #tpu.memory_space<hbm>> -> memref<256xf32, #tpu.memory_space<hbm>>
      tpu.wait_dma2 semaphore(%arg12 : memref<!tpu.dma_semaphore, #tpu.memory_space<semaphore_mem>>) src(%dma_wait3A_180 : memref<256xf32, #tpu.memory_space<hbm>>) dst(%dma_wait3A_179 : memref<256xf32, #tpu.memory_space<vmem>>)
      %dma_wait3A_181 = arith.constant 1280 : i32
      %dma_wait3A_182 = tpu.memref_slice %arg5[%dma_wait3A_181] : memref<1536xf32, #tpu.memory_space<vmem>> -> memref<256xf32, #tpu.memory_space<vmem>>
      %dma_wait3A_183 = tpu.memref_slice %arg2[%add3A_168] : memref<3145728xf32, #tpu.memory_space<hbm>> -> memref<256xf32, #tpu.memory_space<hbm>>
      %dma_wait3A_184 = arith.constant 1280 : i32
      %dma_wait3A_185 = tpu.memref_slice %arg5[%dma_wait3A_184] : memref<1536xf32, #tpu.memory_space<vmem>> -> memref<256xf32, #tpu.memory_space<vmem>>
      %dma_wait3A_186 = tpu.memref_slice %arg2[%add3A_168] : memref<3145728xf32, #tpu.memory_space<hbm>> -> memref<256xf32, #tpu.memory_space<hbm>>
      tpu.wait_dma2 semaphore(%arg12 : memref<!tpu.dma_semaphore, #tpu.memory_space<semaphore_mem>>) src(%dma_wait3A_186 : memref<256xf32, #tpu.memory_space<hbm>>) dst(%dma_wait3A_185 : memref<256xf32, #tpu.memory_space<vmem>>)
      %scan3A_187 = arith.constant 0 : i32
      %scan3A_188 = arith.constant 0 : i32
      %scan3A_189 = arith.constant 16 : i32
      %scan3A_190 = arith.addi %scan3A_188, %scan3A_189 : i32
      %scan3A_191 = arith.constant 1 : i32
      scf.for %scan3A_228 = %scan3A_188 to %scan3A_190 step %scan3A_191  : i32 {
        %mul3A_229 = arith.constant 16 : i32
        %mul3A_230 = arith.muli %scan3A_228, %mul3A_229 : i32
        %add3A_231 = arith.constant 768 : i32
        %add3A_232 = arith.addi %add3A_231, %mul3A_230 : i32
        %get3A = arith.index_cast %add3A_232 : i32 to index
        %get3A_233 = tpu.vector_load %arg5[%get3A] {strides = array<i32>} : memref<1536xf32, #tpu.memory_space<vmem>>, vector<16xf32>,
        %mul3A_234 = arith.constant 3.200000e+01 : f32
        %mul3A_235 = vector.broadcast %mul3A_234 : f32 to vector<16xf32>
        %mul3A_236 = arith.mulf %get3A_233, %mul3A_235 : vector<16xf32>
        %add3A_237 = arith.constant 0.000000e+00 : f32
        %add3A_238 = vector.broadcast %add3A_237 : f32 to vector<16xf32>
        %add3A_239 = arith.addf %mul3A_236, %add3A_238 : vector<16xf32>
        %convert_element_type3A_240 = arith.fptosi %add3A_239 : vector<16xf32> to vector<16xi32>
        %convert_element_type3A_241 = arith.sitofp %convert_element_type3A_240 : vector<16xi32> to vector<16xf32>
        %sub3A = arith.subf %add3A_239, %convert_element_type3A_241 : vector<16xf32>
        %mul3A_242 = arith.constant 32 : i32
        %mul3A_243 = vector.broadcast %mul3A_242 : i32 to vector<16xi32>
        %mul3A_244 = arith.muli %convert_element_type3A_240, %mul3A_243 : vector<16xi32>
        %mul3A_245 = arith.constant 16 : i32
        %mul3A_246 = arith.muli %scan3A_228, %mul3A_245 : i32
        %add3A_247 = arith.constant 0 : i32
        %add3A_248 = arith.addi %add3A_247, %mul3A_246 : i32
        %swap3A = arith.index_cast %add3A_248 : i32 to index
        %swap3A_249 = tpu.vector_load %arg8[%swap3A] {strides = array<i32>} : memref<768xi32, #tpu.memory_space<vmem>>, vector<16xi32>,
        tpu.vector_store %arg8[%swap3A], %mul3A_244 {strides = array<i32>} : memref<768xi32, #tpu.memory_space<vmem>>, vector<16xi32>,
        %mul3A_250 = arith.constant 16 : i32
        %mul3A_251 = arith.muli %scan3A_228, %mul3A_250 : i32
        %add3A_252 = arith.constant 0 : i32
        %add3A_253 = arith.addi %add3A_252, %mul3A_251 : i32
        %swap3A_254 = arith.index_cast %add3A_253 : i32 to index
        %swap3A_255 = tpu.vector_load %arg9[%swap3A_254] {strides = array<i32>} : memref<768xf32, #tpu.memory_space<vmem>>, vector<16xf32>,
        tpu.vector_store %arg9[%swap3A_254], %sub3A {strides = array<i32>} : memref<768xf32, #tpu.memory_space<vmem>>, vector<16xf32>,
        %mul3A_256 = arith.constant 16 : i32
        %mul3A_257 = arith.muli %scan3A_228, %mul3A_256 : i32
        %add3A_258 = arith.constant 1024 : i32
        %add3A_259 = arith.addi %add3A_258, %mul3A_257 : i32
        %get3A_260 = arith.index_cast %add3A_259 : i32 to index
        %get3A_261 = tpu.vector_load %arg5[%get3A_260] {strides = array<i32>} : memref<1536xf32, #tpu.memory_space<vmem>>, vector<16xf32>,
        %mul3A_262 = arith.constant 1.280000e+02 : f32
        %mul3A_263 = vector.broadcast %mul3A_262 : f32 to vector<16xf32>
        %mul3A_264 = arith.mulf %get3A_261, %mul3A_263 : vector<16xf32>
        %add3A_265 = arith.constant 3.300000e+01 : f32
        %add3A_266 = vector.broadcast %add3A_265 : f32 to vector<16xf32>
        %add3A_267 = arith.addf %mul3A_264, %add3A_266 : vector<16xf32>
        %convert_element_type3A_268 = arith.fptosi %add3A_267 : vector<16xf32> to vector<16xi32>
        %convert_element_type3A_269 = arith.sitofp %convert_element_type3A_268 : vector<16xi32> to vector<16xf32>
        %sub3A_270 = arith.subf %add3A_267, %convert_element_type3A_269 : vector<16xf32>
        %mul3A_271 = arith.constant 32 : i32
        %mul3A_272 = vector.broadcast %mul3A_271 : i32 to vector<16xi32>
        %mul3A_273 = arith.muli %convert_element_type3A_268, %mul3A_272 : vector<16xi32>
        %mul3A_274 = arith.constant 16 : i32
        %mul3A_275 = arith.muli %scan3A_228, %mul3A_274 : i32
        %add3A_276 = arith.constant 256 : i32
        %add3A_277 = arith.addi %add3A_276, %mul3A_275 : i32
        %swap3A_278 = arith.index_cast %add3A_277 : i32 to index
        %swap3A_279 = tpu.vector_load %arg8[%swap3A_278] {strides = array<i32>} : memref<768xi32, #tpu.memory_space<vmem>>, vector<16xi32>,
        tpu.vector_store %arg8[%swap3A_278], %mul3A_273 {strides = array<i32>} : memref<768xi32, #tpu.memory_space<vmem>>, vector<16xi32>,
        %mul3A_280 = arith.constant 16 : i32
        %mul3A_281 = arith.muli %scan3A_228, %mul3A_280 : i32
        %add3A_282 = arith.constant 256 : i32
        %add3A_283 = arith.addi %add3A_282, %mul3A_281 : i32
        %swap3A_284 = arith.index_cast %add3A_283 : i32 to index
        %swap3A_285 = tpu.vector_load %arg9[%swap3A_284] {strides = array<i32>} : memref<768xf32, #tpu.memory_space<vmem>>, vector<16xf32>,
        tpu.vector_store %arg9[%swap3A_284], %sub3A_270 {strides = array<i32>} : memref<768xf32, #tpu.memory_space<vmem>>, vector<16xf32>,
        %mul3A_286 = arith.constant 16 : i32
        %mul3A_287 = arith.muli %scan3A_228, %mul3A_286 : i32
        %add3A_288 = arith.constant 1280 : i32
        %add3A_289 = arith.addi %add3A_288, %mul3A_287 : i32
        %get3A_290 = arith.index_cast %add3A_289 : i32 to index
        %get3A_291 = tpu.vector_load %arg5[%get3A_290] {strides = array<i32>} : memref<1536xf32, #tpu.memory_space<vmem>>, vector<16xf32>,
        %mul3A_292 = arith.constant 1.280000e+02 : f32
        %mul3A_293 = vector.broadcast %mul3A_292 : f32 to vector<16xf32>
        %mul3A_294 = arith.mulf %get3A_291, %mul3A_293 : vector<16xf32>
        %add3A_295 = arith.constant 1.620000e+02 : f32
        %add3A_296 = vector.broadcast %add3A_295 : f32 to vector<16xf32>
        %add3A_297 = arith.addf %mul3A_294, %add3A_296 : vector<16xf32>
        %convert_element_type3A_298 = arith.fptosi %add3A_297 : vector<16xf32> to vector<16xi32>
        %convert_element_type3A_299 = arith.sitofp %convert_element_type3A_298 : vector<16xi32> to vector<16xf32>
        %sub3A_300 = arith.subf %add3A_297, %convert_element_type3A_299 : vector<16xf32>
        %mul3A_301 = arith.constant 32 : i32
        %mul3A_302 = vector.broadcast %mul3A_301 : i32 to vector<16xi32>
        %mul3A_303 = arith.muli %convert_element_type3A_298, %mul3A_302 : vector<16xi32>
        %mul3A_304 = arith.constant 16 : i32
        %mul3A_305 = arith.muli %scan3A_228, %mul3A_304 : i32
        %add3A_306 = arith.constant 512 : i32
        %add3A_307 = arith.addi %add3A_306, %mul3A_305 : i32
        %swap3A_308 = arith.index_cast %add3A_307 : i32 to index
        %swap3A_309 = tpu.vector_load %arg8[%swap3A_308] {strides = array<i32>} : memref<768xi32, #tpu.memory_space<vmem>>, vector<16xi32>,
        tpu.vector_store %arg8[%swap3A_308], %mul3A_303 {strides = array<i32>} : memref<768xi32, #tpu.memory_space<vmem>>, vector<16xi32>,
        %mul3A_310 = arith.constant 16 : i32
        %mul3A_311 = arith.muli %scan3A_228, %mul3A_310 : i32
        %add3A_312 = arith.constant 512 : i32
        %add3A_313 = arith.addi %add3A_312, %mul3A_311 : i32
        %swap3A_314 = arith.index_cast %add3A_313 : i32 to index
        %swap3A_315 = tpu.vector_load %arg9[%swap3A_314] {strides = array<i32>} : memref<768xf32, #tpu.memory_space<vmem>>, vector<16xf32>,
        tpu.vector_store %arg9[%swap3A_314], %sub3A_300 {strides = array<i32>} : memref<768xf32, #tpu.memory_space<vmem>>, vector<16xf32>,
      }
      %scan3A_192 = arith.constant 16 : i32
      %add3A_193 = arith.constant 2 : i32
      %add3A_194 = arith.addi %add3A_159, %add3A_193 : i32
      %lt3A_195 = arith.constant 128 : i32
      %lt3A_196 = arith.cmpi slt, %add3A_194, %lt3A_195 : i32
      %convert_element_type3A_197 = arith.extui %lt3A_196 : i1 to i32
      %cond3A_198 = arith.constant 0 : i32
      %cond3A_199 = arith.cmpi ne, %convert_element_type3A_197, %cond3A_198 : i32
      scf.if %cond3A_199 {
        %add3A_228 = arith.constant 2 : i32
        %add3A_229 = arith.addi %add3A_159, %add3A_228 : i32
        %mul3A_230 = arith.constant 256 : i32
        %mul3A_231 = arith.muli %add3A_229, %mul3A_230 : i32
        %add3A_232 = arith.addi %mul3A_2, %mul3A_231 : i32
        %add3A_233 = arith.constant 0 : i32
        %add3A_234 = arith.addi %add3A_233, %add3A_232 : i32
        %add3A_235 = arith.constant 1048576 : i32
        %add3A_236 = arith.addi %add3A_235, %add3A_232 : i32
        %add3A_237 = arith.constant 2097152 : i32
        %add3A_238 = arith.addi %add3A_237, %add3A_232 : i32
        %dma_start3A_239 = arith.constant 768 : i32
        %dma_start3A_240 = tpu.memref_slice %arg5[%dma_start3A_239] : memref<1536xf32, #tpu.memory_space<vmem>> -> memref<256xf32, #tpu.memory_space<vmem>>
        %dma_start3A_241 = tpu.memref_slice %arg2[%add3A_234] : memref<3145728xf32, #tpu.memory_space<hbm>> -> memref<256xf32, #tpu.memory_space<hbm>>
        %dma_start3A_242 = arith.constant 768 : i32
        %dma_start3A_243 = tpu.memref_slice %arg5[%dma_start3A_242] : memref<1536xf32, #tpu.memory_space<vmem>> -> memref<256xf32, #tpu.memory_space<vmem>>
        %dma_start3A_244 = tpu.memref_slice %arg2[%add3A_234] : memref<3145728xf32, #tpu.memory_space<hbm>> -> memref<256xf32, #tpu.memory_space<hbm>>
        tpu.enqueue_dma source(%dma_start3A_244 : memref<256xf32, #tpu.memory_space<hbm>>) target(%dma_start3A_243 : memref<256xf32, #tpu.memory_space<vmem>>) target_semaphore(%arg12 : memref<!tpu.dma_semaphore, #tpu.memory_space<semaphore_mem>>)
        %dma_start3A_245 = arith.constant 1024 : i32
        %dma_start3A_246 = tpu.memref_slice %arg5[%dma_start3A_245] : memref<1536xf32, #tpu.memory_space<vmem>> -> memref<256xf32, #tpu.memory_space<vmem>>
        %dma_start3A_247 = tpu.memref_slice %arg2[%add3A_236] : memref<3145728xf32, #tpu.memory_space<hbm>> -> memref<256xf32, #tpu.memory_space<hbm>>
        %dma_start3A_248 = arith.constant 1024 : i32
        %dma_start3A_249 = tpu.memref_slice %arg5[%dma_start3A_248] : memref<1536xf32, #tpu.memory_space<vmem>> -> memref<256xf32, #tpu.memory_space<vmem>>
        %dma_start3A_250 = tpu.memref_slice %arg2[%add3A_236] : memref<3145728xf32, #tpu.memory_space<hbm>> -> memref<256xf32, #tpu.memory_space<hbm>>
        tpu.enqueue_dma source(%dma_start3A_250 : memref<256xf32, #tpu.memory_space<hbm>>) target(%dma_start3A_249 : memref<256xf32, #tpu.memory_space<vmem>>) target_semaphore(%arg12 : memref<!tpu.dma_semaphore, #tpu.memory_space<semaphore_mem>>)
        %dma_start3A_251 = arith.constant 1280 : i32
        %dma_start3A_252 = tpu.memref_slice %arg5[%dma_start3A_251] : memref<1536xf32, #tpu.memory_space<vmem>> -> memref<256xf32, #tpu.memory_space<vmem>>
        %dma_start3A_253 = tpu.memref_slice %arg2[%add3A_238] : memref<3145728xf32, #tpu.memory_space<hbm>> -> memref<256xf32, #tpu.memory_space<hbm>>
        %dma_start3A_254 = arith.constant 1280 : i32
        %dma_start3A_255 = tpu.memref_slice %arg5[%dma_start3A_254] : memref<1536xf32, #tpu.memory_space<vmem>> -> memref<256xf32, #tpu.memory_space<vmem>>
        %dma_start3A_256 = tpu.memref_slice %arg2[%add3A_238] : memref<3145728xf32, #tpu.memory_space<hbm>> -> memref<256xf32, #tpu.memory_space<hbm>>
        tpu.enqueue_dma source(%dma_start3A_256 : memref<256xf32, #tpu.memory_space<hbm>>) target(%dma_start3A_255 : memref<256xf32, #tpu.memory_space<vmem>>) target_semaphore(%arg12 : memref<!tpu.dma_semaphore, #tpu.memory_space<semaphore_mem>>)
      } else {
      }
      %ge3A_200 = arith.constant 2 : i32
      %ge3A_201 = arith.cmpi sge, %add3A_159, %ge3A_200 : i32
      %convert_element_type3A_202 = arith.extui %ge3A_201 : i1 to i32
      %cond3A_203 = arith.constant 0 : i32
      %cond3A_204 = arith.cmpi ne, %convert_element_type3A_202, %cond3A_203 : i32
      scf.if %cond3A_204 {
        %sub3A = arith.constant 2 : i32
        %sub3A_228 = arith.subi %add3A_159, %sub3A : i32
        %mul3A_229 = arith.constant 256 : i32
        %mul3A_230 = arith.muli %sub3A_228, %mul3A_229 : i32
        %add3A_231 = arith.addi %mul3A_2, %mul3A_230 : i32
        %dma_wait3A_232 = arith.constant 256 : i32
        %dma_wait3A_233 = arith.constant 0 : i32
        %dma_wait3A_234 = tpu.memref_slice %arg10[%dma_wait3A_232, %dma_wait3A_233] : memref<512x96xf32, #tpu.memory_space<vmem>> -> memref<256x96xf32, #tpu.memory_space<vmem>>
        %dma_wait3A_235 = arith.constant 0 : i32
        %dma_wait3A_236 = tpu.memref_slice %arg4[%add3A_231, %dma_wait3A_235] : memref<1048576x96xf32, #tpu.memory_space<hbm>> -> memref<256x96xf32, #tpu.memory_space<hbm>>
        %dma_wait3A_237 = arith.constant 0 : i32
        %dma_wait3A_238 = tpu.memref_slice %arg4[%add3A_231, %dma_wait3A_237] : memref<1048576x96xf32, #tpu.memory_space<hbm>> -> memref<256x96xf32, #tpu.memory_space<hbm>>
        %dma_wait3A_239 = arith.constant 256 : i32
        %dma_wait3A_240 = arith.constant 0 : i32
        %dma_wait3A_241 = tpu.memref_slice %arg10[%dma_wait3A_239, %dma_wait3A_240] : memref<512x96xf32, #tpu.memory_space<vmem>> -> memref<256x96xf32, #tpu.memory_space<vmem>>
        tpu.wait_dma2 semaphore(%arg14 : memref<!tpu.dma_semaphore, #tpu.memory_space<semaphore_mem>>) src(%dma_wait3A_241 : memref<256x96xf32, #tpu.memory_space<vmem>>) dst(%dma_wait3A_238 : memref<256x96xf32, #tpu.memory_space<hbm>>)
      } else {
      }
      %iota3A_205 = tpu.iota {dimensions = array<i32: 0>} : vector<16xi32>
      %add3A_206 = arith.constant 16 : i32
      %add3A_207 = vector.broadcast %add3A_206 : i32 to vector<16xi32>
      %add3A_208 = arith.addi %iota3A_205, %add3A_207 : vector<16xi32>
      %scan3A_209 = arith.constant 0 : i32
      %scan3A_210 = arith.constant 0 : i32
      %scan3A_211 = arith.constant 16 : i32
      %scan3A_212 = arith.addi %scan3A_210, %scan3A_211 : i32
      %scan3A_213 = arith.constant 1 : i32
      scf.for %scan3A_228 = %scan3A_210 to %scan3A_212 step %scan3A_213  : i32 {
        %mul3A_229 = arith.constant 16 : i32
        %mul3A_230 = arith.muli %scan3A_228, %mul3A_229 : i32
        %add3A_231 = arith.constant 0 : i32
        %add3A_232 = arith.addi %add3A_231, %mul3A_230 : i32
        %get3A = arith.index_cast %add3A_232 : i32 to index
        %get3A_233 = tpu.vector_load %arg8[%get3A] {strides = array<i32>} : memref<768xi32, #tpu.memory_space<vmem>>, vector<16xi32>,
        %mul3A_234 = arith.constant 16 : i32
        %mul3A_235 = arith.muli %scan3A_228, %mul3A_234 : i32
        %add3A_236 = arith.constant 256 : i32
        %add3A_237 = arith.addi %add3A_236, %mul3A_235 : i32
        %get3A_238 = arith.index_cast %add3A_237 : i32 to index
        %get3A_239 = tpu.vector_load %arg8[%get3A_238] {strides = array<i32>} : memref<768xi32, #tpu.memory_space<vmem>>, vector<16xi32>,
        %mul3A_240 = arith.constant 16 : i32
        %mul3A_241 = arith.muli %scan3A_228, %mul3A_240 : i32
        %add3A_242 = arith.constant 512 : i32
        %add3A_243 = arith.addi %add3A_242, %mul3A_241 : i32
        %get3A_244 = arith.index_cast %add3A_243 : i32 to index
        %get3A_245 = tpu.vector_load %arg8[%get3A_244] {strides = array<i32>} : memref<768xi32, #tpu.memory_space<vmem>>, vector<16xi32>,
        %mul3A_246 = arith.constant 16 : i32
        %mul3A_247 = arith.muli %scan3A_228, %mul3A_246 : i32
        %add3A_248 = arith.constant 0 : i32
        %add3A_249 = arith.addi %add3A_248, %mul3A_247 : i32
        %get3A_250 = arith.index_cast %add3A_249 : i32 to index
        %get3A_251 = tpu.vector_load %arg9[%get3A_250] {strides = array<i32>} : memref<768xf32, #tpu.memory_space<vmem>>, vector<16xf32>,
        %mul3A_252 = arith.constant 16 : i32
        %mul3A_253 = arith.muli %scan3A_228, %mul3A_252 : i32
        %add3A_254 = arith.constant 256 : i32
        %add3A_255 = arith.addi %add3A_254, %mul3A_253 : i32
        %get3A_256 = arith.index_cast %add3A_255 : i32 to index
        %get3A_257 = tpu.vector_load %arg9[%get3A_256] {strides = array<i32>} : memref<768xf32, #tpu.memory_space<vmem>>, vector<16xf32>,
        %mul3A_258 = arith.constant 16 : i32
        %mul3A_259 = arith.muli %scan3A_228, %mul3A_258 : i32
        %add3A_260 = arith.constant 512 : i32
        %add3A_261 = arith.addi %add3A_260, %mul3A_259 : i32
        %get3A_262 = arith.index_cast %add3A_261 : i32 to index
        %get3A_263 = tpu.vector_load %arg9[%get3A_262] {strides = array<i32>} : memref<768xf32, #tpu.memory_space<vmem>>, vector<16xf32>,
        %mul3A_264 = arith.constant 16 : i32
        %mul3A_265 = arith.muli %scan3A_228, %mul3A_264 : i32
        %add3A_266 = arith.constant 256 : i32
        %add3A_267 = arith.addi %add3A_266, %mul3A_265 : i32
        %add3A_268 = arith.constant 0 : i32
        %add3A_269 = arith.addi %add3A_267, %add3A_268 : i32
        %slice3A = vector.extract_strided_slice %get3A_233 {offsets = [0], sizes = [1], strides = [1]} : vector<16xi32> to vector<1xi32>
        %squeeze3A = vector.extract %slice3A[0] : i32 from vector<1xi32>
        %broadcast_in_dim3A = vector.broadcast %squeeze3A : i32 to vector<16xi32>
        %slice3A_270 = vector.extract_strided_slice %get3A_251 {offsets = [0], sizes = [1], strides = [1]} : vector<16xf32> to vector<1xf32>
        %squeeze3A_271 = vector.extract %slice3A_270[0] : f32 from vector<1xf32>
        %broadcast_in_dim3A_272 = vector.broadcast %squeeze3A_271 : f32 to vector<16xf32>
        %add3A_273 = arith.addi %broadcast_in_dim3A, %iota3A_205 : vector<16xi32>
        %add3A_274 = arith.addi %broadcast_in_dim3A, %add3A_208 : vector<16xi32>
        %gather3A = tpu.vector_load_idx %arg6[%add3A_273] : memref<9312xf32, #tpu.memory_space<vmem>>[vector<16xi32>], vector<16xf32>,
        %gather3A_275 = tpu.vector_load_idx %arg6[%add3A_274] : memref<9312xf32, #tpu.memory_space<vmem>>[vector<16xi32>], vector<16xf32>,
        %gather3A_276 = tpu.vector_load_idx %arg7[%add3A_273] : memref<9312xf32, #tpu.memory_space<vmem>>[vector<16xi32>], vector<16xf32>,
        %gather3A_277 = tpu.vector_load_idx %arg7[%add3A_274] : memref<9312xf32, #tpu.memory_space<vmem>>[vector<16xi32>], vector<16xf32>,
        %mul3A_278 = arith.mulf %broadcast_in_dim3A_272, %gather3A_276 : vector<16xf32>
        %add3A_279 = arith.addf %gather3A, %mul3A_278 : vector<16xf32>
        %swap3A = arith.index_cast %add3A_269 : i32 to index
        %swap3A_280 = arith.constant 0 : index
        %swap3A_281 = tpu.vector_load %arg10[%swap3A, %swap3A_280] {strides = array<i32>} : memref<512x96xf32, #tpu.memory_space<vmem>>, vector<16xf32>,
        tpu.vector_store %arg10[%swap3A, %swap3A_280], %add3A_279 {strides = array<i32>} : memref<512x96xf32, #tpu.memory_space<vmem>>, vector<16xf32>,
        %mul3A_282 = arith.mulf %broadcast_in_dim3A_272, %gather3A_277 : vector<16xf32>
        %add3A_283 = arith.addf %gather3A_275, %mul3A_282 : vector<16xf32>
        %swap3A_284 = arith.index_cast %add3A_269 : i32 to index
        %swap3A_285 = arith.constant 16 : index
        %swap3A_286 = tpu.vector_load %arg10[%swap3A_284, %swap3A_285] {strides = array<i32>} : memref<512x96xf32, #tpu.memory_space<vmem>>, vector<16xf32>,
        tpu.vector_store %arg10[%swap3A_284, %swap3A_285], %add3A_283 {strides = array<i32>} : memref<512x96xf32, #tpu.memory_space<vmem>>, vector<16xf32>,
        %slice3A_287 = vector.extract_strided_slice %get3A_239 {offsets = [0], sizes = [1], strides = [1]} : vector<16xi32> to vector<1xi32>
        %squeeze3A_288 = vector.extract %slice3A_287[0] : i32 from vector<1xi32>
        %broadcast_in_dim3A_289 = vector.broadcast %squeeze3A_288 : i32 to vector<16xi32>
        %slice3A_290 = vector.extract_strided_slice %get3A_257 {offsets = [0], sizes = [1], strides = [1]} : vector<16xf32> to vector<1xf32>
        %squeeze3A_291 = vector.extract %slice3A_290[0] : f32 from vector<1xf32>
        %broadcast_in_dim3A_292 = vector.broadcast %squeeze3A_291 : f32 to vector<16xf32>
        %add3A_293 = arith.addi %broadcast_in_dim3A_289, %iota3A_205 : vector<16xi32>
        %add3A_294 = arith.addi %broadcast_in_dim3A_289, %add3A_208 : vector<16xi32>
        %gather3A_295 = tpu.vector_load_idx %arg6[%add3A_293] : memref<9312xf32, #tpu.memory_space<vmem>>[vector<16xi32>], vector<16xf32>,
        %gather3A_296 = tpu.vector_load_idx %arg6[%add3A_294] : memref<9312xf32, #tpu.memory_space<vmem>>[vector<16xi32>], vector<16xf32>,
        %gather3A_297 = tpu.vector_load_idx %arg7[%add3A_293] : memref<9312xf32, #tpu.memory_space<vmem>>[vector<16xi32>], vector<16xf32>,
        %gather3A_298 = tpu.vector_load_idx %arg7[%add3A_294] : memref<9312xf32, #tpu.memory_space<vmem>>[vector<16xi32>], vector<16xf32>,
        %mul3A_299 = arith.mulf %broadcast_in_dim3A_292, %gather3A_297 : vector<16xf32>
        %add3A_300 = arith.addf %gather3A_295, %mul3A_299 : vector<16xf32>
        %swap3A_301 = arith.index_cast %add3A_269 : i32 to index
        %swap3A_302 = arith.constant 32 : index
        %swap3A_303 = tpu.vector_load %arg10[%swap3A_301, %swap3A_302] {strides = array<i32>} : memref<512x96xf32, #tpu.memory_space<vmem>>, vector<16xf32>,
        tpu.vector_store %arg10[%swap3A_301, %swap3A_302], %add3A_300 {strides = array<i32>} : memref<512x96xf32, #tpu.memory_space<vmem>>, vector<16xf32>,
        %mul3A_304 = arith.mulf %broadcast_in_dim3A_292, %gather3A_298 : vector<16xf32>
        %add3A_305 = arith.addf %gather3A_296, %mul3A_304 : vector<16xf32>
        %swap3A_306 = arith.index_cast %add3A_269 : i32 to index
        %swap3A_307 = arith.constant 48 : index
        %swap3A_308 = tpu.vector_load %arg10[%swap3A_306, %swap3A_307] {strides = array<i32>} : memref<512x96xf32, #tpu.memory_space<vmem>>, vector<16xf32>,
        tpu.vector_store %arg10[%swap3A_306, %swap3A_307], %add3A_305 {strides = array<i32>} : memref<512x96xf32, #tpu.memory_space<vmem>>, vector<16xf32>,
        %slice3A_309 = vector.extract_strided_slice %get3A_245 {offsets = [0], sizes = [1], strides = [1]} : vector<16xi32> to vector<1xi32>
        %squeeze3A_310 = vector.extract %slice3A_309[0] : i32 from vector<1xi32>
        %broadcast_in_dim3A_311 = vector.broadcast %squeeze3A_310 : i32 to vector<16xi32>
        %slice3A_312 = vector.extract_strided_slice %get3A_263 {offsets = [0], sizes = [1], strides = [1]} : vector<16xf32> to vector<1xf32>
        %squeeze3A_313 = vector.extract %slice3A_312[0] : f32 from vector<1xf32>
        %broadcast_in_dim3A_314 = vector.broadcast %squeeze3A_313 : f32 to vector<16xf32>
        %add3A_315 = arith.addi %broadcast_in_dim3A_311, %iota3A_205 : vector<16xi32>
        %add3A_316 = arith.addi %broadcast_in_dim3A_311, %add3A_208 : vector<16xi32>
        %gather3A_317 = tpu.vector_load_idx %arg6[%add3A_315] : memref<9312xf32, #tpu.memory_space<vmem>>[vector<16xi32>], vector<16xf32>,
        %gather3A_318 = tpu.vector_load_idx %arg6[%add3A_316] : memref<9312xf32, #tpu.memory_space<vmem>>[vector<16xi32>], vector<16xf32>,
        %gather3A_319 = tpu.vector_load_idx %arg7[%add3A_315] : memref<9312xf32, #tpu.memory_space<vmem>>[vector<16xi32>], vector<16xf32>,
        %gather3A_320 = tpu.vector_load_idx %arg7[%add3A_316] : memref<9312xf32, #tpu.memory_space<vmem>>[vector<16xi32>], vector<16xf32>,
        %mul3A_321 = arith.mulf %broadcast_in_dim3A_314, %gather3A_319 : vector<16xf32>
        %add3A_322 = arith.addf %gather3A_317, %mul3A_321 : vector<16xf32>
        %swap3A_323 = arith.index_cast %add3A_269 : i32 to index
        %swap3A_324 = arith.constant 64 : index
        %swap3A_325 = tpu.vector_load %arg10[%swap3A_323, %swap3A_324] {strides = array<i32>} : memref<512x96xf32, #tpu.memory_space<vmem>>, vector<16xf32>,
        tpu.vector_store %arg10[%swap3A_323, %swap3A_324], %add3A_322 {strides = array<i32>} : memref<512x96xf32, #tpu.memory_space<vmem>>, vector<16xf32>,
        %mul3A_326 = arith.mulf %broadcast_in_dim3A_314, %gather3A_320 : vector<16xf32>
        %add3A_327 = arith.addf %gather3A_318, %mul3A_326 : vector<16xf32>
        %swap3A_328 = arith.index_cast %add3A_269 : i32 to index
        %swap3A_329 = arith.constant 80 : index
        %swap3A_330 = tpu.vector_load %arg10[%swap3A_328, %swap3A_329] {strides = array<i32>} : memref<512x96xf32, #tpu.memory_space<vmem>>, vector<16xf32>,
        tpu.vector_store %arg10[%swap3A_328, %swap3A_329], %add3A_327 {strides = array<i32>} : memref<512x96xf32, #tpu.memory_space<vmem>>, vector<16xf32>,
        %mul3A_331 = arith.constant 16 : i32
        %mul3A_332 = arith.muli %scan3A_228, %mul3A_331 : i32
        %add3A_333 = arith.constant 256 : i32
        %add3A_334 = arith.addi %add3A_333, %mul3A_332 : i32
        %add3A_335 = arith.constant 1 : i32
        %add3A_336 = arith.addi %add3A_334, %add3A_335 : i32
        %slice3A_337 = vector.extract_strided_slice %get3A_233 {offsets = [1], sizes = [1], strides = [1]} : vector<16xi32> to vector<1xi32>
        %squeeze3A_338 = vector.extract %slice3A_337[0] : i32 from vector<1xi32>
        %broadcast_in_dim3A_339 = vector.broadcast %squeeze3A_338 : i32 to vector<16xi32>
        %slice3A_340 = vector.extract_strided_slice %get3A_251 {offsets = [1], sizes = [1], strides = [1]} : vector<16xf32> to vector<1xf32>
        %squeeze3A_341 = vector.extract %slice3A_340[0] : f32 from vector<1xf32>
        %broadcast_in_dim3A_342 = vector.broadcast %squeeze3A_341 : f32 to vector<16xf32>
        %add3A_343 = arith.addi %broadcast_in_dim3A_339, %iota3A_205 : vector<16xi32>
        %add3A_344 = arith.addi %broadcast_in_dim3A_339, %add3A_208 : vector<16xi32>
        %gather3A_345 = tpu.vector_load_idx %arg6[%add3A_343] : memref<9312xf32, #tpu.memory_space<vmem>>[vector<16xi32>], vector<16xf32>,
        %gather3A_346 = tpu.vector_load_idx %arg6[%add3A_344] : memref<9312xf32, #tpu.memory_space<vmem>>[vector<16xi32>], vector<16xf32>,
        %gather3A_347 = tpu.vector_load_idx %arg7[%add3A_343] : memref<9312xf32, #tpu.memory_space<vmem>>[vector<16xi32>], vector<16xf32>,
        %gather3A_348 = tpu.vector_load_idx %arg7[%add3A_344] : memref<9312xf32, #tpu.memory_space<vmem>>[vector<16xi32>], vector<16xf32>,
        %mul3A_349 = arith.mulf %broadcast_in_dim3A_342, %gather3A_347 : vector<16xf32>
        %add3A_350 = arith.addf %gather3A_345, %mul3A_349 : vector<16xf32>
        %swap3A_351 = arith.index_cast %add3A_336 : i32 to index
        %swap3A_352 = arith.constant 0 : index
        %swap3A_353 = tpu.vector_load %arg10[%swap3A_351, %swap3A_352] {strides = array<i32>} : memref<512x96xf32, #tpu.memory_space<vmem>>, vector<16xf32>,
        tpu.vector_store %arg10[%swap3A_351, %swap3A_352], %add3A_350 {strides = array<i32>} : memref<512x96xf32, #tpu.memory_space<vmem>>, vector<16xf32>,
        %mul3A_354 = arith.mulf %broadcast_in_dim3A_342, %gather3A_348 : vector<16xf32>
        %add3A_355 = arith.addf %gather3A_346, %mul3A_354 : vector<16xf32>
        %swap3A_356 = arith.index_cast %add3A_336 : i32 to index
        %swap3A_357 = arith.constant 16 : index
        %swap3A_358 = tpu.vector_load %arg10[%swap3A_356, %swap3A_357] {strides = array<i32>} : memref<512x96xf32, #tpu.memory_space<vmem>>, vector<16xf32>,
        tpu.vector_store %arg10[%swap3A_356, %swap3A_357], %add3A_355 {strides = array<i32>} : memref<512x96xf32, #tpu.memory_space<vmem>>, vector<16xf32>,
        %slice3A_359 = vector.extract_strided_slice %get3A_239 {offsets = [1], sizes = [1], strides = [1]} : vector<16xi32> to vector<1xi32>
        %squeeze3A_360 = vector.extract %slice3A_359[0] : i32 from vector<1xi32>
        %broadcast_in_dim3A_361 = vector.broadcast %squeeze3A_360 : i32 to vector<16xi32>
        %slice3A_362 = vector.extract_strided_slice %get3A_257 {offsets = [1], sizes = [1], strides = [1]} : vector<16xf32> to vector<1xf32>
        %squeeze3A_363 = vector.extract %slice3A_362[0] : f32 from vector<1xf32>
        %broadcast_in_dim3A_364 = vector.broadcast %squeeze3A_363 : f32 to vector<16xf32>
        %add3A_365 = arith.addi %broadcast_in_dim3A_361, %iota3A_205 : vector<16xi32>
        %add3A_366 = arith.addi %broadcast_in_dim3A_361, %add3A_208 : vector<16xi32>
        %gather3A_367 = tpu.vector_load_idx %arg6[%add3A_365] : memref<9312xf32, #tpu.memory_space<vmem>>[vector<16xi32>], vector<16xf32>,
        %gather3A_368 = tpu.vector_load_idx %arg6[%add3A_366] : memref<9312xf32, #tpu.memory_space<vmem>>[vector<16xi32>], vector<16xf32>,
        %gather3A_369 = tpu.vector_load_idx %arg7[%add3A_365] : memref<9312xf32, #tpu.memory_space<vmem>>[vector<16xi32>], vector<16xf32>,
        %gather3A_370 = tpu.vector_load_idx %arg7[%add3A_366] : memref<9312xf32, #tpu.memory_space<vmem>>[vector<16xi32>], vector<16xf32>,
        %mul3A_371 = arith.mulf %broadcast_in_dim3A_364, %gather3A_369 : vector<16xf32>
        %add3A_372 = arith.addf %gather3A_367, %mul3A_371 : vector<16xf32>
        %swap3A_373 = arith.index_cast %add3A_336 : i32 to index
        %swap3A_374 = arith.constant 32 : index
        %swap3A_375 = tpu.vector_load %arg10[%swap3A_373, %swap3A_374] {strides = array<i32>} : memref<512x96xf32, #tpu.memory_space<vmem>>, vector<16xf32>,
        tpu.vector_store %arg10[%swap3A_373, %swap3A_374], %add3A_372 {strides = array<i32>} : memref<512x96xf32, #tpu.memory_space<vmem>>, vector<16xf32>,
        %mul3A_376 = arith.mulf %broadcast_in_dim3A_364, %gather3A_370 : vector<16xf32>
        %add3A_377 = arith.addf %gather3A_368, %mul3A_376 : vector<16xf32>
        %swap3A_378 = arith.index_cast %add3A_336 : i32 to index
        %swap3A_379 = arith.constant 48 : index
        %swap3A_380 = tpu.vector_load %arg10[%swap3A_378, %swap3A_379] {strides = array<i32>} : memref<512x96xf32, #tpu.memory_space<vmem>>, vector<16xf32>,
        tpu.vector_store %arg10[%swap3A_378, %swap3A_379], %add3A_377 {strides = array<i32>} : memref<512x96xf32, #tpu.memory_space<vmem>>, vector<16xf32>,
        %slice3A_381 = vector.extract_strided_slice %get3A_245 {offsets = [1], sizes = [1], strides = [1]} : vector<16xi32> to vector<1xi32>
        %squeeze3A_382 = vector.extract %slice3A_381[0] : i32 from vector<1xi32>
        %broadcast_in_dim3A_383 = vector.broadcast %squeeze3A_382 : i32 to vector<16xi32>
        %slice3A_384 = vector.extract_strided_slice %get3A_263 {offsets = [1], sizes = [1], strides = [1]} : vector<16xf32> to vector<1xf32>
        %squeeze3A_385 = vector.extract %slice3A_384[0] : f32 from vector<1xf32>
        %broadcast_in_dim3A_386 = vector.broadcast %squeeze3A_385 : f32 to vector<16xf32>
        %add3A_387 = arith.addi %broadcast_in_dim3A_383, %iota3A_205 : vector<16xi32>
        %add3A_388 = arith.addi %broadcast_in_dim3A_383, %add3A_208 : vector<16xi32>
        %gather3A_389 = tpu.vector_load_idx %arg6[%add3A_387] : memref<9312xf32, #tpu.memory_space<vmem>>[vector<16xi32>], vector<16xf32>,
        %gather3A_390 = tpu.vector_load_idx %arg6[%add3A_388] : memref<9312xf32, #tpu.memory_space<vmem>>[vector<16xi32>], vector<16xf32>,
        %gather3A_391 = tpu.vector_load_idx %arg7[%add3A_387] : memref<9312xf32, #tpu.memory_space<vmem>>[vector<16xi32>], vector<16xf32>,
        %gather3A_392 = tpu.vector_load_idx %arg7[%add3A_388] : memref<9312xf32, #tpu.memory_space<vmem>>[vector<16xi32>], vector<16xf32>,
        %mul3A_393 = arith.mulf %broadcast_in_dim3A_386, %gather3A_391 : vector<16xf32>
        %add3A_394 = arith.addf %gather3A_389, %mul3A_393 : vector<16xf32>
        %swap3A_395 = arith.index_cast %add3A_336 : i32 to index
        %swap3A_396 = arith.constant 64 : index
        %swap3A_397 = tpu.vector_load %arg10[%swap3A_395, %swap3A_396] {strides = array<i32>} : memref<512x96xf32, #tpu.memory_space<vmem>>, vector<16xf32>,
        tpu.vector_store %arg10[%swap3A_395, %swap3A_396], %add3A_394 {strides = array<i32>} : memref<512x96xf32, #tpu.memory_space<vmem>>, vector<16xf32>,
        %mul3A_398 = arith.mulf %broadcast_in_dim3A_386, %gather3A_392 : vector<16xf32>
        %add3A_399 = arith.addf %gather3A_390, %mul3A_398 : vector<16xf32>
        %swap3A_400 = arith.index_cast %add3A_336 : i32 to index
        %swap3A_401 = arith.constant 80 : index
        %swap3A_402 = tpu.vector_load %arg10[%swap3A_400, %swap3A_401] {strides = array<i32>} : memref<512x96xf32, #tpu.memory_space<vmem>>, vector<16xf32>,
        tpu.vector_store %arg10[%swap3A_400, %swap3A_401], %add3A_399 {strides = array<i32>} : memref<512x96xf32, #tpu.memory_space<vmem>>, vector<16xf32>,
        %mul3A_403 = arith.constant 16 : i32
        %mul3A_404 = arith.muli %scan3A_228, %mul3A_403 : i32
        %add3A_405 = arith.constant 256 : i32
        %add3A_406 = arith.addi %add3A_405, %mul3A_404 : i32
        %add3A_407 = arith.constant 2 : i32
        %add3A_408 = arith.addi %add3A_406, %add3A_407 : i32
        %slice3A_409 = vector.extract_strided_slice %get3A_233 {offsets = [2], sizes = [1], strides = [1]} : vector<16xi32> to vector<1xi32>
        %squeeze3A_410 = vector.extract %slice3A_409[0] : i32 from vector<1xi32>
        %broadcast_in_dim3A_411 = vector.broadcast %squeeze3A_410 : i32 to vector<16xi32>
        %slice3A_412 = vector.extract_strided_slice %get3A_251 {offsets = [2], sizes = [1], strides = [1]} : vector<16xf32> to vector<1xf32>
        %squeeze3A_413 = vector.extract %slice3A_412[0] : f32 from vector<1xf32>
        %broadcast_in_dim3A_414 = vector.broadcast %squeeze3A_413 : f32 to vector<16xf32>
        %add3A_415 = arith.addi %broadcast_in_dim3A_411, %iota3A_205 : vector<16xi32>
        %add3A_416 = arith.addi %broadcast_in_dim3A_411, %add3A_208 : vector<16xi32>
        %gather3A_417 = tpu.vector_load_idx %arg6[%add3A_415] : memref<9312xf32, #tpu.memory_space<vmem>>[vector<16xi32>], vector<16xf32>,
        %gather3A_418 = tpu.vector_load_idx %arg6[%add3A_416] : memref<9312xf32, #tpu.memory_space<vmem>>[vector<16xi32>], vector<16xf32>,
        %gather3A_419 = tpu.vector_load_idx %arg7[%add3A_415] : memref<9312xf32, #tpu.memory_space<vmem>>[vector<16xi32>], vector<16xf32>,
        %gather3A_420 = tpu.vector_load_idx %arg7[%add3A_416] : memref<9312xf32, #tpu.memory_space<vmem>>[vector<16xi32>], vector<16xf32>,
        %mul3A_421 = arith.mulf %broadcast_in_dim3A_414, %gather3A_419 : vector<16xf32>
        %add3A_422 = arith.addf %gather3A_417, %mul3A_421 : vector<16xf32>
        %swap3A_423 = arith.index_cast %add3A_408 : i32 to index
        %swap3A_424 = arith.constant 0 : index
        %swap3A_425 = tpu.vector_load %arg10[%swap3A_423, %swap3A_424] {strides = array<i32>} : memref<512x96xf32, #tpu.memory_space<vmem>>, vector<16xf32>,
        tpu.vector_store %arg10[%swap3A_423, %swap3A_424], %add3A_422 {strides = array<i32>} : memref<512x96xf32, #tpu.memory_space<vmem>>, vector<16xf32>,
        %mul3A_426 = arith.mulf %broadcast_in_dim3A_414, %gather3A_420 : vector<16xf32>
        %add3A_427 = arith.addf %gather3A_418, %mul3A_426 : vector<16xf32>
        %swap3A_428 = arith.index_cast %add3A_408 : i32 to index
        %swap3A_429 = arith.constant 16 : index
        %swap3A_430 = tpu.vector_load %arg10[%swap3A_428, %swap3A_429] {strides = array<i32>} : memref<512x96xf32, #tpu.memory_space<vmem>>, vector<16xf32>,
        tpu.vector_store %arg10[%swap3A_428, %swap3A_429], %add3A_427 {strides = array<i32>} : memref<512x96xf32, #tpu.memory_space<vmem>>, vector<16xf32>,
        %slice3A_431 = vector.extract_strided_slice %get3A_239 {offsets = [2], sizes = [1], strides = [1]} : vector<16xi32> to vector<1xi32>
        %squeeze3A_432 = vector.extract %slice3A_431[0] : i32 from vector<1xi32>
        %broadcast_in_dim3A_433 = vector.broadcast %squeeze3A_432 : i32 to vector<16xi32>
        %slice3A_434 = vector.extract_strided_slice %get3A_257 {offsets = [2], sizes = [1], strides = [1]} : vector<16xf32> to vector<1xf32>
        %squeeze3A_435 = vector.extract %slice3A_434[0] : f32 from vector<1xf32>
        %broadcast_in_dim3A_436 = vector.broadcast %squeeze3A_435 : f32 to vector<16xf32>
        %add3A_437 = arith.addi %broadcast_in_dim3A_433, %iota3A_205 : vector<16xi32>
        %add3A_438 = arith.addi %broadcast_in_dim3A_433, %add3A_208 : vector<16xi32>
        %gather3A_439 = tpu.vector_load_idx %arg6[%add3A_437] : memref<9312xf32, #tpu.memory_space<vmem>>[vector<16xi32>], vector<16xf32>,
        %gather3A_440 = tpu.vector_load_idx %arg6[%add3A_438] : memref<9312xf32, #tpu.memory_space<vmem>>[vector<16xi32>], vector<16xf32>,
        %gather3A_441 = tpu.vector_load_idx %arg7[%add3A_437] : memref<9312xf32, #tpu.memory_space<vmem>>[vector<16xi32>], vector<16xf32>,
        %gather3A_442 = tpu.vector_load_idx %arg7[%add3A_438] : memref<9312xf32, #tpu.memory_space<vmem>>[vector<16xi32>], vector<16xf32>,
        %mul3A_443 = arith.mulf %broadcast_in_dim3A_436, %gather3A_441 : vector<16xf32>
        %add3A_444 = arith.addf %gather3A_439, %mul3A_443 : vector<16xf32>
        %swap3A_445 = arith.index_cast %add3A_408 : i32 to index
        %swap3A_446 = arith.constant 32 : index
        %swap3A_447 = tpu.vector_load %arg10[%swap3A_445, %swap3A_446] {strides = array<i32>} : memref<512x96xf32, #tpu.memory_space<vmem>>, vector<16xf32>,
        tpu.vector_store %arg10[%swap3A_445, %swap3A_446], %add3A_444 {strides = array<i32>} : memref<512x96xf32, #tpu.memory_space<vmem>>, vector<16xf32>,
        %mul3A_448 = arith.mulf %broadcast_in_dim3A_436, %gather3A_442 : vector<16xf32>
        %add3A_449 = arith.addf %gather3A_440, %mul3A_448 : vector<16xf32>
        %swap3A_450 = arith.index_cast %add3A_408 : i32 to index
        %swap3A_451 = arith.constant 48 : index
        %swap3A_452 = tpu.vector_load %arg10[%swap3A_450, %swap3A_451] {strides = array<i32>} : memref<512x96xf32, #tpu.memory_space<vmem>>, vector<16xf32>,
        tpu.vector_store %arg10[%swap3A_450, %swap3A_451], %add3A_449 {strides = array<i32>} : memref<512x96xf32, #tpu.memory_space<vmem>>, vector<16xf32>,
        %slice3A_453 = vector.extract_strided_slice %get3A_245 {offsets = [2], sizes = [1], strides = [1]} : vector<16xi32> to vector<1xi32>
        %squeeze3A_454 = vector.extract %slice3A_453[0] : i32 from vector<1xi32>
        %broadcast_in_dim3A_455 = vector.broadcast %squeeze3A_454 : i32 to vector<16xi32>
        %slice3A_456 = vector.extract_strided_slice %get3A_263 {offsets = [2], sizes = [1], strides = [1]} : vector<16xf32> to vector<1xf32>
        %squeeze3A_457 = vector.extract %slice3A_456[0] : f32 from vector<1xf32>
        %broadcast_in_dim3A_458 = vector.broadcast %squeeze3A_457 : f32 to vector<16xf32>
        %add3A_459 = arith.addi %broadcast_in_dim3A_455, %iota3A_205 : vector<16xi32>
        %add3A_460 = arith.addi %broadcast_in_dim3A_455, %add3A_208 : vector<16xi32>
        %gather3A_461 = tpu.vector_load_idx %arg6[%add3A_459] : memref<9312xf32, #tpu.memory_space<vmem>>[vector<16xi32>], vector<16xf32>,
        %gather3A_462 = tpu.vector_load_idx %arg6[%add3A_460] : memref<9312xf32, #tpu.memory_space<vmem>>[vector<16xi32>], vector<16xf32>,
        %gather3A_463 = tpu.vector_load_idx %arg7[%add3A_459] : memref<9312xf32, #tpu.memory_space<vmem>>[vector<16xi32>], vector<16xf32>,
        %gather3A_464 = tpu.vector_load_idx %arg7[%add3A_460] : memref<9312xf32, #tpu.memory_space<vmem>>[vector<16xi32>], vector<16xf32>,
        %mul3A_465 = arith.mulf %broadcast_in_dim3A_458, %gather3A_463 : vector<16xf32>
        %add3A_466 = arith.addf %gather3A_461, %mul3A_465 : vector<16xf32>
        %swap3A_467 = arith.index_cast %add3A_408 : i32 to index
        %swap3A_468 = arith.constant 64 : index
        %swap3A_469 = tpu.vector_load %arg10[%swap3A_467, %swap3A_468] {strides = array<i32>} : memref<512x96xf32, #tpu.memory_space<vmem>>, vector<16xf32>,
        tpu.vector_store %arg10[%swap3A_467, %swap3A_468], %add3A_466 {strides = array<i32>} : memref<512x96xf32, #tpu.memory_space<vmem>>, vector<16xf32>,
        %mul3A_470 = arith.mulf %broadcast_in_dim3A_458, %gather3A_464 : vector<16xf32>
        %add3A_471 = arith.addf %gather3A_462, %mul3A_470 : vector<16xf32>
        %swap3A_472 = arith.index_cast %add3A_408 : i32 to index
        %swap3A_473 = arith.constant 80 : index
        %swap3A_474 = tpu.vector_load %arg10[%swap3A_472, %swap3A_473] {strides = array<i32>} : memref<512x96xf32, #tpu.memory_space<vmem>>, vector<16xf32>,
        tpu.vector_store %arg10[%swap3A_472, %swap3A_473], %add3A_471 {strides = array<i32>} : memref<512x96xf32, #tpu.memory_space<vmem>>, vector<16xf32>,
        %mul3A_475 = arith.constant 16 : i32
        %mul3A_476 = arith.muli %scan3A_228, %mul3A_475 : i32
        %add3A_477 = arith.constant 256 : i32
        %add3A_478 = arith.addi %add3A_477, %mul3A_476 : i32
        %add3A_479 = arith.constant 3 : i32
        %add3A_480 = arith.addi %add3A_478, %add3A_479 : i32
        %slice3A_481 = vector.extract_strided_slice %get3A_233 {offsets = [3], sizes = [1], strides = [1]} : vector<16xi32> to vector<1xi32>
        %squeeze3A_482 = vector.extract %slice3A_481[0] : i32 from vector<1xi32>
        %broadcast_in_dim3A_483 = vector.broadcast %squeeze3A_482 : i32 to vector<16xi32>
        %slice3A_484 = vector.extract_strided_slice %get3A_251 {offsets = [3], sizes = [1], strides = [1]} : vector<16xf32> to vector<1xf32>
        %squeeze3A_485 = vector.extract %slice3A_484[0] : f32 from vector<1xf32>
        %broadcast_in_dim3A_486 = vector.broadcast %squeeze3A_485 : f32 to vector<16xf32>
        %add3A_487 = arith.addi %broadcast_in_dim3A_483, %iota3A_205 : vector<16xi32>
        %add3A_488 = arith.addi %broadcast_in_dim3A_483, %add3A_208 : vector<16xi32>
        %gather3A_489 = tpu.vector_load_idx %arg6[%add3A_487] : memref<9312xf32, #tpu.memory_space<vmem>>[vector<16xi32>], vector<16xf32>,
        %gather3A_490 = tpu.vector_load_idx %arg6[%add3A_488] : memref<9312xf32, #tpu.memory_space<vmem>>[vector<16xi32>], vector<16xf32>,
        %gather3A_491 = tpu.vector_load_idx %arg7[%add3A_487] : memref<9312xf32, #tpu.memory_space<vmem>>[vector<16xi32>], vector<16xf32>,
        %gather3A_492 = tpu.vector_load_idx %arg7[%add3A_488] : memref<9312xf32, #tpu.memory_space<vmem>>[vector<16xi32>], vector<16xf32>,
        %mul3A_493 = arith.mulf %broadcast_in_dim3A_486, %gather3A_491 : vector<16xf32>
        %add3A_494 = arith.addf %gather3A_489, %mul3A_493 : vector<16xf32>
        %swap3A_495 = arith.index_cast %add3A_480 : i32 to index
        %swap3A_496 = arith.constant 0 : index
        %swap3A_497 = tpu.vector_load %arg10[%swap3A_495, %swap3A_496] {strides = array<i32>} : memref<512x96xf32, #tpu.memory_space<vmem>>, vector<16xf32>,
        tpu.vector_store %arg10[%swap3A_495, %swap3A_496], %add3A_494 {strides = array<i32>} : memref<512x96xf32, #tpu.memory_space<vmem>>, vector<16xf32>,
        %mul3A_498 = arith.mulf %broadcast_in_dim3A_486, %gather3A_492 : vector<16xf32>
        %add3A_499 = arith.addf %gather3A_490, %mul3A_498 : vector<16xf32>
        %swap3A_500 = arith.index_cast %add3A_480 : i32 to index
        %swap3A_501 = arith.constant 16 : index
        %swap3A_502 = tpu.vector_load %arg10[%swap3A_500, %swap3A_501] {strides = array<i32>} : memref<512x96xf32, #tpu.memory_space<vmem>>, vector<16xf32>,
        tpu.vector_store %arg10[%swap3A_500, %swap3A_501], %add3A_499 {strides = array<i32>} : memref<512x96xf32, #tpu.memory_space<vmem>>, vector<16xf32>,
        %slice3A_503 = vector.extract_strided_slice %get3A_239 {offsets = [3], sizes = [1], strides = [1]} : vector<16xi32> to vector<1xi32>
        %squeeze3A_504 = vector.extract %slice3A_503[0] : i32 from vector<1xi32>
        %broadcast_in_dim3A_505 = vector.broadcast %squeeze3A_504 : i32 to vector<16xi32>
        %slice3A_506 = vector.extract_strided_slice %get3A_257 {offsets = [3], sizes = [1], strides = [1]} : vector<16xf32> to vector<1xf32>
        %squeeze3A_507 = vector.extract %slice3A_506[0] : f32 from vector<1xf32>
        %broadcast_in_dim3A_508 = vector.broadcast %squeeze3A_507 : f32 to vector<16xf32>
        %add3A_509 = arith.addi %broadcast_in_dim3A_505, %iota3A_205 : vector<16xi32>
        %add3A_510 = arith.addi %broadcast_in_dim3A_505, %add3A_208 : vector<16xi32>
        %gather3A_511 = tpu.vector_load_idx %arg6[%add3A_509] : memref<9312xf32, #tpu.memory_space<vmem>>[vector<16xi32>], vector<16xf32>,
        %gather3A_512 = tpu.vector_load_idx %arg6[%add3A_510] : memref<9312xf32, #tpu.memory_space<vmem>>[vector<16xi32>], vector<16xf32>,
        %gather3A_513 = tpu.vector_load_idx %arg7[%add3A_509] : memref<9312xf32, #tpu.memory_space<vmem>>[vector<16xi32>], vector<16xf32>,
        %gather3A_514 = tpu.vector_load_idx %arg7[%add3A_510] : memref<9312xf32, #tpu.memory_space<vmem>>[vector<16xi32>], vector<16xf32>,
        %mul3A_515 = arith.mulf %broadcast_in_dim3A_508, %gather3A_513 : vector<16xf32>
        %add3A_516 = arith.addf %gather3A_511, %mul3A_515 : vector<16xf32>
        %swap3A_517 = arith.index_cast %add3A_480 : i32 to index
        %swap3A_518 = arith.constant 32 : index
        %swap3A_519 = tpu.vector_load %arg10[%swap3A_517, %swap3A_518] {strides = array<i32>} : memref<512x96xf32, #tpu.memory_space<vmem>>, vector<16xf32>,
        tpu.vector_store %arg10[%swap3A_517, %swap3A_518], %add3A_516 {strides = array<i32>} : memref<512x96xf32, #tpu.memory_space<vmem>>, vector<16xf32>,
        %mul3A_520 = arith.mulf %broadcast_in_dim3A_508, %gather3A_514 : vector<16xf32>
        %add3A_521 = arith.addf %gather3A_512, %mul3A_520 : vector<16xf32>
        %swap3A_522 = arith.index_cast %add3A_480 : i32 to index
        %swap3A_523 = arith.constant 48 : index
        %swap3A_524 = tpu.vector_load %arg10[%swap3A_522, %swap3A_523] {strides = array<i32>} : memref<512x96xf32, #tpu.memory_space<vmem>>, vector<16xf32>,
        tpu.vector_store %arg10[%swap3A_522, %swap3A_523], %add3A_521 {strides = array<i32>} : memref<512x96xf32, #tpu.memory_space<vmem>>, vector<16xf32>,
        %slice3A_525 = vector.extract_strided_slice %get3A_245 {offsets = [3], sizes = [1], strides = [1]} : vector<16xi32> to vector<1xi32>
        %squeeze3A_526 = vector.extract %slice3A_525[0] : i32 from vector<1xi32>
        %broadcast_in_dim3A_527 = vector.broadcast %squeeze3A_526 : i32 to vector<16xi32>
        %slice3A_528 = vector.extract_strided_slice %get3A_263 {offsets = [3], sizes = [1], strides = [1]} : vector<16xf32> to vector<1xf32>
        %squeeze3A_529 = vector.extract %slice3A_528[0] : f32 from vector<1xf32>
        %broadcast_in_dim3A_530 = vector.broadcast %squeeze3A_529 : f32 to vector<16xf32>
        %add3A_531 = arith.addi %broadcast_in_dim3A_527, %iota3A_205 : vector<16xi32>
        %add3A_532 = arith.addi %broadcast_in_dim3A_527, %add3A_208 : vector<16xi32>
        %gather3A_533 = tpu.vector_load_idx %arg6[%add3A_531] : memref<9312xf32, #tpu.memory_space<vmem>>[vector<16xi32>], vector<16xf32>,
        %gather3A_534 = tpu.vector_load_idx %arg6[%add3A_532] : memref<9312xf32, #tpu.memory_space<vmem>>[vector<16xi32>], vector<16xf32>,
        %gather3A_535 = tpu.vector_load_idx %arg7[%add3A_531] : memref<9312xf32, #tpu.memory_space<vmem>>[vector<16xi32>], vector<16xf32>,
        %gather3A_536 = tpu.vector_load_idx %arg7[%add3A_532] : memref<9312xf32, #tpu.memory_space<vmem>>[vector<16xi32>], vector<16xf32>,
        %mul3A_537 = arith.mulf %broadcast_in_dim3A_530, %gather3A_535 : vector<16xf32>
        %add3A_538 = arith.addf %gather3A_533, %mul3A_537 : vector<16xf32>
        %swap3A_539 = arith.index_cast %add3A_480 : i32 to index
        %swap3A_540 = arith.constant 64 : index
        %swap3A_541 = tpu.vector_load %arg10[%swap3A_539, %swap3A_540] {strides = array<i32>} : memref<512x96xf32, #tpu.memory_space<vmem>>, vector<16xf32>,
        tpu.vector_store %arg10[%swap3A_539, %swap3A_540], %add3A_538 {strides = array<i32>} : memref<512x96xf32, #tpu.memory_space<vmem>>, vector<16xf32>,
        %mul3A_542 = arith.mulf %broadcast_in_dim3A_530, %gather3A_536 : vector<16xf32>
        %add3A_543 = arith.addf %gather3A_534, %mul3A_542 : vector<16xf32>
        %swap3A_544 = arith.index_cast %add3A_480 : i32 to index
        %swap3A_545 = arith.constant 80 : index
        %swap3A_546 = tpu.vector_load %arg10[%swap3A_544, %swap3A_545] {strides = array<i32>} : memref<512x96xf32, #tpu.memory_space<vmem>>, vector<16xf32>,
        tpu.vector_store %arg10[%swap3A_544, %swap3A_545], %add3A_543 {strides = array<i32>} : memref<512x96xf32, #tpu.memory_space<vmem>>, vector<16xf32>,
        %mul3A_547 = arith.constant 16 : i32
        %mul3A_548 = arith.muli %scan3A_228, %mul3A_547 : i32
        %add3A_549 = arith.constant 256 : i32
        %add3A_550 = arith.addi %add3A_549, %mul3A_548 : i32
        %add3A_551 = arith.constant 4 : i32
        %add3A_552 = arith.addi %add3A_550, %add3A_551 : i32
        %slice3A_553 = vector.extract_strided_slice %get3A_233 {offsets = [4], sizes = [1], strides = [1]} : vector<16xi32> to vector<1xi32>
        %squeeze3A_554 = vector.extract %slice3A_553[0] : i32 from vector<1xi32>
        %broadcast_in_dim3A_555 = vector.broadcast %squeeze3A_554 : i32 to vector<16xi32>
        %slice3A_556 = vector.extract_strided_slice %get3A_251 {offsets = [4], sizes = [1], strides = [1]} : vector<16xf32> to vector<1xf32>
        %squeeze3A_557 = vector.extract %slice3A_556[0] : f32 from vector<1xf32>
        %broadcast_in_dim3A_558 = vector.broadcast %squeeze3A_557 : f32 to vector<16xf32>
        %add3A_559 = arith.addi %broadcast_in_dim3A_555, %iota3A_205 : vector<16xi32>
        %add3A_560 = arith.addi %broadcast_in_dim3A_555, %add3A_208 : vector<16xi32>
        %gather3A_561 = tpu.vector_load_idx %arg6[%add3A_559] : memref<9312xf32, #tpu.memory_space<vmem>>[vector<16xi32>], vector<16xf32>,
        %gather3A_562 = tpu.vector_load_idx %arg6[%add3A_560] : memref<9312xf32, #tpu.memory_space<vmem>>[vector<16xi32>], vector<16xf32>,
        %gather3A_563 = tpu.vector_load_idx %arg7[%add3A_559] : memref<9312xf32, #tpu.memory_space<vmem>>[vector<16xi32>], vector<16xf32>,
        %gather3A_564 = tpu.vector_load_idx %arg7[%add3A_560] : memref<9312xf32, #tpu.memory_space<vmem>>[vector<16xi32>], vector<16xf32>,
        %mul3A_565 = arith.mulf %broadcast_in_dim3A_558, %gather3A_563 : vector<16xf32>
        %add3A_566 = arith.addf %gather3A_561, %mul3A_565 : vector<16xf32>
        %swap3A_567 = arith.index_cast %add3A_552 : i32 to index
        %swap3A_568 = arith.constant 0 : index
        %swap3A_569 = tpu.vector_load %arg10[%swap3A_567, %swap3A_568] {strides = array<i32>} : memref<512x96xf32, #tpu.memory_space<vmem>>, vector<16xf32>,
        tpu.vector_store %arg10[%swap3A_567, %swap3A_568], %add3A_566 {strides = array<i32>} : memref<512x96xf32, #tpu.memory_space<vmem>>, vector<16xf32>,
        %mul3A_570 = arith.mulf %broadcast_in_dim3A_558, %gather3A_564 : vector<16xf32>
        %add3A_571 = arith.addf %gather3A_562, %mul3A_570 : vector<16xf32>
        %swap3A_572 = arith.index_cast %add3A_552 : i32 to index
        %swap3A_573 = arith.constant 16 : index
        %swap3A_574 = tpu.vector_load %arg10[%swap3A_572, %swap3A_573] {strides = array<i32>} : memref<512x96xf32, #tpu.memory_space<vmem>>, vector<16xf32>,
        tpu.vector_store %arg10[%swap3A_572, %swap3A_573], %add3A_571 {strides = array<i32>} : memref<512x96xf32, #tpu.memory_space<vmem>>, vector<16xf32>,
        %slice3A_575 = vector.extract_strided_slice %get3A_239 {offsets = [4], sizes = [1], strides = [1]} : vector<16xi32> to vector<1xi32>
        %squeeze3A_576 = vector.extract %slice3A_575[0] : i32 from vector<1xi32>
        %broadcast_in_dim3A_577 = vector.broadcast %squeeze3A_576 : i32 to vector<16xi32>
        %slice3A_578 = vector.extract_strided_slice %get3A_257 {offsets = [4], sizes = [1], strides = [1]} : vector<16xf32> to vector<1xf32>
        %squeeze3A_579 = vector.extract %slice3A_578[0] : f32 from vector<1xf32>
        %broadcast_in_dim3A_580 = vector.broadcast %squeeze3A_579 : f32 to vector<16xf32>
        %add3A_581 = arith.addi %broadcast_in_dim3A_577, %iota3A_205 : vector<16xi32>
        %add3A_582 = arith.addi %broadcast_in_dim3A_577, %add3A_208 : vector<16xi32>
        %gather3A_583 = tpu.vector_load_idx %arg6[%add3A_581] : memref<9312xf32, #tpu.memory_space<vmem>>[vector<16xi32>], vector<16xf32>,
        %gather3A_584 = tpu.vector_load_idx %arg6[%add3A_582] : memref<9312xf32, #tpu.memory_space<vmem>>[vector<16xi32>], vector<16xf32>,
        %gather3A_585 = tpu.vector_load_idx %arg7[%add3A_581] : memref<9312xf32, #tpu.memory_space<vmem>>[vector<16xi32>], vector<16xf32>,
        %gather3A_586 = tpu.vector_load_idx %arg7[%add3A_582] : memref<9312xf32, #tpu.memory_space<vmem>>[vector<16xi32>], vector<16xf32>,
        %mul3A_587 = arith.mulf %broadcast_in_dim3A_580, %gather3A_585 : vector<16xf32>
        %add3A_588 = arith.addf %gather3A_583, %mul3A_587 : vector<16xf32>
        %swap3A_589 = arith.index_cast %add3A_552 : i32 to index
        %swap3A_590 = arith.constant 32 : index
        %swap3A_591 = tpu.vector_load %arg10[%swap3A_589, %swap3A_590] {strides = array<i32>} : memref<512x96xf32, #tpu.memory_space<vmem>>, vector<16xf32>,
        tpu.vector_store %arg10[%swap3A_589, %swap3A_590], %add3A_588 {strides = array<i32>} : memref<512x96xf32, #tpu.memory_space<vmem>>, vector<16xf32>,
        %mul3A_592 = arith.mulf %broadcast_in_dim3A_580, %gather3A_586 : vector<16xf32>
        %add3A_593 = arith.addf %gather3A_584, %mul3A_592 : vector<16xf32>
        %swap3A_594 = arith.index_cast %add3A_552 : i32 to index
        %swap3A_595 = arith.constant 48 : index
        %swap3A_596 = tpu.vector_load %arg10[%swap3A_594, %swap3A_595] {strides = array<i32>} : memref<512x96xf32, #tpu.memory_space<vmem>>, vector<16xf32>,
        tpu.vector_store %arg10[%swap3A_594, %swap3A_595], %add3A_593 {strides = array<i32>} : memref<512x96xf32, #tpu.memory_space<vmem>>, vector<16xf32>,
        %slice3A_597 = vector.extract_strided_slice %get3A_245 {offsets = [4], sizes = [1], strides = [1]} : vector<16xi32> to vector<1xi32>
        %squeeze3A_598 = vector.extract %slice3A_597[0] : i32 from vector<1xi32>
        %broadcast_in_dim3A_599 = vector.broadcast %squeeze3A_598 : i32 to vector<16xi32>
        %slice3A_600 = vector.extract_strided_slice %get3A_263 {offsets = [4], sizes = [1], strides = [1]} : vector<16xf32> to vector<1xf32>
        %squeeze3A_601 = vector.extract %slice3A_600[0] : f32 from vector<1xf32>
        %broadcast_in_dim3A_602 = vector.broadcast %squeeze3A_601 : f32 to vector<16xf32>
        %add3A_603 = arith.addi %broadcast_in_dim3A_599, %iota3A_205 : vector<16xi32>
        %add3A_604 = arith.addi %broadcast_in_dim3A_599, %add3A_208 : vector<16xi32>
        %gather3A_605 = tpu.vector_load_idx %arg6[%add3A_603] : memref<9312xf32, #tpu.memory_space<vmem>>[vector<16xi32>], vector<16xf32>,
        %gather3A_606 = tpu.vector_load_idx %arg6[%add3A_604] : memref<9312xf32, #tpu.memory_space<vmem>>[vector<16xi32>], vector<16xf32>,
        %gather3A_607 = tpu.vector_load_idx %arg7[%add3A_603] : memref<9312xf32, #tpu.memory_space<vmem>>[vector<16xi32>], vector<16xf32>,
        %gather3A_608 = tpu.vector_load_idx %arg7[%add3A_604] : memref<9312xf32, #tpu.memory_space<vmem>>[vector<16xi32>], vector<16xf32>,
        %mul3A_609 = arith.mulf %broadcast_in_dim3A_602, %gather3A_607 : vector<16xf32>
        %add3A_610 = arith.addf %gather3A_605, %mul3A_609 : vector<16xf32>
        %swap3A_611 = arith.index_cast %add3A_552 : i32 to index
        %swap3A_612 = arith.constant 64 : index
        %swap3A_613 = tpu.vector_load %arg10[%swap3A_611, %swap3A_612] {strides = array<i32>} : memref<512x96xf32, #tpu.memory_space<vmem>>, vector<16xf32>,
        tpu.vector_store %arg10[%swap3A_611, %swap3A_612], %add3A_610 {strides = array<i32>} : memref<512x96xf32, #tpu.memory_space<vmem>>, vector<16xf32>,
        %mul3A_614 = arith.mulf %broadcast_in_dim3A_602, %gather3A_608 : vector<16xf32>
        %add3A_615 = arith.addf %gather3A_606, %mul3A_614 : vector<16xf32>
        %swap3A_616 = arith.index_cast %add3A_552 : i32 to index
        %swap3A_617 = arith.constant 80 : index
        %swap3A_618 = tpu.vector_load %arg10[%swap3A_616, %swap3A_617] {strides = array<i32>} : memref<512x96xf32, #tpu.memory_space<vmem>>, vector<16xf32>,
        tpu.vector_store %arg10[%swap3A_616, %swap3A_617], %add3A_615 {strides = array<i32>} : memref<512x96xf32, #tpu.memory_space<vmem>>, vector<16xf32>,
        %mul3A_619 = arith.constant 16 : i32
        %mul3A_620 = arith.muli %scan3A_228, %mul3A_619 : i32
        %add3A_621 = arith.constant 256 : i32
        %add3A_622 = arith.addi %add3A_621, %mul3A_620 : i32
        %add3A_623 = arith.constant 5 : i32
        %add3A_624 = arith.addi %add3A_622, %add3A_623 : i32
        %slice3A_625 = vector.extract_strided_slice %get3A_233 {offsets = [5], sizes = [1], strides = [1]} : vector<16xi32> to vector<1xi32>
        %squeeze3A_626 = vector.extract %slice3A_625[0] : i32 from vector<1xi32>
        %broadcast_in_dim3A_627 = vector.broadcast %squeeze3A_626 : i32 to vector<16xi32>
        %slice3A_628 = vector.extract_strided_slice %get3A_251 {offsets = [5], sizes = [1], strides = [1]} : vector<16xf32> to vector<1xf32>
        %squeeze3A_629 = vector.extract %slice3A_628[0] : f32 from vector<1xf32>
        %broadcast_in_dim3A_630 = vector.broadcast %squeeze3A_629 : f32 to vector<16xf32>
        %add3A_631 = arith.addi %broadcast_in_dim3A_627, %iota3A_205 : vector<16xi32>
        %add3A_632 = arith.addi %broadcast_in_dim3A_627, %add3A_208 : vector<16xi32>
        %gather3A_633 = tpu.vector_load_idx %arg6[%add3A_631] : memref<9312xf32, #tpu.memory_space<vmem>>[vector<16xi32>], vector<16xf32>,
        %gather3A_634 = tpu.vector_load_idx %arg6[%add3A_632] : memref<9312xf32, #tpu.memory_space<vmem>>[vector<16xi32>], vector<16xf32>,
        %gather3A_635 = tpu.vector_load_idx %arg7[%add3A_631] : memref<9312xf32, #tpu.memory_space<vmem>>[vector<16xi32>], vector<16xf32>,
        %gather3A_636 = tpu.vector_load_idx %arg7[%add3A_632] : memref<9312xf32, #tpu.memory_space<vmem>>[vector<16xi32>], vector<16xf32>,
        %mul3A_637 = arith.mulf %broadcast_in_dim3A_630, %gather3A_635 : vector<16xf32>
        %add3A_638 = arith.addf %gather3A_633, %mul3A_637 : vector<16xf32>
        %swap3A_639 = arith.index_cast %add3A_624 : i32 to index
        %swap3A_640 = arith.constant 0 : index
        %swap3A_641 = tpu.vector_load %arg10[%swap3A_639, %swap3A_640] {strides = array<i32>} : memref<512x96xf32, #tpu.memory_space<vmem>>, vector<16xf32>,
        tpu.vector_store %arg10[%swap3A_639, %swap3A_640], %add3A_638 {strides = array<i32>} : memref<512x96xf32, #tpu.memory_space<vmem>>, vector<16xf32>,
        %mul3A_642 = arith.mulf %broadcast_in_dim3A_630, %gather3A_636 : vector<16xf32>
        %add3A_643 = arith.addf %gather3A_634, %mul3A_642 : vector<16xf32>
        %swap3A_644 = arith.index_cast %add3A_624 : i32 to index
        %swap3A_645 = arith.constant 16 : index
        %swap3A_646 = tpu.vector_load %arg10[%swap3A_644, %swap3A_645] {strides = array<i32>} : memref<512x96xf32, #tpu.memory_space<vmem>>, vector<16xf32>,
        tpu.vector_store %arg10[%swap3A_644, %swap3A_645], %add3A_643 {strides = array<i32>} : memref<512x96xf32, #tpu.memory_space<vmem>>, vector<16xf32>,
        %slice3A_647 = vector.extract_strided_slice %get3A_239 {offsets = [5], sizes = [1], strides = [1]} : vector<16xi32> to vector<1xi32>
        %squeeze3A_648 = vector.extract %slice3A_647[0] : i32 from vector<1xi32>
        %broadcast_in_dim3A_649 = vector.broadcast %squeeze3A_648 : i32 to vector<16xi32>
        %slice3A_650 = vector.extract_strided_slice %get3A_257 {offsets = [5], sizes = [1], strides = [1]} : vector<16xf32> to vector<1xf32>
        %squeeze3A_651 = vector.extract %slice3A_650[0] : f32 from vector<1xf32>
        %broadcast_in_dim3A_652 = vector.broadcast %squeeze3A_651 : f32 to vector<16xf32>
        %add3A_653 = arith.addi %broadcast_in_dim3A_649, %iota3A_205 : vector<16xi32>
        %add3A_654 = arith.addi %broadcast_in_dim3A_649, %add3A_208 : vector<16xi32>
        %gather3A_655 = tpu.vector_load_idx %arg6[%add3A_653] : memref<9312xf32, #tpu.memory_space<vmem>>[vector<16xi32>], vector<16xf32>,
        %gather3A_656 = tpu.vector_load_idx %arg6[%add3A_654] : memref<9312xf32, #tpu.memory_space<vmem>>[vector<16xi32>], vector<16xf32>,
        %gather3A_657 = tpu.vector_load_idx %arg7[%add3A_653] : memref<9312xf32, #tpu.memory_space<vmem>>[vector<16xi32>], vector<16xf32>,
        %gather3A_658 = tpu.vector_load_idx %arg7[%add3A_654] : memref<9312xf32, #tpu.memory_space<vmem>>[vector<16xi32>], vector<16xf32>,
        %mul3A_659 = arith.mulf %broadcast_in_dim3A_652, %gather3A_657 : vector<16xf32>
        %add3A_660 = arith.addf %gather3A_655, %mul3A_659 : vector<16xf32>
        %swap3A_661 = arith.index_cast %add3A_624 : i32 to index
        %swap3A_662 = arith.constant 32 : index
        %swap3A_663 = tpu.vector_load %arg10[%swap3A_661, %swap3A_662] {strides = array<i32>} : memref<512x96xf32, #tpu.memory_space<vmem>>, vector<16xf32>,
        tpu.vector_store %arg10[%swap3A_661, %swap3A_662], %add3A_660 {strides = array<i32>} : memref<512x96xf32, #tpu.memory_space<vmem>>, vector<16xf32>,
        %mul3A_664 = arith.mulf %broadcast_in_dim3A_652, %gather3A_658 : vector<16xf32>
        %add3A_665 = arith.addf %gather3A_656, %mul3A_664 : vector<16xf32>
        %swap3A_666 = arith.index_cast %add3A_624 : i32 to index
        %swap3A_667 = arith.constant 48 : index
        %swap3A_668 = tpu.vector_load %arg10[%swap3A_666, %swap3A_667] {strides = array<i32>} : memref<512x96xf32, #tpu.memory_space<vmem>>, vector<16xf32>,
        tpu.vector_store %arg10[%swap3A_666, %swap3A_667], %add3A_665 {strides = array<i32>} : memref<512x96xf32, #tpu.memory_space<vmem>>, vector<16xf32>,
        %slice3A_669 = vector.extract_strided_slice %get3A_245 {offsets = [5], sizes = [1], strides = [1]} : vector<16xi32> to vector<1xi32>
        %squeeze3A_670 = vector.extract %slice3A_669[0] : i32 from vector<1xi32>
        %broadcast_in_dim3A_671 = vector.broadcast %squeeze3A_670 : i32 to vector<16xi32>
        %slice3A_672 = vector.extract_strided_slice %get3A_263 {offsets = [5], sizes = [1], strides = [1]} : vector<16xf32> to vector<1xf32>
        %squeeze3A_673 = vector.extract %slice3A_672[0] : f32 from vector<1xf32>
        %broadcast_in_dim3A_674 = vector.broadcast %squeeze3A_673 : f32 to vector<16xf32>
        %add3A_675 = arith.addi %broadcast_in_dim3A_671, %iota3A_205 : vector<16xi32>
        %add3A_676 = arith.addi %broadcast_in_dim3A_671, %add3A_208 : vector<16xi32>
        %gather3A_677 = tpu.vector_load_idx %arg6[%add3A_675] : memref<9312xf32, #tpu.memory_space<vmem>>[vector<16xi32>], vector<16xf32>,
        %gather3A_678 = tpu.vector_load_idx %arg6[%add3A_676] : memref<9312xf32, #tpu.memory_space<vmem>>[vector<16xi32>], vector<16xf32>,
        %gather3A_679 = tpu.vector_load_idx %arg7[%add3A_675] : memref<9312xf32, #tpu.memory_space<vmem>>[vector<16xi32>], vector<16xf32>,
        %gather3A_680 = tpu.vector_load_idx %arg7[%add3A_676] : memref<9312xf32, #tpu.memory_space<vmem>>[vector<16xi32>], vector<16xf32>,
        %mul3A_681 = arith.mulf %broadcast_in_dim3A_674, %gather3A_679 : vector<16xf32>
        %add3A_682 = arith.addf %gather3A_677, %mul3A_681 : vector<16xf32>
        %swap3A_683 = arith.index_cast %add3A_624 : i32 to index
        %swap3A_684 = arith.constant 64 : index
        %swap3A_685 = tpu.vector_load %arg10[%swap3A_683, %swap3A_684] {strides = array<i32>} : memref<512x96xf32, #tpu.memory_space<vmem>>, vector<16xf32>,
        tpu.vector_store %arg10[%swap3A_683, %swap3A_684], %add3A_682 {strides = array<i32>} : memref<512x96xf32, #tpu.memory_space<vmem>>, vector<16xf32>,
        %mul3A_686 = arith.mulf %broadcast_in_dim3A_674, %gather3A_680 : vector<16xf32>
        %add3A_687 = arith.addf %gather3A_678, %mul3A_686 : vector<16xf32>
        %swap3A_688 = arith.index_cast %add3A_624 : i32 to index
        %swap3A_689 = arith.constant 80 : index
        %swap3A_690 = tpu.vector_load %arg10[%swap3A_688, %swap3A_689] {strides = array<i32>} : memref<512x96xf32, #tpu.memory_space<vmem>>, vector<16xf32>,
        tpu.vector_store %arg10[%swap3A_688, %swap3A_689], %add3A_687 {strides = array<i32>} : memref<512x96xf32, #tpu.memory_space<vmem>>, vector<16xf32>,
        %mul3A_691 = arith.constant 16 : i32
        %mul3A_692 = arith.muli %scan3A_228, %mul3A_691 : i32
        %add3A_693 = arith.constant 256 : i32
        %add3A_694 = arith.addi %add3A_693, %mul3A_692 : i32
        %add3A_695 = arith.constant 6 : i32
        %add3A_696 = arith.addi %add3A_694, %add3A_695 : i32
        %slice3A_697 = vector.extract_strided_slice %get3A_233 {offsets = [6], sizes = [1], strides = [1]} : vector<16xi32> to vector<1xi32>
        %squeeze3A_698 = vector.extract %slice3A_697[0] : i32 from vector<1xi32>
        %broadcast_in_dim3A_699 = vector.broadcast %squeeze3A_698 : i32 to vector<16xi32>
        %slice3A_700 = vector.extract_strided_slice %get3A_251 {offsets = [6], sizes = [1], strides = [1]} : vector<16xf32> to vector<1xf32>
        %squeeze3A_701 = vector.extract %slice3A_700[0] : f32 from vector<1xf32>
        %broadcast_in_dim3A_702 = vector.broadcast %squeeze3A_701 : f32 to vector<16xf32>
        %add3A_703 = arith.addi %broadcast_in_dim3A_699, %iota3A_205 : vector<16xi32>
        %add3A_704 = arith.addi %broadcast_in_dim3A_699, %add3A_208 : vector<16xi32>
        %gather3A_705 = tpu.vector_load_idx %arg6[%add3A_703] : memref<9312xf32, #tpu.memory_space<vmem>>[vector<16xi32>], vector<16xf32>,
        %gather3A_706 = tpu.vector_load_idx %arg6[%add3A_704] : memref<9312xf32, #tpu.memory_space<vmem>>[vector<16xi32>], vector<16xf32>,
        %gather3A_707 = tpu.vector_load_idx %arg7[%add3A_703] : memref<9312xf32, #tpu.memory_space<vmem>>[vector<16xi32>], vector<16xf32>,
        %gather3A_708 = tpu.vector_load_idx %arg7[%add3A_704] : memref<9312xf32, #tpu.memory_space<vmem>>[vector<16xi32>], vector<16xf32>,
        %mul3A_709 = arith.mulf %broadcast_in_dim3A_702, %gather3A_707 : vector<16xf32>
        %add3A_710 = arith.addf %gather3A_705, %mul3A_709 : vector<16xf32>
        %swap3A_711 = arith.index_cast %add3A_696 : i32 to index
        %swap3A_712 = arith.constant 0 : index
        %swap3A_713 = tpu.vector_load %arg10[%swap3A_711, %swap3A_712] {strides = array<i32>} : memref<512x96xf32, #tpu.memory_space<vmem>>, vector<16xf32>,
        tpu.vector_store %arg10[%swap3A_711, %swap3A_712], %add3A_710 {strides = array<i32>} : memref<512x96xf32, #tpu.memory_space<vmem>>, vector<16xf32>,
        %mul3A_714 = arith.mulf %broadcast_in_dim3A_702, %gather3A_708 : vector<16xf32>
        %add3A_715 = arith.addf %gather3A_706, %mul3A_714 : vector<16xf32>
        %swap3A_716 = arith.index_cast %add3A_696 : i32 to index
        %swap3A_717 = arith.constant 16 : index
        %swap3A_718 = tpu.vector_load %arg10[%swap3A_716, %swap3A_717] {strides = array<i32>} : memref<512x96xf32, #tpu.memory_space<vmem>>, vector<16xf32>,
        tpu.vector_store %arg10[%swap3A_716, %swap3A_717], %add3A_715 {strides = array<i32>} : memref<512x96xf32, #tpu.memory_space<vmem>>, vector<16xf32>,
        %slice3A_719 = vector.extract_strided_slice %get3A_239 {offsets = [6], sizes = [1], strides = [1]} : vector<16xi32> to vector<1xi32>
        %squeeze3A_720 = vector.extract %slice3A_719[0] : i32 from vector<1xi32>
        %broadcast_in_dim3A_721 = vector.broadcast %squeeze3A_720 : i32 to vector<16xi32>
        %slice3A_722 = vector.extract_strided_slice %get3A_257 {offsets = [6], sizes = [1], strides = [1]} : vector<16xf32> to vector<1xf32>
        %squeeze3A_723 = vector.extract %slice3A_722[0] : f32 from vector<1xf32>
        %broadcast_in_dim3A_724 = vector.broadcast %squeeze3A_723 : f32 to vector<16xf32>
        %add3A_725 = arith.addi %broadcast_in_dim3A_721, %iota3A_205 : vector<16xi32>
        %add3A_726 = arith.addi %broadcast_in_dim3A_721, %add3A_208 : vector<16xi32>
        %gather3A_727 = tpu.vector_load_idx %arg6[%add3A_725] : memref<9312xf32, #tpu.memory_space<vmem>>[vector<16xi32>], vector<16xf32>,
        %gather3A_728 = tpu.vector_load_idx %arg6[%add3A_726] : memref<9312xf32, #tpu.memory_space<vmem>>[vector<16xi32>], vector<16xf32>,
        %gather3A_729 = tpu.vector_load_idx %arg7[%add3A_725] : memref<9312xf32, #tpu.memory_space<vmem>>[vector<16xi32>], vector<16xf32>,
        %gather3A_730 = tpu.vector_load_idx %arg7[%add3A_726] : memref<9312xf32, #tpu.memory_space<vmem>>[vector<16xi32>], vector<16xf32>,
        %mul3A_731 = arith.mulf %broadcast_in_dim3A_724, %gather3A_729 : vector<16xf32>
        %add3A_732 = arith.addf %gather3A_727, %mul3A_731 : vector<16xf32>
        %swap3A_733 = arith.index_cast %add3A_696 : i32 to index
        %swap3A_734 = arith.constant 32 : index
        %swap3A_735 = tpu.vector_load %arg10[%swap3A_733, %swap3A_734] {strides = array<i32>} : memref<512x96xf32, #tpu.memory_space<vmem>>, vector<16xf32>,
        tpu.vector_store %arg10[%swap3A_733, %swap3A_734], %add3A_732 {strides = array<i32>} : memref<512x96xf32, #tpu.memory_space<vmem>>, vector<16xf32>,
        %mul3A_736 = arith.mulf %broadcast_in_dim3A_724, %gather3A_730 : vector<16xf32>
        %add3A_737 = arith.addf %gather3A_728, %mul3A_736 : vector<16xf32>
        %swap3A_738 = arith.index_cast %add3A_696 : i32 to index
        %swap3A_739 = arith.constant 48 : index
        %swap3A_740 = tpu.vector_load %arg10[%swap3A_738, %swap3A_739] {strides = array<i32>} : memref<512x96xf32, #tpu.memory_space<vmem>>, vector<16xf32>,
        tpu.vector_store %arg10[%swap3A_738, %swap3A_739], %add3A_737 {strides = array<i32>} : memref<512x96xf32, #tpu.memory_space<vmem>>, vector<16xf32>,
        %slice3A_741 = vector.extract_strided_slice %get3A_245 {offsets = [6], sizes = [1], strides = [1]} : vector<16xi32> to vector<1xi32>
        %squeeze3A_742 = vector.extract %slice3A_741[0] : i32 from vector<1xi32>
        %broadcast_in_dim3A_743 = vector.broadcast %squeeze3A_742 : i32 to vector<16xi32>
        %slice3A_744 = vector.extract_strided_slice %get3A_263 {offsets = [6], sizes = [1], strides = [1]} : vector<16xf32> to vector<1xf32>
        %squeeze3A_745 = vector.extract %slice3A_744[0] : f32 from vector<1xf32>
        %broadcast_in_dim3A_746 = vector.broadcast %squeeze3A_745 : f32 to vector<16xf32>
        %add3A_747 = arith.addi %broadcast_in_dim3A_743, %iota3A_205 : vector<16xi32>
        %add3A_748 = arith.addi %broadcast_in_dim3A_743, %add3A_208 : vector<16xi32>
        %gather3A_749 = tpu.vector_load_idx %arg6[%add3A_747] : memref<9312xf32, #tpu.memory_space<vmem>>[vector<16xi32>], vector<16xf32>,
        %gather3A_750 = tpu.vector_load_idx %arg6[%add3A_748] : memref<9312xf32, #tpu.memory_space<vmem>>[vector<16xi32>], vector<16xf32>,
        %gather3A_751 = tpu.vector_load_idx %arg7[%add3A_747] : memref<9312xf32, #tpu.memory_space<vmem>>[vector<16xi32>], vector<16xf32>,
        %gather3A_752 = tpu.vector_load_idx %arg7[%add3A_748] : memref<9312xf32, #tpu.memory_space<vmem>>[vector<16xi32>], vector<16xf32>,
        %mul3A_753 = arith.mulf %broadcast_in_dim3A_746, %gather3A_751 : vector<16xf32>
        %add3A_754 = arith.addf %gather3A_749, %mul3A_753 : vector<16xf32>
        %swap3A_755 = arith.index_cast %add3A_696 : i32 to index
        %swap3A_756 = arith.constant 64 : index
        %swap3A_757 = tpu.vector_load %arg10[%swap3A_755, %swap3A_756] {strides = array<i32>} : memref<512x96xf32, #tpu.memory_space<vmem>>, vector<16xf32>,
        tpu.vector_store %arg10[%swap3A_755, %swap3A_756], %add3A_754 {strides = array<i32>} : memref<512x96xf32, #tpu.memory_space<vmem>>, vector<16xf32>,
        %mul3A_758 = arith.mulf %broadcast_in_dim3A_746, %gather3A_752 : vector<16xf32>
        %add3A_759 = arith.addf %gather3A_750, %mul3A_758 : vector<16xf32>
        %swap3A_760 = arith.index_cast %add3A_696 : i32 to index
        %swap3A_761 = arith.constant 80 : index
        %swap3A_762 = tpu.vector_load %arg10[%swap3A_760, %swap3A_761] {strides = array<i32>} : memref<512x96xf32, #tpu.memory_space<vmem>>, vector<16xf32>,
        tpu.vector_store %arg10[%swap3A_760, %swap3A_761], %add3A_759 {strides = array<i32>} : memref<512x96xf32, #tpu.memory_space<vmem>>, vector<16xf32>,
        %mul3A_763 = arith.constant 16 : i32
        %mul3A_764 = arith.muli %scan3A_228, %mul3A_763 : i32
        %add3A_765 = arith.constant 256 : i32
        %add3A_766 = arith.addi %add3A_765, %mul3A_764 : i32
        %add3A_767 = arith.constant 7 : i32
        %add3A_768 = arith.addi %add3A_766, %add3A_767 : i32
        %slice3A_769 = vector.extract_strided_slice %get3A_233 {offsets = [7], sizes = [1], strides = [1]} : vector<16xi32> to vector<1xi32>
        %squeeze3A_770 = vector.extract %slice3A_769[0] : i32 from vector<1xi32>
        %broadcast_in_dim3A_771 = vector.broadcast %squeeze3A_770 : i32 to vector<16xi32>
        %slice3A_772 = vector.extract_strided_slice %get3A_251 {offsets = [7], sizes = [1], strides = [1]} : vector<16xf32> to vector<1xf32>
        %squeeze3A_773 = vector.extract %slice3A_772[0] : f32 from vector<1xf32>
        %broadcast_in_dim3A_774 = vector.broadcast %squeeze3A_773 : f32 to vector<16xf32>
        %add3A_775 = arith.addi %broadcast_in_dim3A_771, %iota3A_205 : vector<16xi32>
        %add3A_776 = arith.addi %broadcast_in_dim3A_771, %add3A_208 : vector<16xi32>
        %gather3A_777 = tpu.vector_load_idx %arg6[%add3A_775] : memref<9312xf32, #tpu.memory_space<vmem>>[vector<16xi32>], vector<16xf32>,
        %gather3A_778 = tpu.vector_load_idx %arg6[%add3A_776] : memref<9312xf32, #tpu.memory_space<vmem>>[vector<16xi32>], vector<16xf32>,
        %gather3A_779 = tpu.vector_load_idx %arg7[%add3A_775] : memref<9312xf32, #tpu.memory_space<vmem>>[vector<16xi32>], vector<16xf32>,
        %gather3A_780 = tpu.vector_load_idx %arg7[%add3A_776] : memref<9312xf32, #tpu.memory_space<vmem>>[vector<16xi32>], vector<16xf32>,
        %mul3A_781 = arith.mulf %broadcast_in_dim3A_774, %gather3A_779 : vector<16xf32>
        %add3A_782 = arith.addf %gather3A_777, %mul3A_781 : vector<16xf32>
        %swap3A_783 = arith.index_cast %add3A_768 : i32 to index
        %swap3A_784 = arith.constant 0 : index
        %swap3A_785 = tpu.vector_load %arg10[%swap3A_783, %swap3A_784] {strides = array<i32>} : memref<512x96xf32, #tpu.memory_space<vmem>>, vector<16xf32>,
        tpu.vector_store %arg10[%swap3A_783, %swap3A_784], %add3A_782 {strides = array<i32>} : memref<512x96xf32, #tpu.memory_space<vmem>>, vector<16xf32>,
        %mul3A_786 = arith.mulf %broadcast_in_dim3A_774, %gather3A_780 : vector<16xf32>
        %add3A_787 = arith.addf %gather3A_778, %mul3A_786 : vector<16xf32>
        %swap3A_788 = arith.index_cast %add3A_768 : i32 to index
        %swap3A_789 = arith.constant 16 : index
        %swap3A_790 = tpu.vector_load %arg10[%swap3A_788, %swap3A_789] {strides = array<i32>} : memref<512x96xf32, #tpu.memory_space<vmem>>, vector<16xf32>,
        tpu.vector_store %arg10[%swap3A_788, %swap3A_789], %add3A_787 {strides = array<i32>} : memref<512x96xf32, #tpu.memory_space<vmem>>, vector<16xf32>,
        %slice3A_791 = vector.extract_strided_slice %get3A_239 {offsets = [7], sizes = [1], strides = [1]} : vector<16xi32> to vector<1xi32>
        %squeeze3A_792 = vector.extract %slice3A_791[0] : i32 from vector<1xi32>
        %broadcast_in_dim3A_793 = vector.broadcast %squeeze3A_792 : i32 to vector<16xi32>
        %slice3A_794 = vector.extract_strided_slice %get3A_257 {offsets = [7], sizes = [1], strides = [1]} : vector<16xf32> to vector<1xf32>
        %squeeze3A_795 = vector.extract %slice3A_794[0] : f32 from vector<1xf32>
        %broadcast_in_dim3A_796 = vector.broadcast %squeeze3A_795 : f32 to vector<16xf32>
        %add3A_797 = arith.addi %broadcast_in_dim3A_793, %iota3A_205 : vector<16xi32>
        %add3A_798 = arith.addi %broadcast_in_dim3A_793, %add3A_208 : vector<16xi32>
        %gather3A_799 = tpu.vector_load_idx %arg6[%add3A_797] : memref<9312xf32, #tpu.memory_space<vmem>>[vector<16xi32>], vector<16xf32>,
        %gather3A_800 = tpu.vector_load_idx %arg6[%add3A_798] : memref<9312xf32, #tpu.memory_space<vmem>>[vector<16xi32>], vector<16xf32>,
        %gather3A_801 = tpu.vector_load_idx %arg7[%add3A_797] : memref<9312xf32, #tpu.memory_space<vmem>>[vector<16xi32>], vector<16xf32>,
        %gather3A_802 = tpu.vector_load_idx %arg7[%add3A_798] : memref<9312xf32, #tpu.memory_space<vmem>>[vector<16xi32>], vector<16xf32>,
        %mul3A_803 = arith.mulf %broadcast_in_dim3A_796, %gather3A_801 : vector<16xf32>
        %add3A_804 = arith.addf %gather3A_799, %mul3A_803 : vector<16xf32>
        %swap3A_805 = arith.index_cast %add3A_768 : i32 to index
        %swap3A_806 = arith.constant 32 : index
        %swap3A_807 = tpu.vector_load %arg10[%swap3A_805, %swap3A_806] {strides = array<i32>} : memref<512x96xf32, #tpu.memory_space<vmem>>, vector<16xf32>,
        tpu.vector_store %arg10[%swap3A_805, %swap3A_806], %add3A_804 {strides = array<i32>} : memref<512x96xf32, #tpu.memory_space<vmem>>, vector<16xf32>,
        %mul3A_808 = arith.mulf %broadcast_in_dim3A_796, %gather3A_802 : vector<16xf32>
        %add3A_809 = arith.addf %gather3A_800, %mul3A_808 : vector<16xf32>
        %swap3A_810 = arith.index_cast %add3A_768 : i32 to index
        %swap3A_811 = arith.constant 48 : index
        %swap3A_812 = tpu.vector_load %arg10[%swap3A_810, %swap3A_811] {strides = array<i32>} : memref<512x96xf32, #tpu.memory_space<vmem>>, vector<16xf32>,
        tpu.vector_store %arg10[%swap3A_810, %swap3A_811], %add3A_809 {strides = array<i32>} : memref<512x96xf32, #tpu.memory_space<vmem>>, vector<16xf32>,
        %slice3A_813 = vector.extract_strided_slice %get3A_245 {offsets = [7], sizes = [1], strides = [1]} : vector<16xi32> to vector<1xi32>
        %squeeze3A_814 = vector.extract %slice3A_813[0] : i32 from vector<1xi32>
        %broadcast_in_dim3A_815 = vector.broadcast %squeeze3A_814 : i32 to vector<16xi32>
        %slice3A_816 = vector.extract_strided_slice %get3A_263 {offsets = [7], sizes = [1], strides = [1]} : vector<16xf32> to vector<1xf32>
        %squeeze3A_817 = vector.extract %slice3A_816[0] : f32 from vector<1xf32>
        %broadcast_in_dim3A_818 = vector.broadcast %squeeze3A_817 : f32 to vector<16xf32>
        %add3A_819 = arith.addi %broadcast_in_dim3A_815, %iota3A_205 : vector<16xi32>
        %add3A_820 = arith.addi %broadcast_in_dim3A_815, %add3A_208 : vector<16xi32>
        %gather3A_821 = tpu.vector_load_idx %arg6[%add3A_819] : memref<9312xf32, #tpu.memory_space<vmem>>[vector<16xi32>], vector<16xf32>,
        %gather3A_822 = tpu.vector_load_idx %arg6[%add3A_820] : memref<9312xf32, #tpu.memory_space<vmem>>[vector<16xi32>], vector<16xf32>,
        %gather3A_823 = tpu.vector_load_idx %arg7[%add3A_819] : memref<9312xf32, #tpu.memory_space<vmem>>[vector<16xi32>], vector<16xf32>,
        %gather3A_824 = tpu.vector_load_idx %arg7[%add3A_820] : memref<9312xf32, #tpu.memory_space<vmem>>[vector<16xi32>], vector<16xf32>,
        %mul3A_825 = arith.mulf %broadcast_in_dim3A_818, %gather3A_823 : vector<16xf32>
        %add3A_826 = arith.addf %gather3A_821, %mul3A_825 : vector<16xf32>
        %swap3A_827 = arith.index_cast %add3A_768 : i32 to index
        %swap3A_828 = arith.constant 64 : index
        %swap3A_829 = tpu.vector_load %arg10[%swap3A_827, %swap3A_828] {strides = array<i32>} : memref<512x96xf32, #tpu.memory_space<vmem>>, vector<16xf32>,
        tpu.vector_store %arg10[%swap3A_827, %swap3A_828], %add3A_826 {strides = array<i32>} : memref<512x96xf32, #tpu.memory_space<vmem>>, vector<16xf32>,
        %mul3A_830 = arith.mulf %broadcast_in_dim3A_818, %gather3A_824 : vector<16xf32>
        %add3A_831 = arith.addf %gather3A_822, %mul3A_830 : vector<16xf32>
        %swap3A_832 = arith.index_cast %add3A_768 : i32 to index
        %swap3A_833 = arith.constant 80 : index
        %swap3A_834 = tpu.vector_load %arg10[%swap3A_832, %swap3A_833] {strides = array<i32>} : memref<512x96xf32, #tpu.memory_space<vmem>>, vector<16xf32>,
        tpu.vector_store %arg10[%swap3A_832, %swap3A_833], %add3A_831 {strides = array<i32>} : memref<512x96xf32, #tpu.memory_space<vmem>>, vector<16xf32>,
        %mul3A_835 = arith.constant 16 : i32
        %mul3A_836 = arith.muli %scan3A_228, %mul3A_835 : i32
        %add3A_837 = arith.constant 256 : i32
        %add3A_838 = arith.addi %add3A_837, %mul3A_836 : i32
        %add3A_839 = arith.constant 8 : i32
        %add3A_840 = arith.addi %add3A_838, %add3A_839 : i32
        %slice3A_841 = vector.extract_strided_slice %get3A_233 {offsets = [8], sizes = [1], strides = [1]} : vector<16xi32> to vector<1xi32>
        %squeeze3A_842 = vector.extract %slice3A_841[0] : i32 from vector<1xi32>
        %broadcast_in_dim3A_843 = vector.broadcast %squeeze3A_842 : i32 to vector<16xi32>
        %slice3A_844 = vector.extract_strided_slice %get3A_251 {offsets = [8], sizes = [1], strides = [1]} : vector<16xf32> to vector<1xf32>
        %squeeze3A_845 = vector.extract %slice3A_844[0] : f32 from vector<1xf32>
        %broadcast_in_dim3A_846 = vector.broadcast %squeeze3A_845 : f32 to vector<16xf32>
        %add3A_847 = arith.addi %broadcast_in_dim3A_843, %iota3A_205 : vector<16xi32>
        %add3A_848 = arith.addi %broadcast_in_dim3A_843, %add3A_208 : vector<16xi32>
        %gather3A_849 = tpu.vector_load_idx %arg6[%add3A_847] : memref<9312xf32, #tpu.memory_space<vmem>>[vector<16xi32>], vector<16xf32>,
        %gather3A_850 = tpu.vector_load_idx %arg6[%add3A_848] : memref<9312xf32, #tpu.memory_space<vmem>>[vector<16xi32>], vector<16xf32>,
        %gather3A_851 = tpu.vector_load_idx %arg7[%add3A_847] : memref<9312xf32, #tpu.memory_space<vmem>>[vector<16xi32>], vector<16xf32>,
        %gather3A_852 = tpu.vector_load_idx %arg7[%add3A_848] : memref<9312xf32, #tpu.memory_space<vmem>>[vector<16xi32>], vector<16xf32>,
        %mul3A_853 = arith.mulf %broadcast_in_dim3A_846, %gather3A_851 : vector<16xf32>
        %add3A_854 = arith.addf %gather3A_849, %mul3A_853 : vector<16xf32>
        %swap3A_855 = arith.index_cast %add3A_840 : i32 to index
        %swap3A_856 = arith.constant 0 : index
        %swap3A_857 = tpu.vector_load %arg10[%swap3A_855, %swap3A_856] {strides = array<i32>} : memref<512x96xf32, #tpu.memory_space<vmem>>, vector<16xf32>,
        tpu.vector_store %arg10[%swap3A_855, %swap3A_856], %add3A_854 {strides = array<i32>} : memref<512x96xf32, #tpu.memory_space<vmem>>, vector<16xf32>,
        %mul3A_858 = arith.mulf %broadcast_in_dim3A_846, %gather3A_852 : vector<16xf32>
        %add3A_859 = arith.addf %gather3A_850, %mul3A_858 : vector<16xf32>
        %swap3A_860 = arith.index_cast %add3A_840 : i32 to index
        %swap3A_861 = arith.constant 16 : index
        %swap3A_862 = tpu.vector_load %arg10[%swap3A_860, %swap3A_861] {strides = array<i32>} : memref<512x96xf32, #tpu.memory_space<vmem>>, vector<16xf32>,
        tpu.vector_store %arg10[%swap3A_860, %swap3A_861], %add3A_859 {strides = array<i32>} : memref<512x96xf32, #tpu.memory_space<vmem>>, vector<16xf32>,
        %slice3A_863 = vector.extract_strided_slice %get3A_239 {offsets = [8], sizes = [1], strides = [1]} : vector<16xi32> to vector<1xi32>
        %squeeze3A_864 = vector.extract %slice3A_863[0] : i32 from vector<1xi32>
        %broadcast_in_dim3A_865 = vector.broadcast %squeeze3A_864 : i32 to vector<16xi32>
        %slice3A_866 = vector.extract_strided_slice %get3A_257 {offsets = [8], sizes = [1], strides = [1]} : vector<16xf32> to vector<1xf32>
        %squeeze3A_867 = vector.extract %slice3A_866[0] : f32 from vector<1xf32>
        %broadcast_in_dim3A_868 = vector.broadcast %squeeze3A_867 : f32 to vector<16xf32>
        %add3A_869 = arith.addi %broadcast_in_dim3A_865, %iota3A_205 : vector<16xi32>
        %add3A_870 = arith.addi %broadcast_in_dim3A_865, %add3A_208 : vector<16xi32>
        %gather3A_871 = tpu.vector_load_idx %arg6[%add3A_869] : memref<9312xf32, #tpu.memory_space<vmem>>[vector<16xi32>], vector<16xf32>,
        %gather3A_872 = tpu.vector_load_idx %arg6[%add3A_870] : memref<9312xf32, #tpu.memory_space<vmem>>[vector<16xi32>], vector<16xf32>,
        %gather3A_873 = tpu.vector_load_idx %arg7[%add3A_869] : memref<9312xf32, #tpu.memory_space<vmem>>[vector<16xi32>], vector<16xf32>,
        %gather3A_874 = tpu.vector_load_idx %arg7[%add3A_870] : memref<9312xf32, #tpu.memory_space<vmem>>[vector<16xi32>], vector<16xf32>,
        %mul3A_875 = arith.mulf %broadcast_in_dim3A_868, %gather3A_873 : vector<16xf32>
        %add3A_876 = arith.addf %gather3A_871, %mul3A_875 : vector<16xf32>
        %swap3A_877 = arith.index_cast %add3A_840 : i32 to index
        %swap3A_878 = arith.constant 32 : index
        %swap3A_879 = tpu.vector_load %arg10[%swap3A_877, %swap3A_878] {strides = array<i32>} : memref<512x96xf32, #tpu.memory_space<vmem>>, vector<16xf32>,
        tpu.vector_store %arg10[%swap3A_877, %swap3A_878], %add3A_876 {strides = array<i32>} : memref<512x96xf32, #tpu.memory_space<vmem>>, vector<16xf32>,
        %mul3A_880 = arith.mulf %broadcast_in_dim3A_868, %gather3A_874 : vector<16xf32>
        %add3A_881 = arith.addf %gather3A_872, %mul3A_880 : vector<16xf32>
        %swap3A_882 = arith.index_cast %add3A_840 : i32 to index
        %swap3A_883 = arith.constant 48 : index
        %swap3A_884 = tpu.vector_load %arg10[%swap3A_882, %swap3A_883] {strides = array<i32>} : memref<512x96xf32, #tpu.memory_space<vmem>>, vector<16xf32>,
        tpu.vector_store %arg10[%swap3A_882, %swap3A_883], %add3A_881 {strides = array<i32>} : memref<512x96xf32, #tpu.memory_space<vmem>>, vector<16xf32>,
        %slice3A_885 = vector.extract_strided_slice %get3A_245 {offsets = [8], sizes = [1], strides = [1]} : vector<16xi32> to vector<1xi32>
        %squeeze3A_886 = vector.extract %slice3A_885[0] : i32 from vector<1xi32>
        %broadcast_in_dim3A_887 = vector.broadcast %squeeze3A_886 : i32 to vector<16xi32>
        %slice3A_888 = vector.extract_strided_slice %get3A_263 {offsets = [8], sizes = [1], strides = [1]} : vector<16xf32> to vector<1xf32>
        %squeeze3A_889 = vector.extract %slice3A_888[0] : f32 from vector<1xf32>
        %broadcast_in_dim3A_890 = vector.broadcast %squeeze3A_889 : f32 to vector<16xf32>
        %add3A_891 = arith.addi %broadcast_in_dim3A_887, %iota3A_205 : vector<16xi32>
        %add3A_892 = arith.addi %broadcast_in_dim3A_887, %add3A_208 : vector<16xi32>
        %gather3A_893 = tpu.vector_load_idx %arg6[%add3A_891] : memref<9312xf32, #tpu.memory_space<vmem>>[vector<16xi32>], vector<16xf32>,
        %gather3A_894 = tpu.vector_load_idx %arg6[%add3A_892] : memref<9312xf32, #tpu.memory_space<vmem>>[vector<16xi32>], vector<16xf32>,
        %gather3A_895 = tpu.vector_load_idx %arg7[%add3A_891] : memref<9312xf32, #tpu.memory_space<vmem>>[vector<16xi32>], vector<16xf32>,
        %gather3A_896 = tpu.vector_load_idx %arg7[%add3A_892] : memref<9312xf32, #tpu.memory_space<vmem>>[vector<16xi32>], vector<16xf32>,
        %mul3A_897 = arith.mulf %broadcast_in_dim3A_890, %gather3A_895 : vector<16xf32>
        %add3A_898 = arith.addf %gather3A_893, %mul3A_897 : vector<16xf32>
        %swap3A_899 = arith.index_cast %add3A_840 : i32 to index
        %swap3A_900 = arith.constant 64 : index
        %swap3A_901 = tpu.vector_load %arg10[%swap3A_899, %swap3A_900] {strides = array<i32>} : memref<512x96xf32, #tpu.memory_space<vmem>>, vector<16xf32>,
        tpu.vector_store %arg10[%swap3A_899, %swap3A_900], %add3A_898 {strides = array<i32>} : memref<512x96xf32, #tpu.memory_space<vmem>>, vector<16xf32>,
        %mul3A_902 = arith.mulf %broadcast_in_dim3A_890, %gather3A_896 : vector<16xf32>
        %add3A_903 = arith.addf %gather3A_894, %mul3A_902 : vector<16xf32>
        %swap3A_904 = arith.index_cast %add3A_840 : i32 to index
        %swap3A_905 = arith.constant 80 : index
        %swap3A_906 = tpu.vector_load %arg10[%swap3A_904, %swap3A_905] {strides = array<i32>} : memref<512x96xf32, #tpu.memory_space<vmem>>, vector<16xf32>,
        tpu.vector_store %arg10[%swap3A_904, %swap3A_905], %add3A_903 {strides = array<i32>} : memref<512x96xf32, #tpu.memory_space<vmem>>, vector<16xf32>,
        %mul3A_907 = arith.constant 16 : i32
        %mul3A_908 = arith.muli %scan3A_228, %mul3A_907 : i32
        %add3A_909 = arith.constant 256 : i32
        %add3A_910 = arith.addi %add3A_909, %mul3A_908 : i32
        %add3A_911 = arith.constant 9 : i32
        %add3A_912 = arith.addi %add3A_910, %add3A_911 : i32
        %slice3A_913 = vector.extract_strided_slice %get3A_233 {offsets = [9], sizes = [1], strides = [1]} : vector<16xi32> to vector<1xi32>
        %squeeze3A_914 = vector.extract %slice3A_913[0] : i32 from vector<1xi32>
        %broadcast_in_dim3A_915 = vector.broadcast %squeeze3A_914 : i32 to vector<16xi32>
        %slice3A_916 = vector.extract_strided_slice %get3A_251 {offsets = [9], sizes = [1], strides = [1]} : vector<16xf32> to vector<1xf32>
        %squeeze3A_917 = vector.extract %slice3A_916[0] : f32 from vector<1xf32>
        %broadcast_in_dim3A_918 = vector.broadcast %squeeze3A_917 : f32 to vector<16xf32>
        %add3A_919 = arith.addi %broadcast_in_dim3A_915, %iota3A_205 : vector<16xi32>
        %add3A_920 = arith.addi %broadcast_in_dim3A_915, %add3A_208 : vector<16xi32>
        %gather3A_921 = tpu.vector_load_idx %arg6[%add3A_919] : memref<9312xf32, #tpu.memory_space<vmem>>[vector<16xi32>], vector<16xf32>,
        %gather3A_922 = tpu.vector_load_idx %arg6[%add3A_920] : memref<9312xf32, #tpu.memory_space<vmem>>[vector<16xi32>], vector<16xf32>,
        %gather3A_923 = tpu.vector_load_idx %arg7[%add3A_919] : memref<9312xf32, #tpu.memory_space<vmem>>[vector<16xi32>], vector<16xf32>,
        %gather3A_924 = tpu.vector_load_idx %arg7[%add3A_920] : memref<9312xf32, #tpu.memory_space<vmem>>[vector<16xi32>], vector<16xf32>,
        %mul3A_925 = arith.mulf %broadcast_in_dim3A_918, %gather3A_923 : vector<16xf32>
        %add3A_926 = arith.addf %gather3A_921, %mul3A_925 : vector<16xf32>
        %swap3A_927 = arith.index_cast %add3A_912 : i32 to index
        %swap3A_928 = arith.constant 0 : index
        %swap3A_929 = tpu.vector_load %arg10[%swap3A_927, %swap3A_928] {strides = array<i32>} : memref<512x96xf32, #tpu.memory_space<vmem>>, vector<16xf32>,
        tpu.vector_store %arg10[%swap3A_927, %swap3A_928], %add3A_926 {strides = array<i32>} : memref<512x96xf32, #tpu.memory_space<vmem>>, vector<16xf32>,
        %mul3A_930 = arith.mulf %broadcast_in_dim3A_918, %gather3A_924 : vector<16xf32>
        %add3A_931 = arith.addf %gather3A_922, %mul3A_930 : vector<16xf32>
        %swap3A_932 = arith.index_cast %add3A_912 : i32 to index
        %swap3A_933 = arith.constant 16 : index
        %swap3A_934 = tpu.vector_load %arg10[%swap3A_932, %swap3A_933] {strides = array<i32>} : memref<512x96xf32, #tpu.memory_space<vmem>>, vector<16xf32>,
        tpu.vector_store %arg10[%swap3A_932, %swap3A_933], %add3A_931 {strides = array<i32>} : memref<512x96xf32, #tpu.memory_space<vmem>>, vector<16xf32>,
        %slice3A_935 = vector.extract_strided_slice %get3A_239 {offsets = [9], sizes = [1], strides = [1]} : vector<16xi32> to vector<1xi32>
        %squeeze3A_936 = vector.extract %slice3A_935[0] : i32 from vector<1xi32>
        %broadcast_in_dim3A_937 = vector.broadcast %squeeze3A_936 : i32 to vector<16xi32>
        %slice3A_938 = vector.extract_strided_slice %get3A_257 {offsets = [9], sizes = [1], strides = [1]} : vector<16xf32> to vector<1xf32>
        %squeeze3A_939 = vector.extract %slice3A_938[0] : f32 from vector<1xf32>
        %broadcast_in_dim3A_940 = vector.broadcast %squeeze3A_939 : f32 to vector<16xf32>
        %add3A_941 = arith.addi %broadcast_in_dim3A_937, %iota3A_205 : vector<16xi32>
        %add3A_942 = arith.addi %broadcast_in_dim3A_937, %add3A_208 : vector<16xi32>
        %gather3A_943 = tpu.vector_load_idx %arg6[%add3A_941] : memref<9312xf32, #tpu.memory_space<vmem>>[vector<16xi32>], vector<16xf32>,
        %gather3A_944 = tpu.vector_load_idx %arg6[%add3A_942] : memref<9312xf32, #tpu.memory_space<vmem>>[vector<16xi32>], vector<16xf32>,
        %gather3A_945 = tpu.vector_load_idx %arg7[%add3A_941] : memref<9312xf32, #tpu.memory_space<vmem>>[vector<16xi32>], vector<16xf32>,
        %gather3A_946 = tpu.vector_load_idx %arg7[%add3A_942] : memref<9312xf32, #tpu.memory_space<vmem>>[vector<16xi32>], vector<16xf32>,
        %mul3A_947 = arith.mulf %broadcast_in_dim3A_940, %gather3A_945 : vector<16xf32>
        %add3A_948 = arith.addf %gather3A_943, %mul3A_947 : vector<16xf32>
        %swap3A_949 = arith.index_cast %add3A_912 : i32 to index
        %swap3A_950 = arith.constant 32 : index
        %swap3A_951 = tpu.vector_load %arg10[%swap3A_949, %swap3A_950] {strides = array<i32>} : memref<512x96xf32, #tpu.memory_space<vmem>>, vector<16xf32>,
        tpu.vector_store %arg10[%swap3A_949, %swap3A_950], %add3A_948 {strides = array<i32>} : memref<512x96xf32, #tpu.memory_space<vmem>>, vector<16xf32>,
        %mul3A_952 = arith.mulf %broadcast_in_dim3A_940, %gather3A_946 : vector<16xf32>
        %add3A_953 = arith.addf %gather3A_944, %mul3A_952 : vector<16xf32>
        %swap3A_954 = arith.index_cast %add3A_912 : i32 to index
        %swap3A_955 = arith.constant 48 : index
        %swap3A_956 = tpu.vector_load %arg10[%swap3A_954, %swap3A_955] {strides = array<i32>} : memref<512x96xf32, #tpu.memory_space<vmem>>, vector<16xf32>,
        tpu.vector_store %arg10[%swap3A_954, %swap3A_955], %add3A_953 {strides = array<i32>} : memref<512x96xf32, #tpu.memory_space<vmem>>, vector<16xf32>,
        %slice3A_957 = vector.extract_strided_slice %get3A_245 {offsets = [9], sizes = [1], strides = [1]} : vector<16xi32> to vector<1xi32>
        %squeeze3A_958 = vector.extract %slice3A_957[0] : i32 from vector<1xi32>
        %broadcast_in_dim3A_959 = vector.broadcast %squeeze3A_958 : i32 to vector<16xi32>
        %slice3A_960 = vector.extract_strided_slice %get3A_263 {offsets = [9], sizes = [1], strides = [1]} : vector<16xf32> to vector<1xf32>
        %squeeze3A_961 = vector.extract %slice3A_960[0] : f32 from vector<1xf32>
        %broadcast_in_dim3A_962 = vector.broadcast %squeeze3A_961 : f32 to vector<16xf32>
        %add3A_963 = arith.addi %broadcast_in_dim3A_959, %iota3A_205 : vector<16xi32>
        %add3A_964 = arith.addi %broadcast_in_dim3A_959, %add3A_208 : vector<16xi32>
        %gather3A_965 = tpu.vector_load_idx %arg6[%add3A_963] : memref<9312xf32, #tpu.memory_space<vmem>>[vector<16xi32>], vector<16xf32>,
        %gather3A_966 = tpu.vector_load_idx %arg6[%add3A_964] : memref<9312xf32, #tpu.memory_space<vmem>>[vector<16xi32>], vector<16xf32>,
        %gather3A_967 = tpu.vector_load_idx %arg7[%add3A_963] : memref<9312xf32, #tpu.memory_space<vmem>>[vector<16xi32>], vector<16xf32>,
        %gather3A_968 = tpu.vector_load_idx %arg7[%add3A_964] : memref<9312xf32, #tpu.memory_space<vmem>>[vector<16xi32>], vector<16xf32>,
        %mul3A_969 = arith.mulf %broadcast_in_dim3A_962, %gather3A_967 : vector<16xf32>
        %add3A_970 = arith.addf %gather3A_965, %mul3A_969 : vector<16xf32>
        %swap3A_971 = arith.index_cast %add3A_912 : i32 to index
        %swap3A_972 = arith.constant 64 : index
        %swap3A_973 = tpu.vector_load %arg10[%swap3A_971, %swap3A_972] {strides = array<i32>} : memref<512x96xf32, #tpu.memory_space<vmem>>, vector<16xf32>,
        tpu.vector_store %arg10[%swap3A_971, %swap3A_972], %add3A_970 {strides = array<i32>} : memref<512x96xf32, #tpu.memory_space<vmem>>, vector<16xf32>,
        %mul3A_974 = arith.mulf %broadcast_in_dim3A_962, %gather3A_968 : vector<16xf32>
        %add3A_975 = arith.addf %gather3A_966, %mul3A_974 : vector<16xf32>
        %swap3A_976 = arith.index_cast %add3A_912 : i32 to index
        %swap3A_977 = arith.constant 80 : index
        %swap3A_978 = tpu.vector_load %arg10[%swap3A_976, %swap3A_977] {strides = array<i32>} : memref<512x96xf32, #tpu.memory_space<vmem>>, vector<16xf32>,
        tpu.vector_store %arg10[%swap3A_976, %swap3A_977], %add3A_975 {strides = array<i32>} : memref<512x96xf32, #tpu.memory_space<vmem>>, vector<16xf32>,
        %mul3A_979 = arith.constant 16 : i32
        %mul3A_980 = arith.muli %scan3A_228, %mul3A_979 : i32
        %add3A_981 = arith.constant 256 : i32
        %add3A_982 = arith.addi %add3A_981, %mul3A_980 : i32
        %add3A_983 = arith.constant 10 : i32
        %add3A_984 = arith.addi %add3A_982, %add3A_983 : i32
        %slice3A_985 = vector.extract_strided_slice %get3A_233 {offsets = [10], sizes = [1], strides = [1]} : vector<16xi32> to vector<1xi32>
        %squeeze3A_986 = vector.extract %slice3A_985[0] : i32 from vector<1xi32>
        %broadcast_in_dim3A_987 = vector.broadcast %squeeze3A_986 : i32 to vector<16xi32>
        %slice3A_988 = vector.extract_strided_slice %get3A_251 {offsets = [10], sizes = [1], strides = [1]} : vector<16xf32> to vector<1xf32>
        %squeeze3A_989 = vector.extract %slice3A_988[0] : f32 from vector<1xf32>
        %broadcast_in_dim3A_990 = vector.broadcast %squeeze3A_989 : f32 to vector<16xf32>
        %add3A_991 = arith.addi %broadcast_in_dim3A_987, %iota3A_205 : vector<16xi32>
        %add3A_992 = arith.addi %broadcast_in_dim3A_987, %add3A_208 : vector<16xi32>
        %gather3A_993 = tpu.vector_load_idx %arg6[%add3A_991] : memref<9312xf32, #tpu.memory_space<vmem>>[vector<16xi32>], vector<16xf32>,
        %gather3A_994 = tpu.vector_load_idx %arg6[%add3A_992] : memref<9312xf32, #tpu.memory_space<vmem>>[vector<16xi32>], vector<16xf32>,
        %gather3A_995 = tpu.vector_load_idx %arg7[%add3A_991] : memref<9312xf32, #tpu.memory_space<vmem>>[vector<16xi32>], vector<16xf32>,
        %gather3A_996 = tpu.vector_load_idx %arg7[%add3A_992] : memref<9312xf32, #tpu.memory_space<vmem>>[vector<16xi32>], vector<16xf32>,
        %mul3A_997 = arith.mulf %broadcast_in_dim3A_990, %gather3A_995 : vector<16xf32>
        %add3A_998 = arith.addf %gather3A_993, %mul3A_997 : vector<16xf32>
        %swap3A_999 = arith.index_cast %add3A_984 : i32 to index
        %swap3A_1000 = arith.constant 0 : index
        %swap3A_1001 = tpu.vector_load %arg10[%swap3A_999, %swap3A_1000] {strides = array<i32>} : memref<512x96xf32, #tpu.memory_space<vmem>>, vector<16xf32>,
        tpu.vector_store %arg10[%swap3A_999, %swap3A_1000], %add3A_998 {strides = array<i32>} : memref<512x96xf32, #tpu.memory_space<vmem>>, vector<16xf32>,
        %mul3A_1002 = arith.mulf %broadcast_in_dim3A_990, %gather3A_996 : vector<16xf32>
        %add3A_1003 = arith.addf %gather3A_994, %mul3A_1002 : vector<16xf32>
        %swap3A_1004 = arith.index_cast %add3A_984 : i32 to index
        %swap3A_1005 = arith.constant 16 : index
        %swap3A_1006 = tpu.vector_load %arg10[%swap3A_1004, %swap3A_1005] {strides = array<i32>} : memref<512x96xf32, #tpu.memory_space<vmem>>, vector<16xf32>,
        tpu.vector_store %arg10[%swap3A_1004, %swap3A_1005], %add3A_1003 {strides = array<i32>} : memref<512x96xf32, #tpu.memory_space<vmem>>, vector<16xf32>,
        %slice3A_1007 = vector.extract_strided_slice %get3A_239 {offsets = [10], sizes = [1], strides = [1]} : vector<16xi32> to vector<1xi32>
        %squeeze3A_1008 = vector.extract %slice3A_1007[0] : i32 from vector<1xi32>
        %broadcast_in_dim3A_1009 = vector.broadcast %squeeze3A_1008 : i32 to vector<16xi32>
        %slice3A_1010 = vector.extract_strided_slice %get3A_257 {offsets = [10], sizes = [1], strides = [1]} : vector<16xf32> to vector<1xf32>
        %squeeze3A_1011 = vector.extract %slice3A_1010[0] : f32 from vector<1xf32>
        %broadcast_in_dim3A_1012 = vector.broadcast %squeeze3A_1011 : f32 to vector<16xf32>
        %add3A_1013 = arith.addi %broadcast_in_dim3A_1009, %iota3A_205 : vector<16xi32>
        %add3A_1014 = arith.addi %broadcast_in_dim3A_1009, %add3A_208 : vector<16xi32>
        %gather3A_1015 = tpu.vector_load_idx %arg6[%add3A_1013] : memref<9312xf32, #tpu.memory_space<vmem>>[vector<16xi32>], vector<16xf32>,
        %gather3A_1016 = tpu.vector_load_idx %arg6[%add3A_1014] : memref<9312xf32, #tpu.memory_space<vmem>>[vector<16xi32>], vector<16xf32>,
        %gather3A_1017 = tpu.vector_load_idx %arg7[%add3A_1013] : memref<9312xf32, #tpu.memory_space<vmem>>[vector<16xi32>], vector<16xf32>,
        %gather3A_1018 = tpu.vector_load_idx %arg7[%add3A_1014] : memref<9312xf32, #tpu.memory_space<vmem>>[vector<16xi32>], vector<16xf32>,
        %mul3A_1019 = arith.mulf %broadcast_in_dim3A_1012, %gather3A_1017 : vector<16xf32>
        %add3A_1020 = arith.addf %gather3A_1015, %mul3A_1019 : vector<16xf32>
        %swap3A_1021 = arith.index_cast %add3A_984 : i32 to index
        %swap3A_1022 = arith.constant 32 : index
        %swap3A_1023 = tpu.vector_load %arg10[%swap3A_1021, %swap3A_1022] {strides = array<i32>} : memref<512x96xf32, #tpu.memory_space<vmem>>, vector<16xf32>,
        tpu.vector_store %arg10[%swap3A_1021, %swap3A_1022], %add3A_1020 {strides = array<i32>} : memref<512x96xf32, #tpu.memory_space<vmem>>, vector<16xf32>,
        %mul3A_1024 = arith.mulf %broadcast_in_dim3A_1012, %gather3A_1018 : vector<16xf32>
        %add3A_1025 = arith.addf %gather3A_1016, %mul3A_1024 : vector<16xf32>
        %swap3A_1026 = arith.index_cast %add3A_984 : i32 to index
        %swap3A_1027 = arith.constant 48 : index
        %swap3A_1028 = tpu.vector_load %arg10[%swap3A_1026, %swap3A_1027] {strides = array<i32>} : memref<512x96xf32, #tpu.memory_space<vmem>>, vector<16xf32>,
        tpu.vector_store %arg10[%swap3A_1026, %swap3A_1027], %add3A_1025 {strides = array<i32>} : memref<512x96xf32, #tpu.memory_space<vmem>>, vector<16xf32>,
        %slice3A_1029 = vector.extract_strided_slice %get3A_245 {offsets = [10], sizes = [1], strides = [1]} : vector<16xi32> to vector<1xi32>
        %squeeze3A_1030 = vector.extract %slice3A_1029[0] : i32 from vector<1xi32>
        %broadcast_in_dim3A_1031 = vector.broadcast %squeeze3A_1030 : i32 to vector<16xi32>
        %slice3A_1032 = vector.extract_strided_slice %get3A_263 {offsets = [10], sizes = [1], strides = [1]} : vector<16xf32> to vector<1xf32>
        %squeeze3A_1033 = vector.extract %slice3A_1032[0] : f32 from vector<1xf32>
        %broadcast_in_dim3A_1034 = vector.broadcast %squeeze3A_1033 : f32 to vector<16xf32>
        %add3A_1035 = arith.addi %broadcast_in_dim3A_1031, %iota3A_205 : vector<16xi32>
        %add3A_1036 = arith.addi %broadcast_in_dim3A_1031, %add3A_208 : vector<16xi32>
        %gather3A_1037 = tpu.vector_load_idx %arg6[%add3A_1035] : memref<9312xf32, #tpu.memory_space<vmem>>[vector<16xi32>], vector<16xf32>,
        %gather3A_1038 = tpu.vector_load_idx %arg6[%add3A_1036] : memref<9312xf32, #tpu.memory_space<vmem>>[vector<16xi32>], vector<16xf32>,
        %gather3A_1039 = tpu.vector_load_idx %arg7[%add3A_1035] : memref<9312xf32, #tpu.memory_space<vmem>>[vector<16xi32>], vector<16xf32>,
        %gather3A_1040 = tpu.vector_load_idx %arg7[%add3A_1036] : memref<9312xf32, #tpu.memory_space<vmem>>[vector<16xi32>], vector<16xf32>,
        %mul3A_1041 = arith.mulf %broadcast_in_dim3A_1034, %gather3A_1039 : vector<16xf32>
        %add3A_1042 = arith.addf %gather3A_1037, %mul3A_1041 : vector<16xf32>
        %swap3A_1043 = arith.index_cast %add3A_984 : i32 to index
        %swap3A_1044 = arith.constant 64 : index
        %swap3A_1045 = tpu.vector_load %arg10[%swap3A_1043, %swap3A_1044] {strides = array<i32>} : memref<512x96xf32, #tpu.memory_space<vmem>>, vector<16xf32>,
        tpu.vector_store %arg10[%swap3A_1043, %swap3A_1044], %add3A_1042 {strides = array<i32>} : memref<512x96xf32, #tpu.memory_space<vmem>>, vector<16xf32>,
        %mul3A_1046 = arith.mulf %broadcast_in_dim3A_1034, %gather3A_1040 : vector<16xf32>
        %add3A_1047 = arith.addf %gather3A_1038, %mul3A_1046 : vector<16xf32>
        %swap3A_1048 = arith.index_cast %add3A_984 : i32 to index
        %swap3A_1049 = arith.constant 80 : index
        %swap3A_1050 = tpu.vector_load %arg10[%swap3A_1048, %swap3A_1049] {strides = array<i32>} : memref<512x96xf32, #tpu.memory_space<vmem>>, vector<16xf32>,
        tpu.vector_store %arg10[%swap3A_1048, %swap3A_1049], %add3A_1047 {strides = array<i32>} : memref<512x96xf32, #tpu.memory_space<vmem>>, vector<16xf32>,
        %mul3A_1051 = arith.constant 16 : i32
        %mul3A_1052 = arith.muli %scan3A_228, %mul3A_1051 : i32
        %add3A_1053 = arith.constant 256 : i32
        %add3A_1054 = arith.addi %add3A_1053, %mul3A_1052 : i32
        %add3A_1055 = arith.constant 11 : i32
        %add3A_1056 = arith.addi %add3A_1054, %add3A_1055 : i32
        %slice3A_1057 = vector.extract_strided_slice %get3A_233 {offsets = [11], sizes = [1], strides = [1]} : vector<16xi32> to vector<1xi32>
        %squeeze3A_1058 = vector.extract %slice3A_1057[0] : i32 from vector<1xi32>
        %broadcast_in_dim3A_1059 = vector.broadcast %squeeze3A_1058 : i32 to vector<16xi32>
        %slice3A_1060 = vector.extract_strided_slice %get3A_251 {offsets = [11], sizes = [1], strides = [1]} : vector<16xf32> to vector<1xf32>
        %squeeze3A_1061 = vector.extract %slice3A_1060[0] : f32 from vector<1xf32>
        %broadcast_in_dim3A_1062 = vector.broadcast %squeeze3A_1061 : f32 to vector<16xf32>
        %add3A_1063 = arith.addi %broadcast_in_dim3A_1059, %iota3A_205 : vector<16xi32>
        %add3A_1064 = arith.addi %broadcast_in_dim3A_1059, %add3A_208 : vector<16xi32>
        %gather3A_1065 = tpu.vector_load_idx %arg6[%add3A_1063] : memref<9312xf32, #tpu.memory_space<vmem>>[vector<16xi32>], vector<16xf32>,
        %gather3A_1066 = tpu.vector_load_idx %arg6[%add3A_1064] : memref<9312xf32, #tpu.memory_space<vmem>>[vector<16xi32>], vector<16xf32>,
        %gather3A_1067 = tpu.vector_load_idx %arg7[%add3A_1063] : memref<9312xf32, #tpu.memory_space<vmem>>[vector<16xi32>], vector<16xf32>,
        %gather3A_1068 = tpu.vector_load_idx %arg7[%add3A_1064] : memref<9312xf32, #tpu.memory_space<vmem>>[vector<16xi32>], vector<16xf32>,
        %mul3A_1069 = arith.mulf %broadcast_in_dim3A_1062, %gather3A_1067 : vector<16xf32>
        %add3A_1070 = arith.addf %gather3A_1065, %mul3A_1069 : vector<16xf32>
        %swap3A_1071 = arith.index_cast %add3A_1056 : i32 to index
        %swap3A_1072 = arith.constant 0 : index
        %swap3A_1073 = tpu.vector_load %arg10[%swap3A_1071, %swap3A_1072] {strides = array<i32>} : memref<512x96xf32, #tpu.memory_space<vmem>>, vector<16xf32>,
        tpu.vector_store %arg10[%swap3A_1071, %swap3A_1072], %add3A_1070 {strides = array<i32>} : memref<512x96xf32, #tpu.memory_space<vmem>>, vector<16xf32>,
        %mul3A_1074 = arith.mulf %broadcast_in_dim3A_1062, %gather3A_1068 : vector<16xf32>
        %add3A_1075 = arith.addf %gather3A_1066, %mul3A_1074 : vector<16xf32>
        %swap3A_1076 = arith.index_cast %add3A_1056 : i32 to index
        %swap3A_1077 = arith.constant 16 : index
        %swap3A_1078 = tpu.vector_load %arg10[%swap3A_1076, %swap3A_1077] {strides = array<i32>} : memref<512x96xf32, #tpu.memory_space<vmem>>, vector<16xf32>,
        tpu.vector_store %arg10[%swap3A_1076, %swap3A_1077], %add3A_1075 {strides = array<i32>} : memref<512x96xf32, #tpu.memory_space<vmem>>, vector<16xf32>,
        %slice3A_1079 = vector.extract_strided_slice %get3A_239 {offsets = [11], sizes = [1], strides = [1]} : vector<16xi32> to vector<1xi32>
        %squeeze3A_1080 = vector.extract %slice3A_1079[0] : i32 from vector<1xi32>
        %broadcast_in_dim3A_1081 = vector.broadcast %squeeze3A_1080 : i32 to vector<16xi32>
        %slice3A_1082 = vector.extract_strided_slice %get3A_257 {offsets = [11], sizes = [1], strides = [1]} : vector<16xf32> to vector<1xf32>
        %squeeze3A_1083 = vector.extract %slice3A_1082[0] : f32 from vector<1xf32>
        %broadcast_in_dim3A_1084 = vector.broadcast %squeeze3A_1083 : f32 to vector<16xf32>
        %add3A_1085 = arith.addi %broadcast_in_dim3A_1081, %iota3A_205 : vector<16xi32>
        %add3A_1086 = arith.addi %broadcast_in_dim3A_1081, %add3A_208 : vector<16xi32>
        %gather3A_1087 = tpu.vector_load_idx %arg6[%add3A_1085] : memref<9312xf32, #tpu.memory_space<vmem>>[vector<16xi32>], vector<16xf32>,
        %gather3A_1088 = tpu.vector_load_idx %arg6[%add3A_1086] : memref<9312xf32, #tpu.memory_space<vmem>>[vector<16xi32>], vector<16xf32>,
        %gather3A_1089 = tpu.vector_load_idx %arg7[%add3A_1085] : memref<9312xf32, #tpu.memory_space<vmem>>[vector<16xi32>], vector<16xf32>,
        %gather3A_1090 = tpu.vector_load_idx %arg7[%add3A_1086] : memref<9312xf32, #tpu.memory_space<vmem>>[vector<16xi32>], vector<16xf32>,
        %mul3A_1091 = arith.mulf %broadcast_in_dim3A_1084, %gather3A_1089 : vector<16xf32>
        %add3A_1092 = arith.addf %gather3A_1087, %mul3A_1091 : vector<16xf32>
        %swap3A_1093 = arith.index_cast %add3A_1056 : i32 to index
        %swap3A_1094 = arith.constant 32 : index
        %swap3A_1095 = tpu.vector_load %arg10[%swap3A_1093, %swap3A_1094] {strides = array<i32>} : memref<512x96xf32, #tpu.memory_space<vmem>>, vector<16xf32>,
        tpu.vector_store %arg10[%swap3A_1093, %swap3A_1094], %add3A_1092 {strides = array<i32>} : memref<512x96xf32, #tpu.memory_space<vmem>>, vector<16xf32>,
        %mul3A_1096 = arith.mulf %broadcast_in_dim3A_1084, %gather3A_1090 : vector<16xf32>
        %add3A_1097 = arith.addf %gather3A_1088, %mul3A_1096 : vector<16xf32>
        %swap3A_1098 = arith.index_cast %add3A_1056 : i32 to index
        %swap3A_1099 = arith.constant 48 : index
        %swap3A_1100 = tpu.vector_load %arg10[%swap3A_1098, %swap3A_1099] {strides = array<i32>} : memref<512x96xf32, #tpu.memory_space<vmem>>, vector<16xf32>,
        tpu.vector_store %arg10[%swap3A_1098, %swap3A_1099], %add3A_1097 {strides = array<i32>} : memref<512x96xf32, #tpu.memory_space<vmem>>, vector<16xf32>,
        %slice3A_1101 = vector.extract_strided_slice %get3A_245 {offsets = [11], sizes = [1], strides = [1]} : vector<16xi32> to vector<1xi32>
        %squeeze3A_1102 = vector.extract %slice3A_1101[0] : i32 from vector<1xi32>
        %broadcast_in_dim3A_1103 = vector.broadcast %squeeze3A_1102 : i32 to vector<16xi32>
        %slice3A_1104 = vector.extract_strided_slice %get3A_263 {offsets = [11], sizes = [1], strides = [1]} : vector<16xf32> to vector<1xf32>
        %squeeze3A_1105 = vector.extract %slice3A_1104[0] : f32 from vector<1xf32>
        %broadcast_in_dim3A_1106 = vector.broadcast %squeeze3A_1105 : f32 to vector<16xf32>
        %add3A_1107 = arith.addi %broadcast_in_dim3A_1103, %iota3A_205 : vector<16xi32>
        %add3A_1108 = arith.addi %broadcast_in_dim3A_1103, %add3A_208 : vector<16xi32>
        %gather3A_1109 = tpu.vector_load_idx %arg6[%add3A_1107] : memref<9312xf32, #tpu.memory_space<vmem>>[vector<16xi32>], vector<16xf32>,
        %gather3A_1110 = tpu.vector_load_idx %arg6[%add3A_1108] : memref<9312xf32, #tpu.memory_space<vmem>>[vector<16xi32>], vector<16xf32>,
        %gather3A_1111 = tpu.vector_load_idx %arg7[%add3A_1107] : memref<9312xf32, #tpu.memory_space<vmem>>[vector<16xi32>], vector<16xf32>,
        %gather3A_1112 = tpu.vector_load_idx %arg7[%add3A_1108] : memref<9312xf32, #tpu.memory_space<vmem>>[vector<16xi32>], vector<16xf32>,
        %mul3A_1113 = arith.mulf %broadcast_in_dim3A_1106, %gather3A_1111 : vector<16xf32>
        %add3A_1114 = arith.addf %gather3A_1109, %mul3A_1113 : vector<16xf32>
        %swap3A_1115 = arith.index_cast %add3A_1056 : i32 to index
        %swap3A_1116 = arith.constant 64 : index
        %swap3A_1117 = tpu.vector_load %arg10[%swap3A_1115, %swap3A_1116] {strides = array<i32>} : memref<512x96xf32, #tpu.memory_space<vmem>>, vector<16xf32>,
        tpu.vector_store %arg10[%swap3A_1115, %swap3A_1116], %add3A_1114 {strides = array<i32>} : memref<512x96xf32, #tpu.memory_space<vmem>>, vector<16xf32>,
        %mul3A_1118 = arith.mulf %broadcast_in_dim3A_1106, %gather3A_1112 : vector<16xf32>
        %add3A_1119 = arith.addf %gather3A_1110, %mul3A_1118 : vector<16xf32>
        %swap3A_1120 = arith.index_cast %add3A_1056 : i32 to index
        %swap3A_1121 = arith.constant 80 : index
        %swap3A_1122 = tpu.vector_load %arg10[%swap3A_1120, %swap3A_1121] {strides = array<i32>} : memref<512x96xf32, #tpu.memory_space<vmem>>, vector<16xf32>,
        tpu.vector_store %arg10[%swap3A_1120, %swap3A_1121], %add3A_1119 {strides = array<i32>} : memref<512x96xf32, #tpu.memory_space<vmem>>, vector<16xf32>,
        %mul3A_1123 = arith.constant 16 : i32
        %mul3A_1124 = arith.muli %scan3A_228, %mul3A_1123 : i32
        %add3A_1125 = arith.constant 256 : i32
        %add3A_1126 = arith.addi %add3A_1125, %mul3A_1124 : i32
        %add3A_1127 = arith.constant 12 : i32
        %add3A_1128 = arith.addi %add3A_1126, %add3A_1127 : i32
        %slice3A_1129 = vector.extract_strided_slice %get3A_233 {offsets = [12], sizes = [1], strides = [1]} : vector<16xi32> to vector<1xi32>
        %squeeze3A_1130 = vector.extract %slice3A_1129[0] : i32 from vector<1xi32>
        %broadcast_in_dim3A_1131 = vector.broadcast %squeeze3A_1130 : i32 to vector<16xi32>
        %slice3A_1132 = vector.extract_strided_slice %get3A_251 {offsets = [12], sizes = [1], strides = [1]} : vector<16xf32> to vector<1xf32>
        %squeeze3A_1133 = vector.extract %slice3A_1132[0] : f32 from vector<1xf32>
        %broadcast_in_dim3A_1134 = vector.broadcast %squeeze3A_1133 : f32 to vector<16xf32>
        %add3A_1135 = arith.addi %broadcast_in_dim3A_1131, %iota3A_205 : vector<16xi32>
        %add3A_1136 = arith.addi %broadcast_in_dim3A_1131, %add3A_208 : vector<16xi32>
        %gather3A_1137 = tpu.vector_load_idx %arg6[%add3A_1135] : memref<9312xf32, #tpu.memory_space<vmem>>[vector<16xi32>], vector<16xf32>,
        %gather3A_1138 = tpu.vector_load_idx %arg6[%add3A_1136] : memref<9312xf32, #tpu.memory_space<vmem>>[vector<16xi32>], vector<16xf32>,
        %gather3A_1139 = tpu.vector_load_idx %arg7[%add3A_1135] : memref<9312xf32, #tpu.memory_space<vmem>>[vector<16xi32>], vector<16xf32>,
        %gather3A_1140 = tpu.vector_load_idx %arg7[%add3A_1136] : memref<9312xf32, #tpu.memory_space<vmem>>[vector<16xi32>], vector<16xf32>,
        %mul3A_1141 = arith.mulf %broadcast_in_dim3A_1134, %gather3A_1139 : vector<16xf32>
        %add3A_1142 = arith.addf %gather3A_1137, %mul3A_1141 : vector<16xf32>
        %swap3A_1143 = arith.index_cast %add3A_1128 : i32 to index
        %swap3A_1144 = arith.constant 0 : index
        %swap3A_1145 = tpu.vector_load %arg10[%swap3A_1143, %swap3A_1144] {strides = array<i32>} : memref<512x96xf32, #tpu.memory_space<vmem>>, vector<16xf32>,
        tpu.vector_store %arg10[%swap3A_1143, %swap3A_1144], %add3A_1142 {strides = array<i32>} : memref<512x96xf32, #tpu.memory_space<vmem>>, vector<16xf32>,
        %mul3A_1146 = arith.mulf %broadcast_in_dim3A_1134, %gather3A_1140 : vector<16xf32>
        %add3A_1147 = arith.addf %gather3A_1138, %mul3A_1146 : vector<16xf32>
        %swap3A_1148 = arith.index_cast %add3A_1128 : i32 to index
        %swap3A_1149 = arith.constant 16 : index
        %swap3A_1150 = tpu.vector_load %arg10[%swap3A_1148, %swap3A_1149] {strides = array<i32>} : memref<512x96xf32, #tpu.memory_space<vmem>>, vector<16xf32>,
        tpu.vector_store %arg10[%swap3A_1148, %swap3A_1149], %add3A_1147 {strides = array<i32>} : memref<512x96xf32, #tpu.memory_space<vmem>>, vector<16xf32>,
        %slice3A_1151 = vector.extract_strided_slice %get3A_239 {offsets = [12], sizes = [1], strides = [1]} : vector<16xi32> to vector<1xi32>
        %squeeze3A_1152 = vector.extract %slice3A_1151[0] : i32 from vector<1xi32>
        %broadcast_in_dim3A_1153 = vector.broadcast %squeeze3A_1152 : i32 to vector<16xi32>
        %slice3A_1154 = vector.extract_strided_slice %get3A_257 {offsets = [12], sizes = [1], strides = [1]} : vector<16xf32> to vector<1xf32>
        %squeeze3A_1155 = vector.extract %slice3A_1154[0] : f32 from vector<1xf32>
        %broadcast_in_dim3A_1156 = vector.broadcast %squeeze3A_1155 : f32 to vector<16xf32>
        %add3A_1157 = arith.addi %broadcast_in_dim3A_1153, %iota3A_205 : vector<16xi32>
        %add3A_1158 = arith.addi %broadcast_in_dim3A_1153, %add3A_208 : vector<16xi32>
        %gather3A_1159 = tpu.vector_load_idx %arg6[%add3A_1157] : memref<9312xf32, #tpu.memory_space<vmem>>[vector<16xi32>], vector<16xf32>,
        %gather3A_1160 = tpu.vector_load_idx %arg6[%add3A_1158] : memref<9312xf32, #tpu.memory_space<vmem>>[vector<16xi32>], vector<16xf32>,
        %gather3A_1161 = tpu.vector_load_idx %arg7[%add3A_1157] : memref<9312xf32, #tpu.memory_space<vmem>>[vector<16xi32>], vector<16xf32>,
        %gather3A_1162 = tpu.vector_load_idx %arg7[%add3A_1158] : memref<9312xf32, #tpu.memory_space<vmem>>[vector<16xi32>], vector<16xf32>,
        %mul3A_1163 = arith.mulf %broadcast_in_dim3A_1156, %gather3A_1161 : vector<16xf32>
        %add3A_1164 = arith.addf %gather3A_1159, %mul3A_1163 : vector<16xf32>
        %swap3A_1165 = arith.index_cast %add3A_1128 : i32 to index
        %swap3A_1166 = arith.constant 32 : index
        %swap3A_1167 = tpu.vector_load %arg10[%swap3A_1165, %swap3A_1166] {strides = array<i32>} : memref<512x96xf32, #tpu.memory_space<vmem>>, vector<16xf32>,
        tpu.vector_store %arg10[%swap3A_1165, %swap3A_1166], %add3A_1164 {strides = array<i32>} : memref<512x96xf32, #tpu.memory_space<vmem>>, vector<16xf32>,
        %mul3A_1168 = arith.mulf %broadcast_in_dim3A_1156, %gather3A_1162 : vector<16xf32>
        %add3A_1169 = arith.addf %gather3A_1160, %mul3A_1168 : vector<16xf32>
        %swap3A_1170 = arith.index_cast %add3A_1128 : i32 to index
        %swap3A_1171 = arith.constant 48 : index
        %swap3A_1172 = tpu.vector_load %arg10[%swap3A_1170, %swap3A_1171] {strides = array<i32>} : memref<512x96xf32, #tpu.memory_space<vmem>>, vector<16xf32>,
        tpu.vector_store %arg10[%swap3A_1170, %swap3A_1171], %add3A_1169 {strides = array<i32>} : memref<512x96xf32, #tpu.memory_space<vmem>>, vector<16xf32>,
        %slice3A_1173 = vector.extract_strided_slice %get3A_245 {offsets = [12], sizes = [1], strides = [1]} : vector<16xi32> to vector<1xi32>
        %squeeze3A_1174 = vector.extract %slice3A_1173[0] : i32 from vector<1xi32>
        %broadcast_in_dim3A_1175 = vector.broadcast %squeeze3A_1174 : i32 to vector<16xi32>
        %slice3A_1176 = vector.extract_strided_slice %get3A_263 {offsets = [12], sizes = [1], strides = [1]} : vector<16xf32> to vector<1xf32>
        %squeeze3A_1177 = vector.extract %slice3A_1176[0] : f32 from vector<1xf32>
        %broadcast_in_dim3A_1178 = vector.broadcast %squeeze3A_1177 : f32 to vector<16xf32>
        %add3A_1179 = arith.addi %broadcast_in_dim3A_1175, %iota3A_205 : vector<16xi32>
        %add3A_1180 = arith.addi %broadcast_in_dim3A_1175, %add3A_208 : vector<16xi32>
        %gather3A_1181 = tpu.vector_load_idx %arg6[%add3A_1179] : memref<9312xf32, #tpu.memory_space<vmem>>[vector<16xi32>], vector<16xf32>,
        %gather3A_1182 = tpu.vector_load_idx %arg6[%add3A_1180] : memref<9312xf32, #tpu.memory_space<vmem>>[vector<16xi32>], vector<16xf32>,
        %gather3A_1183 = tpu.vector_load_idx %arg7[%add3A_1179] : memref<9312xf32, #tpu.memory_space<vmem>>[vector<16xi32>], vector<16xf32>,
        %gather3A_1184 = tpu.vector_load_idx %arg7[%add3A_1180] : memref<9312xf32, #tpu.memory_space<vmem>>[vector<16xi32>], vector<16xf32>,
        %mul3A_1185 = arith.mulf %broadcast_in_dim3A_1178, %gather3A_1183 : vector<16xf32>
        %add3A_1186 = arith.addf %gather3A_1181, %mul3A_1185 : vector<16xf32>
        %swap3A_1187 = arith.index_cast %add3A_1128 : i32 to index
        %swap3A_1188 = arith.constant 64 : index
        %swap3A_1189 = tpu.vector_load %arg10[%swap3A_1187, %swap3A_1188] {strides = array<i32>} : memref<512x96xf32, #tpu.memory_space<vmem>>, vector<16xf32>,
        tpu.vector_store %arg10[%swap3A_1187, %swap3A_1188], %add3A_1186 {strides = array<i32>} : memref<512x96xf32, #tpu.memory_space<vmem>>, vector<16xf32>,
        %mul3A_1190 = arith.mulf %broadcast_in_dim3A_1178, %gather3A_1184 : vector<16xf32>
        %add3A_1191 = arith.addf %gather3A_1182, %mul3A_1190 : vector<16xf32>
        %swap3A_1192 = arith.index_cast %add3A_1128 : i32 to index
        %swap3A_1193 = arith.constant 80 : index
        %swap3A_1194 = tpu.vector_load %arg10[%swap3A_1192, %swap3A_1193] {strides = array<i32>} : memref<512x96xf32, #tpu.memory_space<vmem>>, vector<16xf32>,
        tpu.vector_store %arg10[%swap3A_1192, %swap3A_1193], %add3A_1191 {strides = array<i32>} : memref<512x96xf32, #tpu.memory_space<vmem>>, vector<16xf32>,
        %mul3A_1195 = arith.constant 16 : i32
        %mul3A_1196 = arith.muli %scan3A_228, %mul3A_1195 : i32
        %add3A_1197 = arith.constant 256 : i32
        %add3A_1198 = arith.addi %add3A_1197, %mul3A_1196 : i32
        %add3A_1199 = arith.constant 13 : i32
        %add3A_1200 = arith.addi %add3A_1198, %add3A_1199 : i32
        %slice3A_1201 = vector.extract_strided_slice %get3A_233 {offsets = [13], sizes = [1], strides = [1]} : vector<16xi32> to vector<1xi32>
        %squeeze3A_1202 = vector.extract %slice3A_1201[0] : i32 from vector<1xi32>
        %broadcast_in_dim3A_1203 = vector.broadcast %squeeze3A_1202 : i32 to vector<16xi32>
        %slice3A_1204 = vector.extract_strided_slice %get3A_251 {offsets = [13], sizes = [1], strides = [1]} : vector<16xf32> to vector<1xf32>
        %squeeze3A_1205 = vector.extract %slice3A_1204[0] : f32 from vector<1xf32>
        %broadcast_in_dim3A_1206 = vector.broadcast %squeeze3A_1205 : f32 to vector<16xf32>
        %add3A_1207 = arith.addi %broadcast_in_dim3A_1203, %iota3A_205 : vector<16xi32>
        %add3A_1208 = arith.addi %broadcast_in_dim3A_1203, %add3A_208 : vector<16xi32>
        %gather3A_1209 = tpu.vector_load_idx %arg6[%add3A_1207] : memref<9312xf32, #tpu.memory_space<vmem>>[vector<16xi32>], vector<16xf32>,
        %gather3A_1210 = tpu.vector_load_idx %arg6[%add3A_1208] : memref<9312xf32, #tpu.memory_space<vmem>>[vector<16xi32>], vector<16xf32>,
        %gather3A_1211 = tpu.vector_load_idx %arg7[%add3A_1207] : memref<9312xf32, #tpu.memory_space<vmem>>[vector<16xi32>], vector<16xf32>,
        %gather3A_1212 = tpu.vector_load_idx %arg7[%add3A_1208] : memref<9312xf32, #tpu.memory_space<vmem>>[vector<16xi32>], vector<16xf32>,
        %mul3A_1213 = arith.mulf %broadcast_in_dim3A_1206, %gather3A_1211 : vector<16xf32>
        %add3A_1214 = arith.addf %gather3A_1209, %mul3A_1213 : vector<16xf32>
        %swap3A_1215 = arith.index_cast %add3A_1200 : i32 to index
        %swap3A_1216 = arith.constant 0 : index
        %swap3A_1217 = tpu.vector_load %arg10[%swap3A_1215, %swap3A_1216] {strides = array<i32>} : memref<512x96xf32, #tpu.memory_space<vmem>>, vector<16xf32>,
        tpu.vector_store %arg10[%swap3A_1215, %swap3A_1216], %add3A_1214 {strides = array<i32>} : memref<512x96xf32, #tpu.memory_space<vmem>>, vector<16xf32>,
        %mul3A_1218 = arith.mulf %broadcast_in_dim3A_1206, %gather3A_1212 : vector<16xf32>
        %add3A_1219 = arith.addf %gather3A_1210, %mul3A_1218 : vector<16xf32>
        %swap3A_1220 = arith.index_cast %add3A_1200 : i32 to index
        %swap3A_1221 = arith.constant 16 : index
        %swap3A_1222 = tpu.vector_load %arg10[%swap3A_1220, %swap3A_1221] {strides = array<i32>} : memref<512x96xf32, #tpu.memory_space<vmem>>, vector<16xf32>,
        tpu.vector_store %arg10[%swap3A_1220, %swap3A_1221], %add3A_1219 {strides = array<i32>} : memref<512x96xf32, #tpu.memory_space<vmem>>, vector<16xf32>,
        %slice3A_1223 = vector.extract_strided_slice %get3A_239 {offsets = [13], sizes = [1], strides = [1]} : vector<16xi32> to vector<1xi32>
        %squeeze3A_1224 = vector.extract %slice3A_1223[0] : i32 from vector<1xi32>
        %broadcast_in_dim3A_1225 = vector.broadcast %squeeze3A_1224 : i32 to vector<16xi32>
        %slice3A_1226 = vector.extract_strided_slice %get3A_257 {offsets = [13], sizes = [1], strides = [1]} : vector<16xf32> to vector<1xf32>
        %squeeze3A_1227 = vector.extract %slice3A_1226[0] : f32 from vector<1xf32>
        %broadcast_in_dim3A_1228 = vector.broadcast %squeeze3A_1227 : f32 to vector<16xf32>
        %add3A_1229 = arith.addi %broadcast_in_dim3A_1225, %iota3A_205 : vector<16xi32>
        %add3A_1230 = arith.addi %broadcast_in_dim3A_1225, %add3A_208 : vector<16xi32>
        %gather3A_1231 = tpu.vector_load_idx %arg6[%add3A_1229] : memref<9312xf32, #tpu.memory_space<vmem>>[vector<16xi32>], vector<16xf32>,
        %gather3A_1232 = tpu.vector_load_idx %arg6[%add3A_1230] : memref<9312xf32, #tpu.memory_space<vmem>>[vector<16xi32>], vector<16xf32>,
        %gather3A_1233 = tpu.vector_load_idx %arg7[%add3A_1229] : memref<9312xf32, #tpu.memory_space<vmem>>[vector<16xi32>], vector<16xf32>,
        %gather3A_1234 = tpu.vector_load_idx %arg7[%add3A_1230] : memref<9312xf32, #tpu.memory_space<vmem>>[vector<16xi32>], vector<16xf32>,
        %mul3A_1235 = arith.mulf %broadcast_in_dim3A_1228, %gather3A_1233 : vector<16xf32>
        %add3A_1236 = arith.addf %gather3A_1231, %mul3A_1235 : vector<16xf32>
        %swap3A_1237 = arith.index_cast %add3A_1200 : i32 to index
        %swap3A_1238 = arith.constant 32 : index
        %swap3A_1239 = tpu.vector_load %arg10[%swap3A_1237, %swap3A_1238] {strides = array<i32>} : memref<512x96xf32, #tpu.memory_space<vmem>>, vector<16xf32>,
        tpu.vector_store %arg10[%swap3A_1237, %swap3A_1238], %add3A_1236 {strides = array<i32>} : memref<512x96xf32, #tpu.memory_space<vmem>>, vector<16xf32>,
        %mul3A_1240 = arith.mulf %broadcast_in_dim3A_1228, %gather3A_1234 : vector<16xf32>
        %add3A_1241 = arith.addf %gather3A_1232, %mul3A_1240 : vector<16xf32>
        %swap3A_1242 = arith.index_cast %add3A_1200 : i32 to index
        %swap3A_1243 = arith.constant 48 : index
        %swap3A_1244 = tpu.vector_load %arg10[%swap3A_1242, %swap3A_1243] {strides = array<i32>} : memref<512x96xf32, #tpu.memory_space<vmem>>, vector<16xf32>,
        tpu.vector_store %arg10[%swap3A_1242, %swap3A_1243], %add3A_1241 {strides = array<i32>} : memref<512x96xf32, #tpu.memory_space<vmem>>, vector<16xf32>,
        %slice3A_1245 = vector.extract_strided_slice %get3A_245 {offsets = [13], sizes = [1], strides = [1]} : vector<16xi32> to vector<1xi32>
        %squeeze3A_1246 = vector.extract %slice3A_1245[0] : i32 from vector<1xi32>
        %broadcast_in_dim3A_1247 = vector.broadcast %squeeze3A_1246 : i32 to vector<16xi32>
        %slice3A_1248 = vector.extract_strided_slice %get3A_263 {offsets = [13], sizes = [1], strides = [1]} : vector<16xf32> to vector<1xf32>
        %squeeze3A_1249 = vector.extract %slice3A_1248[0] : f32 from vector<1xf32>
        %broadcast_in_dim3A_1250 = vector.broadcast %squeeze3A_1249 : f32 to vector<16xf32>
        %add3A_1251 = arith.addi %broadcast_in_dim3A_1247, %iota3A_205 : vector<16xi32>
        %add3A_1252 = arith.addi %broadcast_in_dim3A_1247, %add3A_208 : vector<16xi32>
        %gather3A_1253 = tpu.vector_load_idx %arg6[%add3A_1251] : memref<9312xf32, #tpu.memory_space<vmem>>[vector<16xi32>], vector<16xf32>,
        %gather3A_1254 = tpu.vector_load_idx %arg6[%add3A_1252] : memref<9312xf32, #tpu.memory_space<vmem>>[vector<16xi32>], vector<16xf32>,
        %gather3A_1255 = tpu.vector_load_idx %arg7[%add3A_1251] : memref<9312xf32, #tpu.memory_space<vmem>>[vector<16xi32>], vector<16xf32>,
        %gather3A_1256 = tpu.vector_load_idx %arg7[%add3A_1252] : memref<9312xf32, #tpu.memory_space<vmem>>[vector<16xi32>], vector<16xf32>,
        %mul3A_1257 = arith.mulf %broadcast_in_dim3A_1250, %gather3A_1255 : vector<16xf32>
        %add3A_1258 = arith.addf %gather3A_1253, %mul3A_1257 : vector<16xf32>
        %swap3A_1259 = arith.index_cast %add3A_1200 : i32 to index
        %swap3A_1260 = arith.constant 64 : index
        %swap3A_1261 = tpu.vector_load %arg10[%swap3A_1259, %swap3A_1260] {strides = array<i32>} : memref<512x96xf32, #tpu.memory_space<vmem>>, vector<16xf32>,
        tpu.vector_store %arg10[%swap3A_1259, %swap3A_1260], %add3A_1258 {strides = array<i32>} : memref<512x96xf32, #tpu.memory_space<vmem>>, vector<16xf32>,
        %mul3A_1262 = arith.mulf %broadcast_in_dim3A_1250, %gather3A_1256 : vector<16xf32>
        %add3A_1263 = arith.addf %gather3A_1254, %mul3A_1262 : vector<16xf32>
        %swap3A_1264 = arith.index_cast %add3A_1200 : i32 to index
        %swap3A_1265 = arith.constant 80 : index
        %swap3A_1266 = tpu.vector_load %arg10[%swap3A_1264, %swap3A_1265] {strides = array<i32>} : memref<512x96xf32, #tpu.memory_space<vmem>>, vector<16xf32>,
        tpu.vector_store %arg10[%swap3A_1264, %swap3A_1265], %add3A_1263 {strides = array<i32>} : memref<512x96xf32, #tpu.memory_space<vmem>>, vector<16xf32>,
        %mul3A_1267 = arith.constant 16 : i32
        %mul3A_1268 = arith.muli %scan3A_228, %mul3A_1267 : i32
        %add3A_1269 = arith.constant 256 : i32
        %add3A_1270 = arith.addi %add3A_1269, %mul3A_1268 : i32
        %add3A_1271 = arith.constant 14 : i32
        %add3A_1272 = arith.addi %add3A_1270, %add3A_1271 : i32
        %slice3A_1273 = vector.extract_strided_slice %get3A_233 {offsets = [14], sizes = [1], strides = [1]} : vector<16xi32> to vector<1xi32>
        %squeeze3A_1274 = vector.extract %slice3A_1273[0] : i32 from vector<1xi32>
        %broadcast_in_dim3A_1275 = vector.broadcast %squeeze3A_1274 : i32 to vector<16xi32>
        %slice3A_1276 = vector.extract_strided_slice %get3A_251 {offsets = [14], sizes = [1], strides = [1]} : vector<16xf32> to vector<1xf32>
        %squeeze3A_1277 = vector.extract %slice3A_1276[0] : f32 from vector<1xf32>
        %broadcast_in_dim3A_1278 = vector.broadcast %squeeze3A_1277 : f32 to vector<16xf32>
        %add3A_1279 = arith.addi %broadcast_in_dim3A_1275, %iota3A_205 : vector<16xi32>
        %add3A_1280 = arith.addi %broadcast_in_dim3A_1275, %add3A_208 : vector<16xi32>
        %gather3A_1281 = tpu.vector_load_idx %arg6[%add3A_1279] : memref<9312xf32, #tpu.memory_space<vmem>>[vector<16xi32>], vector<16xf32>,
        %gather3A_1282 = tpu.vector_load_idx %arg6[%add3A_1280] : memref<9312xf32, #tpu.memory_space<vmem>>[vector<16xi32>], vector<16xf32>,
        %gather3A_1283 = tpu.vector_load_idx %arg7[%add3A_1279] : memref<9312xf32, #tpu.memory_space<vmem>>[vector<16xi32>], vector<16xf32>,
        %gather3A_1284 = tpu.vector_load_idx %arg7[%add3A_1280] : memref<9312xf32, #tpu.memory_space<vmem>>[vector<16xi32>], vector<16xf32>,
        %mul3A_1285 = arith.mulf %broadcast_in_dim3A_1278, %gather3A_1283 : vector<16xf32>
        %add3A_1286 = arith.addf %gather3A_1281, %mul3A_1285 : vector<16xf32>
        %swap3A_1287 = arith.index_cast %add3A_1272 : i32 to index
        %swap3A_1288 = arith.constant 0 : index
        %swap3A_1289 = tpu.vector_load %arg10[%swap3A_1287, %swap3A_1288] {strides = array<i32>} : memref<512x96xf32, #tpu.memory_space<vmem>>, vector<16xf32>,
        tpu.vector_store %arg10[%swap3A_1287, %swap3A_1288], %add3A_1286 {strides = array<i32>} : memref<512x96xf32, #tpu.memory_space<vmem>>, vector<16xf32>,
        %mul3A_1290 = arith.mulf %broadcast_in_dim3A_1278, %gather3A_1284 : vector<16xf32>
        %add3A_1291 = arith.addf %gather3A_1282, %mul3A_1290 : vector<16xf32>
        %swap3A_1292 = arith.index_cast %add3A_1272 : i32 to index
        %swap3A_1293 = arith.constant 16 : index
        %swap3A_1294 = tpu.vector_load %arg10[%swap3A_1292, %swap3A_1293] {strides = array<i32>} : memref<512x96xf32, #tpu.memory_space<vmem>>, vector<16xf32>,
        tpu.vector_store %arg10[%swap3A_1292, %swap3A_1293], %add3A_1291 {strides = array<i32>} : memref<512x96xf32, #tpu.memory_space<vmem>>, vector<16xf32>,
        %slice3A_1295 = vector.extract_strided_slice %get3A_239 {offsets = [14], sizes = [1], strides = [1]} : vector<16xi32> to vector<1xi32>
        %squeeze3A_1296 = vector.extract %slice3A_1295[0] : i32 from vector<1xi32>
        %broadcast_in_dim3A_1297 = vector.broadcast %squeeze3A_1296 : i32 to vector<16xi32>
        %slice3A_1298 = vector.extract_strided_slice %get3A_257 {offsets = [14], sizes = [1], strides = [1]} : vector<16xf32> to vector<1xf32>
        %squeeze3A_1299 = vector.extract %slice3A_1298[0] : f32 from vector<1xf32>
        %broadcast_in_dim3A_1300 = vector.broadcast %squeeze3A_1299 : f32 to vector<16xf32>
        %add3A_1301 = arith.addi %broadcast_in_dim3A_1297, %iota3A_205 : vector<16xi32>
        %add3A_1302 = arith.addi %broadcast_in_dim3A_1297, %add3A_208 : vector<16xi32>
        %gather3A_1303 = tpu.vector_load_idx %arg6[%add3A_1301] : memref<9312xf32, #tpu.memory_space<vmem>>[vector<16xi32>], vector<16xf32>,
        %gather3A_1304 = tpu.vector_load_idx %arg6[%add3A_1302] : memref<9312xf32, #tpu.memory_space<vmem>>[vector<16xi32>], vector<16xf32>,
        %gather3A_1305 = tpu.vector_load_idx %arg7[%add3A_1301] : memref<9312xf32, #tpu.memory_space<vmem>>[vector<16xi32>], vector<16xf32>,
        %gather3A_1306 = tpu.vector_load_idx %arg7[%add3A_1302] : memref<9312xf32, #tpu.memory_space<vmem>>[vector<16xi32>], vector<16xf32>,
        %mul3A_1307 = arith.mulf %broadcast_in_dim3A_1300, %gather3A_1305 : vector<16xf32>
        %add3A_1308 = arith.addf %gather3A_1303, %mul3A_1307 : vector<16xf32>
        %swap3A_1309 = arith.index_cast %add3A_1272 : i32 to index
        %swap3A_1310 = arith.constant 32 : index
        %swap3A_1311 = tpu.vector_load %arg10[%swap3A_1309, %swap3A_1310] {strides = array<i32>} : memref<512x96xf32, #tpu.memory_space<vmem>>, vector<16xf32>,
        tpu.vector_store %arg10[%swap3A_1309, %swap3A_1310], %add3A_1308 {strides = array<i32>} : memref<512x96xf32, #tpu.memory_space<vmem>>, vector<16xf32>,
        %mul3A_1312 = arith.mulf %broadcast_in_dim3A_1300, %gather3A_1306 : vector<16xf32>
        %add3A_1313 = arith.addf %gather3A_1304, %mul3A_1312 : vector<16xf32>
        %swap3A_1314 = arith.index_cast %add3A_1272 : i32 to index
        %swap3A_1315 = arith.constant 48 : index
        %swap3A_1316 = tpu.vector_load %arg10[%swap3A_1314, %swap3A_1315] {strides = array<i32>} : memref<512x96xf32, #tpu.memory_space<vmem>>, vector<16xf32>,
        tpu.vector_store %arg10[%swap3A_1314, %swap3A_1315], %add3A_1313 {strides = array<i32>} : memref<512x96xf32, #tpu.memory_space<vmem>>, vector<16xf32>,
        %slice3A_1317 = vector.extract_strided_slice %get3A_245 {offsets = [14], sizes = [1], strides = [1]} : vector<16xi32> to vector<1xi32>
        %squeeze3A_1318 = vector.extract %slice3A_1317[0] : i32 from vector<1xi32>
        %broadcast_in_dim3A_1319 = vector.broadcast %squeeze3A_1318 : i32 to vector<16xi32>
        %slice3A_1320 = vector.extract_strided_slice %get3A_263 {offsets = [14], sizes = [1], strides = [1]} : vector<16xf32> to vector<1xf32>
        %squeeze3A_1321 = vector.extract %slice3A_1320[0] : f32 from vector<1xf32>
        %broadcast_in_dim3A_1322 = vector.broadcast %squeeze3A_1321 : f32 to vector<16xf32>
        %add3A_1323 = arith.addi %broadcast_in_dim3A_1319, %iota3A_205 : vector<16xi32>
        %add3A_1324 = arith.addi %broadcast_in_dim3A_1319, %add3A_208 : vector<16xi32>
        %gather3A_1325 = tpu.vector_load_idx %arg6[%add3A_1323] : memref<9312xf32, #tpu.memory_space<vmem>>[vector<16xi32>], vector<16xf32>,
        %gather3A_1326 = tpu.vector_load_idx %arg6[%add3A_1324] : memref<9312xf32, #tpu.memory_space<vmem>>[vector<16xi32>], vector<16xf32>,
        %gather3A_1327 = tpu.vector_load_idx %arg7[%add3A_1323] : memref<9312xf32, #tpu.memory_space<vmem>>[vector<16xi32>], vector<16xf32>,
        %gather3A_1328 = tpu.vector_load_idx %arg7[%add3A_1324] : memref<9312xf32, #tpu.memory_space<vmem>>[vector<16xi32>], vector<16xf32>,
        %mul3A_1329 = arith.mulf %broadcast_in_dim3A_1322, %gather3A_1327 : vector<16xf32>
        %add3A_1330 = arith.addf %gather3A_1325, %mul3A_1329 : vector<16xf32>
        %swap3A_1331 = arith.index_cast %add3A_1272 : i32 to index
        %swap3A_1332 = arith.constant 64 : index
        %swap3A_1333 = tpu.vector_load %arg10[%swap3A_1331, %swap3A_1332] {strides = array<i32>} : memref<512x96xf32, #tpu.memory_space<vmem>>, vector<16xf32>,
        tpu.vector_store %arg10[%swap3A_1331, %swap3A_1332], %add3A_1330 {strides = array<i32>} : memref<512x96xf32, #tpu.memory_space<vmem>>, vector<16xf32>,
        %mul3A_1334 = arith.mulf %broadcast_in_dim3A_1322, %gather3A_1328 : vector<16xf32>
        %add3A_1335 = arith.addf %gather3A_1326, %mul3A_1334 : vector<16xf32>
        %swap3A_1336 = arith.index_cast %add3A_1272 : i32 to index
        %swap3A_1337 = arith.constant 80 : index
        %swap3A_1338 = tpu.vector_load %arg10[%swap3A_1336, %swap3A_1337] {strides = array<i32>} : memref<512x96xf32, #tpu.memory_space<vmem>>, vector<16xf32>,
        tpu.vector_store %arg10[%swap3A_1336, %swap3A_1337], %add3A_1335 {strides = array<i32>} : memref<512x96xf32, #tpu.memory_space<vmem>>, vector<16xf32>,
        %mul3A_1339 = arith.constant 16 : i32
        %mul3A_1340 = arith.muli %scan3A_228, %mul3A_1339 : i32
        %add3A_1341 = arith.constant 256 : i32
        %add3A_1342 = arith.addi %add3A_1341, %mul3A_1340 : i32
        %add3A_1343 = arith.constant 15 : i32
        %add3A_1344 = arith.addi %add3A_1342, %add3A_1343 : i32
        %slice3A_1345 = vector.extract_strided_slice %get3A_233 {offsets = [15], sizes = [1], strides = [1]} : vector<16xi32> to vector<1xi32>
        %squeeze3A_1346 = vector.extract %slice3A_1345[0] : i32 from vector<1xi32>
        %broadcast_in_dim3A_1347 = vector.broadcast %squeeze3A_1346 : i32 to vector<16xi32>
        %slice3A_1348 = vector.extract_strided_slice %get3A_251 {offsets = [15], sizes = [1], strides = [1]} : vector<16xf32> to vector<1xf32>
        %squeeze3A_1349 = vector.extract %slice3A_1348[0] : f32 from vector<1xf32>
        %broadcast_in_dim3A_1350 = vector.broadcast %squeeze3A_1349 : f32 to vector<16xf32>
        %add3A_1351 = arith.addi %broadcast_in_dim3A_1347, %iota3A_205 : vector<16xi32>
        %add3A_1352 = arith.addi %broadcast_in_dim3A_1347, %add3A_208 : vector<16xi32>
        %gather3A_1353 = tpu.vector_load_idx %arg6[%add3A_1351] : memref<9312xf32, #tpu.memory_space<vmem>>[vector<16xi32>], vector<16xf32>,
        %gather3A_1354 = tpu.vector_load_idx %arg6[%add3A_1352] : memref<9312xf32, #tpu.memory_space<vmem>>[vector<16xi32>], vector<16xf32>,
        %gather3A_1355 = tpu.vector_load_idx %arg7[%add3A_1351] : memref<9312xf32, #tpu.memory_space<vmem>>[vector<16xi32>], vector<16xf32>,
        %gather3A_1356 = tpu.vector_load_idx %arg7[%add3A_1352] : memref<9312xf32, #tpu.memory_space<vmem>>[vector<16xi32>], vector<16xf32>,
        %mul3A_1357 = arith.mulf %broadcast_in_dim3A_1350, %gather3A_1355 : vector<16xf32>
        %add3A_1358 = arith.addf %gather3A_1353, %mul3A_1357 : vector<16xf32>
        %swap3A_1359 = arith.index_cast %add3A_1344 : i32 to index
        %swap3A_1360 = arith.constant 0 : index
        %swap3A_1361 = tpu.vector_load %arg10[%swap3A_1359, %swap3A_1360] {strides = array<i32>} : memref<512x96xf32, #tpu.memory_space<vmem>>, vector<16xf32>,
        tpu.vector_store %arg10[%swap3A_1359, %swap3A_1360], %add3A_1358 {strides = array<i32>} : memref<512x96xf32, #tpu.memory_space<vmem>>, vector<16xf32>,
        %mul3A_1362 = arith.mulf %broadcast_in_dim3A_1350, %gather3A_1356 : vector<16xf32>
        %add3A_1363 = arith.addf %gather3A_1354, %mul3A_1362 : vector<16xf32>
        %swap3A_1364 = arith.index_cast %add3A_1344 : i32 to index
        %swap3A_1365 = arith.constant 16 : index
        %swap3A_1366 = tpu.vector_load %arg10[%swap3A_1364, %swap3A_1365] {strides = array<i32>} : memref<512x96xf32, #tpu.memory_space<vmem>>, vector<16xf32>,
        tpu.vector_store %arg10[%swap3A_1364, %swap3A_1365], %add3A_1363 {strides = array<i32>} : memref<512x96xf32, #tpu.memory_space<vmem>>, vector<16xf32>,
        %slice3A_1367 = vector.extract_strided_slice %get3A_239 {offsets = [15], sizes = [1], strides = [1]} : vector<16xi32> to vector<1xi32>
        %squeeze3A_1368 = vector.extract %slice3A_1367[0] : i32 from vector<1xi32>
        %broadcast_in_dim3A_1369 = vector.broadcast %squeeze3A_1368 : i32 to vector<16xi32>
        %slice3A_1370 = vector.extract_strided_slice %get3A_257 {offsets = [15], sizes = [1], strides = [1]} : vector<16xf32> to vector<1xf32>
        %squeeze3A_1371 = vector.extract %slice3A_1370[0] : f32 from vector<1xf32>
        %broadcast_in_dim3A_1372 = vector.broadcast %squeeze3A_1371 : f32 to vector<16xf32>
        %add3A_1373 = arith.addi %broadcast_in_dim3A_1369, %iota3A_205 : vector<16xi32>
        %add3A_1374 = arith.addi %broadcast_in_dim3A_1369, %add3A_208 : vector<16xi32>
        %gather3A_1375 = tpu.vector_load_idx %arg6[%add3A_1373] : memref<9312xf32, #tpu.memory_space<vmem>>[vector<16xi32>], vector<16xf32>,
        %gather3A_1376 = tpu.vector_load_idx %arg6[%add3A_1374] : memref<9312xf32, #tpu.memory_space<vmem>>[vector<16xi32>], vector<16xf32>,
        %gather3A_1377 = tpu.vector_load_idx %arg7[%add3A_1373] : memref<9312xf32, #tpu.memory_space<vmem>>[vector<16xi32>], vector<16xf32>,
        %gather3A_1378 = tpu.vector_load_idx %arg7[%add3A_1374] : memref<9312xf32, #tpu.memory_space<vmem>>[vector<16xi32>], vector<16xf32>,
        %mul3A_1379 = arith.mulf %broadcast_in_dim3A_1372, %gather3A_1377 : vector<16xf32>
        %add3A_1380 = arith.addf %gather3A_1375, %mul3A_1379 : vector<16xf32>
        %swap3A_1381 = arith.index_cast %add3A_1344 : i32 to index
        %swap3A_1382 = arith.constant 32 : index
        %swap3A_1383 = tpu.vector_load %arg10[%swap3A_1381, %swap3A_1382] {strides = array<i32>} : memref<512x96xf32, #tpu.memory_space<vmem>>, vector<16xf32>,
        tpu.vector_store %arg10[%swap3A_1381, %swap3A_1382], %add3A_1380 {strides = array<i32>} : memref<512x96xf32, #tpu.memory_space<vmem>>, vector<16xf32>,
        %mul3A_1384 = arith.mulf %broadcast_in_dim3A_1372, %gather3A_1378 : vector<16xf32>
        %add3A_1385 = arith.addf %gather3A_1376, %mul3A_1384 : vector<16xf32>
        %swap3A_1386 = arith.index_cast %add3A_1344 : i32 to index
        %swap3A_1387 = arith.constant 48 : index
        %swap3A_1388 = tpu.vector_load %arg10[%swap3A_1386, %swap3A_1387] {strides = array<i32>} : memref<512x96xf32, #tpu.memory_space<vmem>>, vector<16xf32>,
        tpu.vector_store %arg10[%swap3A_1386, %swap3A_1387], %add3A_1385 {strides = array<i32>} : memref<512x96xf32, #tpu.memory_space<vmem>>, vector<16xf32>,
        %slice3A_1389 = vector.extract_strided_slice %get3A_245 {offsets = [15], sizes = [1], strides = [1]} : vector<16xi32> to vector<1xi32>
        %squeeze3A_1390 = vector.extract %slice3A_1389[0] : i32 from vector<1xi32>
        %broadcast_in_dim3A_1391 = vector.broadcast %squeeze3A_1390 : i32 to vector<16xi32>
        %slice3A_1392 = vector.extract_strided_slice %get3A_263 {offsets = [15], sizes = [1], strides = [1]} : vector<16xf32> to vector<1xf32>
        %squeeze3A_1393 = vector.extract %slice3A_1392[0] : f32 from vector<1xf32>
        %broadcast_in_dim3A_1394 = vector.broadcast %squeeze3A_1393 : f32 to vector<16xf32>
        %add3A_1395 = arith.addi %broadcast_in_dim3A_1391, %iota3A_205 : vector<16xi32>
        %add3A_1396 = arith.addi %broadcast_in_dim3A_1391, %add3A_208 : vector<16xi32>
        %gather3A_1397 = tpu.vector_load_idx %arg6[%add3A_1395] : memref<9312xf32, #tpu.memory_space<vmem>>[vector<16xi32>], vector<16xf32>,
        %gather3A_1398 = tpu.vector_load_idx %arg6[%add3A_1396] : memref<9312xf32, #tpu.memory_space<vmem>>[vector<16xi32>], vector<16xf32>,
        %gather3A_1399 = tpu.vector_load_idx %arg7[%add3A_1395] : memref<9312xf32, #tpu.memory_space<vmem>>[vector<16xi32>], vector<16xf32>,
        %gather3A_1400 = tpu.vector_load_idx %arg7[%add3A_1396] : memref<9312xf32, #tpu.memory_space<vmem>>[vector<16xi32>], vector<16xf32>,
        %mul3A_1401 = arith.mulf %broadcast_in_dim3A_1394, %gather3A_1399 : vector<16xf32>
        %add3A_1402 = arith.addf %gather3A_1397, %mul3A_1401 : vector<16xf32>
        %swap3A_1403 = arith.index_cast %add3A_1344 : i32 to index
        %swap3A_1404 = arith.constant 64 : index
        %swap3A_1405 = tpu.vector_load %arg10[%swap3A_1403, %swap3A_1404] {strides = array<i32>} : memref<512x96xf32, #tpu.memory_space<vmem>>, vector<16xf32>,
        tpu.vector_store %arg10[%swap3A_1403, %swap3A_1404], %add3A_1402 {strides = array<i32>} : memref<512x96xf32, #tpu.memory_space<vmem>>, vector<16xf32>,
        %mul3A_1406 = arith.mulf %broadcast_in_dim3A_1394, %gather3A_1400 : vector<16xf32>
        %add3A_1407 = arith.addf %gather3A_1398, %mul3A_1406 : vector<16xf32>
        %swap3A_1408 = arith.index_cast %add3A_1344 : i32 to index
        %swap3A_1409 = arith.constant 80 : index
        %swap3A_1410 = tpu.vector_load %arg10[%swap3A_1408, %swap3A_1409] {strides = array<i32>} : memref<512x96xf32, #tpu.memory_space<vmem>>, vector<16xf32>,
        tpu.vector_store %arg10[%swap3A_1408, %swap3A_1409], %add3A_1407 {strides = array<i32>} : memref<512x96xf32, #tpu.memory_space<vmem>>, vector<16xf32>,
      }
      %scan3A_214 = arith.constant 16 : i32
      %mul3A_215 = arith.constant 256 : i32
      %mul3A_216 = arith.muli %add3A_159, %mul3A_215 : i32
      %add3A_217 = arith.addi %mul3A_2, %mul3A_216 : i32
      %dma_start3A_218 = arith.constant 256 : i32
      %dma_start3A_219 = arith.constant 0 : i32
      %dma_start3A_220 = tpu.memref_slice %arg10[%dma_start3A_218, %dma_start3A_219] : memref<512x96xf32, #tpu.memory_space<vmem>> -> memref<256x96xf32, #tpu.memory_space<vmem>>
      %dma_start3A_221 = arith.constant 0 : i32
      %dma_start3A_222 = tpu.memref_slice %arg4[%add3A_217, %dma_start3A_221] : memref<1048576x96xf32, #tpu.memory_space<hbm>> -> memref<256x96xf32, #tpu.memory_space<hbm>>
      %dma_start3A_223 = arith.constant 0 : i32
      %dma_start3A_224 = tpu.memref_slice %arg4[%add3A_217, %dma_start3A_223] : memref<1048576x96xf32, #tpu.memory_space<hbm>> -> memref<256x96xf32, #tpu.memory_space<hbm>>
      %dma_start3A_225 = arith.constant 256 : i32
      %dma_start3A_226 = arith.constant 0 : i32
      %dma_start3A_227 = tpu.memref_slice %arg10[%dma_start3A_225, %dma_start3A_226] : memref<512x96xf32, #tpu.memory_space<vmem>> -> memref<256x96xf32, #tpu.memory_space<vmem>>
      tpu.enqueue_dma source(%dma_start3A_227 : memref<256x96xf32, #tpu.memory_space<vmem>>) target(%dma_start3A_224 : memref<256x96xf32, #tpu.memory_space<hbm>>) target_semaphore(%arg14 : memref<!tpu.dma_semaphore, #tpu.memory_space<semaphore_mem>>)
    }
    %scan3A_64 = arith.constant 64 : i32
    %add3A_65 = arith.constant 32256 : i32
    %add3A_66 = arith.addi %mul3A_2, %add3A_65 : i32
    %dma_wait3A = arith.constant 0 : i32
    %dma_wait3A_67 = arith.constant 0 : i32
    %dma_wait3A_68 = tpu.memref_slice %arg10[%dma_wait3A, %dma_wait3A_67] : memref<512x96xf32, #tpu.memory_space<vmem>> -> memref<256x96xf32, #tpu.memory_space<vmem>>
    %dma_wait3A_69 = arith.constant 0 : i32
    %dma_wait3A_70 = tpu.memref_slice %arg4[%add3A_66, %dma_wait3A_69] : memref<1048576x96xf32, #tpu.memory_space<hbm>> -> memref<256x96xf32, #tpu.memory_space<hbm>>
    %dma_wait3A_71 = arith.constant 0 : i32
    %dma_wait3A_72 = tpu.memref_slice %arg4[%add3A_66, %dma_wait3A_71] : memref<1048576x96xf32, #tpu.memory_space<hbm>> -> memref<256x96xf32, #tpu.memory_space<hbm>>
    %dma_wait3A_73 = arith.constant 0 : i32
    %dma_wait3A_74 = arith.constant 0 : i32
    %dma_wait3A_75 = tpu.memref_slice %arg10[%dma_wait3A_73, %dma_wait3A_74] : memref<512x96xf32, #tpu.memory_space<vmem>> -> memref<256x96xf32, #tpu.memory_space<vmem>>
    tpu.wait_dma2 semaphore(%arg13 : memref<!tpu.dma_semaphore, #tpu.memory_space<semaphore_mem>>) src(%dma_wait3A_75 : memref<256x96xf32, #tpu.memory_space<vmem>>) dst(%dma_wait3A_72 : memref<256x96xf32, #tpu.memory_space<hbm>>)
    %add3A_76 = arith.constant 32512 : i32
    %add3A_77 = arith.addi %mul3A_2, %add3A_76 : i32
    %dma_wait3A_78 = arith.constant 256 : i32
    %dma_wait3A_79 = arith.constant 0 : i32
    %dma_wait3A_80 = tpu.memref_slice %arg10[%dma_wait3A_78, %dma_wait3A_79] : memref<512x96xf32, #tpu.memory_space<vmem>> -> memref<256x96xf32, #tpu.memory_space<vmem>>
    %dma_wait3A_81 = arith.constant 0 : i32
    %dma_wait3A_82 = tpu.memref_slice %arg4[%add3A_77, %dma_wait3A_81] : memref<1048576x96xf32, #tpu.memory_space<hbm>> -> memref<256x96xf32, #tpu.memory_space<hbm>>
    %dma_wait3A_83 = arith.constant 0 : i32
    %dma_wait3A_84 = tpu.memref_slice %arg4[%add3A_77, %dma_wait3A_83] : memref<1048576x96xf32, #tpu.memory_space<hbm>> -> memref<256x96xf32, #tpu.memory_space<hbm>>
    %dma_wait3A_85 = arith.constant 256 : i32
    %dma_wait3A_86 = arith.constant 0 : i32
    %dma_wait3A_87 = tpu.memref_slice %arg10[%dma_wait3A_85, %dma_wait3A_86] : memref<512x96xf32, #tpu.memory_space<vmem>> -> memref<256x96xf32, #tpu.memory_space<vmem>>
    tpu.wait_dma2 semaphore(%arg14 : memref<!tpu.dma_semaphore, #tpu.memory_space<semaphore_mem>>) src(%dma_wait3A_87 : memref<256x96xf32, #tpu.memory_space<vmem>>) dst(%dma_wait3A_84 : memref<256x96xf32, #tpu.memory_space<hbm>>)
    return
  }
}

</mosaic_0001>

<sc_bundles>
// kernel: kernel.3.cloned.1.call-start
scs
__scs_entry_jumppad:
0x0: {  	(pc) =	sbr.rel $0x88, $3  }
0x1: {  	(tag) =	ssettag $0x0;
	lr =	simm.s32 $0x1  }
0x2: {  	[smem:$0x3F9F] =	sst lr;
	_ =	strace $0xD0000000  }
0x3: {  	_ = 	snop  }
0x4: {  	_ = 	snop  }
0x5: {  	_ = 	snop  }
0x6: {  	_ = 	snop  }
0x7: {  	_ = 	snop  }
__scs_overlays_trampoline_lowered:
0x8: {  	[smem:$0x3FAE] =	sst s0  }
0x9: {  	[smem:$0x3FAF] =	sst s1  }
0xa: {  	[smem:$0x3FB0] =	sst s2  }
0xb: {  	[smem:$0x3FB1] =	sst s3  }
0xc: {  	[smem:$0x3FB2] =	sst s4  }
0xd: {  	[smem:$0x3FB3] =	sst s5  }
0xe: {  	[smem:$0x3FB4] =	sst s6  }
0xf: {  	[smem:$0x3FB5] =	sst s7  }
0x10: {  	[smem:$0x3FB6] =	sst s8  }
0x11: {  	[smem:$0x3FB7] =	sst s9;
	s0 =	simm.s32 @!p0 $0x0  }
0x12: {  	s1 =	sld [smem:$0x3F9D];
	s0 =	simm.s32 @p0 $0x1  }
0x13: {  	[smem:$0x3FB8] =	sst s0;
	s0 =	simm.s32 @!p1 $0x0  }
0x14: {  	s2 =	sld [smem:$0x3F9C];
	s0 =	simm.s32 @p1 $0x1  }
0x15: {  	[smem:$0x3FB9] =	sst s0;
	s0 =	simm.s32 @!p2 $0x0  }
0x16: {  	s3 =	sld [smem:$0x3FDB];
	s0 =	simm.s32 @p2 $0x1  }
0x17: {  	s4 =	simm.s32 $0x1BF5;
	[smem:$0x3FBB] =	sst s0  }
0x18: {  	s0 =	sld [smem:$0x3F9E];
	_ =	swait.ge [sflag:s4], $0x0  }
0x19: {  	s7 =	sld [smem:$0x3F9F]  }
0x1a: {  	s8 =	sadd.s32 $0xFFFFE003, lr  }
0x1b: {  	s9 =	sadd.s32 $0xFFFFFEF7, lr;
	s5 =	simm.s32 $0xFFFFFFFF;
	p2 =	slt.u32 s8, $0xFFFFF086  }
0x1c: {  	p1 =	slt.u32 s9, $0xF7A;
	s5 =	simm.s32 @!p2 $0x0  }
0x1d: {  	s5 =	simm.s32 @p1 $0x1;
	p0 =	seq.s32 s7, s2  }
0x1e: {  	s7 =	smul.u32 @!p0 $0xF7A, s2;
	p2 =	seq.s32 @!p0 s5, $0x0  }
0x1f: {  	s9 =	smul.u32 $0xF7A, s1;
	s8 =	simm.s32 @!p0 $0x1BF5;
	p2 =	por !p2, p0  }
0x20: {  	[sflag:s8] =	ssyncset.s32 @!p0 $0xFFFFF086;
	s6 =	sadd.s32 @!p0 s3, s7;
	s7 =	simm.s32 @!p0 $0x108  }
0x21: {  	s3 =	sadd.s32 s3, s9;
	s6 =	sadd.s32 @!p0 $0x88, s6;
	s7 =	simm.s32 @p2 $0x1082  }
0x22: {  	[simem:s7], [sflag:s8] =	dma.local @!p0 [hbm:s6], $0xF7A  }
0x23: {  	s9 =	sor.u32 $0xD0000000, s2;
	s6 =	simm.s32 $0x108;
	_ =	swait.ge @!p0 [sflag:s8], $0x0  }
0x24: {  	s3 =	sadd.s32 $0x88, s3;
	s6 =	simm.s32 @!p1 $0x1082;
	[sflag:s4] =	ssyncset.s32 $0xFFFFF086  }
0x25: {  	[simem:s6], [sflag:s4] =	dma.local [hbm:s3], $0xF7A  }
0x26: {  	[smem:$0x3F9F] =	sst s1;
	(tag) =	ssettag s2;
	_ =	strace s9  }
0x27: {  	s1 =	sld [smem:$0x3FAF]  }
0x28: {  	s2 =	sld [smem:$0x3FB0]  }
0x29: {  	s4 =	sld [smem:$0x3FB2]  }
0x2a: {  	p0 =	seq.s32 s5, $0x0;
	s5 =	sld [smem:$0x3FB3]  }
0x2b: {  	s6 =	sld [smem:$0x3FB4]  }
0x2c: {  	s7 =	sld [smem:$0x3FB5]  }
0x2d: {  	s3 =	simm.s32 $0x108;
	s8 =	sld [smem:$0x3FB6]  }
0x2e: {  	s3 =	simm.s32 @!p0 $0x1082;
	s9 =	sld [smem:$0x3FB7]  }
0x2f: {  	lr =	sadd.s32 s0, s3;
	s0 =	sld [smem:$0x3FAE]  }
0x30: {  	s3 =	sld [smem:$0x3FB1]  }
0x31: {  	[smem:$0x3FBA] =	sst s10  }
0x32: {  	s10 =	sld [smem:$0x3FB8];
	_ =	sdelay $0x3  }
0x33: {  	p0 =	seq.s32 s10, $0x1;
	s10 =	sld [smem:$0x3FBA];
	_ =	sdelay $0x3  }
0x34: {  	[smem:$0x3FBA] =	sst s10  }
0x35: {  	s10 =	sld [smem:$0x3FB9];
	_ =	sdelay $0x3  }
0x36: {  	p1 =	seq.s32 s10, $0x1;
	s10 =	sld [smem:$0x3FBA];
	_ =	sdelay $0x3  }
0x37: {  	[smem:$0x3FBA] =	sst s10  }
0x38: {  	s10 =	sld [smem:$0x3FBB]  }
0x39: {  	_ = 	snop;
	(pc) =	sbr.ind lr, $3  }
0x3a: {  	_ = 	snop  }
0x3b: {  	_ = 	snop  }
0x3c: {  	p2 =	seq.s32 s10, $0x1;
	s10 =	sld [smem:$0x3FBA]  }
0x3d: {  	_ =	shalt  }
0x3e: {  	_ =	shalt  }
0x3f: {  	_ =	shalt  }
0x40: {  	_ =	shalt  }
0x41: {  	_ =	shalt  }
0x42: {  	_ =	shalt  }
0x43: {  	_ =	shalt  }
0x44: {  	_ =	shalt  }
0x45: {  	_ =	shalt  }
0x46: {  	_ =	shalt  }
0x47: {  	_ =	shalt  }
0x48: {  	_ =	shalt  }
0x49: {  	_ =	shalt  }
0x4a: {  	_ =	shalt  }
0x4b: {  	_ =	shalt  }
0x4c: {  	_ =	shalt  }
0x4d: {  	_ =	shalt  }
0x4e: {  	_ =	shalt  }
0x4f: {  	_ =	shalt  }
0x50: {  	_ =	shalt  }
0x51: {  	_ =	shalt  }
0x52: {  	_ =	shalt  }
0x53: {  	_ =	shalt  }
0x54: {  	_ =	shalt  }
0x55: {  	_ =	shalt  }
0x56: {  	_ =	shalt  }
0x57: {  	_ =	shalt  }
0x58: {  	_ =	shalt  }
0x59: {  	_ =	shalt  }
0x5a: {  	_ =	shalt  }
0x5b: {  	_ =	shalt  }
0x5c: {  	_ =	shalt  }
0x5d: {  	_ =	shalt  }
0x5e: {  	_ =	shalt  }
0x5f: {  	_ =	shalt  }
0x60: {  	_ =	shalt  }
0x61: {  	_ =	shalt  }
0x62: {  	_ =	shalt  }
0x63: {  	_ =	shalt  }
0x64: {  	_ =	shalt  }
0x65: {  	_ =	shalt  }
0x66: {  	_ =	shalt  }
0x67: {  	_ =	shalt  }
0x68: {  	_ =	shalt  }
0x69: {  	_ =	shalt  }
0x6a: {  	_ =	shalt  }
0x6b: {  	_ =	shalt  }
0x6c: {  	_ =	shalt  }
0x6d: {  	_ =	shalt  }
0x6e: {  	_ =	shalt  }
0x6f: {  	_ =	shalt  }
0x70: {  	_ =	shalt  }
0x71: {  	_ =	shalt  }
0x72: {  	_ =	shalt  }
0x73: {  	_ =	shalt  }
0x74: {  	_ =	shalt  }
0x75: {  	_ =	shalt  }
0x76: {  	_ =	shalt  }
0x77: {  	_ =	shalt  }
0x78: {  	_ =	shalt  }
0x79: {  	_ =	shalt  }
0x7a: {  	_ =	shalt  }
0x7b: {  	_ =	shalt  }
0x7c: {  	_ =	shalt  }
0x7d: {  	_ =	shalt  }
0x7e: {  	_ =	shalt  }
0x7f: {  	_ =	shalt  }
0x80: {  	_ =	shalt  }
0x81: {  	_ =	shalt  }
0x82: {  	_ =	shalt  }
0x83: {  	_ =	shalt  }
0x84: {  	_ =	shalt  }
0x85: {  	_ =	shalt  }
0x86: {  	_ =	shalt  }
0x87: {  	_ =	shalt  }
.Lfunc_end0:
.L_simem_size_0:
called_computation_lowered:
.L_overlay_start_0:
0x88: {  	s2 =	sld [smem:$0x3FD9]  }
0x89: {  	s3 =	sld [smem:$0x3FFE];
	_ =	sdelay $0x1  }
0x8a: {  	s1 =	srdreg.scid  }
0x8b: {  	s0 =	sand.u32 $0x1, s1  }
0x8c: {  	s17 =	sshll.u32 s0, $0xA;
	s2 =	sadd.s32 s3, s2  }
0x8d: {  	s2 =	sadd.s32 s2, s17  }
0x8e: {  	[smem:$0x3FC6] =	sst s2  }
0x8f: {  	_ = 	snop  }
0x90: {  	s2 =	sld [smem:$0x3FD0];
	(tm) =	ssettm $0x1  }
0x91: {  	s18 =	sld [smem:$0x3FFB];
	_ =	sdelay $0x3  }
0x92: {  	_ =	strace s18  }
0x93: {  	s3 =	sld [smem:$0x3FFC];
	_ =	sdelay $0x3  }
0x94: {  	_ =	strace s3  }
0x95: {  	s3 =	sld [smem:$0x3FFD];
	_ =	sdelay $0x3  }
0x96: {  	_ =	strace s3  }
0x97: {  	_ =	strace $0x8FFFFFFF  }
0x98: {  	s19 =	sld [smem:$0x3FDB];
	_ =	sdelay $0x1  }
0x99: {  	s4 =	simm.s32 $_scs_section_size  }
0x9a: {  	s5 =	simm.s32 $_size__tile_overlayer_lowered;
	s6 =	simm.s32 $_tile_overlayer_lowered  }
0x9b: {  	s22 =	simm.s32 $0x1BFF;
	s21 =	sshll.u32 s6, $0x1;
	s3 =	sadd.s32 s4, s19  }
0x9c: {  	s7 =	simm.s32 $0x0;
	s20 =	sshll.u32 s5, $0x1;
	s5 =	sadd.s32 s21, s3  }
0x9d: {  	[timem:s7], [sflag:s22] =	dma.local [hbm:s5], s20  }
0x9e: {  	_ =	swait.ge [sflag:s22], s20  }
0x9f: {  	s4 =	ssub.s32 $0x0, s20;
	[sflag:s22] =	ssyncset.done $0x0  }
0xa0: {  	[sflag:s22] =	ssyncadd.s32 s4;
	_ =	sdelay $0x1  }
0xa1: {  	s23 =	simm.s32 $0x1B8B  }
0xa2: {  	_ =	swait.ge [sflag:s23], $0x1  }
0xa3: {  	[sflag:s23] =	ssyncset.done $0x0  }
0xa4: {  	s25 =	simm.s32 $0x1B8E;
	s24 =	sld [smem:$0x3FFE];
	[sflag:s23] =	ssyncadd.s32 $0xFFFFFFFF  }
0xa5: {  	s26 =	simm.s32 $execute0_lowered;
	[smem:$0x3FD2] =	sst s25  }
0xa6: {  	s5 =	sshll.u32 s26, $0x1;
	_ =	strace $0x80000046;
	[dreg:$0x1] =	wrdreg $0xFFFFFFFF  }
0xa7: {  	s28 =	simm.s32 $_size_execute0_lowered;
	s3 =	sadd.s32 s3, s5;
	[dreg:$0x0] =	wrdreg $0x0  }
0xa8: {  	s5 =	sshll.u32 s28, $0x1;
	[dreg:$0x2] =	wrdreg s3  }
0xa9: {  	[dreg:$0x3] =	wrdreg s5  }
0xaa: {  	[dreg:$0x4] =	wrdreg $0xC0  }
0xab: {  	_ =	task [dreg:s7], $0x5FFFF  }
0xac: {  	[dreg:$0x1] =	wrdreg $0xFFFFFFFF  }
0xad: {  	[dreg:$0x0] =	wrdreg $0x60  }
0xae: {  	[dreg:$0x2] =	wrdreg s2  }
0xaf: {  	[dreg:$0x3] =	wrdreg s24  }
0xb0: {  	[dreg:$0x4] =	wrdreg $0x9  }
0xb1: {  	_ =	task.clear_ibuf [dreg:s7], $0x5FFFF;
	_ =	strace $0x90000046  }
0xb2: {  	s29 =	simm.s32 $0x9;
	_ =	strace $0x80000048  }
0xb3: {  	_ =	swait.ge [sflag:s29], $0x1  }
0xb4: {  	[sflag:s29] =	ssyncadd.s32 $0xFFFFFFFF  }
0xb5: {  	_ =	strace $0x90000048  }
0xb6: {  	_ =	sfence  }
0xb7: {  	s30 =	sld [smem:$0x0];
	_ =	sdelay $0x2  }
0xb8: {  	s31 =	sshll.u32 s1, $0xD;
	s1 =	sshrl.u32 s1, $0x2  }
0xb9: {  	s3 =	sand.u32 $0x4000, s31;
	s1 =	sadd.s32 s1, s30  }
0xba: {  	s0 =	sor.u32 s3, s0;
	s1 =	sshll.u32 s1, $0x11  }
0xbb: {  	s0 =	sor.u32 s1, s0  }
0xbc: {  	s0 =	sadd.s32 $0x8F2B, s0  }
0xbd: {  	[sflag:s0] =	ssyncadd.remote.s32 $0x1  }
0xbe: {  	_ =	sfence.sel $0xFFFF  }
0xbf: {  	[dreg:$0x0] =	wrdreg $0xFFFFFFFF;
	(pc) =	sbr.abs _section_cstart, $3  }
0xc0: {  	[dreg:$0x1] =	wrdreg $0xFFFFFFFF  }
0xc1: {  	_ =	task.clear_ibuf [dreg:s7], $0x2FFFF;
	_ =	strace $0x9FFFFFFF  }
0xc2: {  	(tm) =	ssettm $0x7FFFFFFF  }
0xc3: {  	_ =	shalt  }
tec
execute0_lowered:
.L_overlay_start_1:
0x0: {  	(tag) =	ssettag $0x1  }
0x1: {  	s1 =	rddreg [dreg:$0x0]  }
0x2: {  	s0 =	rddreg [dreg:$0x1];
	s2 =	srdreg.scid  }
0x3: {  	s3 =	simm.s32 $0x0;
	s4 =	stileid.u32;
	s18 =	simm.s32 $0x600  }
0x4: {  	s19 =	simm.s32 $0x5;
	s28 =	simm.s32 $0x5500;
	s29 =	simm.s32 $0x2  }
0x5: {  	s30 =	simm.s32 $0xD500;
	s31 =	simm.s32 $0x3;
	s2 =	sand.u32 $0x1, s2  }
0x6: {  	[smem:$0x7FF] =	sst s3;
	s4 =	sshll.u32 s4, $0x10;
	s21 =	sadd.s32 $0x400, s0  }
0x7: {  	s6 =	sadd.s32 $0xA00, s0;
	s9 =	sadd.s32 $0x40000, s1;
	s5 =	sshll.u32 s2, $0xF  }
0x8: {  	_ =	strace $0x80000047;
	s2 =	ssub.s32 $0x2, s2;
	s4 =	sor.u32 s5, s4  }
0x9: {  	[dreg:$0x3] =	wrdreg s21;
	s23 =	sshrl.u32 s2, $0x1;
	s22 =	sshrl.u32 s4, $0x3  }
0xa: {  	s0 =	ssub.s32 s2, s23;
	s14 =	sor.u32 $0x200, s4;
	s26 =	sshll.u32 s4, $0x4  }
0xb: {  	s16 =	sor.u32 $0x300, s4;
	s2 =	simm.s32 $0x0;
	s7 =	sadd.s32 s1, s22  }
0xc: {  	s25 =	sadd.s32 s22, s9;
	s15 =	sadd.s32 s6, s26;
	s17 =	smax.u32 s0, $0x1  }
0xd: {  	s26 =	simm.s32 $0x2A80;
	s0 =	simm.s32 $0x4;
	s24 =	sadd.s32 $0x20000, s7  }
0xe: {  	v0 =	vlaneseq.u32;
	[dreg:$0x5] =	wrdreg s25;
	s11 =	sadd.s32 $0x20, s7;
	s12 =	sadd.s32 $0x20020, s7  }
0xf: {  	v1 =	vor.u32 $0x10, v0;
	s13 =	sadd.s32 $0x40020, s7;
	s25 =	simm.s32 $0x1;
	[dreg:$0x4] =	wrdreg s24  }
.LBB2_1:
0x10: {  	s5 =	rddreg [dreg:$0x3]  }
0x11: {  	[tilespmem:s18], [sflag:$0x5] =	stream.linear.gather [hbm4b:s5+s3], $0x2480, $0x38;
	[tilespmem:$0x15500] =	vst v63  }
0x12: {  	_ =	swait.ge [sflag:s19], $0x2480  }
0x13: {  	[sflag:s19] =	ssyncset.done $0x0  }
0x14: {  	s5 =	simm.s32 $0x0;
	[sflag:s19] =	ssyncadd.s32 $0xFFFFDB80  }
0x15: {  	v2 =	vld [tilespmem:s5+$0x600]  }
0x16: {  	s20 =	simm.s32 $0x40;
	v3 =	vld [tilespmem:s5+$0x620]  }
.LBB2_2:
0x17: {  	_ = 	snop  }
0x18: {  	p0 =	sne.s32 s20, $0x90C0  }
.Ltmp0:
0x19: {  	_ = 	snop;
	(pc) =	sbr.rel @p0 .LBB2_2-.Ltmp0, $4  }
0x1a: {  	_ = 	snop  }
0x1b: {  	s8 =	sshra.s32 s20, $0x2;
	v4 =	vsub.f32 v3, v2  }
0x1c: {  	v2 =	vld [tilespmem:s8+$0x600]  }
0x1d: {  	s20 =	sadd.s32 $0x40, s20;
	v3 =	vld [tilespmem:s8+$0x620];
	[tilespmem:s5+$0x2A80] =	vst v4;
	s5 =	smov.u32 s8  }
0x1e: {  	_ =	sdelay $0x3  }
0x1f: {  	v2 =	vsub.f32 v3, v2;
	_ =	sdelay $0x1  }
0x20: {  	s20 =	simm.s32 $0x0;
	[tilespmem:s5+$0x2A80] =	vst v2  }
0x21: {  	[tilespmem:s20], [sflag:$0x1] =	stream.linear.gather [hbm4b:s7+s20], $0x100, $0x38;
	[tilespmem:$0x15500] =	vst v63  }
0x22: {  	s24 =	rddreg [dreg:$0x4];
	s8 =	simm.s32 $0x100  }
0x23: {  	[tilespmem:s8], [sflag:$0x1] =	stream.linear.gather [hbm4b:s24+s20], $0x100, $0x38;
	[tilespmem:$0x15500] =	vst v63  }
0x24: {  	s10 =	rddreg [dreg:$0x5];
	s21 =	simm.s32 $0x200  }
0x25: {  	[tilespmem:s21], [sflag:$0x1] =	stream.linear.gather [hbm4b:s10+s20], $0x100, $0x38;
	[tilespmem:$0x15500] =	vst v63  }
0x26: {  	s22 =	simm.s32 $0x300  }
0x27: {  	[tilespmem:s22], [sflag:$0x2] =	stream.linear.gather [hbm4b:s11+s20], $0x100, $0x38;
	[tilespmem:$0x15500] =	vst v63  }
0x28: {  	s23 =	simm.s32 $0x400  }
0x29: {  	[tilespmem:s23], [sflag:$0x2] =	stream.linear.gather [hbm4b:s12+s20], $0x100, $0x38;
	[tilespmem:$0x15500] =	vst v63  }
0x2a: {  	s24 =	simm.s32 $0x500  }
0x2b: {  	[tilespmem:s24], [sflag:$0x2] =	stream.linear.gather [hbm4b:s13+s20], $0x100, $0x38;
	[tilespmem:$0x15500] =	vst v63  }
.LBB2_4:
0x2c: {  	_ =	swait.ge [sflag:s25], $0x100  }
0x2d: {  	[sflag:s25] =	ssyncset.done $0x0  }
0x2e: {  	[sflag:s25] =	ssyncadd.s32 $0xFFFFFF00  }
0x2f: {  	_ =	swait.ge [sflag:s25], $0x100  }
0x30: {  	[sflag:s25] =	ssyncset.done $0x0  }
0x31: {  	[sflag:s25] =	ssyncadd.s32 $0xFFFFFF00  }
0x32: {  	_ =	swait.ge [sflag:s25], $0x100  }
0x33: {  	[sflag:s25] =	ssyncset.done $0x0  }
0x34: {  	s21 =	simm.s32 $0x0;
	[sflag:s25] =	ssyncadd.s32 $0xFFFFFF00  }
0x35: {  	v2 =	vld [tilespmem:s21+$0x200]  }
0x36: {  	v3 =	vld [tilespmem:s21+$0x0]  }
0x37: {  	v4 =	vld [tilespmem:s21+$0x100]  }
0x38: {  	s5 =	simm.s32 $0x10  }
0x39: {  	v6 =	vld [tilespmem:s5+$0x200]  }
0x3a: {  	v2 =	vmul.f32 $1.280000000e+02, v2  }
0x3b: {  	v3 =	vmul.f32 $3.200000000e+01, v3  }
0x3c: {  	v5 =	vmul.f32 $1.280000000e+02, v4;
	v4 =	vadd.f32 $1.620000000e+02, v2  }
0x3d: {  	v8 =	vld [tilespmem:s5+$0x0];
	v3 =	vadd.f32 $0.0e+00, v3  }
0x3e: {  	v9 =	vmul.f32 $1.280000000e+02, v6;
	v6 =	vld [tilespmem:s5+$0x100];
	v2 =	vadd.f32 $3.300000000e+01, v5;
	v5 =	vtrunc.f32 v4  }
0x3f: {  	v7 =	vtrunc.f32 v3;
	v11 =	vcvt.f32.s32 v5  }
0x40: {  	v5 =	vcvt.f32.s32 v7  }
0x41: {  	v13 =	vtrunc.f32 v2;
	v10 =	vcvt.s32.f32 v11;
	v7 =	vshll.u32 v11, $0x5  }
0x42: {  	s22 =	simm.s32 $0x20;
	s23 =	simm.s32 $0xC0;
	v11 =	vmul.f32 $3.200000000e+01, v8;
	v12 =	vshll.u32 v5, $0x5;
	v8 =	vcvt.f32.s32 v13  }
.LBB2_5:
0x43: {  	p0 =	sne.s32 s23, $0x3C0;
	v13 =	vld [tilespmem:s22+$0x200];
	v14 =	vmul.f32 $1.280000000e+02, v6;
	[tilespmem:s21+$0x4F00] =	vst v12;
	v10 =	vsub.f32 v4, v10;
	v4 =	vadd.f32 $1.620000000e+02, v9;
	s8 =	smov.u32 s5;
	s5 =	smov.u32 s22  }
0x44: {  	v5 =	vcvt.s32.f32 v5;
	v12 =	vld [tilespmem:s5+$0x0];
	v9 =	vadd.f32 $0.0e+00, v11;
	v11 =	vcvt.s32.f32 v8;
	[tilespmem:s21+$0x5100] =	vst v7  }
.Ltmp1:
0x45: {  	v8 =	vshll.u32 v8, $0x5;
	v6 =	vld [tilespmem:s5+$0x100];
	v7 =	vadd.f32 $3.300000000e+01, v14;
	v14 =	vtrunc.f32 v4;
	[tilespmem:s21+$0x5400] =	vst v10;
	(pc) =	sbr.rel @p0 .LBB2_5-.Ltmp1, $4  }
0x46: {  	v15 =	vsub.f32 v3, v5;
	v10 =	vtrunc.f32 v9;
	v14 =	vcvt.f32.s32 v14;
	[tilespmem:s21+$0x5000] =	vst v8;
	v3 =	vmovc v9  }
0x47: {  	v16 =	vsub.f32 v2, v11;
	v5 =	vcvt.f32.s32 v10;
	v8 =	vtrunc.f32 v7;
	v2 =	vmovc v7  }
0x48: {  	v9 =	vmul.f32 $1.280000000e+02, v13;
	v10 =	vcvt.s32.f32 v14;
	v7 =	vshll.u32 v14, $0x5;
	[tilespmem:s21+$0x5200] =	vst v15  }
0x49: {  	s22 =	sshra.s32 s23, $0x2;
	s23 =	sadd.s32 $0x40, s23;
	v8 =	vcvt.f32.s32 v8;
	v11 =	vmul.f32 $3.200000000e+01, v12;
	v12 =	vshll.u32 v5, $0x5;
	[tilespmem:s21+$0x5300] =	vst v16;
	s21 =	smov.u32 s8  }
0x4a: {  	v13 =	vld [tilespmem:s22+$0x200];
	v9 =	vadd.f32 $1.620000000e+02, v9  }
0x4b: {  	[tilespmem:s21+$0x4F00] =	vst v12;
	v6 =	vmul.f32 $1.280000000e+02, v6;
	v4 =	vsub.f32 v4, v10;
	v11 =	vadd.f32 $0.0e+00, v11  }
0x4c: {  	v5 =	vcvt.s32.f32 v5;
	v41 =	vld [tilespmem:s22+$0x0];
	v42 =	vcvt.s32.f32 v8;
	[tilespmem:s21+$0x5100] =	vst v7;
	v43 =	vshll.u32 v8, $0x5  }
0x4d: {  	v7 =	vld [tilespmem:s22+$0x100];
	v6 =	vadd.f32 $3.300000000e+01, v6;
	v14 =	vtrunc.f32 v9;
	v44 =	vtrunc.f32 v11  }
0x4e: {  	v3 =	vsub.f32 v3, v5;
	[tilespmem:s21+$0x5400] =	vst v4;
	v14 =	vcvt.f32.s32 v14;
	v45 =	vcvt.f32.s32 v44  }
0x4f: {  	[tilespmem:s21+$0x5000] =	vst v43;
	v2 =	vsub.f32 v2, v42;
	v46 =	vtrunc.f32 v6;
	v47 =	vmul.f32 $1.280000000e+02, v13  }
0x50: {  	[tilespmem:s21+$0x5200] =	vst v3;
	v48 =	vcvt.s32.f32 v14;
	v49 =	vshll.u32 v14, $0x5;
	v5 =	vcvt.f32.s32 v46  }
0x51: {  	[tilespmem:s21+$0x5300] =	vst v2;
	v3 =	vmul.f32 $3.200000000e+01, v41;
	v50 =	vshll.u32 v45, $0x5;
	v4 =	vcvt.s32.f32 v45  }
0x52: {  	[tilespmem:s5+$0x5100] =	vst v49;
	v2 =	vmul.f32 $1.280000000e+02, v7;
	v51 =	vadd.f32 $1.620000000e+02, v47;
	v52 =	vsub.f32 v9, v48  }
0x53: {  	[tilespmem:s5+$0x4F00] =	vst v50;
	v53 =	vcvt.s32.f32 v5;
	v5 =	vshll.u32 v5, $0x5;
	v3 =	vadd.f32 $0.0e+00, v3  }
0x54: {  	v4 =	vsub.f32 v11, v4;
	[tilespmem:s5+$0x5000] =	vst v5;
	v2 =	vadd.f32 $3.300000000e+01, v2;
	v54 =	vtrunc.f32 v51  }
0x55: {  	[tilespmem:s5+$0x5400] =	vst v52;
	v6 =	vsub.f32 v6, v53;
	v55 =	vtrunc.f32 v3;
	v10 =	vcvt.f32.s32 v54  }
0x56: {  	[tilespmem:s5+$0x5200] =	vst v4;
	v56 =	vcvt.f32.s32 v55;
	v57 =	vtrunc.f32 v2  }
0x57: {  	[tilespmem:s5+$0x5300] =	vst v6;
	v58 =	vcvt.s32.f32 v10;
	v8 =	vcvt.f32.s32 v57;
	v60 =	vshll.u32 v10, $0x5  }
0x58: {  	v59 =	vshll.u32 v56, $0x5;
	v5 =	vcvt.s32.f32 v56;
	[tilespmem:s22+$0x5100] =	vst v60  }
0x59: {  	p0 =	seq.s32 s20, $0x3F;
	[tilespmem:s22+$0x4F00] =	vst v59;
	v61 =	vsub.f32 v51, v58;
	v62 =	vcvt.s32.f32 v8;
	v63 =	vshll.u32 v8, $0x5  }
0x5a: {  	s5 =	sshll.u32 @!p0 s20, $0x9;
	v3 =	vsub.f32 v3, v5;
	[tilespmem:s22+$0x5000] =	vst v63  }
0x5b: {  	s5 =	sadd.s32 @!p0 s5, s14;
	[tilespmem:s22+$0x5400] =	vst v61;
	v2 =	vsub.f32 v2, v62  }
0x5c: {  	s5 =	sshrl.u32 @!p0 s5, $0x3;
	[tilespmem:s22+$0x5200] =	vst v3  }
0x5d: {  	s21 =	simm.s32 @!p0 $0x0;
	s8 =	sadd.s32 @!p0 s1, s5;
	[tilespmem:s22+$0x5300] =	vst v2  }
0x5e: {  	[tilespmem:s21], [sflag:$0x1] =	stream.linear.gather @!p0 [hbm4b:s8+s21], $0x100, $0x38;
	[tilespmem:$0x15500] =	vst v63  }
0x5f: {  	p1 =	seq.s32 @!p0 s20, $0x0;
	s22 =	simm.s32 @!p0 $0x100;
	s8 =	sadd.s32 @!p0 $0x20000, s8  }
0x60: {  	[tilespmem:s22], [sflag:$0x1] =	stream.linear.gather @!p0 [hbm4b:s8+s21], $0x100, $0x38;
	[tilespmem:$0x15500] =	vst v63  }
0x61: {  	p1 =	por p0, !p1;
	s5 =	sadd.s32 @!p0 s5, s9;
	s8 =	simm.s32 @!p0 $0x200  }
0x62: {  	[tilespmem:s8], [sflag:$0x1] =	stream.linear.gather @!p0 [hbm4b:s5+s21], $0x100, $0x38;
	[tilespmem:$0x15500] =	vst v63  }
0x63: {  	_ =	swait.ge @p1 [sflag:s31], $0x8000  }
0x64: {  	[sflag:s31] =	ssyncset.done @p1 $0x0  }
0x65: {  	s22 =	simm.s32 $0x5900;
	s21 =	simm.s32 $0x0;
	[sflag:s31] =	ssyncadd.s32 @p1 $0xFFFF8000  }
.LBB2_7:
0x66: {  	s5 =	sshra.s32 s21, $0x2  }
0x67: {  	v7 =	vld [tilespmem:s5+$0x4F00];
	_ =	sdelay $0x4  }
0x68: {  	v2 =	vbroadcast v7, $0x0;
	_ =	sdelay $0x1  }
0x69: {  	v3 =	vadd.s32 v0, v2  }
0x6a: {  	v2 =	vadd.s32 v1, v2;
	_ =	sdelay $0x1  }
0x6b: {  	v6 =	vld [tilespmem:s5+$0x5200]  }
0x6c: {  	v5 =	vld [tilespmem:s5+$0x5000]  }
0x6d: {  	v4 =	vld.idx.msk [tilespmem:v3+s26+$0x0], $0xffff  }
0x6e: {  	v8 =	vld.idx.msk [tilespmem:v2+s26+$0x0], $0xffff  }
0x6f: {  	v9 =	vld.idx.msk [tilespmem:v3+s18+$0x0], $0xffff  }
0x70: {  	v10 =	vbroadcast v6, $0x0;
	v11 =	vld.idx.msk [tilespmem:v2+s18+$0x0], $0xffff  }
0x71: {  	v2 =	vbroadcast v5, $0x0  }
0x72: {  	v12 =	vmul.f32 v4, v10  }
0x73: {  	v34 =	vadd.s32 v0, v2;
	v8 =	vmul.f32 v8, v10  }
0x74: {  	v3 =	vld [tilespmem:s5+$0x5100];
	v35 =	vadd.s32 v1, v2;
	v9 =	vadd.f32 v12, v9  }
0x75: {  	v2 =	vld [tilespmem:s5+$0x5400];
	v8 =	vadd.f32 v8, v11  }
0x76: {  	v4 =	vld [tilespmem:s5+$0x5300];
	[tilespmem:s22+$0xFFFFFC00] =	vst v9  }
0x77: {  	[tilespmem:s22+$0xFFFFFC10] =	vst v8  }
0x78: {  	v8 =	vld.idx.msk [tilespmem:v34+s26+$0x0], $0xffff  }
0x79: {  	v9 =	vld.idx.msk [tilespmem:v35+s26+$0x0], $0xffff  }
0x7a: {  	v10 =	vld.idx.msk [tilespmem:v34+s18+$0x0], $0xffff  }
0x7b: {  	v36 =	vbroadcast v4, $0x0;
	v12 =	vld.idx.msk [tilespmem:v35+s18+$0x0], $0xffff  }
0x7c: {  	v13 =	vbroadcast v3, $0x0  }
0x7d: {  	v8 =	vmul.f32 v8, v36  }
0x7e: {  	v37 =	vadd.s32 v0, v13;
	v9 =	vmul.f32 v9, v36  }
0x7f: {  	v38 =	vadd.s32 v1, v13;
	v8 =	vadd.f32 v8, v10  }
0x80: {  	v9 =	vadd.f32 v9, v12  }
0x81: {  	[tilespmem:s22+$0xFFFFFC20] =	vst v8  }
0x82: {  	[tilespmem:s22+$0xFFFFFC30] =	vst v9  }
0x83: {  	v8 =	vld.idx.msk [tilespmem:v37+s26+$0x0], $0xffff  }
0x84: {  	v9 =	vld.idx.msk [tilespmem:v38+s26+$0x0], $0xffff  }
0x85: {  	v11 =	vld.idx.msk [tilespmem:v37+s18+$0x0], $0xffff  }
0x86: {  	v39 =	vbroadcast v2, $0x0;
	v10 =	vld.idx.msk [tilespmem:v38+s18+$0x0], $0xffff  }
0x87: {  	v40 =	vbroadcast v7, $0x1  }
0x88: {  	v8 =	vmul.f32 v8, v39  }
0x89: {  	v41 =	vadd.s32 v0, v40;
	v9 =	vmul.f32 v9, v39  }
0x8a: {  	v42 =	vadd.s32 v1, v40;
	v8 =	vadd.f32 v8, v11  }
0x8b: {  	v9 =	vadd.f32 v9, v10  }
0x8c: {  	[tilespmem:s22+$0xFFFFFC40] =	vst v8  }
0x8d: {  	[tilespmem:s22+$0xFFFFFC50] =	vst v9  }
0x8e: {  	v8 =	vld.idx.msk [tilespmem:v41+s26+$0x0], $0xffff  }
0x8f: {  	v9 =	vld.idx.msk [tilespmem:v42+s26+$0x0], $0xffff  }
0x90: {  	v43 =	vld.idx.msk [tilespmem:v41+s18+$0x0], $0xffff  }
0x91: {  	v44 =	vbroadcast v6, $0x1;
	v11 =	vld.idx.msk [tilespmem:v42+s18+$0x0], $0xffff  }
0x92: {  	v45 =	vbroadcast v5, $0x1  }
0x93: {  	v8 =	vmul.f32 v8, v44  }
0x94: {  	v46 =	vadd.s32 v0, v45;
	v9 =	vmul.f32 v9, v44  }
0x95: {  	v47 =	vadd.s32 v1, v45;
	v8 =	vadd.f32 v8, v43  }
0x96: {  	v9 =	vadd.f32 v9, v11  }
0x97: {  	[tilespmem:s22+$0xFFFFFC80] =	vst v8  }
0x98: {  	[tilespmem:s22+$0xFFFFFC90] =	vst v9  }
0x99: {  	v8 =	vld.idx.msk [tilespmem:v46+s26+$0x0], $0xffff  }
0x9a: {  	v9 =	vld.idx.msk [tilespmem:v47+s26+$0x0], $0xffff  }
0x9b: {  	v48 =	vld.idx.msk [tilespmem:v46+s18+$0x0], $0xffff  }
0x9c: {  	v49 =	vbroadcast v4, $0x1;
	v10 =	vld.idx.msk [tilespmem:v47+s18+$0x0], $0xffff  }
0x9d: {  	v50 =	vbroadcast v3, $0x1  }
0x9e: {  	v8 =	vmul.f32 v8, v49  }
0x9f: {  	v51 =	vadd.s32 v0, v50;
	v9 =	vmul.f32 v9, v49  }
0xa0: {  	v52 =	vadd.s32 v1, v50;
	v8 =	vadd.f32 v8, v48  }
0xa1: {  	v9 =	vadd.f32 v9, v10  }
0xa2: {  	[tilespmem:s22+$0xFFFFFCA0] =	vst v8  }
0xa3: {  	[tilespmem:s22+$0xFFFFFCB0] =	vst v9  }
0xa4: {  	v8 =	vld.idx.msk [tilespmem:v51+s26+$0x0], $0xffff  }
0xa5: {  	v9 =	vld.idx.msk [tilespmem:v52+s26+$0x0], $0xffff  }
0xa6: {  	v53 =	vld.idx.msk [tilespmem:v51+s18+$0x0], $0xffff  }
0xa7: {  	v54 =	vbroadcast v2, $0x1;
	v11 =	vld.idx.msk [tilespmem:v52+s18+$0x0], $0xffff  }
0xa8: {  	v55 =	vbroadcast v7, $0x2  }
0xa9: {  	v8 =	vmul.f32 v8, v54  }
0xaa: {  	v56 =	vadd.s32 v0, v55;
	v9 =	vmul.f32 v9, v54  }
0xab: {  	v57 =	vadd.s32 v1, v55;
	v8 =	vadd.f32 v8, v53  }
0xac: {  	v9 =	vadd.f32 v9, v11  }
0xad: {  	[tilespmem:s22+$0xFFFFFCC0] =	vst v8  }
0xae: {  	[tilespmem:s22+$0xFFFFFCD0] =	vst v9  }
0xaf: {  	v8 =	vld.idx.msk [tilespmem:v56+s26+$0x0], $0xffff  }
0xb0: {  	v9 =	vld.idx.msk [tilespmem:v57+s26+$0x0], $0xffff  }
0xb1: {  	v58 =	vld.idx.msk [tilespmem:v56+s18+$0x0], $0xffff  }
0xb2: {  	v59 =	vbroadcast v6, $0x2;
	v10 =	vld.idx.msk [tilespmem:v57+s18+$0x0], $0xffff  }
0xb3: {  	v60 =	vbroadcast v5, $0x2  }
0xb4: {  	v8 =	vmul.f32 v8, v59  }
0xb5: {  	v61 =	vadd.s32 v0, v60;
	v9 =	vmul.f32 v9, v59  }
0xb6: {  	v62 =	vadd.s32 v1, v60;
	v8 =	vadd.f32 v8, v58  }
0xb7: {  	v9 =	vadd.f32 v9, v10  }
0xb8: {  	[tilespmem:s22+$0xFFFFFD00] =	vst v8  }
0xb9: {  	[tilespmem:s22+$0xFFFFFD10] =	vst v9  }
0xba: {  	v8 =	vld.idx.msk [tilespmem:v61+s26+$0x0], $0xffff  }
0xbb: {  	v9 =	vld.idx.msk [tilespmem:v62+s26+$0x0], $0xffff  }
0xbc: {  	v63 =	vld.idx.msk [tilespmem:v61+s18+$0x0], $0xffff  }
0xbd: {  	v16 =	vbroadcast v4, $0x2;
	v11 =	vld.idx.msk [tilespmem:v62+s18+$0x0], $0xffff  }
0xbe: {  	v17 =	vbroadcast v3, $0x2  }
0xbf: {  	v8 =	vmul.f32 v8, v16  }
0xc0: {  	v18 =	vadd.s32 v0, v17;
	v9 =	vmul.f32 v9, v16  }
0xc1: {  	v19 =	vadd.s32 v1, v17;
	v8 =	vadd.f32 v8, v63  }
0xc2: {  	v9 =	vadd.f32 v9, v11  }
0xc3: {  	[tilespmem:s22+$0xFFFFFD20] =	vst v8  }
0xc4: {  	[tilespmem:s22+$0xFFFFFD30] =	vst v9  }
0xc5: {  	v8 =	vld.idx.msk [tilespmem:v18+s26+$0x0], $0xffff  }
0xc6: {  	v9 =	vld.idx.msk [tilespmem:v19+s26+$0x0], $0xffff  }
0xc7: {  	v20 =	vld.idx.msk [tilespmem:v18+s18+$0x0], $0xffff  }
0xc8: {  	v21 =	vbroadcast v2, $0x2;
	v10 =	vld.idx.msk [tilespmem:v19+s18+$0x0], $0xffff  }
0xc9: {  	v22 =	vbroadcast v7, $0x3  }
0xca: {  	v8 =	vmul.f32 v8, v21  }
0xcb: {  	v23 =	vadd.s32 v0, v22;
	v9 =	vmul.f32 v9, v21  }
0xcc: {  	v24 =	vadd.s32 v1, v22;
	v8 =	vadd.f32 v8, v20  }
0xcd: {  	v9 =	vadd.f32 v9, v10  }
0xce: {  	[tilespmem:s22+$0xFFFFFD40] =	vst v8  }
0xcf: {  	[tilespmem:s22+$0xFFFFFD50] =	vst v9  }
0xd0: {  	v8 =	vld.idx.msk [tilespmem:v23+s26+$0x0], $0xffff  }
0xd1: {  	v9 =	vld.idx.msk [tilespmem:v24+s26+$0x0], $0xffff  }
0xd2: {  	v25 =	vld.idx.msk [tilespmem:v23+s18+$0x0], $0xffff  }
0xd3: {  	v26 =	vbroadcast v6, $0x3;
	v11 =	vld.idx.msk [tilespmem:v24+s18+$0x0], $0xffff  }
0xd4: {  	v27 =	vbroadcast v5, $0x3  }
0xd5: {  	v8 =	vmul.f32 v8, v26  }
0xd6: {  	v28 =	vadd.s32 v0, v27;
	v9 =	vmul.f32 v9, v26  }
0xd7: {  	v29 =	vadd.s32 v1, v27;
	v8 =	vadd.f32 v8, v25  }
0xd8: {  	v9 =	vadd.f32 v9, v11  }
0xd9: {  	[tilespmem:s22+$0xFFFFFD80] =	vst v8  }
0xda: {  	[tilespmem:s22+$0xFFFFFD90] =	vst v9  }
0xdb: {  	v8 =	vld.idx.msk [tilespmem:v28+s26+$0x0], $0xffff  }
0xdc: {  	v9 =	vld.idx.msk [tilespmem:v29+s26+$0x0], $0xffff  }
0xdd: {  	v30 =	vld.idx.msk [tilespmem:v28+s18+$0x0], $0xffff  }
0xde: {  	v31 =	vbroadcast v4, $0x3;
	v10 =	vld.idx.msk [tilespmem:v29+s18+$0x0], $0xffff  }
0xdf: {  	v32 =	vbroadcast v3, $0x3  }
0xe0: {  	v8 =	vmul.f32 v8, v31  }
0xe1: {  	v33 =	vadd.s32 v0, v32;
	v9 =	vmul.f32 v9, v31  }
0xe2: {  	v34 =	vadd.s32 v1, v32;
	v8 =	vadd.f32 v8, v30  }
0xe3: {  	v9 =	vadd.f32 v9, v10  }
0xe4: {  	[tilespmem:s22+$0xFFFFFDA0] =	vst v8  }
0xe5: {  	[tilespmem:s22+$0xFFFFFDB0] =	vst v9  }
0xe6: {  	v8 =	vld.idx.msk [tilespmem:v33+s26+$0x0], $0xffff  }
0xe7: {  	v9 =	vld.idx.msk [tilespmem:v34+s26+$0x0], $0xffff  }
0xe8: {  	v35 =	vld.idx.msk [tilespmem:v33+s18+$0x0], $0xffff  }
0xe9: {  	v36 =	vbroadcast v2, $0x3;
	v11 =	vld.idx.msk [tilespmem:v34+s18+$0x0], $0xffff  }
0xea: {  	v37 =	vbroadcast v7, $0x4  }
0xeb: {  	v8 =	vmul.f32 v8, v36  }
0xec: {  	v38 =	vadd.s32 v0, v37;
	v9 =	vmul.f32 v9, v36  }
0xed: {  	v39 =	vadd.s32 v1, v37;
	v8 =	vadd.f32 v8, v35  }
0xee: {  	v9 =	vadd.f32 v9, v11  }
0xef: {  	[tilespmem:s22+$0xFFFFFDC0] =	vst v8  }
0xf0: {  	[tilespmem:s22+$0xFFFFFDD0] =	vst v9  }
0xf1: {  	v8 =	vld.idx.msk [tilespmem:v38+s26+$0x0], $0xffff  }
0xf2: {  	v9 =	vld.idx.msk [tilespmem:v39+s26+$0x0], $0xffff  }
0xf3: {  	v40 =	vld.idx.msk [tilespmem:v38+s18+$0x0], $0xffff  }
0xf4: {  	v41 =	vbroadcast v6, $0x4;
	v10 =	vld.idx.msk [tilespmem:v39+s18+$0x0], $0xffff  }
0xf5: {  	v42 =	vbroadcast v5, $0x4  }
0xf6: {  	v8 =	vmul.f32 v8, v41  }
0xf7: {  	v43 =	vadd.s32 v0, v42;
	v9 =	vmul.f32 v9, v41  }
0xf8: {  	v44 =	vadd.s32 v1, v42;
	v8 =	vadd.f32 v8, v40  }
0xf9: {  	v9 =	vadd.f32 v9, v10  }
0xfa: {  	[tilespmem:s22+$0xFFFFFE00] =	vst v8  }
0xfb: {  	[tilespmem:s22+$0xFFFFFE10] =	vst v9  }
0xfc: {  	v8 =	vld.idx.msk [tilespmem:v43+s26+$0x0], $0xffff  }
0xfd: {  	v9 =	vld.idx.msk [tilespmem:v44+s26+$0x0], $0xffff  }
0xfe: {  	v45 =	vld.idx.msk [tilespmem:v43+s18+$0x0], $0xffff  }
0xff: {  	v46 =	vbroadcast v4, $0x4;
	v11 =	vld.idx.msk [tilespmem:v44+s18+$0x0], $0xffff  }
0x100: {  	v47 =	vbroadcast v3, $0x4  }
0x101: {  	v8 =	vmul.f32 v8, v46  }
0x102: {  	v48 =	vadd.s32 v0, v47;
	v9 =	vmul.f32 v9, v46  }
0x103: {  	v49 =	vadd.s32 v1, v47;
	v8 =	vadd.f32 v8, v45  }
0x104: {  	v9 =	vadd.f32 v9, v11  }
0x105: {  	[tilespmem:s22+$0xFFFFFE20] =	vst v8  }
0x106: {  	[tilespmem:s22+$0xFFFFFE30] =	vst v9  }
0x107: {  	v8 =	vld.idx.msk [tilespmem:v48+s26+$0x0], $0xffff  }
0x108: {  	v9 =	vld.idx.msk [tilespmem:v49+s26+$0x0], $0xffff  }
0x109: {  	v50 =	vld.idx.msk [tilespmem:v48+s18+$0x0], $0xffff  }
0x10a: {  	v51 =	vbroadcast v2, $0x4;
	v10 =	vld.idx.msk [tilespmem:v49+s18+$0x0], $0xffff  }
0x10b: {  	v52 =	vbroadcast v7, $0x5  }
0x10c: {  	v8 =	vmul.f32 v8, v51  }
0x10d: {  	v53 =	vadd.s32 v0, v52;
	v9 =	vmul.f32 v9, v51  }
0x10e: {  	v54 =	vadd.s32 v1, v52;
	v8 =	vadd.f32 v8, v50  }
0x10f: {  	v9 =	vadd.f32 v9, v10  }
0x110: {  	[tilespmem:s22+$0xFFFFFE40] =	vst v8  }
0x111: {  	[tilespmem:s22+$0xFFFFFE50] =	vst v9  }
0x112: {  	v8 =	vld.idx.msk [tilespmem:v53+s26+$0x0], $0xffff  }
0x113: {  	v9 =	vld.idx.msk [tilespmem:v54+s26+$0x0], $0xffff  }
0x114: {  	v55 =	vld.idx.msk [tilespmem:v53+s18+$0x0], $0xffff  }
0x115: {  	v56 =	vbroadcast v6, $0x5;
	v11 =	vld.idx.msk [tilespmem:v54+s18+$0x0], $0xffff  }
0x116: {  	v57 =	vbroadcast v5, $0x5  }
0x117: {  	v8 =	vmul.f32 v8, v56  }
0x118: {  	v58 =	vadd.s32 v0, v57;
	v9 =	vmul.f32 v9, v56  }
0x119: {  	v59 =	vadd.s32 v1, v57;
	v8 =	vadd.f32 v8, v55  }
0x11a: {  	v9 =	vadd.f32 v9, v11  }
0x11b: {  	[tilespmem:s22+$0xFFFFFE80] =	vst v8  }
0x11c: {  	[tilespmem:s22+$0xFFFFFE90] =	vst v9  }
0x11d: {  	v8 =	vld.idx.msk [tilespmem:v58+s26+$0x0], $0xffff  }
0x11e: {  	v9 =	vld.idx.msk [tilespmem:v59+s26+$0x0], $0xffff  }
0x11f: {  	v60 =	vld.idx.msk [tilespmem:v58+s18+$0x0], $0xffff  }
0x120: {  	v61 =	vbroadcast v4, $0x5;
	v10 =	vld.idx.msk [tilespmem:v59+s18+$0x0], $0xffff  }
0x121: {  	v62 =	vbroadcast v3, $0x5  }
0x122: {  	v8 =	vmul.f32 v8, v61  }
0x123: {  	v63 =	vadd.s32 v0, v62;
	v9 =	vmul.f32 v9, v61  }
0x124: {  	v16 =	vadd.s32 v1, v62;
	v8 =	vadd.f32 v8, v60  }
0x125: {  	v9 =	vadd.f32 v9, v10  }
0x126: {  	[tilespmem:s22+$0xFFFFFEA0] =	vst v8  }
0x127: {  	[tilespmem:s22+$0xFFFFFEB0] =	vst v9  }
0x128: {  	v8 =	vld.idx.msk [tilespmem:v63+s26+$0x0], $0xffff  }
0x129: {  	v9 =	vld.idx.msk [tilespmem:v16+s26+$0x0], $0xffff  }
0x12a: {  	v17 =	vld.idx.msk [tilespmem:v63+s18+$0x0], $0xffff  }
0x12b: {  	v18 =	vbroadcast v2, $0x5;
	v11 =	vld.idx.msk [tilespmem:v16+s18+$0x0], $0xffff  }
0x12c: {  	v19 =	vbroadcast v7, $0x6  }
0x12d: {  	v8 =	vmul.f32 v8, v18  }
0x12e: {  	v20 =	vadd.s32 v0, v19;
	v9 =	vmul.f32 v9, v18  }
0x12f: {  	v21 =	vadd.s32 v1, v19;
	v8 =	vadd.f32 v8, v17  }
0x130: {  	v9 =	vadd.f32 v9, v11  }
0x131: {  	[tilespmem:s22+$0xFFFFFEC0] =	vst v8  }
0x132: {  	[tilespmem:s22+$0xFFFFFED0] =	vst v9  }
0x133: {  	v8 =	vld.idx.msk [tilespmem:v20+s26+$0x0], $0xffff  }
0x134: {  	v9 =	vld.idx.msk [tilespmem:v21+s26+$0x0], $0xffff  }
0x135: {  	v22 =	vld.idx.msk [tilespmem:v20+s18+$0x0], $0xffff  }
0x136: {  	v23 =	vbroadcast v6, $0x6;
	v10 =	vld.idx.msk [tilespmem:v21+s18+$0x0], $0xffff  }
0x137: {  	v24 =	vbroadcast v5, $0x6  }
0x138: {  	v8 =	vmul.f32 v8, v23  }
0x139: {  	v25 =	vadd.s32 v0, v24;
	v9 =	vmul.f32 v9, v23  }
0x13a: {  	v26 =	vadd.s32 v1, v24;
	v8 =	vadd.f32 v8, v22  }
0x13b: {  	v9 =	vadd.f32 v9, v10  }
0x13c: {  	[tilespmem:s22+$0xFFFFFF00] =	vst v8  }
0x13d: {  	[tilespmem:s22+$0xFFFFFF10] =	vst v9  }
0x13e: {  	v8 =	vld.idx.msk [tilespmem:v25+s26+$0x0], $0xffff  }
0x13f: {  	v9 =	vld.idx.msk [tilespmem:v26+s26+$0x0], $0xffff  }
0x140: {  	v27 =	vld.idx.msk [tilespmem:v25+s18+$0x0], $0xffff  }
0x141: {  	v28 =	vbroadcast v4, $0x6;
	v11 =	vld.idx.msk [tilespmem:v26+s18+$0x0], $0xffff  }
0x142: {  	v29 =	vbroadcast v3, $0x6  }
0x143: {  	v8 =	vmul.f32 v8, v28  }
0x144: {  	v30 =	vadd.s32 v0, v29;
	v9 =	vmul.f32 v9, v28  }
0x145: {  	v31 =	vadd.s32 v1, v29;
	v8 =	vadd.f32 v8, v27  }
0x146: {  	v9 =	vadd.f32 v9, v11  }
0x147: {  	[tilespmem:s22+$0xFFFFFF20] =	vst v8  }
0x148: {  	[tilespmem:s22+$0xFFFFFF30] =	vst v9  }
0x149: {  	v8 =	vld.idx.msk [tilespmem:v30+s26+$0x0], $0xffff  }
0x14a: {  	v9 =	vld.idx.msk [tilespmem:v31+s26+$0x0], $0xffff  }
0x14b: {  	v32 =	vld.idx.msk [tilespmem:v30+s18+$0x0], $0xffff  }
0x14c: {  	v33 =	vbroadcast v2, $0x6;
	v10 =	vld.idx.msk [tilespmem:v31+s18+$0x0], $0xffff  }
0x14d: {  	v34 =	vbroadcast v7, $0x7  }
0x14e: {  	v8 =	vmul.f32 v8, v33  }
0x14f: {  	v35 =	vadd.s32 v0, v34;
	v9 =	vmul.f32 v9, v33  }
0x150: {  	v36 =	vadd.s32 v1, v34;
	v8 =	vadd.f32 v8, v32  }
0x151: {  	v9 =	vadd.f32 v9, v10  }
0x152: {  	[tilespmem:s22+$0xFFFFFF40] =	vst v8  }
0x153: {  	[tilespmem:s22+$0xFFFFFF50] =	vst v9  }
0x154: {  	v8 =	vld.idx.msk [tilespmem:v35+s26+$0x0], $0xffff  }
0x155: {  	v9 =	vld.idx.msk [tilespmem:v36+s26+$0x0], $0xffff  }
0x156: {  	v37 =	vld.idx.msk [tilespmem:v35+s18+$0x0], $0xffff  }
0x157: {  	v38 =	vbroadcast v6, $0x7;
	v11 =	vld.idx.msk [tilespmem:v36+s18+$0x0], $0xffff  }
0x158: {  	v39 =	vbroadcast v5, $0x7  }
0x159: {  	v8 =	vmul.f32 v8, v38  }
0x15a: {  	v40 =	vadd.s32 v0, v39;
	v9 =	vmul.f32 v9, v38  }
0x15b: {  	v41 =	vadd.s32 v1, v39;
	v8 =	vadd.f32 v8, v37  }
0x15c: {  	v9 =	vadd.f32 v9, v11  }
0x15d: {  	[tilespmem:s22+$0xFFFFFF80] =	vst v8  }
0x15e: {  	[tilespmem:s22+$0xFFFFFF90] =	vst v9  }
0x15f: {  	v8 =	vld.idx.msk [tilespmem:v40+s26+$0x0], $0xffff  }
0x160: {  	v9 =	vld.idx.msk [tilespmem:v41+s26+$0x0], $0xffff  }
0x161: {  	v42 =	vld.idx.msk [tilespmem:v40+s18+$0x0], $0xffff  }
0x162: {  	v43 =	vbroadcast v4, $0x7;
	v10 =	vld.idx.msk [tilespmem:v41+s18+$0x0], $0xffff  }
0x163: {  	v44 =	vbroadcast v3, $0x7  }
0x164: {  	v8 =	vmul.f32 v8, v43  }
0x165: {  	v45 =	vadd.s32 v0, v44;
	v9 =	vmul.f32 v9, v43  }
0x166: {  	v46 =	vadd.s32 v1, v44;
	v8 =	vadd.f32 v8, v42  }
0x167: {  	v9 =	vadd.f32 v9, v10  }
0x168: {  	[tilespmem:s22+$0xFFFFFFA0] =	vst v8  }
0x169: {  	[tilespmem:s22+$0xFFFFFFB0] =	vst v9  }
0x16a: {  	v8 =	vld.idx.msk [tilespmem:v45+s26+$0x0], $0xffff  }
0x16b: {  	v9 =	vld.idx.msk [tilespmem:v46+s26+$0x0], $0xffff  }
0x16c: {  	v47 =	vld.idx.msk [tilespmem:v45+s18+$0x0], $0xffff  }
0x16d: {  	v48 =	vbroadcast v2, $0x7;
	v11 =	vld.idx.msk [tilespmem:v46+s18+$0x0], $0xffff  }
0x16e: {  	v49 =	vbroadcast v7, $0x8  }
0x16f: {  	v8 =	vmul.f32 v8, v48  }
0x170: {  	v50 =	vadd.s32 v0, v49;
	v9 =	vmul.f32 v9, v48  }
0x171: {  	v51 =	vadd.s32 v1, v49;
	v8 =	vadd.f32 v8, v47  }
0x172: {  	v9 =	vadd.f32 v9, v11  }
0x173: {  	[tilespmem:s22+$0xFFFFFFC0] =	vst v8  }
0x174: {  	[tilespmem:s22+$0xFFFFFFD0] =	vst v9  }
0x175: {  	v8 =	vld.idx.msk [tilespmem:v50+s26+$0x0], $0xffff  }
0x176: {  	v9 =	vld.idx.msk [tilespmem:v51+s26+$0x0], $0xffff  }
0x177: {  	v52 =	vld.idx.msk [tilespmem:v50+s18+$0x0], $0xffff  }
0x178: {  	v53 =	vbroadcast v6, $0x8;
	v10 =	vld.idx.msk [tilespmem:v51+s18+$0x0], $0xffff  }
0x179: {  	v54 =	vbroadcast v5, $0x8  }
0x17a: {  	v8 =	vmul.f32 v8, v53  }
0x17b: {  	v55 =	vadd.s32 v0, v54;
	v9 =	vmul.f32 v9, v53  }
0x17c: {  	v56 =	vadd.s32 v1, v54;
	v8 =	vadd.f32 v8, v52  }
0x17d: {  	v9 =	vadd.f32 v9, v10  }
0x17e: {  	[tilespmem:s22+$0x0] =	vst v8  }
0x17f: {  	[tilespmem:s22+$0x10] =	vst v9  }
0x180: {  	v8 =	vld.idx.msk [tilespmem:v55+s26+$0x0], $0xffff  }
0x181: {  	v9 =	vld.idx.msk [tilespmem:v56+s26+$0x0], $0xffff  }
0x182: {  	v57 =	vld.idx.msk [tilespmem:v55+s18+$0x0], $0xffff  }
0x183: {  	v58 =	vbroadcast v4, $0x8;
	v11 =	vld.idx.msk [tilespmem:v56+s18+$0x0], $0xffff  }
0x184: {  	v59 =	vbroadcast v3, $0x8  }
0x185: {  	v8 =	vmul.f32 v8, v58  }
0x186: {  	v60 =	vadd.s32 v0, v59;
	v9 =	vmul.f32 v9, v58  }
0x187: {  	v61 =	vadd.s32 v1, v59;
	v8 =	vadd.f32 v8, v57  }
0x188: {  	v9 =	vadd.f32 v9, v11  }
0x189: {  	[tilespmem:s22+$0x20] =	vst v8  }
0x18a: {  	[tilespmem:s22+$0x30] =	vst v9  }
0x18b: {  	v8 =	vld.idx.msk [tilespmem:v60+s26+$0x0], $0xffff  }
0x18c: {  	v9 =	vld.idx.msk [tilespmem:v61+s26+$0x0], $0xffff  }
0x18d: {  	v62 =	vld.idx.msk [tilespmem:v60+s18+$0x0], $0xffff  }
0x18e: {  	v63 =	vbroadcast v2, $0x8;
	v10 =	vld.idx.msk [tilespmem:v61+s18+$0x0], $0xffff  }
0x18f: {  	v16 =	vbroadcast v7, $0x9  }
0x190: {  	v8 =	vmul.f32 v8, v63  }
0x191: {  	v17 =	vadd.s32 v0, v16;
	v9 =	vmul.f32 v9, v63  }
0x192: {  	v18 =	vadd.s32 v1, v16;
	v8 =	vadd.f32 v8, v62  }
0x193: {  	v9 =	vadd.f32 v9, v10  }
0x194: {  	[tilespmem:s22+$0x40] =	vst v8  }
0x195: {  	[tilespmem:s22+$0x50] =	vst v9  }
0x196: {  	v8 =	vld.idx.msk [tilespmem:v17+s26+$0x0], $0xffff  }
0x197: {  	v9 =	vld.idx.msk [tilespmem:v18+s26+$0x0], $0xffff  }
0x198: {  	v19 =	vld.idx.msk [tilespmem:v17+s18+$0x0], $0xffff  }
0x199: {  	v20 =	vbroadcast v6, $0x9;
	v11 =	vld.idx.msk [tilespmem:v18+s18+$0x0], $0xffff  }
0x19a: {  	v21 =	vbroadcast v5, $0x9  }
0x19b: {  	v8 =	vmul.f32 v8, v20  }
0x19c: {  	v22 =	vadd.s32 v0, v21;
	v9 =	vmul.f32 v9, v20  }
0x19d: {  	v23 =	vadd.s32 v1, v21;
	v8 =	vadd.f32 v8, v19  }
0x19e: {  	v9 =	vadd.f32 v9, v11  }
0x19f: {  	[tilespmem:s22+$0x80] =	vst v8  }
0x1a0: {  	[tilespmem:s22+$0x90] =	vst v9  }
0x1a1: {  	v8 =	vld.idx.msk [tilespmem:v22+s26+$0x0], $0xffff  }
0x1a2: {  	v9 =	vld.idx.msk [tilespmem:v23+s26+$0x0], $0xffff  }
0x1a3: {  	v24 =	vld.idx.msk [tilespmem:v22+s18+$0x0], $0xffff  }
0x1a4: {  	v25 =	vbroadcast v4, $0x9;
	v10 =	vld.idx.msk [tilespmem:v23+s18+$0x0], $0xffff  }
0x1a5: {  	v26 =	vbroadcast v3, $0x9  }
0x1a6: {  	v8 =	vmul.f32 v8, v25  }
0x1a7: {  	v27 =	vadd.s32 v0, v26;
	v9 =	vmul.f32 v9, v25  }
0x1a8: {  	v28 =	vadd.s32 v1, v26;
	v8 =	vadd.f32 v8, v24  }
0x1a9: {  	v9 =	vadd.f32 v9, v10  }
0x1aa: {  	[tilespmem:s22+$0xA0] =	vst v8  }
0x1ab: {  	[tilespmem:s22+$0xB0] =	vst v9  }
0x1ac: {  	v8 =	vld.idx.msk [tilespmem:v27+s26+$0x0], $0xffff  }
0x1ad: {  	v9 =	vld.idx.msk [tilespmem:v28+s26+$0x0], $0xffff  }
0x1ae: {  	v29 =	vld.idx.msk [tilespmem:v27+s18+$0x0], $0xffff  }
0x1af: {  	v30 =	vbroadcast v2, $0x9;
	v11 =	vld.idx.msk [tilespmem:v28+s18+$0x0], $0xffff  }
0x1b0: {  	v31 =	vbroadcast v7, $0xA  }
0x1b1: {  	v8 =	vmul.f32 v8, v30  }
0x1b2: {  	v32 =	vadd.s32 v0, v31;
	v9 =	vmul.f32 v9, v30  }
0x1b3: {  	v33 =	vadd.s32 v1, v31;
	v8 =	vadd.f32 v8, v29  }
0x1b4: {  	v9 =	vadd.f32 v9, v11  }
0x1b5: {  	[tilespmem:s22+$0xC0] =	vst v8  }
0x1b6: {  	[tilespmem:s22+$0xD0] =	vst v9  }
0x1b7: {  	v8 =	vld.idx.msk [tilespmem:v32+s26+$0x0], $0xffff  }
0x1b8: {  	v9 =	vld.idx.msk [tilespmem:v33+s26+$0x0], $0xffff  }
0x1b9: {  	v34 =	vld.idx.msk [tilespmem:v32+s18+$0x0], $0xffff  }
0x1ba: {  	v35 =	vbroadcast v6, $0xA;
	v10 =	vld.idx.msk [tilespmem:v33+s18+$0x0], $0xffff  }
0x1bb: {  	v36 =	vbroadcast v5, $0xA  }
0x1bc: {  	v8 =	vmul.f32 v8, v35  }
0x1bd: {  	v37 =	vadd.s32 v0, v36;
	v9 =	vmul.f32 v9, v35  }
0x1be: {  	v38 =	vadd.s32 v1, v36;
	v8 =	vadd.f32 v8, v34  }
0x1bf: {  	v9 =	vadd.f32 v9, v10  }
0x1c0: {  	[tilespmem:s22+$0x100] =	vst v8  }
0x1c1: {  	[tilespmem:s22+$0x110] =	vst v9  }
0x1c2: {  	v8 =	vld.idx.msk [tilespmem:v37+s26+$0x0], $0xffff  }
0x1c3: {  	v9 =	vld.idx.msk [tilespmem:v38+s26+$0x0], $0xffff  }
0x1c4: {  	v39 =	vld.idx.msk [tilespmem:v37+s18+$0x0], $0xffff  }
0x1c5: {  	v40 =	vbroadcast v4, $0xA;
	v11 =	vld.idx.msk [tilespmem:v38+s18+$0x0], $0xffff  }
0x1c6: {  	v41 =	vbroadcast v3, $0xA  }
0x1c7: {  	v8 =	vmul.f32 v8, v40  }
0x1c8: {  	v42 =	vadd.s32 v0, v41;
	v9 =	vmul.f32 v9, v40  }
0x1c9: {  	v43 =	vadd.s32 v1, v41;
	v8 =	vadd.f32 v8, v39  }
0x1ca: {  	v9 =	vadd.f32 v9, v11  }
0x1cb: {  	[tilespmem:s22+$0x120] =	vst v8  }
0x1cc: {  	[tilespmem:s22+$0x130] =	vst v9  }
0x1cd: {  	v8 =	vld.idx.msk [tilespmem:v42+s26+$0x0], $0xffff  }
0x1ce: {  	v9 =	vld.idx.msk [tilespmem:v43+s26+$0x0], $0xffff  }
0x1cf: {  	v44 =	vld.idx.msk [tilespmem:v42+s18+$0x0], $0xffff  }
0x1d0: {  	v45 =	vbroadcast v2, $0xA;
	v10 =	vld.idx.msk [tilespmem:v43+s18+$0x0], $0xffff  }
0x1d1: {  	v46 =	vbroadcast v7, $0xB  }
0x1d2: {  	v8 =	vmul.f32 v8, v45  }
0x1d3: {  	v47 =	vadd.s32 v0, v46;
	v9 =	vmul.f32 v9, v45  }
0x1d4: {  	v48 =	vadd.s32 v1, v46;
	v8 =	vadd.f32 v8, v44  }
0x1d5: {  	v9 =	vadd.f32 v9, v10  }
0x1d6: {  	[tilespmem:s22+$0x140] =	vst v8  }
0x1d7: {  	[tilespmem:s22+$0x150] =	vst v9  }
0x1d8: {  	v8 =	vld.idx.msk [tilespmem:v47+s26+$0x0], $0xffff  }
0x1d9: {  	v9 =	vld.idx.msk [tilespmem:v48+s26+$0x0], $0xffff  }
0x1da: {  	v49 =	vld.idx.msk [tilespmem:v47+s18+$0x0], $0xffff  }
0x1db: {  	v50 =	vbroadcast v6, $0xB;
	v11 =	vld.idx.msk [tilespmem:v48+s18+$0x0], $0xffff  }
0x1dc: {  	v51 =	vbroadcast v5, $0xB  }
0x1dd: {  	v8 =	vmul.f32 v8, v50  }
0x1de: {  	v52 =	vadd.s32 v0, v51;
	v9 =	vmul.f32 v9, v50  }
0x1df: {  	v53 =	vadd.s32 v1, v51;
	v8 =	vadd.f32 v8, v49  }
0x1e0: {  	v9 =	vadd.f32 v9, v11  }
0x1e1: {  	[tilespmem:s22+$0x180] =	vst v8  }
0x1e2: {  	[tilespmem:s22+$0x190] =	vst v9  }
0x1e3: {  	v8 =	vld.idx.msk [tilespmem:v52+s26+$0x0], $0xffff  }
0x1e4: {  	v9 =	vld.idx.msk [tilespmem:v53+s26+$0x0], $0xffff  }
0x1e5: {  	v54 =	vld.idx.msk [tilespmem:v52+s18+$0x0], $0xffff  }
0x1e6: {  	v55 =	vbroadcast v4, $0xB;
	v10 =	vld.idx.msk [tilespmem:v53+s18+$0x0], $0xffff  }
0x1e7: {  	v56 =	vbroadcast v3, $0xB  }
0x1e8: {  	v8 =	vmul.f32 v8, v55  }
0x1e9: {  	v57 =	vadd.s32 v0, v56;
	v9 =	vmul.f32 v9, v55  }
0x1ea: {  	v58 =	vadd.s32 v1, v56;
	v8 =	vadd.f32 v8, v54  }
0x1eb: {  	v9 =	vadd.f32 v9, v10  }
0x1ec: {  	[tilespmem:s22+$0x1A0] =	vst v8  }
0x1ed: {  	[tilespmem:s22+$0x1B0] =	vst v9  }
0x1ee: {  	v8 =	vld.idx.msk [tilespmem:v57+s26+$0x0], $0xffff  }
0x1ef: {  	v9 =	vld.idx.msk [tilespmem:v58+s26+$0x0], $0xffff  }
0x1f0: {  	v59 =	vld.idx.msk [tilespmem:v57+s18+$0x0], $0xffff  }
0x1f1: {  	v60 =	vbroadcast v2, $0xB;
	v11 =	vld.idx.msk [tilespmem:v58+s18+$0x0], $0xffff  }
0x1f2: {  	v61 =	vbroadcast v7, $0xC  }
0x1f3: {  	v8 =	vmul.f32 v8, v60  }
0x1f4: {  	v62 =	vadd.s32 v0, v61;
	v9 =	vmul.f32 v9, v60  }
0x1f5: {  	v63 =	vadd.s32 v1, v61;
	v8 =	vadd.f32 v8, v59  }
0x1f6: {  	v9 =	vadd.f32 v9, v11  }
0x1f7: {  	[tilespmem:s22+$0x1C0] =	vst v8  }
0x1f8: {  	[tilespmem:s22+$0x1D0] =	vst v9  }
0x1f9: {  	v8 =	vld.idx.msk [tilespmem:v62+s26+$0x0], $0xffff  }
0x1fa: {  	v9 =	vld.idx.msk [tilespmem:v63+s26+$0x0], $0xffff  }
0x1fb: {  	v16 =	vld.idx.msk [tilespmem:v62+s18+$0x0], $0xffff  }
0x1fc: {  	v17 =	vbroadcast v6, $0xC;
	v10 =	vld.idx.msk [tilespmem:v63+s18+$0x0], $0xffff  }
0x1fd: {  	v18 =	vbroadcast v5, $0xC  }
0x1fe: {  	v8 =	vmul.f32 v8, v17  }
0x1ff: {  	v19 =	vadd.s32 v0, v18;
	v9 =	vmul.f32 v9, v17  }
0x200: {  	v20 =	vadd.s32 v1, v18;
	v8 =	vadd.f32 v8, v16  }
0x201: {  	v9 =	vadd.f32 v9, v10  }
0x202: {  	[tilespmem:s22+$0x200] =	vst v8  }
0x203: {  	[tilespmem:s22+$0x210] =	vst v9  }
0x204: {  	v8 =	vld.idx.msk [tilespmem:v19+s26+$0x0], $0xffff  }
0x205: {  	v9 =	vld.idx.msk [tilespmem:v20+s26+$0x0], $0xffff  }
0x206: {  	v21 =	vld.idx.msk [tilespmem:v19+s18+$0x0], $0xffff  }
0x207: {  	v22 =	vbroadcast v4, $0xC;
	v11 =	vld.idx.msk [tilespmem:v20+s18+$0x0], $0xffff  }
0x208: {  	v23 =	vbroadcast v3, $0xC  }
0x209: {  	v8 =	vmul.f32 v8, v22  }
0x20a: {  	v24 =	vadd.s32 v0, v23;
	v9 =	vmul.f32 v9, v22  }
0x20b: {  	v25 =	vadd.s32 v1, v23;
	v8 =	vadd.f32 v8, v21  }
0x20c: {  	v9 =	vadd.f32 v9, v11  }
0x20d: {  	[tilespmem:s22+$0x220] =	vst v8  }
0x20e: {  	[tilespmem:s22+$0x230] =	vst v9  }
0x20f: {  	v8 =	vld.idx.msk [tilespmem:v24+s26+$0x0], $0xffff  }
0x210: {  	v9 =	vld.idx.msk [tilespmem:v25+s26+$0x0], $0xffff  }
0x211: {  	v26 =	vld.idx.msk [tilespmem:v24+s18+$0x0], $0xffff  }
0x212: {  	v27 =	vbroadcast v2, $0xC;
	v10 =	vld.idx.msk [tilespmem:v25+s18+$0x0], $0xffff  }
0x213: {  	v28 =	vbroadcast v7, $0xD  }
0x214: {  	v8 =	vmul.f32 v8, v27  }
0x215: {  	v29 =	vadd.s32 v0, v28;
	v9 =	vmul.f32 v9, v27  }
0x216: {  	v30 =	vadd.s32 v1, v28;
	v8 =	vadd.f32 v8, v26  }
0x217: {  	v9 =	vadd.f32 v9, v10  }
0x218: {  	[tilespmem:s22+$0x240] =	vst v8  }
0x219: {  	[tilespmem:s22+$0x250] =	vst v9  }
0x21a: {  	v8 =	vld.idx.msk [tilespmem:v29+s26+$0x0], $0xffff  }
0x21b: {  	v9 =	vld.idx.msk [tilespmem:v30+s26+$0x0], $0xffff  }
0x21c: {  	v31 =	vld.idx.msk [tilespmem:v29+s18+$0x0], $0xffff  }
0x21d: {  	v32 =	vbroadcast v6, $0xD;
	v11 =	vld.idx.msk [tilespmem:v30+s18+$0x0], $0xffff  }
0x21e: {  	v33 =	vbroadcast v5, $0xD  }
0x21f: {  	v8 =	vmul.f32 v8, v32  }
0x220: {  	v34 =	vadd.s32 v0, v33;
	v9 =	vmul.f32 v9, v32  }
0x221: {  	v35 =	vadd.s32 v1, v33;
	v8 =	vadd.f32 v8, v31  }
0x222: {  	v9 =	vadd.f32 v9, v11  }
0x223: {  	[tilespmem:s22+$0x280] =	vst v8  }
0x224: {  	[tilespmem:s22+$0x290] =	vst v9  }
0x225: {  	v8 =	vld.idx.msk [tilespmem:v34+s26+$0x0], $0xffff  }
0x226: {  	v9 =	vld.idx.msk [tilespmem:v35+s26+$0x0], $0xffff  }
0x227: {  	v36 =	vld.idx.msk [tilespmem:v34+s18+$0x0], $0xffff  }
0x228: {  	v37 =	vbroadcast v4, $0xD;
	v10 =	vld.idx.msk [tilespmem:v35+s18+$0x0], $0xffff  }
0x229: {  	v38 =	vbroadcast v3, $0xD  }
0x22a: {  	v8 =	vmul.f32 v8, v37  }
0x22b: {  	v39 =	vadd.s32 v0, v38;
	v9 =	vmul.f32 v9, v37  }
0x22c: {  	v40 =	vadd.s32 v1, v38;
	v8 =	vadd.f32 v8, v36  }
0x22d: {  	v9 =	vadd.f32 v9, v10  }
0x22e: {  	[tilespmem:s22+$0x2A0] =	vst v8  }
0x22f: {  	[tilespmem:s22+$0x2B0] =	vst v9  }
0x230: {  	v8 =	vld.idx.msk [tilespmem:v39+s26+$0x0], $0xffff  }
0x231: {  	v9 =	vld.idx.msk [tilespmem:v40+s26+$0x0], $0xffff  }
0x232: {  	v41 =	vld.idx.msk [tilespmem:v39+s18+$0x0], $0xffff  }
0x233: {  	v42 =	vbroadcast v2, $0xD;
	v11 =	vld.idx.msk [tilespmem:v40+s18+$0x0], $0xffff  }
0x234: {  	v43 =	vbroadcast v7, $0xE  }
0x235: {  	v8 =	vmul.f32 v8, v42  }
0x236: {  	v44 =	vadd.s32 v0, v43;
	v9 =	vmul.f32 v9, v42  }
0x237: {  	v45 =	vadd.s32 v1, v43;
	v8 =	vadd.f32 v8, v41  }
0x238: {  	v9 =	vadd.f32 v9, v11  }
0x239: {  	[tilespmem:s22+$0x2C0] =	vst v8  }
0x23a: {  	[tilespmem:s22+$0x2D0] =	vst v9  }
0x23b: {  	v8 =	vld.idx.msk [tilespmem:v44+s26+$0x0], $0xffff  }
0x23c: {  	v9 =	vld.idx.msk [tilespmem:v45+s26+$0x0], $0xffff  }
0x23d: {  	v46 =	vld.idx.msk [tilespmem:v44+s18+$0x0], $0xffff  }
0x23e: {  	v47 =	vbroadcast v6, $0xE;
	v10 =	vld.idx.msk [tilespmem:v45+s18+$0x0], $0xffff  }
0x23f: {  	v48 =	vbroadcast v5, $0xE  }
0x240: {  	v8 =	vmul.f32 v8, v47  }
0x241: {  	v49 =	vadd.s32 v0, v48;
	v9 =	vmul.f32 v9, v47  }
0x242: {  	v50 =	vadd.s32 v1, v48;
	v8 =	vadd.f32 v8, v46  }
0x243: {  	v9 =	vadd.f32 v9, v10  }
0x244: {  	[tilespmem:s22+$0x300] =	vst v8  }
0x245: {  	[tilespmem:s22+$0x310] =	vst v9  }
0x246: {  	v8 =	vld.idx.msk [tilespmem:v49+s26+$0x0], $0xffff  }
0x247: {  	v9 =	vld.idx.msk [tilespmem:v50+s26+$0x0], $0xffff  }
0x248: {  	v51 =	vld.idx.msk [tilespmem:v49+s18+$0x0], $0xffff  }
0x249: {  	v52 =	vbroadcast v4, $0xE;
	v11 =	vld.idx.msk [tilespmem:v50+s18+$0x0], $0xffff  }
0x24a: {  	v53 =	vbroadcast v3, $0xE  }
0x24b: {  	v8 =	vmul.f32 v8, v52  }
0x24c: {  	v54 =	vadd.s32 v0, v53;
	v9 =	vmul.f32 v9, v52  }
0x24d: {  	v55 =	vadd.s32 v1, v53;
	v8 =	vadd.f32 v8, v51  }
0x24e: {  	v9 =	vadd.f32 v9, v11  }
0x24f: {  	[tilespmem:s22+$0x320] =	vst v8  }
0x250: {  	[tilespmem:s22+$0x330] =	vst v9  }
0x251: {  	v8 =	vld.idx.msk [tilespmem:v54+s26+$0x0], $0xffff  }
0x252: {  	v9 =	vld.idx.msk [tilespmem:v55+s26+$0x0], $0xffff  }
0x253: {  	v56 =	vld.idx.msk [tilespmem:v54+s18+$0x0], $0xffff  }
0x254: {  	v57 =	vbroadcast v2, $0xE;
	v10 =	vld.idx.msk [tilespmem:v55+s18+$0x0], $0xffff  }
0x255: {  	v7 =	vbroadcast v7, $0xF  }
0x256: {  	v8 =	vmul.f32 v8, v57  }
0x257: {  	v58 =	vadd.s32 v0, v7;
	v9 =	vmul.f32 v9, v57  }
0x258: {  	v7 =	vadd.s32 v1, v7;
	v8 =	vadd.f32 v8, v56  }
0x259: {  	v9 =	vadd.f32 v9, v10  }
0x25a: {  	[tilespmem:s22+$0x340] =	vst v8  }
0x25b: {  	[tilespmem:s22+$0x350] =	vst v9  }
0x25c: {  	v8 =	vld.idx.msk [tilespmem:v58+s26+$0x0], $0xffff  }
0x25d: {  	v9 =	vld.idx.msk [tilespmem:v7+s26+$0x0], $0xffff  }
0x25e: {  	v59 =	vld.idx.msk [tilespmem:v58+s18+$0x0], $0xffff  }
0x25f: {  	v6 =	vbroadcast v6, $0xF;
	v7 =	vld.idx.msk [tilespmem:v7+s18+$0x0], $0xffff  }
0x260: {  	v5 =	vbroadcast v5, $0xF  }
0x261: {  	v8 =	vmul.f32 v8, v6  }
0x262: {  	v60 =	vadd.s32 v0, v5;
	v6 =	vmul.f32 v9, v6  }
0x263: {  	v5 =	vadd.s32 v1, v5;
	v8 =	vadd.f32 v8, v59  }
0x264: {  	v6 =	vadd.f32 v6, v7  }
0x265: {  	[tilespmem:s22+$0x380] =	vst v8  }
0x266: {  	[tilespmem:s22+$0x390] =	vst v6  }
0x267: {  	v6 =	vld.idx.msk [tilespmem:v60+s26+$0x0], $0xffff  }
0x268: {  	v61 =	vld.idx.msk [tilespmem:v5+s26+$0x0], $0xffff  }
0x269: {  	v8 =	vld.idx.msk [tilespmem:v60+s18+$0x0], $0xffff  }
0x26a: {  	v4 =	vbroadcast v4, $0xF;
	v5 =	vld.idx.msk [tilespmem:v5+s18+$0x0], $0xffff  }
0x26b: {  	v3 =	vbroadcast v3, $0xF  }
0x26c: {  	v6 =	vmul.f32 v6, v4  }
0x26d: {  	v62 =	vadd.s32 v0, v3;
	v4 =	vmul.f32 v61, v4  }
0x26e: {  	v3 =	vadd.s32 v1, v3;
	v6 =	vadd.f32 v6, v8  }
0x26f: {  	v4 =	vadd.f32 v4, v5  }
0x270: {  	[tilespmem:s22+$0x3A0] =	vst v6  }
0x271: {  	[tilespmem:s22+$0x3B0] =	vst v4  }
0x272: {  	v4 =	vld.idx.msk [tilespmem:v62+s26+$0x0], $0xffff  }
0x273: {  	v63 =	vld.idx.msk [tilespmem:v3+s26+$0x0], $0xffff  }
0x274: {  	v6 =	vld.idx.msk [tilespmem:v62+s18+$0x0], $0xffff  }
0x275: {  	v2 =	vbroadcast v2, $0xF;
	v3 =	vld.idx.msk [tilespmem:v3+s18+$0x0], $0xffff;
	_ =	sdelay $0x1  }
0x276: {  	p2 =	sne.s32 s21, $0x3C0;
	v4 =	vmul.f32 v4, v2  }
.Ltmp2:
0x277: {  	v2 =	vmul.f32 v63, v2;
	(pc) =	sbr.rel @p2 .LBB2_7-.Ltmp2, $4  }
0x278: {  	v4 =	vadd.f32 v4, v6  }
0x279: {  	v2 =	vadd.f32 v2, v3  }
0x27a: {  	[tilespmem:s22+$0x3C0] =	vst v4  }
0x27b: {  	s21 =	sadd.s32 $0x40, s21;
	[tilespmem:s22+$0x3D0] =	vst v2;
	s22 =	sadd.s32 $0x800, s22  }
0x27c: {  	s5 =	sshll.u32 s20, $0xD  }
0x27d: {  	s8 =	simm.s32 $0x0;
	s5 =	sadd.s32 s5, s15  }
0x27e: {  	[hbm4b:s5+s8] =	stream.linear.scatter [tilespmem:s28], [sflag:$0x3], $0x8000, $0x38;
	[tilespmem:$0x15500] =	vst v63  }
0x27f: {  	_ =	swait.ge [sflag:s29], $0x100  }
0x280: {  	[sflag:s29] =	ssyncset.done $0x0  }
0x281: {  	[sflag:s29] =	ssyncadd.s32 $0xFFFFFF00  }
0x282: {  	_ =	swait.ge [sflag:s29], $0x100  }
0x283: {  	[sflag:s29] =	ssyncset.done $0x0  }
0x284: {  	[sflag:s29] =	ssyncadd.s32 $0xFFFFFF00  }
0x285: {  	_ =	swait.ge [sflag:s29], $0x100  }
0x286: {  	[sflag:s29] =	ssyncset.done $0x0  }
0x287: {  	s8 =	sand.u32 $0xF0, s8;
	[sflag:s29] =	ssyncadd.s32 $0xFFFFFF00  }
0x288: {  	v2 =	vld [tilespmem:s8+$0x300];
	_ =	sdelay $0x4  }
0x289: {  	v2 =	vmul.f32 $3.200000000e+01, v2;
	_ =	sdelay $0x1  }
0x28a: {  	v2 =	vadd.f32 $0.0e+00, v2;
	_ =	sdelay $0x1  }
0x28b: {  	v3 =	vtrunc.f32 v2  }
0x28c: {  	v3 =	vcvt.f32.s32 v3;
	_ =	sdelay $0x1  }
0x28d: {  	v4 =	vcvt.s32.f32 v3;
	_ =	sdelay $0x1  }
0x28e: {  	s5 =	simm.s32 $0x5000;
	v3 =	vshll.u32 v3, $0x5;
	v2 =	vsub.f32 v2, v4  }
0x28f: {  	s22 =	simm.s32 $0x5300;
	[tilespmem:s5+$0xFFFFFF00] =	vst v3  }
0x290: {  	[tilespmem:s22+$0xFFFFFF00] =	vst v2  }
0x291: {  	v2 =	vld [tilespmem:s8+$0x400];
	_ =	sdelay $0x4  }
0x292: {  	v2 =	vmul.f32 $1.280000000e+02, v2;
	_ =	sdelay $0x1  }
0x293: {  	v2 =	vadd.f32 $3.300000000e+01, v2;
	_ =	sdelay $0x1  }
0x294: {  	v3 =	vtrunc.f32 v2  }
0x295: {  	v3 =	vcvt.f32.s32 v3;
	_ =	sdelay $0x1  }
0x296: {  	v62 =	vcvt.s32.f32 v3;
	_ =	sdelay $0x1  }
0x297: {  	v3 =	vshll.u32 v3, $0x5;
	v2 =	vsub.f32 v2, v62  }
0x298: {  	[tilespmem:s5+$0x0] =	vst v3  }
0x299: {  	[tilespmem:s22+$0x0] =	vst v2  }
0x29a: {  	v2 =	vld [tilespmem:s8+$0x500];
	_ =	sdelay $0x4  }
0x29b: {  	v2 =	vmul.f32 $1.280000000e+02, v2;
	_ =	sdelay $0x1  }
0x29c: {  	v2 =	vadd.f32 $1.620000000e+02, v2;
	_ =	sdelay $0x1  }
0x29d: {  	v3 =	vtrunc.f32 v2  }
0x29e: {  	v3 =	vcvt.f32.s32 v3;
	_ =	sdelay $0x1  }
0x29f: {  	v63 =	vcvt.s32.f32 v3  }
0x2a0: {  	v3 =	vshll.u32 v3, $0x5  }
0x2a1: {  	s23 =	simm.s32 $0x10;
	s24 =	simm.s32 $0x20;
	s21 =	simm.s32 $0x5310;
	[tilespmem:s5+$0x100] =	vst v3;
	v2 =	vsub.f32 v2, v63  }
.LBB2_9:
0x2a2: {  	s10 =	sand.u32 $0xF0, s23;
	s5 =	sadd.s32 $0x10, s5  }
0x2a3: {  	[tilespmem:s22+$0x100] =	vst v2;
	s23 =	smov.u32 s24;
	s8 =	sadd.s32 $0x10, s24;
	s22 =	smov.u32 s21  }
0x2a4: {  	p2 =	sne.s32 s24, $0xF0;
	v2 =	vld [tilespmem:s10+$0x300];
	_ =	sdelay $0x4  }
0x2a5: {  	v2 =	vmul.f32 $3.200000000e+01, v2;
	_ =	sdelay $0x1  }
0x2a6: {  	v2 =	vadd.f32 $0.0e+00, v2;
	_ =	sdelay $0x1  }
0x2a7: {  	v3 =	vtrunc.f32 v2  }
0x2a8: {  	v3 =	vcvt.f32.s32 v3;
	_ =	sdelay $0x1  }
0x2a9: {  	v4 =	vcvt.s32.f32 v3;
	v3 =	vshll.u32 v3, $0x5;
	_ =	sdelay $0x1  }
0x2aa: {  	v2 =	vsub.f32 v2, v4  }
0x2ab: {  	[tilespmem:s5+$0xFFFFFF00] =	vst v3  }
0x2ac: {  	[tilespmem:s21+$0xFFFFFF00] =	vst v2  }
0x2ad: {  	v2 =	vld [tilespmem:s10+$0x400];
	_ =	sdelay $0x4  }
0x2ae: {  	v2 =	vmul.f32 $1.280000000e+02, v2;
	_ =	sdelay $0x1  }
0x2af: {  	v2 =	vadd.f32 $3.300000000e+01, v2;
	_ =	sdelay $0x1  }
0x2b0: {  	v3 =	vtrunc.f32 v2  }
0x2b1: {  	v3 =	vcvt.f32.s32 v3;
	_ =	sdelay $0x1  }
0x2b2: {  	v4 =	vcvt.s32.f32 v3;
	v3 =	vshll.u32 v3, $0x5  }
0x2b3: {  	[tilespmem:s5+$0x0] =	vst v3  }
0x2b4: {  	v2 =	vsub.f32 v2, v4;
	_ =	sdelay $0x1  }
0x2b5: {  	[tilespmem:s21+$0x0] =	vst v2  }
0x2b6: {  	v2 =	vld [tilespmem:s10+$0x500];
	_ =	sdelay $0x4  }
0x2b7: {  	v2 =	vmul.f32 $1.280000000e+02, v2;
	_ =	sdelay $0x1  }
0x2b8: {  	v2 =	vadd.f32 $1.620000000e+02, v2;
	_ =	sdelay $0x1  }
0x2b9: {  	v3 =	vtrunc.f32 v2  }
0x2ba: {  	v3 =	vcvt.f32.s32 v3  }
.Ltmp3:
0x2bb: {  	(pc) =	sbr.rel @p2 .LBB2_9-.Ltmp3, $4  }
0x2bc: {  	v4 =	vcvt.s32.f32 v3;
	v3 =	vshll.u32 v3, $0x5  }
0x2bd: {  	[tilespmem:s5+$0x100] =	vst v3  }
0x2be: {  	v2 =	vsub.f32 v2, v4  }
0x2bf: {  	s24 =	smov.u32 s8;
	s21 =	sadd.s32 $0x10, s21  }
0x2c0: {  	s8 =	sand.u32 $0xF0, s23;
	[tilespmem:s22+$0x100] =	vst v2  }
0x2c1: {  	v2 =	vld [tilespmem:s8+$0x300];
	_ =	sdelay $0x4  }
0x2c2: {  	v2 =	vmul.f32 $3.200000000e+01, v2;
	_ =	sdelay $0x1  }
0x2c3: {  	v2 =	vadd.f32 $0.0e+00, v2;
	_ =	sdelay $0x1  }
0x2c4: {  	v3 =	vtrunc.f32 v2  }
0x2c5: {  	v3 =	vcvt.f32.s32 v3;
	_ =	sdelay $0x1  }
0x2c6: {  	v4 =	vcvt.s32.f32 v3;
	_ =	sdelay $0x1  }
0x2c7: {  	s10 =	sadd.s32 $0x10, s5;
	v3 =	vshll.u32 v3, $0x5;
	v2 =	vsub.f32 v2, v4  }
0x2c8: {  	[tilespmem:s10+$0xFFFFFF00] =	vst v3  }
0x2c9: {  	[tilespmem:s21+$0xFFFFFF00] =	vst v2  }
0x2ca: {  	v2 =	vld [tilespmem:s8+$0x400];
	_ =	sdelay $0x4  }
0x2cb: {  	v2 =	vmul.f32 $1.280000000e+02, v2;
	_ =	sdelay $0x1  }
0x2cc: {  	v2 =	vadd.f32 $3.300000000e+01, v2;
	_ =	sdelay $0x1  }
0x2cd: {  	v3 =	vtrunc.f32 v2  }
0x2ce: {  	v3 =	vcvt.f32.s32 v3;
	_ =	sdelay $0x1  }
0x2cf: {  	v62 =	vcvt.s32.f32 v3;
	_ =	sdelay $0x1  }
0x2d0: {  	v3 =	vshll.u32 v3, $0x5;
	v2 =	vsub.f32 v2, v62  }
0x2d1: {  	[tilespmem:s10+$0x0] =	vst v3  }
0x2d2: {  	[tilespmem:s21+$0x0] =	vst v2  }
0x2d3: {  	v2 =	vld [tilespmem:s8+$0x500];
	_ =	sdelay $0x4  }
0x2d4: {  	v2 =	vmul.f32 $1.280000000e+02, v2;
	_ =	sdelay $0x1  }
0x2d5: {  	v2 =	vadd.f32 $1.620000000e+02, v2;
	_ =	sdelay $0x1  }
0x2d6: {  	v3 =	vtrunc.f32 v2  }
0x2d7: {  	v3 =	vcvt.f32.s32 v3;
	_ =	sdelay $0x1  }
0x2d8: {  	v63 =	vcvt.s32.f32 v3  }
0x2d9: {  	s5 =	sshll.u32 s20, $0x9  }
0x2da: {  	s8 =	sadd.s32 @!p0 s5, s16;
	v3 =	vshll.u32 v3, $0x5;
	v2 =	vsub.f32 v2, v63  }
0x2db: {  	s8 =	sshrl.u32 @!p0 s8, $0x3;
	[tilespmem:s10+$0x100] =	vst v3  }
0x2dc: {  	s22 =	simm.s32 @!p0 $0x300;
	s10 =	sadd.s32 @!p0 s1, s8;
	[tilespmem:s21+$0x100] =	vst v2;
	s21 =	simm.s32 @!p0 $0x0  }
0x2dd: {  	[tilespmem:s22], [sflag:$0x2] =	stream.linear.gather @!p0 [hbm4b:s10+s21], $0x100, $0x38;
	[tilespmem:$0x15500] =	vst v63  }
0x2de: {  	s10 =	sadd.s32 @!p0 $0x20000, s10;
	s22 =	simm.s32 @!p0 $0x400  }
0x2df: {  	[tilespmem:s22], [sflag:$0x2] =	stream.linear.gather @!p0 [hbm4b:s10+s21], $0x100, $0x38;
	[tilespmem:$0x15500] =	vst v63  }
0x2e0: {  	s8 =	sadd.s32 @!p0 s8, s9;
	s10 =	simm.s32 @!p0 $0x500  }
0x2e1: {  	[tilespmem:s10], [sflag:$0x2] =	stream.linear.gather @!p0 [hbm4b:s8+s21], $0x100, $0x38;
	[tilespmem:$0x15500] =	vst v63  }
0x2e2: {  	s23 =	simm.s32 $0x5100;
	_ =	swait.ge @p1 [sflag:s0], $0x8000  }
0x2e3: {  	s24 =	simm.s32 $0x5400;
	s5 =	sadd.s32 s5, s4;
	[sflag:s0] =	ssyncset.done @p1 $0x0  }
0x2e4: {  	s22 =	simm.s32 $0x0;
	s21 =	sadd.s32 $0x100, s5;
	[sflag:s0] =	ssyncadd.s32 @p1 $0xFFFF8000  }
.LBB2_11:
0x2e5: {  	v7 =	vld [tilespmem:s23+$0xFFFFFE00];
	_ =	sdelay $0x4  }
0x2e6: {  	v2 =	vbroadcast v7, $0x0;
	_ =	sdelay $0x1  }
0x2e7: {  	v3 =	vadd.s32 v0, v2  }
0x2e8: {  	v2 =	vadd.s32 v1, v2;
	_ =	sdelay $0x1  }
0x2e9: {  	v6 =	vld [tilespmem:s24+$0xFFFFFE00]  }
0x2ea: {  	v5 =	vld [tilespmem:s23+$0xFFFFFF00]  }
0x2eb: {  	v4 =	vld.idx.msk [tilespmem:v3+s26+$0x0], $0xffff  }
0x2ec: {  	v8 =	vld.idx.msk [tilespmem:v2+s26+$0x0], $0xffff  }
0x2ed: {  	v9 =	vld.idx.msk [tilespmem:v3+s18+$0x0], $0xffff  }
0x2ee: {  	v10 =	vbroadcast v6, $0x0;
	v11 =	vld.idx.msk [tilespmem:v2+s18+$0x0], $0xffff  }
0x2ef: {  	v2 =	vbroadcast v5, $0x0  }
0x2f0: {  	v12 =	vmul.f32 v4, v10  }
0x2f1: {  	v34 =	vadd.s32 v0, v2;
	v8 =	vmul.f32 v8, v10  }
0x2f2: {  	v3 =	vld [tilespmem:s23+$0x0];
	v35 =	vadd.s32 v1, v2;
	v9 =	vadd.f32 v12, v9  }
0x2f3: {  	s5 =	sshra.s32 s22, $0x2;
	v2 =	vld [tilespmem:s24+$0x0];
	v8 =	vadd.f32 v8, v11  }
0x2f4: {  	v4 =	vld [tilespmem:s24+$0xFFFFFF00];
	[tilespmem:s5+$0xD500] =	vst v9  }
0x2f5: {  	[tilespmem:s5+$0xD510] =	vst v8  }
0x2f6: {  	v8 =	vld.idx.msk [tilespmem:v34+s26+$0x0], $0xffff  }
0x2f7: {  	v9 =	vld.idx.msk [tilespmem:v35+s26+$0x0], $0xffff  }
0x2f8: {  	v10 =	vld.idx.msk [tilespmem:v34+s18+$0x0], $0xffff  }
0x2f9: {  	v36 =	vbroadcast v4, $0x0;
	v12 =	vld.idx.msk [tilespmem:v35+s18+$0x0], $0xffff  }
0x2fa: {  	v13 =	vbroadcast v3, $0x0  }
0x2fb: {  	v8 =	vmul.f32 v8, v36  }
0x2fc: {  	v37 =	vadd.s32 v0, v13;
	v9 =	vmul.f32 v9, v36  }
0x2fd: {  	v38 =	vadd.s32 v1, v13;
	v8 =	vadd.f32 v8, v10  }
0x2fe: {  	v9 =	vadd.f32 v9, v12  }
0x2ff: {  	[tilespmem:s5+$0xD520] =	vst v8  }
0x300: {  	[tilespmem:s5+$0xD530] =	vst v9  }
0x301: {  	v8 =	vld.idx.msk [tilespmem:v37+s26+$0x0], $0xffff  }
0x302: {  	v9 =	vld.idx.msk [tilespmem:v38+s26+$0x0], $0xffff  }
0x303: {  	v11 =	vld.idx.msk [tilespmem:v37+s18+$0x0], $0xffff  }
0x304: {  	v39 =	vbroadcast v2, $0x0;
	v10 =	vld.idx.msk [tilespmem:v38+s18+$0x0], $0xffff  }
0x305: {  	v40 =	vbroadcast v7, $0x1  }
0x306: {  	v8 =	vmul.f32 v8, v39  }
0x307: {  	v41 =	vadd.s32 v0, v40;
	v9 =	vmul.f32 v9, v39  }
0x308: {  	v42 =	vadd.s32 v1, v40;
	v8 =	vadd.f32 v8, v11  }
0x309: {  	v9 =	vadd.f32 v9, v10  }
0x30a: {  	[tilespmem:s5+$0xD540] =	vst v8  }
0x30b: {  	[tilespmem:s5+$0xD550] =	vst v9  }
0x30c: {  	v8 =	vld.idx.msk [tilespmem:v41+s26+$0x0], $0xffff  }
0x30d: {  	v9 =	vld.idx.msk [tilespmem:v42+s26+$0x0], $0xffff  }
0x30e: {  	v43 =	vld.idx.msk [tilespmem:v41+s18+$0x0], $0xffff  }
0x30f: {  	v44 =	vbroadcast v6, $0x1;
	v11 =	vld.idx.msk [tilespmem:v42+s18+$0x0], $0xffff  }
0x310: {  	v45 =	vbroadcast v5, $0x1  }
0x311: {  	v8 =	vmul.f32 v8, v44  }
0x312: {  	v46 =	vadd.s32 v0, v45;
	v9 =	vmul.f32 v9, v44  }
0x313: {  	v47 =	vadd.s32 v1, v45;
	v8 =	vadd.f32 v8, v43  }
0x314: {  	v9 =	vadd.f32 v9, v11  }
0x315: {  	[tilespmem:s5+$0xD580] =	vst v8  }
0x316: {  	[tilespmem:s5+$0xD590] =	vst v9  }
0x317: {  	v8 =	vld.idx.msk [tilespmem:v46+s26+$0x0], $0xffff  }
0x318: {  	v9 =	vld.idx.msk [tilespmem:v47+s26+$0x0], $0xffff  }
0x319: {  	v48 =	vld.idx.msk [tilespmem:v46+s18+$0x0], $0xffff  }
0x31a: {  	v49 =	vbroadcast v4, $0x1;
	v10 =	vld.idx.msk [tilespmem:v47+s18+$0x0], $0xffff  }
0x31b: {  	v50 =	vbroadcast v3, $0x1  }
0x31c: {  	v8 =	vmul.f32 v8, v49  }
0x31d: {  	v51 =	vadd.s32 v0, v50;
	v9 =	vmul.f32 v9, v49  }
0x31e: {  	v52 =	vadd.s32 v1, v50;
	v8 =	vadd.f32 v8, v48  }
0x31f: {  	v9 =	vadd.f32 v9, v10  }
0x320: {  	[tilespmem:s5+$0xD5A0] =	vst v8  }
0x321: {  	[tilespmem:s5+$0xD5B0] =	vst v9  }
0x322: {  	v8 =	vld.idx.msk [tilespmem:v51+s26+$0x0], $0xffff  }
0x323: {  	v9 =	vld.idx.msk [tilespmem:v52+s26+$0x0], $0xffff  }
0x324: {  	v53 =	vld.idx.msk [tilespmem:v51+s18+$0x0], $0xffff  }
0x325: {  	v54 =	vbroadcast v2, $0x1;
	v11 =	vld.idx.msk [tilespmem:v52+s18+$0x0], $0xffff  }
0x326: {  	v55 =	vbroadcast v7, $0x2  }
0x327: {  	v8 =	vmul.f32 v8, v54  }
0x328: {  	v56 =	vadd.s32 v0, v55;
	v9 =	vmul.f32 v9, v54  }
0x329: {  	v57 =	vadd.s32 v1, v55;
	v8 =	vadd.f32 v8, v53  }
0x32a: {  	v9 =	vadd.f32 v9, v11  }
0x32b: {  	[tilespmem:s5+$0xD5C0] =	vst v8  }
0x32c: {  	[tilespmem:s5+$0xD5D0] =	vst v9  }
0x32d: {  	v8 =	vld.idx.msk [tilespmem:v56+s26+$0x0], $0xffff  }
0x32e: {  	v9 =	vld.idx.msk [tilespmem:v57+s26+$0x0], $0xffff  }
0x32f: {  	v58 =	vld.idx.msk [tilespmem:v56+s18+$0x0], $0xffff  }
0x330: {  	v59 =	vbroadcast v6, $0x2;
	v10 =	vld.idx.msk [tilespmem:v57+s18+$0x0], $0xffff  }
0x331: {  	v60 =	vbroadcast v5, $0x2  }
0x332: {  	v8 =	vmul.f32 v8, v59  }
0x333: {  	v61 =	vadd.s32 v0, v60;
	v9 =	vmul.f32 v9, v59  }
0x334: {  	v62 =	vadd.s32 v1, v60;
	v8 =	vadd.f32 v8, v58  }
0x335: {  	v9 =	vadd.f32 v9, v10  }
0x336: {  	[tilespmem:s5+$0xD600] =	vst v8  }
0x337: {  	[tilespmem:s5+$0xD610] =	vst v9  }
0x338: {  	v8 =	vld.idx.msk [tilespmem:v61+s26+$0x0], $0xffff  }
0x339: {  	v9 =	vld.idx.msk [tilespmem:v62+s26+$0x0], $0xffff  }
0x33a: {  	v63 =	vld.idx.msk [tilespmem:v61+s18+$0x0], $0xffff  }
0x33b: {  	v16 =	vbroadcast v4, $0x2;
	v11 =	vld.idx.msk [tilespmem:v62+s18+$0x0], $0xffff  }
0x33c: {  	v17 =	vbroadcast v3, $0x2  }
0x33d: {  	v8 =	vmul.f32 v8, v16  }
0x33e: {  	v18 =	vadd.s32 v0, v17;
	v9 =	vmul.f32 v9, v16  }
0x33f: {  	v19 =	vadd.s32 v1, v17;
	v8 =	vadd.f32 v8, v63  }
0x340: {  	v9 =	vadd.f32 v9, v11  }
0x341: {  	[tilespmem:s5+$0xD620] =	vst v8  }
0x342: {  	[tilespmem:s5+$0xD630] =	vst v9  }
0x343: {  	v8 =	vld.idx.msk [tilespmem:v18+s26+$0x0], $0xffff  }
0x344: {  	v9 =	vld.idx.msk [tilespmem:v19+s26+$0x0], $0xffff  }
0x345: {  	v20 =	vld.idx.msk [tilespmem:v18+s18+$0x0], $0xffff  }
0x346: {  	v21 =	vbroadcast v2, $0x2;
	v10 =	vld.idx.msk [tilespmem:v19+s18+$0x0], $0xffff  }
0x347: {  	v22 =	vbroadcast v7, $0x3  }
0x348: {  	v8 =	vmul.f32 v8, v21  }
0x349: {  	v23 =	vadd.s32 v0, v22;
	v9 =	vmul.f32 v9, v21  }
0x34a: {  	v24 =	vadd.s32 v1, v22;
	v8 =	vadd.f32 v8, v20  }
0x34b: {  	v9 =	vadd.f32 v9, v10  }
0x34c: {  	[tilespmem:s5+$0xD640] =	vst v8  }
0x34d: {  	[tilespmem:s5+$0xD650] =	vst v9  }
0x34e: {  	v8 =	vld.idx.msk [tilespmem:v23+s26+$0x0], $0xffff  }
0x34f: {  	v9 =	vld.idx.msk [tilespmem:v24+s26+$0x0], $0xffff  }
0x350: {  	v25 =	vld.idx.msk [tilespmem:v23+s18+$0x0], $0xffff  }
0x351: {  	v26 =	vbroadcast v6, $0x3;
	v11 =	vld.idx.msk [tilespmem:v24+s18+$0x0], $0xffff  }
0x352: {  	v27 =	vbroadcast v5, $0x3  }
0x353: {  	v8 =	vmul.f32 v8, v26  }
0x354: {  	v28 =	vadd.s32 v0, v27;
	v9 =	vmul.f32 v9, v26  }
0x355: {  	v29 =	vadd.s32 v1, v27;
	v8 =	vadd.f32 v8, v25  }
0x356: {  	v9 =	vadd.f32 v9, v11  }
0x357: {  	[tilespmem:s5+$0xD680] =	vst v8  }
0x358: {  	[tilespmem:s5+$0xD690] =	vst v9  }
0x359: {  	v8 =	vld.idx.msk [tilespmem:v28+s26+$0x0], $0xffff  }
0x35a: {  	v9 =	vld.idx.msk [tilespmem:v29+s26+$0x0], $0xffff  }
0x35b: {  	v30 =	vld.idx.msk [tilespmem:v28+s18+$0x0], $0xffff  }
0x35c: {  	v31 =	vbroadcast v4, $0x3;
	v10 =	vld.idx.msk [tilespmem:v29+s18+$0x0], $0xffff  }
0x35d: {  	v32 =	vbroadcast v3, $0x3  }
0x35e: {  	v8 =	vmul.f32 v8, v31  }
0x35f: {  	v33 =	vadd.s32 v0, v32;
	v9 =	vmul.f32 v9, v31  }
0x360: {  	v34 =	vadd.s32 v1, v32;
	v8 =	vadd.f32 v8, v30  }
0x361: {  	v9 =	vadd.f32 v9, v10  }
0x362: {  	[tilespmem:s5+$0xD6A0] =	vst v8  }
0x363: {  	[tilespmem:s5+$0xD6B0] =	vst v9  }
0x364: {  	v8 =	vld.idx.msk [tilespmem:v33+s26+$0x0], $0xffff  }
0x365: {  	v9 =	vld.idx.msk [tilespmem:v34+s26+$0x0], $0xffff  }
0x366: {  	v35 =	vld.idx.msk [tilespmem:v33+s18+$0x0], $0xffff  }
0x367: {  	v36 =	vbroadcast v2, $0x3;
	v11 =	vld.idx.msk [tilespmem:v34+s18+$0x0], $0xffff  }
0x368: {  	v37 =	vbroadcast v7, $0x4  }
0x369: {  	v8 =	vmul.f32 v8, v36  }
0x36a: {  	v38 =	vadd.s32 v0, v37;
	v9 =	vmul.f32 v9, v36  }
0x36b: {  	v39 =	vadd.s32 v1, v37;
	v8 =	vadd.f32 v8, v35  }
0x36c: {  	v9 =	vadd.f32 v9, v11  }
0x36d: {  	[tilespmem:s5+$0xD6C0] =	vst v8  }
0x36e: {  	[tilespmem:s5+$0xD6D0] =	vst v9  }
0x36f: {  	v8 =	vld.idx.msk [tilespmem:v38+s26+$0x0], $0xffff  }
0x370: {  	v9 =	vld.idx.msk [tilespmem:v39+s26+$0x0], $0xffff  }
0x371: {  	v40 =	vld.idx.msk [tilespmem:v38+s18+$0x0], $0xffff  }
0x372: {  	v41 =	vbroadcast v6, $0x4;
	v10 =	vld.idx.msk [tilespmem:v39+s18+$0x0], $0xffff  }
0x373: {  	v42 =	vbroadcast v5, $0x4  }
0x374: {  	v8 =	vmul.f32 v8, v41  }
0x375: {  	v43 =	vadd.s32 v0, v42;
	v9 =	vmul.f32 v9, v41  }
0x376: {  	v44 =	vadd.s32 v1, v42;
	v8 =	vadd.f32 v8, v40  }
0x377: {  	v9 =	vadd.f32 v9, v10  }
0x378: {  	[tilespmem:s5+$0xD700] =	vst v8  }
0x379: {  	[tilespmem:s5+$0xD710] =	vst v9  }
0x37a: {  	v8 =	vld.idx.msk [tilespmem:v43+s26+$0x0], $0xffff  }
0x37b: {  	v9 =	vld.idx.msk [tilespmem:v44+s26+$0x0], $0xffff  }
0x37c: {  	v45 =	vld.idx.msk [tilespmem:v43+s18+$0x0], $0xffff  }
0x37d: {  	v46 =	vbroadcast v4, $0x4;
	v11 =	vld.idx.msk [tilespmem:v44+s18+$0x0], $0xffff  }
0x37e: {  	v47 =	vbroadcast v3, $0x4  }
0x37f: {  	v8 =	vmul.f32 v8, v46  }
0x380: {  	v48 =	vadd.s32 v0, v47;
	v9 =	vmul.f32 v9, v46  }
0x381: {  	v49 =	vadd.s32 v1, v47;
	v8 =	vadd.f32 v8, v45  }
0x382: {  	v9 =	vadd.f32 v9, v11  }
0x383: {  	[tilespmem:s5+$0xD720] =	vst v8  }
0x384: {  	[tilespmem:s5+$0xD730] =	vst v9  }
0x385: {  	v8 =	vld.idx.msk [tilespmem:v48+s26+$0x0], $0xffff  }
0x386: {  	v9 =	vld.idx.msk [tilespmem:v49+s26+$0x0], $0xffff  }
0x387: {  	v50 =	vld.idx.msk [tilespmem:v48+s18+$0x0], $0xffff  }
0x388: {  	v51 =	vbroadcast v2, $0x4;
	v10 =	vld.idx.msk [tilespmem:v49+s18+$0x0], $0xffff  }
0x389: {  	v52 =	vbroadcast v7, $0x5  }
0x38a: {  	v8 =	vmul.f32 v8, v51  }
0x38b: {  	v53 =	vadd.s32 v0, v52;
	v9 =	vmul.f32 v9, v51  }
0x38c: {  	v54 =	vadd.s32 v1, v52;
	v8 =	vadd.f32 v8, v50  }
0x38d: {  	v9 =	vadd.f32 v9, v10  }
0x38e: {  	[tilespmem:s5+$0xD740] =	vst v8  }
0x38f: {  	[tilespmem:s5+$0xD750] =	vst v9  }
0x390: {  	v8 =	vld.idx.msk [tilespmem:v53+s26+$0x0], $0xffff  }
0x391: {  	v9 =	vld.idx.msk [tilespmem:v54+s26+$0x0], $0xffff  }
0x392: {  	v55 =	vld.idx.msk [tilespmem:v53+s18+$0x0], $0xffff  }
0x393: {  	v56 =	vbroadcast v6, $0x5;
	v11 =	vld.idx.msk [tilespmem:v54+s18+$0x0], $0xffff  }
0x394: {  	v57 =	vbroadcast v5, $0x5  }
0x395: {  	v8 =	vmul.f32 v8, v56  }
0x396: {  	v58 =	vadd.s32 v0, v57;
	v9 =	vmul.f32 v9, v56  }
0x397: {  	v59 =	vadd.s32 v1, v57;
	v8 =	vadd.f32 v8, v55  }
0x398: {  	v9 =	vadd.f32 v9, v11  }
0x399: {  	[tilespmem:s5+$0xD780] =	vst v8  }
0x39a: {  	[tilespmem:s5+$0xD790] =	vst v9  }
0x39b: {  	v8 =	vld.idx.msk [tilespmem:v58+s26+$0x0], $0xffff  }
0x39c: {  	v9 =	vld.idx.msk [tilespmem:v59+s26+$0x0], $0xffff  }
0x39d: {  	v60 =	vld.idx.msk [tilespmem:v58+s18+$0x0], $0xffff  }
0x39e: {  	v61 =	vbroadcast v4, $0x5;
	v10 =	vld.idx.msk [tilespmem:v59+s18+$0x0], $0xffff  }
0x39f: {  	v62 =	vbroadcast v3, $0x5  }
0x3a0: {  	v8 =	vmul.f32 v8, v61  }
0x3a1: {  	v63 =	vadd.s32 v0, v62;
	v9 =	vmul.f32 v9, v61  }
0x3a2: {  	v16 =	vadd.s32 v1, v62;
	v8 =	vadd.f32 v8, v60  }
0x3a3: {  	v9 =	vadd.f32 v9, v10  }
0x3a4: {  	[tilespmem:s5+$0xD7A0] =	vst v8  }
0x3a5: {  	[tilespmem:s5+$0xD7B0] =	vst v9  }
0x3a6: {  	v8 =	vld.idx.msk [tilespmem:v63+s26+$0x0], $0xffff  }
0x3a7: {  	v9 =	vld.idx.msk [tilespmem:v16+s26+$0x0], $0xffff  }
0x3a8: {  	v17 =	vld.idx.msk [tilespmem:v63+s18+$0x0], $0xffff  }
0x3a9: {  	v18 =	vbroadcast v2, $0x5;
	v11 =	vld.idx.msk [tilespmem:v16+s18+$0x0], $0xffff  }
0x3aa: {  	v19 =	vbroadcast v7, $0x6  }
0x3ab: {  	v8 =	vmul.f32 v8, v18  }
0x3ac: {  	v20 =	vadd.s32 v0, v19;
	v9 =	vmul.f32 v9, v18  }
0x3ad: {  	v21 =	vadd.s32 v1, v19;
	v8 =	vadd.f32 v8, v17  }
0x3ae: {  	v9 =	vadd.f32 v9, v11  }
0x3af: {  	[tilespmem:s5+$0xD7C0] =	vst v8  }
0x3b0: {  	[tilespmem:s5+$0xD7D0] =	vst v9  }
0x3b1: {  	v8 =	vld.idx.msk [tilespmem:v20+s26+$0x0], $0xffff  }
0x3b2: {  	v9 =	vld.idx.msk [tilespmem:v21+s26+$0x0], $0xffff  }
0x3b3: {  	v22 =	vld.idx.msk [tilespmem:v20+s18+$0x0], $0xffff  }
0x3b4: {  	v23 =	vbroadcast v6, $0x6;
	v10 =	vld.idx.msk [tilespmem:v21+s18+$0x0], $0xffff  }
0x3b5: {  	v24 =	vbroadcast v5, $0x6  }
0x3b6: {  	v8 =	vmul.f32 v8, v23  }
0x3b7: {  	v25 =	vadd.s32 v0, v24;
	v9 =	vmul.f32 v9, v23  }
0x3b8: {  	v26 =	vadd.s32 v1, v24;
	v8 =	vadd.f32 v8, v22  }
0x3b9: {  	v9 =	vadd.f32 v9, v10  }
0x3ba: {  	[tilespmem:s5+$0xD800] =	vst v8  }
0x3bb: {  	[tilespmem:s5+$0xD810] =	vst v9  }
0x3bc: {  	v8 =	vld.idx.msk [tilespmem:v25+s26+$0x0], $0xffff  }
0x3bd: {  	v9 =	vld.idx.msk [tilespmem:v26+s26+$0x0], $0xffff  }
0x3be: {  	v27 =	vld.idx.msk [tilespmem:v25+s18+$0x0], $0xffff  }
0x3bf: {  	v28 =	vbroadcast v4, $0x6;
	v11 =	vld.idx.msk [tilespmem:v26+s18+$0x0], $0xffff  }
0x3c0: {  	v29 =	vbroadcast v3, $0x6  }
0x3c1: {  	v8 =	vmul.f32 v8, v28  }
0x3c2: {  	v30 =	vadd.s32 v0, v29;
	v9 =	vmul.f32 v9, v28  }
0x3c3: {  	v31 =	vadd.s32 v1, v29;
	v8 =	vadd.f32 v8, v27  }
0x3c4: {  	v9 =	vadd.f32 v9, v11  }
0x3c5: {  	[tilespmem:s5+$0xD820] =	vst v8  }
0x3c6: {  	[tilespmem:s5+$0xD830] =	vst v9  }
0x3c7: {  	v8 =	vld.idx.msk [tilespmem:v30+s26+$0x0], $0xffff  }
0x3c8: {  	v9 =	vld.idx.msk [tilespmem:v31+s26+$0x0], $0xffff  }
0x3c9: {  	v32 =	vld.idx.msk [tilespmem:v30+s18+$0x0], $0xffff  }
0x3ca: {  	v33 =	vbroadcast v2, $0x6;
	v10 =	vld.idx.msk [tilespmem:v31+s18+$0x0], $0xffff  }
0x3cb: {  	v34 =	vbroadcast v7, $0x7  }
0x3cc: {  	v8 =	vmul.f32 v8, v33  }
0x3cd: {  	v35 =	vadd.s32 v0, v34;
	v9 =	vmul.f32 v9, v33  }
0x3ce: {  	v36 =	vadd.s32 v1, v34;
	v8 =	vadd.f32 v8, v32  }
0x3cf: {  	v9 =	vadd.f32 v9, v10  }
0x3d0: {  	[tilespmem:s5+$0xD840] =	vst v8  }
0x3d1: {  	[tilespmem:s5+$0xD850] =	vst v9  }
0x3d2: {  	v8 =	vld.idx.msk [tilespmem:v35+s26+$0x0], $0xffff  }
0x3d3: {  	v9 =	vld.idx.msk [tilespmem:v36+s26+$0x0], $0xffff  }
0x3d4: {  	v37 =	vld.idx.msk [tilespmem:v35+s18+$0x0], $0xffff  }
0x3d5: {  	v38 =	vbroadcast v6, $0x7;
	v11 =	vld.idx.msk [tilespmem:v36+s18+$0x0], $0xffff  }
0x3d6: {  	v39 =	vbroadcast v5, $0x7  }
0x3d7: {  	v8 =	vmul.f32 v8, v38  }
0x3d8: {  	v40 =	vadd.s32 v0, v39;
	v9 =	vmul.f32 v9, v38  }
0x3d9: {  	v41 =	vadd.s32 v1, v39;
	v8 =	vadd.f32 v8, v37  }
0x3da: {  	v9 =	vadd.f32 v9, v11  }
0x3db: {  	[tilespmem:s5+$0xD880] =	vst v8  }
0x3dc: {  	[tilespmem:s5+$0xD890] =	vst v9  }
0x3dd: {  	v8 =	vld.idx.msk [tilespmem:v40+s26+$0x0], $0xffff  }
0x3de: {  	v9 =	vld.idx.msk [tilespmem:v41+s26+$0x0], $0xffff  }
0x3df: {  	v42 =	vld.idx.msk [tilespmem:v40+s18+$0x0], $0xffff  }
0x3e0: {  	v43 =	vbroadcast v4, $0x7;
	v10 =	vld.idx.msk [tilespmem:v41+s18+$0x0], $0xffff  }
0x3e1: {  	v44 =	vbroadcast v3, $0x7  }
0x3e2: {  	v8 =	vmul.f32 v8, v43  }
0x3e3: {  	v45 =	vadd.s32 v0, v44;
	v9 =	vmul.f32 v9, v43  }
0x3e4: {  	v46 =	vadd.s32 v1, v44;
	v8 =	vadd.f32 v8, v42  }
0x3e5: {  	v9 =	vadd.f32 v9, v10  }
0x3e6: {  	[tilespmem:s5+$0xD8A0] =	vst v8  }
0x3e7: {  	[tilespmem:s5+$0xD8B0] =	vst v9  }
0x3e8: {  	v8 =	vld.idx.msk [tilespmem:v45+s26+$0x0], $0xffff  }
0x3e9: {  	v9 =	vld.idx.msk [tilespmem:v46+s26+$0x0], $0xffff  }
0x3ea: {  	v47 =	vld.idx.msk [tilespmem:v45+s18+$0x0], $0xffff  }
0x3eb: {  	v48 =	vbroadcast v2, $0x7;
	v11 =	vld.idx.msk [tilespmem:v46+s18+$0x0], $0xffff  }
0x3ec: {  	v49 =	vbroadcast v7, $0x8  }
0x3ed: {  	v8 =	vmul.f32 v8, v48  }
0x3ee: {  	v50 =	vadd.s32 v0, v49;
	v9 =	vmul.f32 v9, v48  }
0x3ef: {  	v51 =	vadd.s32 v1, v49;
	v8 =	vadd.f32 v8, v47  }
0x3f0: {  	v9 =	vadd.f32 v9, v11  }
0x3f1: {  	[tilespmem:s5+$0xD8C0] =	vst v8  }
0x3f2: {  	[tilespmem:s5+$0xD8D0] =	vst v9  }
0x3f3: {  	v8 =	vld.idx.msk [tilespmem:v50+s26+$0x0], $0xffff  }
0x3f4: {  	v9 =	vld.idx.msk [tilespmem:v51+s26+$0x0], $0xffff  }
0x3f5: {  	v52 =	vld.idx.msk [tilespmem:v50+s18+$0x0], $0xffff  }
0x3f6: {  	v53 =	vbroadcast v6, $0x8;
	v10 =	vld.idx.msk [tilespmem:v51+s18+$0x0], $0xffff  }
0x3f7: {  	v54 =	vbroadcast v5, $0x8  }
0x3f8: {  	v8 =	vmul.f32 v8, v53  }
0x3f9: {  	v55 =	vadd.s32 v0, v54;
	v9 =	vmul.f32 v9, v53  }
0x3fa: {  	v56 =	vadd.s32 v1, v54;
	v8 =	vadd.f32 v8, v52  }
0x3fb: {  	v9 =	vadd.f32 v9, v10  }
0x3fc: {  	[tilespmem:s5+$0xD900] =	vst v8  }
0x3fd: {  	[tilespmem:s5+$0xD910] =	vst v9  }
0x3fe: {  	v8 =	vld.idx.msk [tilespmem:v55+s26+$0x0], $0xffff  }
0x3ff: {  	v9 =	vld.idx.msk [tilespmem:v56+s26+$0x0], $0xffff  }
0x400: {  	v57 =	vld.idx.msk [tilespmem:v55+s18+$0x0], $0xffff  }
0x401: {  	v58 =	vbroadcast v4, $0x8;
	v11 =	vld.idx.msk [tilespmem:v56+s18+$0x0], $0xffff  }
0x402: {  	v59 =	vbroadcast v3, $0x8  }
0x403: {  	v8 =	vmul.f32 v8, v58  }
0x404: {  	v60 =	vadd.s32 v0, v59;
	v9 =	vmul.f32 v9, v58  }
0x405: {  	v61 =	vadd.s32 v1, v59;
	v8 =	vadd.f32 v8, v57  }
0x406: {  	v9 =	vadd.f32 v9, v11  }
0x407: {  	[tilespmem:s5+$0xD920] =	vst v8  }
0x408: {  	[tilespmem:s5+$0xD930] =	vst v9  }
0x409: {  	v8 =	vld.idx.msk [tilespmem:v60+s26+$0x0], $0xffff  }
0x40a: {  	v9 =	vld.idx.msk [tilespmem:v61+s26+$0x0], $0xffff  }
0x40b: {  	v62 =	vld.idx.msk [tilespmem:v60+s18+$0x0], $0xffff  }
0x40c: {  	v63 =	vbroadcast v2, $0x8;
	v10 =	vld.idx.msk [tilespmem:v61+s18+$0x0], $0xffff  }
0x40d: {  	v16 =	vbroadcast v7, $0x9  }
0x40e: {  	v8 =	vmul.f32 v8, v63  }
0x40f: {  	v17 =	vadd.s32 v0, v16;
	v9 =	vmul.f32 v9, v63  }
0x410: {  	v18 =	vadd.s32 v1, v16;
	v8 =	vadd.f32 v8, v62  }
0x411: {  	v9 =	vadd.f32 v9, v10  }
0x412: {  	[tilespmem:s5+$0xD940] =	vst v8  }
0x413: {  	[tilespmem:s5+$0xD950] =	vst v9  }
0x414: {  	v8 =	vld.idx.msk [tilespmem:v17+s26+$0x0], $0xffff  }
0x415: {  	v9 =	vld.idx.msk [tilespmem:v18+s26+$0x0], $0xffff  }
0x416: {  	v19 =	vld.idx.msk [tilespmem:v17+s18+$0x0], $0xffff  }
0x417: {  	v20 =	vbroadcast v6, $0x9;
	v11 =	vld.idx.msk [tilespmem:v18+s18+$0x0], $0xffff  }
0x418: {  	v21 =	vbroadcast v5, $0x9  }
0x419: {  	v8 =	vmul.f32 v8, v20  }
0x41a: {  	v22 =	vadd.s32 v0, v21;
	v9 =	vmul.f32 v9, v20  }
0x41b: {  	v23 =	vadd.s32 v1, v21;
	v8 =	vadd.f32 v8, v19  }
0x41c: {  	v9 =	vadd.f32 v9, v11  }
0x41d: {  	[tilespmem:s5+$0xD980] =	vst v8  }
0x41e: {  	[tilespmem:s5+$0xD990] =	vst v9  }
0x41f: {  	v8 =	vld.idx.msk [tilespmem:v22+s26+$0x0], $0xffff  }
0x420: {  	v9 =	vld.idx.msk [tilespmem:v23+s26+$0x0], $0xffff  }
0x421: {  	v24 =	vld.idx.msk [tilespmem:v22+s18+$0x0], $0xffff  }
0x422: {  	v25 =	vbroadcast v4, $0x9;
	v10 =	vld.idx.msk [tilespmem:v23+s18+$0x0], $0xffff  }
0x423: {  	v26 =	vbroadcast v3, $0x9  }
0x424: {  	v8 =	vmul.f32 v8, v25  }
0x425: {  	v27 =	vadd.s32 v0, v26;
	v9 =	vmul.f32 v9, v25  }
0x426: {  	v28 =	vadd.s32 v1, v26;
	v8 =	vadd.f32 v8, v24  }
0x427: {  	v9 =	vadd.f32 v9, v10  }
0x428: {  	[tilespmem:s5+$0xD9A0] =	vst v8  }
0x429: {  	[tilespmem:s5+$0xD9B0] =	vst v9  }
0x42a: {  	v8 =	vld.idx.msk [tilespmem:v27+s26+$0x0], $0xffff  }
0x42b: {  	v9 =	vld.idx.msk [tilespmem:v28+s26+$0x0], $0xffff  }
0x42c: {  	v29 =	vld.idx.msk [tilespmem:v27+s18+$0x0], $0xffff  }
0x42d: {  	v30 =	vbroadcast v2, $0x9;
	v11 =	vld.idx.msk [tilespmem:v28+s18+$0x0], $0xffff  }
0x42e: {  	v31 =	vbroadcast v7, $0xA  }
0x42f: {  	v8 =	vmul.f32 v8, v30  }
0x430: {  	v32 =	vadd.s32 v0, v31;
	v9 =	vmul.f32 v9, v30  }
0x431: {  	v33 =	vadd.s32 v1, v31;
	v8 =	vadd.f32 v8, v29  }
0x432: {  	v9 =	vadd.f32 v9, v11  }
0x433: {  	[tilespmem:s5+$0xD9C0] =	vst v8  }
0x434: {  	[tilespmem:s5+$0xD9D0] =	vst v9  }
0x435: {  	v8 =	vld.idx.msk [tilespmem:v32+s26+$0x0], $0xffff  }
0x436: {  	v9 =	vld.idx.msk [tilespmem:v33+s26+$0x0], $0xffff  }
0x437: {  	v34 =	vld.idx.msk [tilespmem:v32+s18+$0x0], $0xffff  }
0x438: {  	v35 =	vbroadcast v6, $0xA;
	v10 =	vld.idx.msk [tilespmem:v33+s18+$0x0], $0xffff  }
0x439: {  	v36 =	vbroadcast v5, $0xA  }
0x43a: {  	v8 =	vmul.f32 v8, v35  }
0x43b: {  	v37 =	vadd.s32 v0, v36;
	v9 =	vmul.f32 v9, v35  }
0x43c: {  	v38 =	vadd.s32 v1, v36;
	v8 =	vadd.f32 v8, v34  }
0x43d: {  	v9 =	vadd.f32 v9, v10  }
0x43e: {  	[tilespmem:s5+$0xDA00] =	vst v8  }
0x43f: {  	[tilespmem:s5+$0xDA10] =	vst v9  }
0x440: {  	v8 =	vld.idx.msk [tilespmem:v37+s26+$0x0], $0xffff  }
0x441: {  	v9 =	vld.idx.msk [tilespmem:v38+s26+$0x0], $0xffff  }
0x442: {  	v39 =	vld.idx.msk [tilespmem:v37+s18+$0x0], $0xffff  }
0x443: {  	v40 =	vbroadcast v4, $0xA;
	v11 =	vld.idx.msk [tilespmem:v38+s18+$0x0], $0xffff  }
0x444: {  	v41 =	vbroadcast v3, $0xA  }
0x445: {  	v8 =	vmul.f32 v8, v40  }
0x446: {  	v42 =	vadd.s32 v0, v41;
	v9 =	vmul.f32 v9, v40  }
0x447: {  	v43 =	vadd.s32 v1, v41;
	v8 =	vadd.f32 v8, v39  }
0x448: {  	v9 =	vadd.f32 v9, v11  }
0x449: {  	[tilespmem:s5+$0xDA20] =	vst v8  }
0x44a: {  	[tilespmem:s5+$0xDA30] =	vst v9  }
0x44b: {  	v8 =	vld.idx.msk [tilespmem:v42+s26+$0x0], $0xffff  }
0x44c: {  	v9 =	vld.idx.msk [tilespmem:v43+s26+$0x0], $0xffff  }
0x44d: {  	v44 =	vld.idx.msk [tilespmem:v42+s18+$0x0], $0xffff  }
0x44e: {  	v45 =	vbroadcast v2, $0xA;
	v10 =	vld.idx.msk [tilespmem:v43+s18+$0x0], $0xffff  }
0x44f: {  	v46 =	vbroadcast v7, $0xB  }
0x450: {  	v8 =	vmul.f32 v8, v45  }
0x451: {  	v47 =	vadd.s32 v0, v46;
	v9 =	vmul.f32 v9, v45  }
0x452: {  	v48 =	vadd.s32 v1, v46;
	v8 =	vadd.f32 v8, v44  }
0x453: {  	v9 =	vadd.f32 v9, v10  }
0x454: {  	[tilespmem:s5+$0xDA40] =	vst v8  }
0x455: {  	[tilespmem:s5+$0xDA50] =	vst v9  }
0x456: {  	v8 =	vld.idx.msk [tilespmem:v47+s26+$0x0], $0xffff  }
0x457: {  	v9 =	vld.idx.msk [tilespmem:v48+s26+$0x0], $0xffff  }
0x458: {  	v49 =	vld.idx.msk [tilespmem:v47+s18+$0x0], $0xffff  }
0x459: {  	v50 =	vbroadcast v6, $0xB;
	v11 =	vld.idx.msk [tilespmem:v48+s18+$0x0], $0xffff  }
0x45a: {  	v51 =	vbroadcast v5, $0xB  }
0x45b: {  	v8 =	vmul.f32 v8, v50  }
0x45c: {  	v52 =	vadd.s32 v0, v51;
	v9 =	vmul.f32 v9, v50  }
0x45d: {  	v53 =	vadd.s32 v1, v51;
	v8 =	vadd.f32 v8, v49  }
0x45e: {  	v9 =	vadd.f32 v9, v11  }
0x45f: {  	[tilespmem:s5+$0xDA80] =	vst v8  }
0x460: {  	[tilespmem:s5+$0xDA90] =	vst v9  }
0x461: {  	v8 =	vld.idx.msk [tilespmem:v52+s26+$0x0], $0xffff  }
0x462: {  	v9 =	vld.idx.msk [tilespmem:v53+s26+$0x0], $0xffff  }
0x463: {  	v54 =	vld.idx.msk [tilespmem:v52+s18+$0x0], $0xffff  }
0x464: {  	v55 =	vbroadcast v4, $0xB;
	v10 =	vld.idx.msk [tilespmem:v53+s18+$0x0], $0xffff  }
0x465: {  	v56 =	vbroadcast v3, $0xB  }
0x466: {  	v8 =	vmul.f32 v8, v55  }
0x467: {  	v57 =	vadd.s32 v0, v56;
	v9 =	vmul.f32 v9, v55  }
0x468: {  	v58 =	vadd.s32 v1, v56;
	v8 =	vadd.f32 v8, v54  }
0x469: {  	v9 =	vadd.f32 v9, v10  }
0x46a: {  	[tilespmem:s5+$0xDAA0] =	vst v8  }
0x46b: {  	[tilespmem:s5+$0xDAB0] =	vst v9  }
0x46c: {  	v8 =	vld.idx.msk [tilespmem:v57+s26+$0x0], $0xffff  }
0x46d: {  	v9 =	vld.idx.msk [tilespmem:v58+s26+$0x0], $0xffff  }
0x46e: {  	v59 =	vld.idx.msk [tilespmem:v57+s18+$0x0], $0xffff  }
0x46f: {  	v60 =	vbroadcast v2, $0xB;
	v11 =	vld.idx.msk [tilespmem:v58+s18+$0x0], $0xffff  }
0x470: {  	v61 =	vbroadcast v7, $0xC  }
0x471: {  	v8 =	vmul.f32 v8, v60  }
0x472: {  	v62 =	vadd.s32 v0, v61;
	v9 =	vmul.f32 v9, v60  }
0x473: {  	v63 =	vadd.s32 v1, v61;
	v8 =	vadd.f32 v8, v59  }
0x474: {  	v9 =	vadd.f32 v9, v11  }
0x475: {  	[tilespmem:s5+$0xDAC0] =	vst v8  }
0x476: {  	[tilespmem:s5+$0xDAD0] =	vst v9  }
0x477: {  	v8 =	vld.idx.msk [tilespmem:v62+s26+$0x0], $0xffff  }
0x478: {  	v9 =	vld.idx.msk [tilespmem:v63+s26+$0x0], $0xffff  }
0x479: {  	v16 =	vld.idx.msk [tilespmem:v62+s18+$0x0], $0xffff  }
0x47a: {  	v17 =	vbroadcast v6, $0xC;
	v10 =	vld.idx.msk [tilespmem:v63+s18+$0x0], $0xffff  }
0x47b: {  	v18 =	vbroadcast v5, $0xC  }
0x47c: {  	v8 =	vmul.f32 v8, v17  }
0x47d: {  	v19 =	vadd.s32 v0, v18;
	v9 =	vmul.f32 v9, v17  }
0x47e: {  	v20 =	vadd.s32 v1, v18;
	v8 =	vadd.f32 v8, v16  }
0x47f: {  	v9 =	vadd.f32 v9, v10  }
0x480: {  	[tilespmem:s5+$0xDB00] =	vst v8  }
0x481: {  	[tilespmem:s5+$0xDB10] =	vst v9  }
0x482: {  	v8 =	vld.idx.msk [tilespmem:v19+s26+$0x0], $0xffff  }
0x483: {  	v9 =	vld.idx.msk [tilespmem:v20+s26+$0x0], $0xffff  }
0x484: {  	v21 =	vld.idx.msk [tilespmem:v19+s18+$0x0], $0xffff  }
0x485: {  	v22 =	vbroadcast v4, $0xC;
	v11 =	vld.idx.msk [tilespmem:v20+s18+$0x0], $0xffff  }
0x486: {  	v23 =	vbroadcast v3, $0xC  }
0x487: {  	v8 =	vmul.f32 v8, v22  }
0x488: {  	v24 =	vadd.s32 v0, v23;
	v9 =	vmul.f32 v9, v22  }
0x489: {  	v25 =	vadd.s32 v1, v23;
	v8 =	vadd.f32 v8, v21  }
0x48a: {  	v9 =	vadd.f32 v9, v11  }
0x48b: {  	[tilespmem:s5+$0xDB20] =	vst v8  }
0x48c: {  	[tilespmem:s5+$0xDB30] =	vst v9  }
0x48d: {  	v8 =	vld.idx.msk [tilespmem:v24+s26+$0x0], $0xffff  }
0x48e: {  	v9 =	vld.idx.msk [tilespmem:v25+s26+$0x0], $0xffff  }
0x48f: {  	v26 =	vld.idx.msk [tilespmem:v24+s18+$0x0], $0xffff  }
0x490: {  	v27 =	vbroadcast v2, $0xC;
	v10 =	vld.idx.msk [tilespmem:v25+s18+$0x0], $0xffff  }
0x491: {  	v28 =	vbroadcast v7, $0xD  }
0x492: {  	v8 =	vmul.f32 v8, v27  }
0x493: {  	v29 =	vadd.s32 v0, v28;
	v9 =	vmul.f32 v9, v27  }
0x494: {  	v30 =	vadd.s32 v1, v28;
	v8 =	vadd.f32 v8, v26  }
0x495: {  	v9 =	vadd.f32 v9, v10  }
0x496: {  	[tilespmem:s5+$0xDB40] =	vst v8  }
0x497: {  	[tilespmem:s5+$0xDB50] =	vst v9  }
0x498: {  	v8 =	vld.idx.msk [tilespmem:v29+s26+$0x0], $0xffff  }
0x499: {  	v9 =	vld.idx.msk [tilespmem:v30+s26+$0x0], $0xffff  }
0x49a: {  	v31 =	vld.idx.msk [tilespmem:v29+s18+$0x0], $0xffff  }
0x49b: {  	v32 =	vbroadcast v6, $0xD;
	v11 =	vld.idx.msk [tilespmem:v30+s18+$0x0], $0xffff  }
0x49c: {  	v33 =	vbroadcast v5, $0xD  }
0x49d: {  	v8 =	vmul.f32 v8, v32  }
0x49e: {  	v34 =	vadd.s32 v0, v33;
	v9 =	vmul.f32 v9, v32  }
0x49f: {  	v35 =	vadd.s32 v1, v33;
	v8 =	vadd.f32 v8, v31  }
0x4a0: {  	v9 =	vadd.f32 v9, v11  }
0x4a1: {  	[tilespmem:s5+$0xDB80] =	vst v8  }
0x4a2: {  	[tilespmem:s5+$0xDB90] =	vst v9  }
0x4a3: {  	v8 =	vld.idx.msk [tilespmem:v34+s26+$0x0], $0xffff  }
0x4a4: {  	v9 =	vld.idx.msk [tilespmem:v35+s26+$0x0], $0xffff  }
0x4a5: {  	v36 =	vld.idx.msk [tilespmem:v34+s18+$0x0], $0xffff  }
0x4a6: {  	v37 =	vbroadcast v4, $0xD;
	v10 =	vld.idx.msk [tilespmem:v35+s18+$0x0], $0xffff  }
0x4a7: {  	v38 =	vbroadcast v3, $0xD  }
0x4a8: {  	v8 =	vmul.f32 v8, v37  }
0x4a9: {  	v39 =	vadd.s32 v0, v38;
	v9 =	vmul.f32 v9, v37  }
0x4aa: {  	v40 =	vadd.s32 v1, v38;
	v8 =	vadd.f32 v8, v36  }
0x4ab: {  	v9 =	vadd.f32 v9, v10  }
0x4ac: {  	[tilespmem:s5+$0xDBA0] =	vst v8  }
0x4ad: {  	[tilespmem:s5+$0xDBB0] =	vst v9  }
0x4ae: {  	v8 =	vld.idx.msk [tilespmem:v39+s26+$0x0], $0xffff  }
0x4af: {  	v9 =	vld.idx.msk [tilespmem:v40+s26+$0x0], $0xffff  }
0x4b0: {  	v41 =	vld.idx.msk [tilespmem:v39+s18+$0x0], $0xffff  }
0x4b1: {  	v42 =	vbroadcast v2, $0xD;
	v11 =	vld.idx.msk [tilespmem:v40+s18+$0x0], $0xffff  }
0x4b2: {  	v43 =	vbroadcast v7, $0xE  }
0x4b3: {  	v8 =	vmul.f32 v8, v42  }
0x4b4: {  	v44 =	vadd.s32 v0, v43;
	v9 =	vmul.f32 v9, v42  }
0x4b5: {  	v45 =	vadd.s32 v1, v43;
	v8 =	vadd.f32 v8, v41  }
0x4b6: {  	v9 =	vadd.f32 v9, v11  }
0x4b7: {  	[tilespmem:s5+$0xDBC0] =	vst v8  }
0x4b8: {  	[tilespmem:s5+$0xDBD0] =	vst v9  }
0x4b9: {  	v8 =	vld.idx.msk [tilespmem:v44+s26+$0x0], $0xffff  }
0x4ba: {  	v9 =	vld.idx.msk [tilespmem:v45+s26+$0x0], $0xffff  }
0x4bb: {  	v46 =	vld.idx.msk [tilespmem:v44+s18+$0x0], $0xffff  }
0x4bc: {  	v47 =	vbroadcast v6, $0xE;
	v10 =	vld.idx.msk [tilespmem:v45+s18+$0x0], $0xffff  }
0x4bd: {  	v48 =	vbroadcast v5, $0xE  }
0x4be: {  	v8 =	vmul.f32 v8, v47  }
0x4bf: {  	v49 =	vadd.s32 v0, v48;
	v9 =	vmul.f32 v9, v47  }
0x4c0: {  	v50 =	vadd.s32 v1, v48;
	v8 =	vadd.f32 v8, v46  }
0x4c1: {  	v9 =	vadd.f32 v9, v10  }
0x4c2: {  	[tilespmem:s5+$0xDC00] =	vst v8  }
0x4c3: {  	[tilespmem:s5+$0xDC10] =	vst v9  }
0x4c4: {  	v8 =	vld.idx.msk [tilespmem:v49+s26+$0x0], $0xffff  }
0x4c5: {  	v9 =	vld.idx.msk [tilespmem:v50+s26+$0x0], $0xffff  }
0x4c6: {  	v51 =	vld.idx.msk [tilespmem:v49+s18+$0x0], $0xffff  }
0x4c7: {  	v52 =	vbroadcast v4, $0xE;
	v11 =	vld.idx.msk [tilespmem:v50+s18+$0x0], $0xffff  }
0x4c8: {  	v53 =	vbroadcast v3, $0xE  }
0x4c9: {  	v8 =	vmul.f32 v8, v52  }
0x4ca: {  	v54 =	vadd.s32 v0, v53;
	v9 =	vmul.f32 v9, v52  }
0x4cb: {  	v55 =	vadd.s32 v1, v53;
	v8 =	vadd.f32 v8, v51  }
0x4cc: {  	v9 =	vadd.f32 v9, v11  }
0x4cd: {  	[tilespmem:s5+$0xDC20] =	vst v8  }
0x4ce: {  	[tilespmem:s5+$0xDC30] =	vst v9  }
0x4cf: {  	v8 =	vld.idx.msk [tilespmem:v54+s26+$0x0], $0xffff  }
0x4d0: {  	v9 =	vld.idx.msk [tilespmem:v55+s26+$0x0], $0xffff  }
0x4d1: {  	v56 =	vld.idx.msk [tilespmem:v54+s18+$0x0], $0xffff  }
0x4d2: {  	v57 =	vbroadcast v2, $0xE;
	v10 =	vld.idx.msk [tilespmem:v55+s18+$0x0], $0xffff  }
0x4d3: {  	v7 =	vbroadcast v7, $0xF  }
0x4d4: {  	v8 =	vmul.f32 v8, v57  }
0x4d5: {  	v58 =	vadd.s32 v0, v7;
	v9 =	vmul.f32 v9, v57  }
0x4d6: {  	v7 =	vadd.s32 v1, v7;
	v8 =	vadd.f32 v8, v56  }
0x4d7: {  	v9 =	vadd.f32 v9, v10  }
0x4d8: {  	[tilespmem:s5+$0xDC40] =	vst v8  }
0x4d9: {  	[tilespmem:s5+$0xDC50] =	vst v9  }
0x4da: {  	v8 =	vld.idx.msk [tilespmem:v58+s26+$0x0], $0xffff  }
0x4db: {  	v9 =	vld.idx.msk [tilespmem:v7+s26+$0x0], $0xffff  }
0x4dc: {  	v59 =	vld.idx.msk [tilespmem:v58+s18+$0x0], $0xffff  }
0x4dd: {  	v6 =	vbroadcast v6, $0xF;
	v7 =	vld.idx.msk [tilespmem:v7+s18+$0x0], $0xffff  }
0x4de: {  	v5 =	vbroadcast v5, $0xF  }
0x4df: {  	v8 =	vmul.f32 v8, v6  }
0x4e0: {  	v60 =	vadd.s32 v0, v5;
	v6 =	vmul.f32 v9, v6  }
0x4e1: {  	v5 =	vadd.s32 v1, v5;
	v8 =	vadd.f32 v8, v59  }
0x4e2: {  	v6 =	vadd.f32 v6, v7  }
0x4e3: {  	[tilespmem:s5+$0xDC80] =	vst v8  }
0x4e4: {  	[tilespmem:s5+$0xDC90] =	vst v6  }
0x4e5: {  	v6 =	vld.idx.msk [tilespmem:v60+s26+$0x0], $0xffff  }
0x4e6: {  	v61 =	vld.idx.msk [tilespmem:v5+s26+$0x0], $0xffff  }
0x4e7: {  	v8 =	vld.idx.msk [tilespmem:v60+s18+$0x0], $0xffff  }
0x4e8: {  	v4 =	vbroadcast v4, $0xF;
	v5 =	vld.idx.msk [tilespmem:v5+s18+$0x0], $0xffff  }
0x4e9: {  	v3 =	vbroadcast v3, $0xF  }
0x4ea: {  	v6 =	vmul.f32 v6, v4  }
0x4eb: {  	v62 =	vadd.s32 v0, v3;
	v4 =	vmul.f32 v61, v4  }
0x4ec: {  	v3 =	vadd.s32 v1, v3;
	v6 =	vadd.f32 v6, v8  }
0x4ed: {  	v4 =	vadd.f32 v4, v5  }
0x4ee: {  	[tilespmem:s5+$0xDCA0] =	vst v6  }
0x4ef: {  	[tilespmem:s5+$0xDCB0] =	vst v4  }
0x4f0: {  	v4 =	vld.idx.msk [tilespmem:v62+s26+$0x0], $0xffff  }
0x4f1: {  	v63 =	vld.idx.msk [tilespmem:v3+s26+$0x0], $0xffff  }
0x4f2: {  	v6 =	vld.idx.msk [tilespmem:v62+s18+$0x0], $0xffff  }
0x4f3: {  	v2 =	vbroadcast v2, $0xF;
	v3 =	vld.idx.msk [tilespmem:v3+s18+$0x0], $0xffff;
	_ =	sdelay $0x1  }
0x4f4: {  	p0 =	sne.s32 s22, $0x1E000;
	v4 =	vmul.f32 v4, v2  }
.Ltmp4:
0x4f5: {  	v2 =	vmul.f32 v63, v2;
	(pc) =	sbr.rel @p0 .LBB2_11-.Ltmp4, $4  }
0x4f6: {  	v4 =	vadd.f32 v4, v6  }
0x4f7: {  	v2 =	vadd.f32 v2, v3  }
0x4f8: {  	[tilespmem:s5+$0xDCC0] =	vst v4  }
0x4f9: {  	s22 =	sadd.s32 $0x2000, s22;
	s23 =	sadd.s32 $0x10, s23;
	s24 =	sadd.s32 $0x10, s24;
	[tilespmem:s5+$0xDCD0] =	vst v2  }
0x4fa: {  	s20 =	sadd.s32 $0x1, s20  }
0x4fb: {  	p0 =	sne.s32 s20, $0x40  }
.Ltmp5:
0x4fc: {  	_ = 	snop;
	(pc) =	sbr.rel @p0 .LBB2_4-.Ltmp5, $4  }
0x4fd: {  	_ = 	snop  }
0x4fe: {  	s5 =	sshll.u32 s21, $0x4  }
0x4ff: {  	s5 =	sadd.s32 s6, s5  }
0x500: {  	[hbm4b:s5+s3] =	stream.linear.scatter [tilespmem:s30], [sflag:$0x4], $0x8000, $0x38;
	[tilespmem:$0x15500] =	vst v63  }
0x501: {  	s2 =	sadd.s32 $0x1, s2  }
0x502: {  	_ =	swait.ge [sflag:s31], $0x8000;
	p0 =	sne.s32 s2, s17  }
.Ltmp6:
0x503: {  	[sflag:s31] =	ssyncset.done $0x0;
	(pc) =	sbr.rel @p0 .LBB2_1-.Ltmp6, $4  }
0x504: {  	[sflag:s31] =	ssyncadd.s32 $0xFFFF8000  }
0x505: {  	_ =	swait.ge [sflag:s0], $0x8000  }
0x506: {  	[sflag:s0] =	ssyncset.done $0x0  }
0x507: {  	[sflag:s0] =	ssyncadd.s32 $0xFFFF8000  }
0x508: {  	_ =	sfence.sel $0x180000  }
0x509: {  	[bflag:$0x0] =	sbarrier.arrive $0xFFFF  }
0x50a: {  	_ =	strace $0x90000047  }
0x50b: {  	s0 =	stileid.u32;
	[bflag:$0x2] =	sbarrier.arrive $0xFFFF  }
0x50c: {  	p0 =	sne.s32 s0, $0x0;
	s0 =	rddreg [dreg:$0x2]  }
0x50d: {  	s0 =	sadd.s32 @!p0 $0x100000, s0  }
0x50e: {  	[sflag:s0] =	ssyncadd.tile.s32 @!p0 $0x1;
	_ =	shalt  }
.Lfunc_end2:
_tile_overlayer_lowered:
.L_overlay_start_2:
0x50f: {  	(tag) =	ssettag $0x2  }
0x510: {  	s0 =	rddreg [dreg:$0x0];
	s2 =	stileid.u32  }
0x511: {  	s1 =	rddreg [dreg:$0x1];
	p0 =	sne.s32 s2, $0x0  }
0x512: {  	s3 =	rddreg [dreg:$0x2];
	[bflag:$0x3] =	sbarrier.arrive $0xFFFF;
	s2 =	simm.s32 @!p0 $0x1C05  }
0x513: {  	[timem:s3], [sflag:s2] =	dma.local @!p0 [hbm:s0], s1  }
0x514: {  	s0 =	simm.s32 @!p0 $0x5  }
0x515: {  	_ =	swait.ge @!p0 [sflag:s0], s1  }
0x516: {  	s1 =	ssub.s32 @!p0 $0x0, s1;
	[sflag:s0] =	ssyncset.done @!p0 $0x0  }
0x517: {  	[sflag:s0] =	ssyncadd.s32 @!p0 s1  }
0x518: {  	[bflag:$0x3] =	sbarrier.arrive $0xFFFF  }
0x519: {  	_ =	shalt  }

</sc_bundles>
